<compile_context>
chip_gen: v7x
topology: tpu7x:2x2x1
jax: 0.10.2.dev20260603
libtpu: 0.0.44.dev20260713+nightly
codegen_flags: <defaults>
</compile_context>

<pallas_src>
import functools

import jax
import jax.numpy as jnp
from jax import lax
from jax.experimental import pallas as pl
from jax.experimental.pallas import tpu as pltpu
from jax.experimental.pallas import tpu_sc as plsc

D = 32
NC, NS = 2, 16
NW = NC * NS
CHUNK = 1024
L16 = 16


@functools.partial(jax.jit, static_argnums=(1,))
def _onehot_scatter(idx_tiles, n_rows):
    b_per_w = n_rows // NW
    n_chunks = b_per_w // CHUNK
    mesh = plsc.VectorSubcoreMesh(core_axis_name="c", subcore_axis_name="s")

    @functools.partial(
        pl.kernel,
        mesh=mesh,
        out_type=jax.ShapeDtypeStruct((n_rows * D,), jnp.float32),
        scratch_types=[
            pltpu.VMEM((4, CHUNK // 128, 128), jnp.int32),
            pltpu.VMEM((2, CHUNK * D), jnp.float32),
            pltpu.SemaphoreType.DMA((4,)),
            pltpu.SemaphoreType.DMA((2,)),
        ],
        compiler_params=pltpu.CompilerParams(
            use_tc_tiling_on_sc=False, needs_layout_passes=False),
    )
    def k(idx_hbm, out_hbm, idx_v, rows_v, sem_i, sem_w):
        wid = lax.axis_index("s") * NC + lax.axis_index("c")
        row0 = wid * n_chunks
        iota = lax.iota(jnp.int32, L16)
        ones = jnp.full((L16,), 1.0, jnp.float32)
        zeros = jnp.zeros((L16,), jnp.float32)

        def idx_src(row):
            return idx_hbm.at[row // 8, :, row % 8, :]

        for b in range(2):
            pltpu.async_copy(idx_src(row0 + b), idx_v.at[b], sem_i.at[b])

        nzero = CHUNK * D // L16
        def zbody(i, c):
            w = i // (nzero // 16)
            r = i % (nzero // 16)
            for u in range(16):
                rows_v[w, pl.ds((r * 16 + u) * L16, L16)] = zeros
            return c
        lax.fori_loop(0, 2 * (nzero // 16), zbody, 0)

        def scatter_chunk(slot, b, val):
            bb = jnp.full((L16,), b, jnp.int32)
            for j in range(CHUNK // L16):
                iv = idx_v[slot, j // 8, pl.ds((j % 8) * L16, L16)]
                lconst = (j // 8) * 1024 + (j % 8) * L16 + iota
                p = ((iv >> 3) << 13) + ((iv & 7) << 7) + lconst
                plsc.store_scatter(rows_v, [bb, p], val, mask=iv < D)

        def body(t, carry):
            b = lax.rem(t, 2)
            s = lax.rem(t, 4)
            row = row0 + t
            off = row * CHUNK

            pltpu.make_async_copy(
                idx_src(row), idx_v.at[s], sem_i.at[s]).wait()

            @pl.when(t >= 2)
            def _():
                pltpu.make_async_copy(
                    rows_v.at[b],
                    out_hbm.at[pl.ds((off - 2 * CHUNK) * D, CHUNK * D)],
                    sem_w.at[b]).wait()
                scatter_chunk(lax.rem(t + 2, 4), b, zeros)

            @pl.when(t + 2 < n_chunks)
            def _():
                pltpu.async_copy(
                    idx_src(row + 2),
                    idx_v.at[lax.rem(t + 2, 4)], sem_i.at[lax.rem(t + 2, 4)])

            scatter_chunk(s, b, ones)
            pltpu.async_copy(rows_v.at[b],
                             out_hbm.at[pl.ds(off * D, CHUNK * D)], sem_w.at[b])
            return carry

        lax.fori_loop(0, n_chunks, body, 0)

        for b in range(2):
            t = n_chunks - 2 + b
            pltpu.make_async_copy(
                rows_v.at[t % 2],
                out_hbm.at[pl.ds((row0 + t) * CHUNK * D, CHUNK * D)],
                sem_w.at[t % 2]).wait()

    return k(idx_tiles)


def kernel(x, table):
    del table
    B, L = x.shape
    idx = x.reshape(B // 8, 8, L // 128, 128).transpose(0, 2, 1, 3)
    out = _onehot_scatter(idx, B * L)
    out = out.reshape(B, D // 8, L // 128, 8, 128)
    return out.transpose(0, 2, 4, 1, 3).reshape(B, L, D)

# --- scband reference (transcript-rebuilt; emitter-appended) ---
"""Pipeline reference for scband-one-hot-encoding-47742856462824 (READ-ONLY COPY).

The authoritative reference and input builder live on the scoring server;
editing this copy changes nothing except your own understanding.
"""

import jax, jax.numpy as jnp
import numpy as np

VOCAB = 33  # len(tokenizer)
B, L = 4096, 1024


def setup_inputs(seed: int = 0) -> dict:
    key = jax.random.key(seed)
    x = jax.random.randint(key, (B, L), 0, VOCAB, dtype=jnp.int32)
    # one-hot embedding table per __init__: zeros(V, V-1) with identity on first V-1 rows
    table = jnp.zeros((VOCAB, VOCAB - 1), dtype=jnp.float32)
    idx = jnp.arange(VOCAB - 1)
    table = table.at[idx, idx].set(1.0)
    return {"x": x, "table": table}


def reference(x, table):
    # nn.Embedding lookup == row gather from the one-hot table
    return jnp.take(table, x, axis=0)

if __name__ == "__main__":
    import jax
    _d = setup_inputs()
    print(jax.jit(kernel)(*tuple(_d.values())))

</pallas_src>

<mosaic_0001>
#map = affine_map<(d0, d1) -> (0, 0, 0, 0)>
#map1 = affine_map<(d0, d1) -> (0)>
module attributes {stable_mosaic.version = 14 : i64} {
  func.func @k(%arg0: i32, %arg1: i32, %arg2: memref<512x8x8x128xi32, #tpu.memory_space<hbm>>, %arg3: memref<134217728xf32, #tpu.memory_space<hbm>>, %arg4: memref<4x8x128xi32, #tpu.memory_space<vmem>>, %arg5: memref<2x32768xf32, #tpu.memory_space<vmem>>, %arg6: memref<4x!tpu.dma_semaphore, #tpu.memory_space<semaphore_mem>>, %arg7: memref<2x!tpu.dma_semaphore, #tpu.memory_space<semaphore_mem>>) attributes {dimension_semantics = [#tpu.dimension_semantics<core_parallel>, #tpu.dimension_semantics<subcore_parallel>], iteration_bounds = array<i64: 2, 16>, scalar_prefetch = 0 : i64, scratch_operands = 4 : i64, tpu.core_type = #tpu.core_type<sc_vector_subcore>, window_params = [{transform_indices = #map}, {transform_indices = #map1}]} {
    %mul3A = arith.constant 2 : i32
    %mul3A_0 = arith.muli %arg1, %mul3A : i32
    %add3A = arith.addi %mul3A_0, %arg0 : i32
    %mul3A_1 = arith.constant 128 : i32
    %mul3A_2 = arith.muli %add3A, %mul3A_1 : i32
    %iota3A = tpu.iota {dimensions = array<i32: 0>} : vector<16xi32>
    %broadcast_in_dim3A = arith.constant 1.000000e+00 : f32
    %broadcast_in_dim3A_3 = vector.broadcast %broadcast_in_dim3A : f32 to vector<16xf32>
    %broadcast_in_dim3A_4 = arith.constant 0.000000e+00 : f32
    %broadcast_in_dim3A_5 = vector.broadcast %broadcast_in_dim3A_4 : f32 to vector<16xf32>
    %add3A_6 = arith.constant 0 : i32
    %add3A_7 = arith.addi %mul3A_2, %add3A_6 : i32
    %jit3A = arith.constant 8 : i32
    %div3A = arith.divsi %add3A_7, %jit3A : i32
    %sign3A = arith.constant 0 : i32
    %sign3A_8 = arith.cmpi sgt, %add3A_7, %sign3A : i32
    %sign3A_9 = arith.extui %sign3A_8 : i1 to i32
    %sign3A_10 = arith.constant 0 : i32
    %sign3A_11 = arith.cmpi slt, %add3A_7, %sign3A_10 : i32
    %sign3A_12 = arith.extui %sign3A_11 : i1 to i32
    %sign3A_13 = arith.subi %sign3A_9, %sign3A_12 : i32
    %sign3A_14 = arith.constant 0 : i32
    %sign3A_15 = arith.cmpi sgt, %jit3A, %sign3A_14 : i32
    %sign3A_16 = arith.extui %sign3A_15 : i1 to i32
    %sign3A_17 = arith.constant 0 : i32
    %sign3A_18 = arith.cmpi slt, %jit3A, %sign3A_17 : i32
    %sign3A_19 = arith.extui %sign3A_18 : i1 to i32
    %sign3A_20 = arith.subi %sign3A_16, %sign3A_19 : i32
    %ne3A = arith.cmpi ne, %sign3A_13, %sign3A_20 : i32
    %rem3A = arith.remsi %add3A_7, %jit3A : i32
    %ne3A_21 = arith.constant 0 : i32
    %ne3A_22 = arith.cmpi ne, %rem3A, %ne3A_21 : i32
    %and3A = arith.andi %ne3A, %ne3A_22 : i1
    %sub3A = arith.constant 1 : i32
    %sub3A_23 = arith.subi %div3A, %sub3A : i32
    %select_n3A = arith.select %and3A, %sub3A_23, %div3A : i32
    %jit3A_24 = arith.constant 8 : i32
    %eq3A = arith.constant 0 : i32
    %eq3A_25 = arith.cmpi eq, %jit3A_24, %eq3A : i32
    %jit3A_26 = arith.constant 1 : i32
    %select_n3A_27 = arith.select %eq3A_25, %jit3A_26, %jit3A_24 : i32
    %rem3A_28 = arith.remsi %add3A_7, %select_n3A_27 : i32
    %ne3A_29 = arith.constant 0 : i32
    %ne3A_30 = arith.cmpi ne, %rem3A_28, %ne3A_29 : i32
    %lt3A = arith.constant 0 : i32
    %lt3A_31 = arith.cmpi slt, %rem3A_28, %lt3A : i32
    %lt3A_32 = arith.constant 0 : i32
    %lt3A_33 = arith.cmpi slt, %select_n3A_27, %lt3A_32 : i32
    %ne3A_34 = arith.xori %lt3A_31, %lt3A_33 : i1
    %and3A_35 = arith.andi %ne3A_34, %ne3A_30 : i1
    %add3A_36 = arith.addi %rem3A_28, %select_n3A_27 : i32
    %select_n3A_37 = arith.select %and3A_35, %add3A_36, %rem3A_28 : i32
    %dma_start3A = arith.constant 0 : i32
    %dma_start3A_38 = arith.constant 0 : i32
    %dma_start3A_39 = arith.constant 0 : i32
    %dma_start3A_40 = arith.constant 0 : i32
    %dma_start3A_41 = tpu.memref_slice %arg4[%dma_start3A, %dma_start3A_39, %dma_start3A_40] : memref<4x8x128xi32, #tpu.memory_space<vmem>> -> memref<1x8x128xi32, #tpu.memory_space<vmem>>
    %dma_start3A_42 = tpu.memref_squeeze %dma_start3A_41 : memref<1x8x128xi32, #tpu.memory_space<vmem>> -> memref<8x128xi32, #tpu.memory_space<vmem>>
    %dma_start3A_43 = arith.constant 0 : i32
    %dma_start3A_44 = arith.constant 0 : i32
    %dma_start3A_45 = tpu.memref_slice %arg2[%select_n3A, %dma_start3A_43, %select_n3A_37, %dma_start3A_44] : memref<512x8x8x128xi32, #tpu.memory_space<hbm>> -> memref<1x8x1x128xi32, #tpu.memory_space<hbm>>
    %dma_start3A_46 = tpu.memref_squeeze %dma_start3A_45 : memref<1x8x1x128xi32, #tpu.memory_space<hbm>> -> memref<8x128xi32, #tpu.memory_space<hbm>>
    %dma_start3A_47 = tpu.memref_slice %arg6[%dma_start3A_38] : memref<4x!tpu.dma_semaphore, #tpu.memory_space<semaphore_mem>> -> memref<1x!tpu.dma_semaphore, #tpu.memory_space<semaphore_mem>>
    %dma_start3A_48 = tpu.memref_squeeze %dma_start3A_47 : memref<1x!tpu.dma_semaphore, #tpu.memory_space<semaphore_mem>> -> memref<!tpu.dma_semaphore, #tpu.memory_space<semaphore_mem>>
    %dma_start3A_49 = arith.constant 0 : i32
    %dma_start3A_50 = arith.constant 0 : i32
    %dma_start3A_51 = tpu.memref_slice %arg4[%dma_start3A, %dma_start3A_49, %dma_start3A_50] : memref<4x8x128xi32, #tpu.memory_space<vmem>> -> memref<1x8x128xi32, #tpu.memory_space<vmem>>
    %dma_start3A_52 = tpu.memref_squeeze %dma_start3A_51 : memref<1x8x128xi32, #tpu.memory_space<vmem>> -> memref<8x128xi32, #tpu.memory_space<vmem>>
    %dma_start3A_53 = arith.constant 0 : i32
    %dma_start3A_54 = arith.constant 0 : i32
    %dma_start3A_55 = tpu.memref_slice %arg2[%select_n3A, %dma_start3A_53, %select_n3A_37, %dma_start3A_54] : memref<512x8x8x128xi32, #tpu.memory_space<hbm>> -> memref<1x8x1x128xi32, #tpu.memory_space<hbm>>
    %dma_start3A_56 = tpu.memref_squeeze %dma_start3A_55 : memref<1x8x1x128xi32, #tpu.memory_space<hbm>> -> memref<8x128xi32, #tpu.memory_space<hbm>>
    tpu.enqueue_dma source(%dma_start3A_56 : memref<8x128xi32, #tpu.memory_space<hbm>>) target(%dma_start3A_52 : memref<8x128xi32, #tpu.memory_space<vmem>>) target_semaphore(%dma_start3A_48 : memref<!tpu.dma_semaphore, #tpu.memory_space<semaphore_mem>>)
    %add3A_57 = arith.constant 1 : i32
    %add3A_58 = arith.addi %mul3A_2, %add3A_57 : i32
    %jit3A_59 = arith.constant 8 : i32
    %div3A_60 = arith.divsi %add3A_58, %jit3A_59 : i32
    %sign3A_61 = arith.constant 0 : i32
    %sign3A_62 = arith.cmpi sgt, %add3A_58, %sign3A_61 : i32
    %sign3A_63 = arith.extui %sign3A_62 : i1 to i32
    %sign3A_64 = arith.constant 0 : i32
    %sign3A_65 = arith.cmpi slt, %add3A_58, %sign3A_64 : i32
    %sign3A_66 = arith.extui %sign3A_65 : i1 to i32
    %sign3A_67 = arith.subi %sign3A_63, %sign3A_66 : i32
    %sign3A_68 = arith.constant 0 : i32
    %sign3A_69 = arith.cmpi sgt, %jit3A_59, %sign3A_68 : i32
    %sign3A_70 = arith.extui %sign3A_69 : i1 to i32
    %sign3A_71 = arith.constant 0 : i32
    %sign3A_72 = arith.cmpi slt, %jit3A_59, %sign3A_71 : i32
    %sign3A_73 = arith.extui %sign3A_72 : i1 to i32
    %sign3A_74 = arith.subi %sign3A_70, %sign3A_73 : i32
    %ne3A_75 = arith.cmpi ne, %sign3A_67, %sign3A_74 : i32
    %rem3A_76 = arith.remsi %add3A_58, %jit3A_59 : i32
    %ne3A_77 = arith.constant 0 : i32
    %ne3A_78 = arith.cmpi ne, %rem3A_76, %ne3A_77 : i32
    %and3A_79 = arith.andi %ne3A_75, %ne3A_78 : i1
    %sub3A_80 = arith.constant 1 : i32
    %sub3A_81 = arith.subi %div3A_60, %sub3A_80 : i32
    %select_n3A_82 = arith.select %and3A_79, %sub3A_81, %div3A_60 : i32
    %jit3A_83 = arith.constant 8 : i32
    %eq3A_84 = arith.constant 0 : i32
    %eq3A_85 = arith.cmpi eq, %jit3A_83, %eq3A_84 : i32
    %jit3A_86 = arith.constant 1 : i32
    %select_n3A_87 = arith.select %eq3A_85, %jit3A_86, %jit3A_83 : i32
    %rem3A_88 = arith.remsi %add3A_58, %select_n3A_87 : i32
    %ne3A_89 = arith.constant 0 : i32
    %ne3A_90 = arith.cmpi ne, %rem3A_88, %ne3A_89 : i32
    %lt3A_91 = arith.constant 0 : i32
    %lt3A_92 = arith.cmpi slt, %rem3A_88, %lt3A_91 : i32
    %lt3A_93 = arith.constant 0 : i32
    %lt3A_94 = arith.cmpi slt, %select_n3A_87, %lt3A_93 : i32
    %ne3A_95 = arith.xori %lt3A_92, %lt3A_94 : i1
    %and3A_96 = arith.andi %ne3A_95, %ne3A_90 : i1
    %add3A_97 = arith.addi %rem3A_88, %select_n3A_87 : i32
    %select_n3A_98 = arith.select %and3A_96, %add3A_97, %rem3A_88 : i32
    %dma_start3A_99 = arith.constant 1 : i32
    %dma_start3A_100 = arith.constant 1 : i32
    %dma_start3A_101 = arith.constant 0 : i32
    %dma_start3A_102 = arith.constant 0 : i32
    %dma_start3A_103 = tpu.memref_slice %arg4[%dma_start3A_99, %dma_start3A_101, %dma_start3A_102] : memref<4x8x128xi32, #tpu.memory_space<vmem>> -> memref<1x8x128xi32, #tpu.memory_space<vmem>>
    %dma_start3A_104 = tpu.memref_squeeze %dma_start3A_103 : memref<1x8x128xi32, #tpu.memory_space<vmem>> -> memref<8x128xi32, #tpu.memory_space<vmem>>
    %dma_start3A_105 = arith.constant 0 : i32
    %dma_start3A_106 = arith.constant 0 : i32
    %dma_start3A_107 = tpu.memref_slice %arg2[%select_n3A_82, %dma_start3A_105, %select_n3A_98, %dma_start3A_106] : memref<512x8x8x128xi32, #tpu.memory_space<hbm>> -> memref<1x8x1x128xi32, #tpu.memory_space<hbm>>
    %dma_start3A_108 = tpu.memref_squeeze %dma_start3A_107 : memref<1x8x1x128xi32, #tpu.memory_space<hbm>> -> memref<8x128xi32, #tpu.memory_space<hbm>>
    %dma_start3A_109 = tpu.memref_slice %arg6[%dma_start3A_100] : memref<4x!tpu.dma_semaphore, #tpu.memory_space<semaphore_mem>> -> memref<1x!tpu.dma_semaphore, #tpu.memory_space<semaphore_mem>>
    %dma_start3A_110 = tpu.memref_squeeze %dma_start3A_109 : memref<1x!tpu.dma_semaphore, #tpu.memory_space<semaphore_mem>> -> memref<!tpu.dma_semaphore, #tpu.memory_space<semaphore_mem>>
    %dma_start3A_111 = arith.constant 0 : i32
    %dma_start3A_112 = arith.constant 0 : i32
    %dma_start3A_113 = tpu.memref_slice %arg4[%dma_start3A_99, %dma_start3A_111, %dma_start3A_112] : memref<4x8x128xi32, #tpu.memory_space<vmem>> -> memref<1x8x128xi32, #tpu.memory_space<vmem>>
    %dma_start3A_114 = tpu.memref_squeeze %dma_start3A_113 : memref<1x8x128xi32, #tpu.memory_space<vmem>> -> memref<8x128xi32, #tpu.memory_space<vmem>>
    %dma_start3A_115 = arith.constant 0 : i32
    %dma_start3A_116 = arith.constant 0 : i32
    %dma_start3A_117 = tpu.memref_slice %arg2[%select_n3A_82, %dma_start3A_115, %select_n3A_98, %dma_start3A_116] : memref<512x8x8x128xi32, #tpu.memory_space<hbm>> -> memref<1x8x1x128xi32, #tpu.memory_space<hbm>>
    %dma_start3A_118 = tpu.memref_squeeze %dma_start3A_117 : memref<1x8x1x128xi32, #tpu.memory_space<hbm>> -> memref<8x128xi32, #tpu.memory_space<hbm>>
    tpu.enqueue_dma source(%dma_start3A_118 : memref<8x128xi32, #tpu.memory_space<hbm>>) target(%dma_start3A_114 : memref<8x128xi32, #tpu.memory_space<vmem>>) target_semaphore(%dma_start3A_110 : memref<!tpu.dma_semaphore, #tpu.memory_space<semaphore_mem>>)
    %scan3A = arith.constant 0 : i32
    %scan3A_119 = arith.constant 0 : i32
    %scan3A_120 = arith.constant 256 : i32
    %scan3A_121 = arith.addi %scan3A_119, %scan3A_120 : i32
    %scan3A_122 = arith.constant 1 : i32
    scf.for %scan3A_165 = %scan3A_119 to %scan3A_121 step %scan3A_122  : i32 {
      %jit3A_166 = arith.constant 128 : i32
      %div3A_167 = arith.divsi %scan3A_165, %jit3A_166 : i32
      %sign3A_168 = arith.constant 0 : i32
      %sign3A_169 = arith.cmpi sgt, %scan3A_165, %sign3A_168 : i32
      %sign3A_170 = arith.extui %sign3A_169 : i1 to i32
      %sign3A_171 = arith.constant 0 : i32
      %sign3A_172 = arith.cmpi slt, %scan3A_165, %sign3A_171 : i32
      %sign3A_173 = arith.extui %sign3A_172 : i1 to i32
      %sign3A_174 = arith.subi %sign3A_170, %sign3A_173 : i32
      %sign3A_175 = arith.constant 0 : i32
      %sign3A_176 = arith.cmpi sgt, %jit3A_166, %sign3A_175 : i32
      %sign3A_177 = arith.extui %sign3A_176 : i1 to i32
      %sign3A_178 = arith.constant 0 : i32
      %sign3A_179 = arith.cmpi slt, %jit3A_166, %sign3A_178 : i32
      %sign3A_180 = arith.extui %sign3A_179 : i1 to i32
      %sign3A_181 = arith.subi %sign3A_177, %sign3A_180 : i32
      %ne3A_182 = arith.cmpi ne, %sign3A_174, %sign3A_181 : i32
      %rem3A_183 = arith.remsi %scan3A_165, %jit3A_166 : i32
      %ne3A_184 = arith.constant 0 : i32
      %ne3A_185 = arith.cmpi ne, %rem3A_183, %ne3A_184 : i32
      %and3A_186 = arith.andi %ne3A_182, %ne3A_185 : i1
      %sub3A_187 = arith.constant 1 : i32
      %sub3A_188 = arith.subi %div3A_167, %sub3A_187 : i32
      %select_n3A_189 = arith.select %and3A_186, %sub3A_188, %div3A_167 : i32
      %jit3A_190 = arith.constant 128 : i32
      %eq3A_191 = arith.constant 0 : i32
      %eq3A_192 = arith.cmpi eq, %jit3A_190, %eq3A_191 : i32
      %jit3A_193 = arith.constant 1 : i32
      %select_n3A_194 = arith.select %eq3A_192, %jit3A_193, %jit3A_190 : i32
      %rem3A_195 = arith.remsi %scan3A_165, %select_n3A_194 : i32
      %ne3A_196 = arith.constant 0 : i32
      %ne3A_197 = arith.cmpi ne, %rem3A_195, %ne3A_196 : i32
      %lt3A_198 = arith.constant 0 : i32
      %lt3A_199 = arith.cmpi slt, %rem3A_195, %lt3A_198 : i32
      %lt3A_200 = arith.constant 0 : i32
      %lt3A_201 = arith.cmpi slt, %select_n3A_194, %lt3A_200 : i32
      %ne3A_202 = arith.xori %lt3A_199, %lt3A_201 : i1
      %and3A_203 = arith.andi %ne3A_202, %ne3A_197 : i1
      %add3A_204 = arith.addi %rem3A_195, %select_n3A_194 : i32
      %select_n3A_205 = arith.select %and3A_203, %add3A_204, %rem3A_195 : i32
      %mul3A_206 = arith.constant 16 : i32
      %mul3A_207 = arith.muli %select_n3A_205, %mul3A_206 : i32
      %add3A_208 = arith.constant 0 : i32
      %add3A_209 = arith.addi %mul3A_207, %add3A_208 : i32
      %mul3A_210 = arith.constant 16 : i32
      %mul3A_211 = arith.muli %add3A_209, %mul3A_210 : i32
      %swap3A = arith.index_cast %select_n3A_189 : i32 to index
      %swap3A_212 = arith.index_cast %mul3A_211 : i32 to index
      %swap3A_213 = tpu.vector_load %arg5[%swap3A, %swap3A_212] {strides = array<i32>} : memref<2x32768xf32, #tpu.memory_space<vmem>>, vector<16xf32>,
      tpu.vector_store %arg5[%swap3A, %swap3A_212], %broadcast_in_dim3A_5 {strides = array<i32>} : memref<2x32768xf32, #tpu.memory_space<vmem>>, vector<16xf32>,
      %mul3A_214 = arith.constant 16 : i32
      %mul3A_215 = arith.muli %select_n3A_205, %mul3A_214 : i32
      %add3A_216 = arith.constant 1 : i32
      %add3A_217 = arith.addi %mul3A_215, %add3A_216 : i32
      %mul3A_218 = arith.constant 16 : i32
      %mul3A_219 = arith.muli %add3A_217, %mul3A_218 : i32
      %swap3A_220 = arith.index_cast %select_n3A_189 : i32 to index
      %swap3A_221 = arith.index_cast %mul3A_219 : i32 to index
      %swap3A_222 = tpu.vector_load %arg5[%swap3A_220, %swap3A_221] {strides = array<i32>} : memref<2x32768xf32, #tpu.memory_space<vmem>>, vector<16xf32>,
      tpu.vector_store %arg5[%swap3A_220, %swap3A_221], %broadcast_in_dim3A_5 {strides = array<i32>} : memref<2x32768xf32, #tpu.memory_space<vmem>>, vector<16xf32>,
      %mul3A_223 = arith.constant 16 : i32
      %mul3A_224 = arith.muli %select_n3A_205, %mul3A_223 : i32
      %add3A_225 = arith.constant 2 : i32
      %add3A_226 = arith.addi %mul3A_224, %add3A_225 : i32
      %mul3A_227 = arith.constant 16 : i32
      %mul3A_228 = arith.muli %add3A_226, %mul3A_227 : i32
      %swap3A_229 = arith.index_cast %select_n3A_189 : i32 to index
      %swap3A_230 = arith.index_cast %mul3A_228 : i32 to index
      %swap3A_231 = tpu.vector_load %arg5[%swap3A_229, %swap3A_230] {strides = array<i32>} : memref<2x32768xf32, #tpu.memory_space<vmem>>, vector<16xf32>,
      tpu.vector_store %arg5[%swap3A_229, %swap3A_230], %broadcast_in_dim3A_5 {strides = array<i32>} : memref<2x32768xf32, #tpu.memory_space<vmem>>, vector<16xf32>,
      %mul3A_232 = arith.constant 16 : i32
      %mul3A_233 = arith.muli %select_n3A_205, %mul3A_232 : i32
      %add3A_234 = arith.constant 3 : i32
      %add3A_235 = arith.addi %mul3A_233, %add3A_234 : i32
      %mul3A_236 = arith.constant 16 : i32
      %mul3A_237 = arith.muli %add3A_235, %mul3A_236 : i32
      %swap3A_238 = arith.index_cast %select_n3A_189 : i32 to index
      %swap3A_239 = arith.index_cast %mul3A_237 : i32 to index
      %swap3A_240 = tpu.vector_load %arg5[%swap3A_238, %swap3A_239] {strides = array<i32>} : memref<2x32768xf32, #tpu.memory_space<vmem>>, vector<16xf32>,
      tpu.vector_store %arg5[%swap3A_238, %swap3A_239], %broadcast_in_dim3A_5 {strides = array<i32>} : memref<2x32768xf32, #tpu.memory_space<vmem>>, vector<16xf32>,
      %mul3A_241 = arith.constant 16 : i32
      %mul3A_242 = arith.muli %select_n3A_205, %mul3A_241 : i32
      %add3A_243 = arith.constant 4 : i32
      %add3A_244 = arith.addi %mul3A_242, %add3A_243 : i32
      %mul3A_245 = arith.constant 16 : i32
      %mul3A_246 = arith.muli %add3A_244, %mul3A_245 : i32
      %swap3A_247 = arith.index_cast %select_n3A_189 : i32 to index
      %swap3A_248 = arith.index_cast %mul3A_246 : i32 to index
      %swap3A_249 = tpu.vector_load %arg5[%swap3A_247, %swap3A_248] {strides = array<i32>} : memref<2x32768xf32, #tpu.memory_space<vmem>>, vector<16xf32>,
      tpu.vector_store %arg5[%swap3A_247, %swap3A_248], %broadcast_in_dim3A_5 {strides = array<i32>} : memref<2x32768xf32, #tpu.memory_space<vmem>>, vector<16xf32>,
      %mul3A_250 = arith.constant 16 : i32
      %mul3A_251 = arith.muli %select_n3A_205, %mul3A_250 : i32
      %add3A_252 = arith.constant 5 : i32
      %add3A_253 = arith.addi %mul3A_251, %add3A_252 : i32
      %mul3A_254 = arith.constant 16 : i32
      %mul3A_255 = arith.muli %add3A_253, %mul3A_254 : i32
      %swap3A_256 = arith.index_cast %select_n3A_189 : i32 to index
      %swap3A_257 = arith.index_cast %mul3A_255 : i32 to index
      %swap3A_258 = tpu.vector_load %arg5[%swap3A_256, %swap3A_257] {strides = array<i32>} : memref<2x32768xf32, #tpu.memory_space<vmem>>, vector<16xf32>,
      tpu.vector_store %arg5[%swap3A_256, %swap3A_257], %broadcast_in_dim3A_5 {strides = array<i32>} : memref<2x32768xf32, #tpu.memory_space<vmem>>, vector<16xf32>,
      %mul3A_259 = arith.constant 16 : i32
      %mul3A_260 = arith.muli %select_n3A_205, %mul3A_259 : i32
      %add3A_261 = arith.constant 6 : i32
      %add3A_262 = arith.addi %mul3A_260, %add3A_261 : i32
      %mul3A_263 = arith.constant 16 : i32
      %mul3A_264 = arith.muli %add3A_262, %mul3A_263 : i32
      %swap3A_265 = arith.index_cast %select_n3A_189 : i32 to index
      %swap3A_266 = arith.index_cast %mul3A_264 : i32 to index
      %swap3A_267 = tpu.vector_load %arg5[%swap3A_265, %swap3A_266] {strides = array<i32>} : memref<2x32768xf32, #tpu.memory_space<vmem>>, vector<16xf32>,
      tpu.vector_store %arg5[%swap3A_265, %swap3A_266], %broadcast_in_dim3A_5 {strides = array<i32>} : memref<2x32768xf32, #tpu.memory_space<vmem>>, vector<16xf32>,
      %mul3A_268 = arith.constant 16 : i32
      %mul3A_269 = arith.muli %select_n3A_205, %mul3A_268 : i32
      %add3A_270 = arith.constant 7 : i32
      %add3A_271 = arith.addi %mul3A_269, %add3A_270 : i32
      %mul3A_272 = arith.constant 16 : i32
      %mul3A_273 = arith.muli %add3A_271, %mul3A_272 : i32
      %swap3A_274 = arith.index_cast %select_n3A_189 : i32 to index
      %swap3A_275 = arith.index_cast %mul3A_273 : i32 to index
      %swap3A_276 = tpu.vector_load %arg5[%swap3A_274, %swap3A_275] {strides = array<i32>} : memref<2x32768xf32, #tpu.memory_space<vmem>>, vector<16xf32>,
      tpu.vector_store %arg5[%swap3A_274, %swap3A_275], %broadcast_in_dim3A_5 {strides = array<i32>} : memref<2x32768xf32, #tpu.memory_space<vmem>>, vector<16xf32>,
      %mul3A_277 = arith.constant 16 : i32
      %mul3A_278 = arith.muli %select_n3A_205, %mul3A_277 : i32
      %add3A_279 = arith.constant 8 : i32
      %add3A_280 = arith.addi %mul3A_278, %add3A_279 : i32
      %mul3A_281 = arith.constant 16 : i32
      %mul3A_282 = arith.muli %add3A_280, %mul3A_281 : i32
      %swap3A_283 = arith.index_cast %select_n3A_189 : i32 to index
      %swap3A_284 = arith.index_cast %mul3A_282 : i32 to index
      %swap3A_285 = tpu.vector_load %arg5[%swap3A_283, %swap3A_284] {strides = array<i32>} : memref<2x32768xf32, #tpu.memory_space<vmem>>, vector<16xf32>,
      tpu.vector_store %arg5[%swap3A_283, %swap3A_284], %broadcast_in_dim3A_5 {strides = array<i32>} : memref<2x32768xf32, #tpu.memory_space<vmem>>, vector<16xf32>,
      %mul3A_286 = arith.constant 16 : i32
      %mul3A_287 = arith.muli %select_n3A_205, %mul3A_286 : i32
      %add3A_288 = arith.constant 9 : i32
      %add3A_289 = arith.addi %mul3A_287, %add3A_288 : i32
      %mul3A_290 = arith.constant 16 : i32
      %mul3A_291 = arith.muli %add3A_289, %mul3A_290 : i32
      %swap3A_292 = arith.index_cast %select_n3A_189 : i32 to index
      %swap3A_293 = arith.index_cast %mul3A_291 : i32 to index
      %swap3A_294 = tpu.vector_load %arg5[%swap3A_292, %swap3A_293] {strides = array<i32>} : memref<2x32768xf32, #tpu.memory_space<vmem>>, vector<16xf32>,
      tpu.vector_store %arg5[%swap3A_292, %swap3A_293], %broadcast_in_dim3A_5 {strides = array<i32>} : memref<2x32768xf32, #tpu.memory_space<vmem>>, vector<16xf32>,
      %mul3A_295 = arith.constant 16 : i32
      %mul3A_296 = arith.muli %select_n3A_205, %mul3A_295 : i32
      %add3A_297 = arith.constant 10 : i32
      %add3A_298 = arith.addi %mul3A_296, %add3A_297 : i32
      %mul3A_299 = arith.constant 16 : i32
      %mul3A_300 = arith.muli %add3A_298, %mul3A_299 : i32
      %swap3A_301 = arith.index_cast %select_n3A_189 : i32 to index
      %swap3A_302 = arith.index_cast %mul3A_300 : i32 to index
      %swap3A_303 = tpu.vector_load %arg5[%swap3A_301, %swap3A_302] {strides = array<i32>} : memref<2x32768xf32, #tpu.memory_space<vmem>>, vector<16xf32>,
      tpu.vector_store %arg5[%swap3A_301, %swap3A_302], %broadcast_in_dim3A_5 {strides = array<i32>} : memref<2x32768xf32, #tpu.memory_space<vmem>>, vector<16xf32>,
      %mul3A_304 = arith.constant 16 : i32
      %mul3A_305 = arith.muli %select_n3A_205, %mul3A_304 : i32
      %add3A_306 = arith.constant 11 : i32
      %add3A_307 = arith.addi %mul3A_305, %add3A_306 : i32
      %mul3A_308 = arith.constant 16 : i32
      %mul3A_309 = arith.muli %add3A_307, %mul3A_308 : i32
      %swap3A_310 = arith.index_cast %select_n3A_189 : i32 to index
      %swap3A_311 = arith.index_cast %mul3A_309 : i32 to index
      %swap3A_312 = tpu.vector_load %arg5[%swap3A_310, %swap3A_311] {strides = array<i32>} : memref<2x32768xf32, #tpu.memory_space<vmem>>, vector<16xf32>,
      tpu.vector_store %arg5[%swap3A_310, %swap3A_311], %broadcast_in_dim3A_5 {strides = array<i32>} : memref<2x32768xf32, #tpu.memory_space<vmem>>, vector<16xf32>,
      %mul3A_313 = arith.constant 16 : i32
      %mul3A_314 = arith.muli %select_n3A_205, %mul3A_313 : i32
      %add3A_315 = arith.constant 12 : i32
      %add3A_316 = arith.addi %mul3A_314, %add3A_315 : i32
      %mul3A_317 = arith.constant 16 : i32
      %mul3A_318 = arith.muli %add3A_316, %mul3A_317 : i32
      %swap3A_319 = arith.index_cast %select_n3A_189 : i32 to index
      %swap3A_320 = arith.index_cast %mul3A_318 : i32 to index
      %swap3A_321 = tpu.vector_load %arg5[%swap3A_319, %swap3A_320] {strides = array<i32>} : memref<2x32768xf32, #tpu.memory_space<vmem>>, vector<16xf32>,
      tpu.vector_store %arg5[%swap3A_319, %swap3A_320], %broadcast_in_dim3A_5 {strides = array<i32>} : memref<2x32768xf32, #tpu.memory_space<vmem>>, vector<16xf32>,
      %mul3A_322 = arith.constant 16 : i32
      %mul3A_323 = arith.muli %select_n3A_205, %mul3A_322 : i32
      %add3A_324 = arith.constant 13 : i32
      %add3A_325 = arith.addi %mul3A_323, %add3A_324 : i32
      %mul3A_326 = arith.constant 16 : i32
      %mul3A_327 = arith.muli %add3A_325, %mul3A_326 : i32
      %swap3A_328 = arith.index_cast %select_n3A_189 : i32 to index
      %swap3A_329 = arith.index_cast %mul3A_327 : i32 to index
      %swap3A_330 = tpu.vector_load %arg5[%swap3A_328, %swap3A_329] {strides = array<i32>} : memref<2x32768xf32, #tpu.memory_space<vmem>>, vector<16xf32>,
      tpu.vector_store %arg5[%swap3A_328, %swap3A_329], %broadcast_in_dim3A_5 {strides = array<i32>} : memref<2x32768xf32, #tpu.memory_space<vmem>>, vector<16xf32>,
      %mul3A_331 = arith.constant 16 : i32
      %mul3A_332 = arith.muli %select_n3A_205, %mul3A_331 : i32
      %add3A_333 = arith.constant 14 : i32
      %add3A_334 = arith.addi %mul3A_332, %add3A_333 : i32
      %mul3A_335 = arith.constant 16 : i32
      %mul3A_336 = arith.muli %add3A_334, %mul3A_335 : i32
      %swap3A_337 = arith.index_cast %select_n3A_189 : i32 to index
      %swap3A_338 = arith.index_cast %mul3A_336 : i32 to index
      %swap3A_339 = tpu.vector_load %arg5[%swap3A_337, %swap3A_338] {strides = array<i32>} : memref<2x32768xf32, #tpu.memory_space<vmem>>, vector<16xf32>,
      tpu.vector_store %arg5[%swap3A_337, %swap3A_338], %broadcast_in_dim3A_5 {strides = array<i32>} : memref<2x32768xf32, #tpu.memory_space<vmem>>, vector<16xf32>,
      %mul3A_340 = arith.constant 16 : i32
      %mul3A_341 = arith.muli %select_n3A_205, %mul3A_340 : i32
      %add3A_342 = arith.constant 15 : i32
      %add3A_343 = arith.addi %mul3A_341, %add3A_342 : i32
      %mul3A_344 = arith.constant 16 : i32
      %mul3A_345 = arith.muli %add3A_343, %mul3A_344 : i32
      %swap3A_346 = arith.index_cast %select_n3A_189 : i32 to index
      %swap3A_347 = arith.index_cast %mul3A_345 : i32 to index
      %swap3A_348 = tpu.vector_load %arg5[%swap3A_346, %swap3A_347] {strides = array<i32>} : memref<2x32768xf32, #tpu.memory_space<vmem>>, vector<16xf32>,
      tpu.vector_store %arg5[%swap3A_346, %swap3A_347], %broadcast_in_dim3A_5 {strides = array<i32>} : memref<2x32768xf32, #tpu.memory_space<vmem>>, vector<16xf32>,
    }
    %scan3A_123 = arith.constant 256 : i32
    %scan3A_124 = arith.constant 0 : i32
    %scan3A_125 = arith.constant 0 : i32
    %scan3A_126 = arith.constant 128 : i32
    %scan3A_127 = arith.addi %scan3A_125, %scan3A_126 : i32
    %scan3A_128 = arith.constant 1 : i32
    scf.for %scan3A_165 = %scan3A_125 to %scan3A_127 step %scan3A_128  : i32 {
      %rem3A_166 = arith.constant 2 : i32
      %rem3A_167 = arith.remsi %scan3A_165, %rem3A_166 : i32
      %rem3A_168 = arith.constant 4 : i32
      %rem3A_169 = arith.remsi %scan3A_165, %rem3A_168 : i32
      %add3A_170 = arith.addi %mul3A_2, %scan3A_165 : i32
      %mul3A_171 = arith.constant 1024 : i32
      %mul3A_172 = arith.muli %add3A_170, %mul3A_171 : i32
      %jit3A_173 = arith.constant 8 : i32
      %div3A_174 = arith.divsi %add3A_170, %jit3A_173 : i32
      %sign3A_175 = arith.constant 0 : i32
      %sign3A_176 = arith.cmpi sgt, %add3A_170, %sign3A_175 : i32
      %sign3A_177 = arith.extui %sign3A_176 : i1 to i32
      %sign3A_178 = arith.constant 0 : i32
      %sign3A_179 = arith.cmpi slt, %add3A_170, %sign3A_178 : i32
      %sign3A_180 = arith.extui %sign3A_179 : i1 to i32
      %sign3A_181 = arith.subi %sign3A_177, %sign3A_180 : i32
      %sign3A_182 = arith.constant 0 : i32
      %sign3A_183 = arith.cmpi sgt, %jit3A_173, %sign3A_182 : i32
      %sign3A_184 = arith.extui %sign3A_183 : i1 to i32
      %sign3A_185 = arith.constant 0 : i32
      %sign3A_186 = arith.cmpi slt, %jit3A_173, %sign3A_185 : i32
      %sign3A_187 = arith.extui %sign3A_186 : i1 to i32
      %sign3A_188 = arith.subi %sign3A_184, %sign3A_187 : i32
      %ne3A_189 = arith.cmpi ne, %sign3A_181, %sign3A_188 : i32
      %rem3A_190 = arith.remsi %add3A_170, %jit3A_173 : i32
      %ne3A_191 = arith.constant 0 : i32
      %ne3A_192 = arith.cmpi ne, %rem3A_190, %ne3A_191 : i32
      %and3A_193 = arith.andi %ne3A_189, %ne3A_192 : i1
      %sub3A_194 = arith.constant 1 : i32
      %sub3A_195 = arith.subi %div3A_174, %sub3A_194 : i32
      %select_n3A_196 = arith.select %and3A_193, %sub3A_195, %div3A_174 : i32
      %jit3A_197 = arith.constant 8 : i32
      %eq3A_198 = arith.constant 0 : i32
      %eq3A_199 = arith.cmpi eq, %jit3A_197, %eq3A_198 : i32
      %jit3A_200 = arith.constant 1 : i32
      %select_n3A_201 = arith.select %eq3A_199, %jit3A_200, %jit3A_197 : i32
      %rem3A_202 = arith.remsi %add3A_170, %select_n3A_201 : i32
      %ne3A_203 = arith.constant 0 : i32
      %ne3A_204 = arith.cmpi ne, %rem3A_202, %ne3A_203 : i32
      %lt3A_205 = arith.constant 0 : i32
      %lt3A_206 = arith.cmpi slt, %rem3A_202, %lt3A_205 : i32
      %lt3A_207 = arith.constant 0 : i32
      %lt3A_208 = arith.cmpi slt, %select_n3A_201, %lt3A_207 : i32
      %ne3A_209 = arith.xori %lt3A_206, %lt3A_208 : i1
      %and3A_210 = arith.andi %ne3A_209, %ne3A_204 : i1
      %add3A_211 = arith.addi %rem3A_202, %select_n3A_201 : i32
      %select_n3A_212 = arith.select %and3A_210, %add3A_211, %rem3A_202 : i32
      %dma_wait3A_213 = arith.constant 0 : i32
      %dma_wait3A_214 = arith.constant 0 : i32
      %dma_wait3A_215 = tpu.memref_slice %arg4[%rem3A_169, %dma_wait3A_213, %dma_wait3A_214] : memref<4x8x128xi32, #tpu.memory_space<vmem>> -> memref<1x8x128xi32, #tpu.memory_space<vmem>>
      %dma_wait3A_216 = tpu.memref_squeeze %dma_wait3A_215 : memref<1x8x128xi32, #tpu.memory_space<vmem>> -> memref<8x128xi32, #tpu.memory_space<vmem>>
      %dma_wait3A_217 = arith.constant 0 : i32
      %dma_wait3A_218 = arith.constant 0 : i32
      %dma_wait3A_219 = tpu.memref_slice %arg2[%select_n3A_196, %dma_wait3A_217, %select_n3A_212, %dma_wait3A_218] : memref<512x8x8x128xi32, #tpu.memory_space<hbm>> -> memref<1x8x1x128xi32, #tpu.memory_space<hbm>>
      %dma_wait3A_220 = tpu.memref_squeeze %dma_wait3A_219 : memref<1x8x1x128xi32, #tpu.memory_space<hbm>> -> memref<8x128xi32, #tpu.memory_space<hbm>>
      %dma_wait3A_221 = tpu.memref_slice %arg6[%rem3A_169] : memref<4x!tpu.dma_semaphore, #tpu.memory_space<semaphore_mem>> -> memref<1x!tpu.dma_semaphore, #tpu.memory_space<semaphore_mem>>
      %dma_wait3A_222 = tpu.memref_squeeze %dma_wait3A_221 : memref<1x!tpu.dma_semaphore, #tpu.memory_space<semaphore_mem>> -> memref<!tpu.dma_semaphore, #tpu.memory_space<semaphore_mem>>
      %dma_wait3A_223 = arith.constant 0 : i32
      %dma_wait3A_224 = arith.constant 0 : i32
      %dma_wait3A_225 = tpu.memref_slice %arg4[%rem3A_169, %dma_wait3A_223, %dma_wait3A_224] : memref<4x8x128xi32, #tpu.memory_space<vmem>> -> memref<1x8x128xi32, #tpu.memory_space<vmem>>
      %dma_wait3A_226 = tpu.memref_squeeze %dma_wait3A_225 : memref<1x8x128xi32, #tpu.memory_space<vmem>> -> memref<8x128xi32, #tpu.memory_space<vmem>>
      %dma_wait3A_227 = arith.constant 0 : i32
      %dma_wait3A_228 = arith.constant 0 : i32
      %dma_wait3A_229 = tpu.memref_slice %arg2[%select_n3A_196, %dma_wait3A_227, %select_n3A_212, %dma_wait3A_228] : memref<512x8x8x128xi32, #tpu.memory_space<hbm>> -> memref<1x8x1x128xi32, #tpu.memory_space<hbm>>
      %dma_wait3A_230 = tpu.memref_squeeze %dma_wait3A_229 : memref<1x8x1x128xi32, #tpu.memory_space<hbm>> -> memref<8x128xi32, #tpu.memory_space<hbm>>
      tpu.wait_dma2 semaphore(%dma_wait3A_222 : memref<!tpu.dma_semaphore, #tpu.memory_space<semaphore_mem>>) src(%dma_wait3A_230 : memref<8x128xi32, #tpu.memory_space<hbm>>) dst(%dma_wait3A_226 : memref<8x128xi32, #tpu.memory_space<vmem>>)
      %ge3A = arith.constant 2 : i32
      %ge3A_231 = arith.cmpi sge, %scan3A_165, %ge3A : i32
      %convert_element_type3A = arith.extui %ge3A_231 : i1 to i32
      %cond3A = arith.constant 0 : i32
      %cond3A_232 = arith.cmpi ne, %convert_element_type3A, %cond3A : i32
      scf.if %cond3A_232 {
        %sub3A_1850 = arith.constant 2048 : i32
        %sub3A_1851 = arith.subi %mul3A_172, %sub3A_1850 : i32
        %mul3A_1852 = arith.constant 32 : i32
        %mul3A_1853 = arith.muli %sub3A_1851, %mul3A_1852 : i32
        %dma_wait3A_1854 = arith.constant 0 : i32
        %dma_wait3A_1855 = tpu.memref_slice %arg5[%rem3A_167, %dma_wait3A_1854] : memref<2x32768xf32, #tpu.memory_space<vmem>> -> memref<1x32768xf32, #tpu.memory_space<vmem>>
        %dma_wait3A_1856 = tpu.memref_squeeze %dma_wait3A_1855 : memref<1x32768xf32, #tpu.memory_space<vmem>> -> memref<32768xf32, #tpu.memory_space<vmem>>
        %dma_wait3A_1857 = tpu.memref_slice %arg3[%mul3A_1853] : memref<134217728xf32, #tpu.memory_space<hbm>> -> memref<32768xf32, #tpu.memory_space<hbm>>
        %dma_wait3A_1858 = tpu.memref_slice %arg7[%rem3A_167] : memref<2x!tpu.dma_semaphore, #tpu.memory_space<semaphore_mem>> -> memref<1x!tpu.dma_semaphore, #tpu.memory_space<semaphore_mem>>
        %dma_wait3A_1859 = tpu.memref_squeeze %dma_wait3A_1858 : memref<1x!tpu.dma_semaphore, #tpu.memory_space<semaphore_mem>> -> memref<!tpu.dma_semaphore, #tpu.memory_space<semaphore_mem>>
        %dma_wait3A_1860 = tpu.memref_slice %arg3[%mul3A_1853] : memref<134217728xf32, #tpu.memory_space<hbm>> -> memref<32768xf32, #tpu.memory_space<hbm>>
        %dma_wait3A_1861 = arith.constant 0 : i32
        %dma_wait3A_1862 = tpu.memref_slice %arg5[%rem3A_167, %dma_wait3A_1861] : memref<2x32768xf32, #tpu.memory_space<vmem>> -> memref<1x32768xf32, #tpu.memory_space<vmem>>
        %dma_wait3A_1863 = tpu.memref_squeeze %dma_wait3A_1862 : memref<1x32768xf32, #tpu.memory_space<vmem>> -> memref<32768xf32, #tpu.memory_space<vmem>>
        tpu.wait_dma2 semaphore(%dma_wait3A_1859 : memref<!tpu.dma_semaphore, #tpu.memory_space<semaphore_mem>>) src(%dma_wait3A_1863 : memref<32768xf32, #tpu.memory_space<vmem>>) dst(%dma_wait3A_1860 : memref<32768xf32, #tpu.memory_space<hbm>>)
        %add3A_1864 = arith.constant 2 : i32
        %add3A_1865 = arith.addi %scan3A_165, %add3A_1864 : i32
        %rem3A_1866 = arith.constant 4 : i32
        %rem3A_1867 = arith.remsi %add3A_1865, %rem3A_1866 : i32
        %broadcast_in_dim3A_1868 = vector.broadcast %rem3A_167 : i32 to vector<16xi32>
        %get3A_1869 = arith.constant 0 : i32
        %get3A_1870 = arith.index_cast %rem3A_1867 : i32 to index
        %get3A_1871 = arith.index_cast %get3A_1869 : i32 to index
        %get3A_1872 = arith.constant 0 : index
        %get3A_1873 = tpu.vector_load %arg4[%get3A_1870, %get3A_1871, %get3A_1872] {strides = array<i32>} : memref<4x8x128xi32, #tpu.memory_space<vmem>>, vector<16xi32>,
        %add3A_1874 = arith.constant 0 : i32
        %add3A_1875 = vector.broadcast %add3A_1874 : i32 to vector<16xi32>
        %add3A_1876 = arith.addi %add3A_1875, %iota3A : vector<16xi32>
        %shift_right_arithmetic3A_1877 = arith.constant 3 : i32
        %shift_right_arithmetic3A_1878 = vector.broadcast %shift_right_arithmetic3A_1877 : i32 to vector<16xi32>
        %shift_right_arithmetic3A_1879 = arith.shrsi %get3A_1873, %shift_right_arithmetic3A_1878 : vector<16xi32>
        %shift_left3A_1880 = arith.constant 13 : i32
        %shift_left3A_1881 = vector.broadcast %shift_left3A_1880 : i32 to vector<16xi32>
        %shift_left3A_1882 = arith.shli %shift_right_arithmetic3A_1879, %shift_left3A_1881 : vector<16xi32>
        %and3A_1883 = arith.constant 7 : i32
        %and3A_1884 = vector.broadcast %and3A_1883 : i32 to vector<16xi32>
        %and3A_1885 = arith.andi %get3A_1873, %and3A_1884 : vector<16xi32>
        %shift_left3A_1886 = arith.constant 7 : i32
        %shift_left3A_1887 = vector.broadcast %shift_left3A_1886 : i32 to vector<16xi32>
        %shift_left3A_1888 = arith.shli %and3A_1885, %shift_left3A_1887 : vector<16xi32>
        %add3A_1889 = arith.addi %shift_left3A_1882, %shift_left3A_1888 : vector<16xi32>
        %add3A_1890 = arith.addi %add3A_1889, %add3A_1876 : vector<16xi32>
        %lt3A_1891 = arith.constant 32 : i32
        %lt3A_1892 = vector.broadcast %lt3A_1891 : i32 to vector<16xi32>
        %lt3A_1893 = arith.cmpi slt, %get3A_1873, %lt3A_1892 : vector<16xi32>
        tpu.vector_store_idx %arg5[%broadcast_in_dim3A_1868, %add3A_1890], %broadcast_in_dim3A_5 masked %lt3A_1893 : memref<2x32768xf32, #tpu.memory_space<vmem>>[vector<16xi32>, vector<16xi32>], vector<16xf32>, vector<16xi1>
        %get3A_1894 = arith.constant 0 : i32
        %get3A_1895 = arith.index_cast %rem3A_1867 : i32 to index
        %get3A_1896 = arith.index_cast %get3A_1894 : i32 to index
        %get3A_1897 = arith.constant 16 : index
        %get3A_1898 = tpu.vector_load %arg4[%get3A_1895, %get3A_1896, %get3A_1897] {strides = array<i32>} : memref<4x8x128xi32, #tpu.memory_space<vmem>>, vector<16xi32>,
        %add3A_1899 = arith.constant 16 : i32
        %add3A_1900 = vector.broadcast %add3A_1899 : i32 to vector<16xi32>
        %add3A_1901 = arith.addi %add3A_1900, %iota3A : vector<16xi32>
        %shift_right_arithmetic3A_1902 = arith.constant 3 : i32
        %shift_right_arithmetic3A_1903 = vector.broadcast %shift_right_arithmetic3A_1902 : i32 to vector<16xi32>
        %shift_right_arithmetic3A_1904 = arith.shrsi %get3A_1898, %shift_right_arithmetic3A_1903 : vector<16xi32>
        %shift_left3A_1905 = arith.constant 13 : i32
        %shift_left3A_1906 = vector.broadcast %shift_left3A_1905 : i32 to vector<16xi32>
        %shift_left3A_1907 = arith.shli %shift_right_arithmetic3A_1904, %shift_left3A_1906 : vector<16xi32>
        %and3A_1908 = arith.constant 7 : i32
        %and3A_1909 = vector.broadcast %and3A_1908 : i32 to vector<16xi32>
        %and3A_1910 = arith.andi %get3A_1898, %and3A_1909 : vector<16xi32>
        %shift_left3A_1911 = arith.constant 7 : i32
        %shift_left3A_1912 = vector.broadcast %shift_left3A_1911 : i32 to vector<16xi32>
        %shift_left3A_1913 = arith.shli %and3A_1910, %shift_left3A_1912 : vector<16xi32>
        %add3A_1914 = arith.addi %shift_left3A_1907, %shift_left3A_1913 : vector<16xi32>
        %add3A_1915 = arith.addi %add3A_1914, %add3A_1901 : vector<16xi32>
        %lt3A_1916 = arith.constant 32 : i32
        %lt3A_1917 = vector.broadcast %lt3A_1916 : i32 to vector<16xi32>
        %lt3A_1918 = arith.cmpi slt, %get3A_1898, %lt3A_1917 : vector<16xi32>
        tpu.vector_store_idx %arg5[%broadcast_in_dim3A_1868, %add3A_1915], %broadcast_in_dim3A_5 masked %lt3A_1918 : memref<2x32768xf32, #tpu.memory_space<vmem>>[vector<16xi32>, vector<16xi32>], vector<16xf32>, vector<16xi1>
        %get3A_1919 = arith.constant 0 : i32
        %get3A_1920 = arith.index_cast %rem3A_1867 : i32 to index
        %get3A_1921 = arith.index_cast %get3A_1919 : i32 to index
        %get3A_1922 = arith.constant 32 : index
        %get3A_1923 = tpu.vector_load %arg4[%get3A_1920, %get3A_1921, %get3A_1922] {strides = array<i32>} : memref<4x8x128xi32, #tpu.memory_space<vmem>>, vector<16xi32>,
        %add3A_1924 = arith.constant 32 : i32
        %add3A_1925 = vector.broadcast %add3A_1924 : i32 to vector<16xi32>
        %add3A_1926 = arith.addi %add3A_1925, %iota3A : vector<16xi32>
        %shift_right_arithmetic3A_1927 = arith.constant 3 : i32
        %shift_right_arithmetic3A_1928 = vector.broadcast %shift_right_arithmetic3A_1927 : i32 to vector<16xi32>
        %shift_right_arithmetic3A_1929 = arith.shrsi %get3A_1923, %shift_right_arithmetic3A_1928 : vector<16xi32>
        %shift_left3A_1930 = arith.constant 13 : i32
        %shift_left3A_1931 = vector.broadcast %shift_left3A_1930 : i32 to vector<16xi32>
        %shift_left3A_1932 = arith.shli %shift_right_arithmetic3A_1929, %shift_left3A_1931 : vector<16xi32>
        %and3A_1933 = arith.constant 7 : i32
        %and3A_1934 = vector.broadcast %and3A_1933 : i32 to vector<16xi32>
        %and3A_1935 = arith.andi %get3A_1923, %and3A_1934 : vector<16xi32>
        %shift_left3A_1936 = arith.constant 7 : i32
        %shift_left3A_1937 = vector.broadcast %shift_left3A_1936 : i32 to vector<16xi32>
        %shift_left3A_1938 = arith.shli %and3A_1935, %shift_left3A_1937 : vector<16xi32>
        %add3A_1939 = arith.addi %shift_left3A_1932, %shift_left3A_1938 : vector<16xi32>
        %add3A_1940 = arith.addi %add3A_1939, %add3A_1926 : vector<16xi32>
        %lt3A_1941 = arith.constant 32 : i32
        %lt3A_1942 = vector.broadcast %lt3A_1941 : i32 to vector<16xi32>
        %lt3A_1943 = arith.cmpi slt, %get3A_1923, %lt3A_1942 : vector<16xi32>
        tpu.vector_store_idx %arg5[%broadcast_in_dim3A_1868, %add3A_1940], %broadcast_in_dim3A_5 masked %lt3A_1943 : memref<2x32768xf32, #tpu.memory_space<vmem>>[vector<16xi32>, vector<16xi32>], vector<16xf32>, vector<16xi1>
        %get3A_1944 = arith.constant 0 : i32
        %get3A_1945 = arith.index_cast %rem3A_1867 : i32 to index
        %get3A_1946 = arith.index_cast %get3A_1944 : i32 to index
        %get3A_1947 = arith.constant 48 : index
        %get3A_1948 = tpu.vector_load %arg4[%get3A_1945, %get3A_1946, %get3A_1947] {strides = array<i32>} : memref<4x8x128xi32, #tpu.memory_space<vmem>>, vector<16xi32>,
        %add3A_1949 = arith.constant 48 : i32
        %add3A_1950 = vector.broadcast %add3A_1949 : i32 to vector<16xi32>
        %add3A_1951 = arith.addi %add3A_1950, %iota3A : vector<16xi32>
        %shift_right_arithmetic3A_1952 = arith.constant 3 : i32
        %shift_right_arithmetic3A_1953 = vector.broadcast %shift_right_arithmetic3A_1952 : i32 to vector<16xi32>
        %shift_right_arithmetic3A_1954 = arith.shrsi %get3A_1948, %shift_right_arithmetic3A_1953 : vector<16xi32>
        %shift_left3A_1955 = arith.constant 13 : i32
        %shift_left3A_1956 = vector.broadcast %shift_left3A_1955 : i32 to vector<16xi32>
        %shift_left3A_1957 = arith.shli %shift_right_arithmetic3A_1954, %shift_left3A_1956 : vector<16xi32>
        %and3A_1958 = arith.constant 7 : i32
        %and3A_1959 = vector.broadcast %and3A_1958 : i32 to vector<16xi32>
        %and3A_1960 = arith.andi %get3A_1948, %and3A_1959 : vector<16xi32>
        %shift_left3A_1961 = arith.constant 7 : i32
        %shift_left3A_1962 = vector.broadcast %shift_left3A_1961 : i32 to vector<16xi32>
        %shift_left3A_1963 = arith.shli %and3A_1960, %shift_left3A_1962 : vector<16xi32>
        %add3A_1964 = arith.addi %shift_left3A_1957, %shift_left3A_1963 : vector<16xi32>
        %add3A_1965 = arith.addi %add3A_1964, %add3A_1951 : vector<16xi32>
        %lt3A_1966 = arith.constant 32 : i32
        %lt3A_1967 = vector.broadcast %lt3A_1966 : i32 to vector<16xi32>
        %lt3A_1968 = arith.cmpi slt, %get3A_1948, %lt3A_1967 : vector<16xi32>
        tpu.vector_store_idx %arg5[%broadcast_in_dim3A_1868, %add3A_1965], %broadcast_in_dim3A_5 masked %lt3A_1968 : memref<2x32768xf32, #tpu.memory_space<vmem>>[vector<16xi32>, vector<16xi32>], vector<16xf32>, vector<16xi1>
        %get3A_1969 = arith.constant 0 : i32
        %get3A_1970 = arith.index_cast %rem3A_1867 : i32 to index
        %get3A_1971 = arith.index_cast %get3A_1969 : i32 to index
        %get3A_1972 = arith.constant 64 : index
        %get3A_1973 = tpu.vector_load %arg4[%get3A_1970, %get3A_1971, %get3A_1972] {strides = array<i32>} : memref<4x8x128xi32, #tpu.memory_space<vmem>>, vector<16xi32>,
        %add3A_1974 = arith.constant 64 : i32
        %add3A_1975 = vector.broadcast %add3A_1974 : i32 to vector<16xi32>
        %add3A_1976 = arith.addi %add3A_1975, %iota3A : vector<16xi32>
        %shift_right_arithmetic3A_1977 = arith.constant 3 : i32
        %shift_right_arithmetic3A_1978 = vector.broadcast %shift_right_arithmetic3A_1977 : i32 to vector<16xi32>
        %shift_right_arithmetic3A_1979 = arith.shrsi %get3A_1973, %shift_right_arithmetic3A_1978 : vector<16xi32>
        %shift_left3A_1980 = arith.constant 13 : i32
        %shift_left3A_1981 = vector.broadcast %shift_left3A_1980 : i32 to vector<16xi32>
        %shift_left3A_1982 = arith.shli %shift_right_arithmetic3A_1979, %shift_left3A_1981 : vector<16xi32>
        %and3A_1983 = arith.constant 7 : i32
        %and3A_1984 = vector.broadcast %and3A_1983 : i32 to vector<16xi32>
        %and3A_1985 = arith.andi %get3A_1973, %and3A_1984 : vector<16xi32>
        %shift_left3A_1986 = arith.constant 7 : i32
        %shift_left3A_1987 = vector.broadcast %shift_left3A_1986 : i32 to vector<16xi32>
        %shift_left3A_1988 = arith.shli %and3A_1985, %shift_left3A_1987 : vector<16xi32>
        %add3A_1989 = arith.addi %shift_left3A_1982, %shift_left3A_1988 : vector<16xi32>
        %add3A_1990 = arith.addi %add3A_1989, %add3A_1976 : vector<16xi32>
        %lt3A_1991 = arith.constant 32 : i32
        %lt3A_1992 = vector.broadcast %lt3A_1991 : i32 to vector<16xi32>
        %lt3A_1993 = arith.cmpi slt, %get3A_1973, %lt3A_1992 : vector<16xi32>
        tpu.vector_store_idx %arg5[%broadcast_in_dim3A_1868, %add3A_1990], %broadcast_in_dim3A_5 masked %lt3A_1993 : memref<2x32768xf32, #tpu.memory_space<vmem>>[vector<16xi32>, vector<16xi32>], vector<16xf32>, vector<16xi1>
        %get3A_1994 = arith.constant 0 : i32
        %get3A_1995 = arith.index_cast %rem3A_1867 : i32 to index
        %get3A_1996 = arith.index_cast %get3A_1994 : i32 to index
        %get3A_1997 = arith.constant 80 : index
        %get3A_1998 = tpu.vector_load %arg4[%get3A_1995, %get3A_1996, %get3A_1997] {strides = array<i32>} : memref<4x8x128xi32, #tpu.memory_space<vmem>>, vector<16xi32>,
        %add3A_1999 = arith.constant 80 : i32
        %add3A_2000 = vector.broadcast %add3A_1999 : i32 to vector<16xi32>
        %add3A_2001 = arith.addi %add3A_2000, %iota3A : vector<16xi32>
        %shift_right_arithmetic3A_2002 = arith.constant 3 : i32
        %shift_right_arithmetic3A_2003 = vector.broadcast %shift_right_arithmetic3A_2002 : i32 to vector<16xi32>
        %shift_right_arithmetic3A_2004 = arith.shrsi %get3A_1998, %shift_right_arithmetic3A_2003 : vector<16xi32>
        %shift_left3A_2005 = arith.constant 13 : i32
        %shift_left3A_2006 = vector.broadcast %shift_left3A_2005 : i32 to vector<16xi32>
        %shift_left3A_2007 = arith.shli %shift_right_arithmetic3A_2004, %shift_left3A_2006 : vector<16xi32>
        %and3A_2008 = arith.constant 7 : i32
        %and3A_2009 = vector.broadcast %and3A_2008 : i32 to vector<16xi32>
        %and3A_2010 = arith.andi %get3A_1998, %and3A_2009 : vector<16xi32>
        %shift_left3A_2011 = arith.constant 7 : i32
        %shift_left3A_2012 = vector.broadcast %shift_left3A_2011 : i32 to vector<16xi32>
        %shift_left3A_2013 = arith.shli %and3A_2010, %shift_left3A_2012 : vector<16xi32>
        %add3A_2014 = arith.addi %shift_left3A_2007, %shift_left3A_2013 : vector<16xi32>
        %add3A_2015 = arith.addi %add3A_2014, %add3A_2001 : vector<16xi32>
        %lt3A_2016 = arith.constant 32 : i32
        %lt3A_2017 = vector.broadcast %lt3A_2016 : i32 to vector<16xi32>
        %lt3A_2018 = arith.cmpi slt, %get3A_1998, %lt3A_2017 : vector<16xi32>
        tpu.vector_store_idx %arg5[%broadcast_in_dim3A_1868, %add3A_2015], %broadcast_in_dim3A_5 masked %lt3A_2018 : memref<2x32768xf32, #tpu.memory_space<vmem>>[vector<16xi32>, vector<16xi32>], vector<16xf32>, vector<16xi1>
        %get3A_2019 = arith.constant 0 : i32
        %get3A_2020 = arith.index_cast %rem3A_1867 : i32 to index
        %get3A_2021 = arith.index_cast %get3A_2019 : i32 to index
        %get3A_2022 = arith.constant 96 : index
        %get3A_2023 = tpu.vector_load %arg4[%get3A_2020, %get3A_2021, %get3A_2022] {strides = array<i32>} : memref<4x8x128xi32, #tpu.memory_space<vmem>>, vector<16xi32>,
        %add3A_2024 = arith.constant 96 : i32
        %add3A_2025 = vector.broadcast %add3A_2024 : i32 to vector<16xi32>
        %add3A_2026 = arith.addi %add3A_2025, %iota3A : vector<16xi32>
        %shift_right_arithmetic3A_2027 = arith.constant 3 : i32
        %shift_right_arithmetic3A_2028 = vector.broadcast %shift_right_arithmetic3A_2027 : i32 to vector<16xi32>
        %shift_right_arithmetic3A_2029 = arith.shrsi %get3A_2023, %shift_right_arithmetic3A_2028 : vector<16xi32>
        %shift_left3A_2030 = arith.constant 13 : i32
        %shift_left3A_2031 = vector.broadcast %shift_left3A_2030 : i32 to vector<16xi32>
        %shift_left3A_2032 = arith.shli %shift_right_arithmetic3A_2029, %shift_left3A_2031 : vector<16xi32>
        %and3A_2033 = arith.constant 7 : i32
        %and3A_2034 = vector.broadcast %and3A_2033 : i32 to vector<16xi32>
        %and3A_2035 = arith.andi %get3A_2023, %and3A_2034 : vector<16xi32>
        %shift_left3A_2036 = arith.constant 7 : i32
        %shift_left3A_2037 = vector.broadcast %shift_left3A_2036 : i32 to vector<16xi32>
        %shift_left3A_2038 = arith.shli %and3A_2035, %shift_left3A_2037 : vector<16xi32>
        %add3A_2039 = arith.addi %shift_left3A_2032, %shift_left3A_2038 : vector<16xi32>
        %add3A_2040 = arith.addi %add3A_2039, %add3A_2026 : vector<16xi32>
        %lt3A_2041 = arith.constant 32 : i32
        %lt3A_2042 = vector.broadcast %lt3A_2041 : i32 to vector<16xi32>
        %lt3A_2043 = arith.cmpi slt, %get3A_2023, %lt3A_2042 : vector<16xi32>
        tpu.vector_store_idx %arg5[%broadcast_in_dim3A_1868, %add3A_2040], %broadcast_in_dim3A_5 masked %lt3A_2043 : memref<2x32768xf32, #tpu.memory_space<vmem>>[vector<16xi32>, vector<16xi32>], vector<16xf32>, vector<16xi1>
        %get3A_2044 = arith.constant 0 : i32
        %get3A_2045 = arith.index_cast %rem3A_1867 : i32 to index
        %get3A_2046 = arith.index_cast %get3A_2044 : i32 to index
        %get3A_2047 = arith.constant 112 : index
        %get3A_2048 = tpu.vector_load %arg4[%get3A_2045, %get3A_2046, %get3A_2047] {strides = array<i32>} : memref<4x8x128xi32, #tpu.memory_space<vmem>>, vector<16xi32>,
        %add3A_2049 = arith.constant 112 : i32
        %add3A_2050 = vector.broadcast %add3A_2049 : i32 to vector<16xi32>
        %add3A_2051 = arith.addi %add3A_2050, %iota3A : vector<16xi32>
        %shift_right_arithmetic3A_2052 = arith.constant 3 : i32
        %shift_right_arithmetic3A_2053 = vector.broadcast %shift_right_arithmetic3A_2052 : i32 to vector<16xi32>
        %shift_right_arithmetic3A_2054 = arith.shrsi %get3A_2048, %shift_right_arithmetic3A_2053 : vector<16xi32>
        %shift_left3A_2055 = arith.constant 13 : i32
        %shift_left3A_2056 = vector.broadcast %shift_left3A_2055 : i32 to vector<16xi32>
        %shift_left3A_2057 = arith.shli %shift_right_arithmetic3A_2054, %shift_left3A_2056 : vector<16xi32>
        %and3A_2058 = arith.constant 7 : i32
        %and3A_2059 = vector.broadcast %and3A_2058 : i32 to vector<16xi32>
        %and3A_2060 = arith.andi %get3A_2048, %and3A_2059 : vector<16xi32>
        %shift_left3A_2061 = arith.constant 7 : i32
        %shift_left3A_2062 = vector.broadcast %shift_left3A_2061 : i32 to vector<16xi32>
        %shift_left3A_2063 = arith.shli %and3A_2060, %shift_left3A_2062 : vector<16xi32>
        %add3A_2064 = arith.addi %shift_left3A_2057, %shift_left3A_2063 : vector<16xi32>
        %add3A_2065 = arith.addi %add3A_2064, %add3A_2051 : vector<16xi32>
        %lt3A_2066 = arith.constant 32 : i32
        %lt3A_2067 = vector.broadcast %lt3A_2066 : i32 to vector<16xi32>
        %lt3A_2068 = arith.cmpi slt, %get3A_2048, %lt3A_2067 : vector<16xi32>
        tpu.vector_store_idx %arg5[%broadcast_in_dim3A_1868, %add3A_2065], %broadcast_in_dim3A_5 masked %lt3A_2068 : memref<2x32768xf32, #tpu.memory_space<vmem>>[vector<16xi32>, vector<16xi32>], vector<16xf32>, vector<16xi1>
        %get3A_2069 = arith.constant 1 : i32
        %get3A_2070 = arith.index_cast %rem3A_1867 : i32 to index
        %get3A_2071 = arith.index_cast %get3A_2069 : i32 to index
        %get3A_2072 = arith.constant 0 : index
        %get3A_2073 = tpu.vector_load %arg4[%get3A_2070, %get3A_2071, %get3A_2072] {strides = array<i32>} : memref<4x8x128xi32, #tpu.memory_space<vmem>>, vector<16xi32>,
        %add3A_2074 = arith.constant 1024 : i32
        %add3A_2075 = vector.broadcast %add3A_2074 : i32 to vector<16xi32>
        %add3A_2076 = arith.addi %add3A_2075, %iota3A : vector<16xi32>
        %shift_right_arithmetic3A_2077 = arith.constant 3 : i32
        %shift_right_arithmetic3A_2078 = vector.broadcast %shift_right_arithmetic3A_2077 : i32 to vector<16xi32>
        %shift_right_arithmetic3A_2079 = arith.shrsi %get3A_2073, %shift_right_arithmetic3A_2078 : vector<16xi32>
        %shift_left3A_2080 = arith.constant 13 : i32
        %shift_left3A_2081 = vector.broadcast %shift_left3A_2080 : i32 to vector<16xi32>
        %shift_left3A_2082 = arith.shli %shift_right_arithmetic3A_2079, %shift_left3A_2081 : vector<16xi32>
        %and3A_2083 = arith.constant 7 : i32
        %and3A_2084 = vector.broadcast %and3A_2083 : i32 to vector<16xi32>
        %and3A_2085 = arith.andi %get3A_2073, %and3A_2084 : vector<16xi32>
        %shift_left3A_2086 = arith.constant 7 : i32
        %shift_left3A_2087 = vector.broadcast %shift_left3A_2086 : i32 to vector<16xi32>
        %shift_left3A_2088 = arith.shli %and3A_2085, %shift_left3A_2087 : vector<16xi32>
        %add3A_2089 = arith.addi %shift_left3A_2082, %shift_left3A_2088 : vector<16xi32>
        %add3A_2090 = arith.addi %add3A_2089, %add3A_2076 : vector<16xi32>
        %lt3A_2091 = arith.constant 32 : i32
        %lt3A_2092 = vector.broadcast %lt3A_2091 : i32 to vector<16xi32>
        %lt3A_2093 = arith.cmpi slt, %get3A_2073, %lt3A_2092 : vector<16xi32>
        tpu.vector_store_idx %arg5[%broadcast_in_dim3A_1868, %add3A_2090], %broadcast_in_dim3A_5 masked %lt3A_2093 : memref<2x32768xf32, #tpu.memory_space<vmem>>[vector<16xi32>, vector<16xi32>], vector<16xf32>, vector<16xi1>
        %get3A_2094 = arith.constant 1 : i32
        %get3A_2095 = arith.index_cast %rem3A_1867 : i32 to index
        %get3A_2096 = arith.index_cast %get3A_2094 : i32 to index
        %get3A_2097 = arith.constant 16 : index
        %get3A_2098 = tpu.vector_load %arg4[%get3A_2095, %get3A_2096, %get3A_2097] {strides = array<i32>} : memref<4x8x128xi32, #tpu.memory_space<vmem>>, vector<16xi32>,
        %add3A_2099 = arith.constant 1040 : i32
        %add3A_2100 = vector.broadcast %add3A_2099 : i32 to vector<16xi32>
        %add3A_2101 = arith.addi %add3A_2100, %iota3A : vector<16xi32>
        %shift_right_arithmetic3A_2102 = arith.constant 3 : i32
        %shift_right_arithmetic3A_2103 = vector.broadcast %shift_right_arithmetic3A_2102 : i32 to vector<16xi32>
        %shift_right_arithmetic3A_2104 = arith.shrsi %get3A_2098, %shift_right_arithmetic3A_2103 : vector<16xi32>
        %shift_left3A_2105 = arith.constant 13 : i32
        %shift_left3A_2106 = vector.broadcast %shift_left3A_2105 : i32 to vector<16xi32>
        %shift_left3A_2107 = arith.shli %shift_right_arithmetic3A_2104, %shift_left3A_2106 : vector<16xi32>
        %and3A_2108 = arith.constant 7 : i32
        %and3A_2109 = vector.broadcast %and3A_2108 : i32 to vector<16xi32>
        %and3A_2110 = arith.andi %get3A_2098, %and3A_2109 : vector<16xi32>
        %shift_left3A_2111 = arith.constant 7 : i32
        %shift_left3A_2112 = vector.broadcast %shift_left3A_2111 : i32 to vector<16xi32>
        %shift_left3A_2113 = arith.shli %and3A_2110, %shift_left3A_2112 : vector<16xi32>
        %add3A_2114 = arith.addi %shift_left3A_2107, %shift_left3A_2113 : vector<16xi32>
        %add3A_2115 = arith.addi %add3A_2114, %add3A_2101 : vector<16xi32>
        %lt3A_2116 = arith.constant 32 : i32
        %lt3A_2117 = vector.broadcast %lt3A_2116 : i32 to vector<16xi32>
        %lt3A_2118 = arith.cmpi slt, %get3A_2098, %lt3A_2117 : vector<16xi32>
        tpu.vector_store_idx %arg5[%broadcast_in_dim3A_1868, %add3A_2115], %broadcast_in_dim3A_5 masked %lt3A_2118 : memref<2x32768xf32, #tpu.memory_space<vmem>>[vector<16xi32>, vector<16xi32>], vector<16xf32>, vector<16xi1>
        %get3A_2119 = arith.constant 1 : i32
        %get3A_2120 = arith.index_cast %rem3A_1867 : i32 to index
        %get3A_2121 = arith.index_cast %get3A_2119 : i32 to index
        %get3A_2122 = arith.constant 32 : index
        %get3A_2123 = tpu.vector_load %arg4[%get3A_2120, %get3A_2121, %get3A_2122] {strides = array<i32>} : memref<4x8x128xi32, #tpu.memory_space<vmem>>, vector<16xi32>,
        %add3A_2124 = arith.constant 1056 : i32
        %add3A_2125 = vector.broadcast %add3A_2124 : i32 to vector<16xi32>
        %add3A_2126 = arith.addi %add3A_2125, %iota3A : vector<16xi32>
        %shift_right_arithmetic3A_2127 = arith.constant 3 : i32
        %shift_right_arithmetic3A_2128 = vector.broadcast %shift_right_arithmetic3A_2127 : i32 to vector<16xi32>
        %shift_right_arithmetic3A_2129 = arith.shrsi %get3A_2123, %shift_right_arithmetic3A_2128 : vector<16xi32>
        %shift_left3A_2130 = arith.constant 13 : i32
        %shift_left3A_2131 = vector.broadcast %shift_left3A_2130 : i32 to vector<16xi32>
        %shift_left3A_2132 = arith.shli %shift_right_arithmetic3A_2129, %shift_left3A_2131 : vector<16xi32>
        %and3A_2133 = arith.constant 7 : i32
        %and3A_2134 = vector.broadcast %and3A_2133 : i32 to vector<16xi32>
        %and3A_2135 = arith.andi %get3A_2123, %and3A_2134 : vector<16xi32>
        %shift_left3A_2136 = arith.constant 7 : i32
        %shift_left3A_2137 = vector.broadcast %shift_left3A_2136 : i32 to vector<16xi32>
        %shift_left3A_2138 = arith.shli %and3A_2135, %shift_left3A_2137 : vector<16xi32>
        %add3A_2139 = arith.addi %shift_left3A_2132, %shift_left3A_2138 : vector<16xi32>
        %add3A_2140 = arith.addi %add3A_2139, %add3A_2126 : vector<16xi32>
        %lt3A_2141 = arith.constant 32 : i32
        %lt3A_2142 = vector.broadcast %lt3A_2141 : i32 to vector<16xi32>
        %lt3A_2143 = arith.cmpi slt, %get3A_2123, %lt3A_2142 : vector<16xi32>
        tpu.vector_store_idx %arg5[%broadcast_in_dim3A_1868, %add3A_2140], %broadcast_in_dim3A_5 masked %lt3A_2143 : memref<2x32768xf32, #tpu.memory_space<vmem>>[vector<16xi32>, vector<16xi32>], vector<16xf32>, vector<16xi1>
        %get3A_2144 = arith.constant 1 : i32
        %get3A_2145 = arith.index_cast %rem3A_1867 : i32 to index
        %get3A_2146 = arith.index_cast %get3A_2144 : i32 to index
        %get3A_2147 = arith.constant 48 : index
        %get3A_2148 = tpu.vector_load %arg4[%get3A_2145, %get3A_2146, %get3A_2147] {strides = array<i32>} : memref<4x8x128xi32, #tpu.memory_space<vmem>>, vector<16xi32>,
        %add3A_2149 = arith.constant 1072 : i32
        %add3A_2150 = vector.broadcast %add3A_2149 : i32 to vector<16xi32>
        %add3A_2151 = arith.addi %add3A_2150, %iota3A : vector<16xi32>
        %shift_right_arithmetic3A_2152 = arith.constant 3 : i32
        %shift_right_arithmetic3A_2153 = vector.broadcast %shift_right_arithmetic3A_2152 : i32 to vector<16xi32>
        %shift_right_arithmetic3A_2154 = arith.shrsi %get3A_2148, %shift_right_arithmetic3A_2153 : vector<16xi32>
        %shift_left3A_2155 = arith.constant 13 : i32
        %shift_left3A_2156 = vector.broadcast %shift_left3A_2155 : i32 to vector<16xi32>
        %shift_left3A_2157 = arith.shli %shift_right_arithmetic3A_2154, %shift_left3A_2156 : vector<16xi32>
        %and3A_2158 = arith.constant 7 : i32
        %and3A_2159 = vector.broadcast %and3A_2158 : i32 to vector<16xi32>
        %and3A_2160 = arith.andi %get3A_2148, %and3A_2159 : vector<16xi32>
        %shift_left3A_2161 = arith.constant 7 : i32
        %shift_left3A_2162 = vector.broadcast %shift_left3A_2161 : i32 to vector<16xi32>
        %shift_left3A_2163 = arith.shli %and3A_2160, %shift_left3A_2162 : vector<16xi32>
        %add3A_2164 = arith.addi %shift_left3A_2157, %shift_left3A_2163 : vector<16xi32>
        %add3A_2165 = arith.addi %add3A_2164, %add3A_2151 : vector<16xi32>
        %lt3A_2166 = arith.constant 32 : i32
        %lt3A_2167 = vector.broadcast %lt3A_2166 : i32 to vector<16xi32>
        %lt3A_2168 = arith.cmpi slt, %get3A_2148, %lt3A_2167 : vector<16xi32>
        tpu.vector_store_idx %arg5[%broadcast_in_dim3A_1868, %add3A_2165], %broadcast_in_dim3A_5 masked %lt3A_2168 : memref<2x32768xf32, #tpu.memory_space<vmem>>[vector<16xi32>, vector<16xi32>], vector<16xf32>, vector<16xi1>
        %get3A_2169 = arith.constant 1 : i32
        %get3A_2170 = arith.index_cast %rem3A_1867 : i32 to index
        %get3A_2171 = arith.index_cast %get3A_2169 : i32 to index
        %get3A_2172 = arith.constant 64 : index
        %get3A_2173 = tpu.vector_load %arg4[%get3A_2170, %get3A_2171, %get3A_2172] {strides = array<i32>} : memref<4x8x128xi32, #tpu.memory_space<vmem>>, vector<16xi32>,
        %add3A_2174 = arith.constant 1088 : i32
        %add3A_2175 = vector.broadcast %add3A_2174 : i32 to vector<16xi32>
        %add3A_2176 = arith.addi %add3A_2175, %iota3A : vector<16xi32>
        %shift_right_arithmetic3A_2177 = arith.constant 3 : i32
        %shift_right_arithmetic3A_2178 = vector.broadcast %shift_right_arithmetic3A_2177 : i32 to vector<16xi32>
        %shift_right_arithmetic3A_2179 = arith.shrsi %get3A_2173, %shift_right_arithmetic3A_2178 : vector<16xi32>
        %shift_left3A_2180 = arith.constant 13 : i32
        %shift_left3A_2181 = vector.broadcast %shift_left3A_2180 : i32 to vector<16xi32>
        %shift_left3A_2182 = arith.shli %shift_right_arithmetic3A_2179, %shift_left3A_2181 : vector<16xi32>
        %and3A_2183 = arith.constant 7 : i32
        %and3A_2184 = vector.broadcast %and3A_2183 : i32 to vector<16xi32>
        %and3A_2185 = arith.andi %get3A_2173, %and3A_2184 : vector<16xi32>
        %shift_left3A_2186 = arith.constant 7 : i32
        %shift_left3A_2187 = vector.broadcast %shift_left3A_2186 : i32 to vector<16xi32>
        %shift_left3A_2188 = arith.shli %and3A_2185, %shift_left3A_2187 : vector<16xi32>
        %add3A_2189 = arith.addi %shift_left3A_2182, %shift_left3A_2188 : vector<16xi32>
        %add3A_2190 = arith.addi %add3A_2189, %add3A_2176 : vector<16xi32>
        %lt3A_2191 = arith.constant 32 : i32
        %lt3A_2192 = vector.broadcast %lt3A_2191 : i32 to vector<16xi32>
        %lt3A_2193 = arith.cmpi slt, %get3A_2173, %lt3A_2192 : vector<16xi32>
        tpu.vector_store_idx %arg5[%broadcast_in_dim3A_1868, %add3A_2190], %broadcast_in_dim3A_5 masked %lt3A_2193 : memref<2x32768xf32, #tpu.memory_space<vmem>>[vector<16xi32>, vector<16xi32>], vector<16xf32>, vector<16xi1>
        %get3A_2194 = arith.constant 1 : i32
        %get3A_2195 = arith.index_cast %rem3A_1867 : i32 to index
        %get3A_2196 = arith.index_cast %get3A_2194 : i32 to index
        %get3A_2197 = arith.constant 80 : index
        %get3A_2198 = tpu.vector_load %arg4[%get3A_2195, %get3A_2196, %get3A_2197] {strides = array<i32>} : memref<4x8x128xi32, #tpu.memory_space<vmem>>, vector<16xi32>,
        %add3A_2199 = arith.constant 1104 : i32
        %add3A_2200 = vector.broadcast %add3A_2199 : i32 to vector<16xi32>
        %add3A_2201 = arith.addi %add3A_2200, %iota3A : vector<16xi32>
        %shift_right_arithmetic3A_2202 = arith.constant 3 : i32
        %shift_right_arithmetic3A_2203 = vector.broadcast %shift_right_arithmetic3A_2202 : i32 to vector<16xi32>
        %shift_right_arithmetic3A_2204 = arith.shrsi %get3A_2198, %shift_right_arithmetic3A_2203 : vector<16xi32>
        %shift_left3A_2205 = arith.constant 13 : i32
        %shift_left3A_2206 = vector.broadcast %shift_left3A_2205 : i32 to vector<16xi32>
        %shift_left3A_2207 = arith.shli %shift_right_arithmetic3A_2204, %shift_left3A_2206 : vector<16xi32>
        %and3A_2208 = arith.constant 7 : i32
        %and3A_2209 = vector.broadcast %and3A_2208 : i32 to vector<16xi32>
        %and3A_2210 = arith.andi %get3A_2198, %and3A_2209 : vector<16xi32>
        %shift_left3A_2211 = arith.constant 7 : i32
        %shift_left3A_2212 = vector.broadcast %shift_left3A_2211 : i32 to vector<16xi32>
        %shift_left3A_2213 = arith.shli %and3A_2210, %shift_left3A_2212 : vector<16xi32>
        %add3A_2214 = arith.addi %shift_left3A_2207, %shift_left3A_2213 : vector<16xi32>
        %add3A_2215 = arith.addi %add3A_2214, %add3A_2201 : vector<16xi32>
        %lt3A_2216 = arith.constant 32 : i32
        %lt3A_2217 = vector.broadcast %lt3A_2216 : i32 to vector<16xi32>
        %lt3A_2218 = arith.cmpi slt, %get3A_2198, %lt3A_2217 : vector<16xi32>
        tpu.vector_store_idx %arg5[%broadcast_in_dim3A_1868, %add3A_2215], %broadcast_in_dim3A_5 masked %lt3A_2218 : memref<2x32768xf32, #tpu.memory_space<vmem>>[vector<16xi32>, vector<16xi32>], vector<16xf32>, vector<16xi1>
        %get3A_2219 = arith.constant 1 : i32
        %get3A_2220 = arith.index_cast %rem3A_1867 : i32 to index
        %get3A_2221 = arith.index_cast %get3A_2219 : i32 to index
        %get3A_2222 = arith.constant 96 : index
        %get3A_2223 = tpu.vector_load %arg4[%get3A_2220, %get3A_2221, %get3A_2222] {strides = array<i32>} : memref<4x8x128xi32, #tpu.memory_space<vmem>>, vector<16xi32>,
        %add3A_2224 = arith.constant 1120 : i32
        %add3A_2225 = vector.broadcast %add3A_2224 : i32 to vector<16xi32>
        %add3A_2226 = arith.addi %add3A_2225, %iota3A : vector<16xi32>
        %shift_right_arithmetic3A_2227 = arith.constant 3 : i32
        %shift_right_arithmetic3A_2228 = vector.broadcast %shift_right_arithmetic3A_2227 : i32 to vector<16xi32>
        %shift_right_arithmetic3A_2229 = arith.shrsi %get3A_2223, %shift_right_arithmetic3A_2228 : vector<16xi32>
        %shift_left3A_2230 = arith.constant 13 : i32
        %shift_left3A_2231 = vector.broadcast %shift_left3A_2230 : i32 to vector<16xi32>
        %shift_left3A_2232 = arith.shli %shift_right_arithmetic3A_2229, %shift_left3A_2231 : vector<16xi32>
        %and3A_2233 = arith.constant 7 : i32
        %and3A_2234 = vector.broadcast %and3A_2233 : i32 to vector<16xi32>
        %and3A_2235 = arith.andi %get3A_2223, %and3A_2234 : vector<16xi32>
        %shift_left3A_2236 = arith.constant 7 : i32
        %shift_left3A_2237 = vector.broadcast %shift_left3A_2236 : i32 to vector<16xi32>
        %shift_left3A_2238 = arith.shli %and3A_2235, %shift_left3A_2237 : vector<16xi32>
        %add3A_2239 = arith.addi %shift_left3A_2232, %shift_left3A_2238 : vector<16xi32>
        %add3A_2240 = arith.addi %add3A_2239, %add3A_2226 : vector<16xi32>
        %lt3A_2241 = arith.constant 32 : i32
        %lt3A_2242 = vector.broadcast %lt3A_2241 : i32 to vector<16xi32>
        %lt3A_2243 = arith.cmpi slt, %get3A_2223, %lt3A_2242 : vector<16xi32>
        tpu.vector_store_idx %arg5[%broadcast_in_dim3A_1868, %add3A_2240], %broadcast_in_dim3A_5 masked %lt3A_2243 : memref<2x32768xf32, #tpu.memory_space<vmem>>[vector<16xi32>, vector<16xi32>], vector<16xf32>, vector<16xi1>
        %get3A_2244 = arith.constant 1 : i32
        %get3A_2245 = arith.index_cast %rem3A_1867 : i32 to index
        %get3A_2246 = arith.index_cast %get3A_2244 : i32 to index
        %get3A_2247 = arith.constant 112 : index
        %get3A_2248 = tpu.vector_load %arg4[%get3A_2245, %get3A_2246, %get3A_2247] {strides = array<i32>} : memref<4x8x128xi32, #tpu.memory_space<vmem>>, vector<16xi32>,
        %add3A_2249 = arith.constant 1136 : i32
        %add3A_2250 = vector.broadcast %add3A_2249 : i32 to vector<16xi32>
        %add3A_2251 = arith.addi %add3A_2250, %iota3A : vector<16xi32>
        %shift_right_arithmetic3A_2252 = arith.constant 3 : i32
        %shift_right_arithmetic3A_2253 = vector.broadcast %shift_right_arithmetic3A_2252 : i32 to vector<16xi32>
        %shift_right_arithmetic3A_2254 = arith.shrsi %get3A_2248, %shift_right_arithmetic3A_2253 : vector<16xi32>
        %shift_left3A_2255 = arith.constant 13 : i32
        %shift_left3A_2256 = vector.broadcast %shift_left3A_2255 : i32 to vector<16xi32>
        %shift_left3A_2257 = arith.shli %shift_right_arithmetic3A_2254, %shift_left3A_2256 : vector<16xi32>
        %and3A_2258 = arith.constant 7 : i32
        %and3A_2259 = vector.broadcast %and3A_2258 : i32 to vector<16xi32>
        %and3A_2260 = arith.andi %get3A_2248, %and3A_2259 : vector<16xi32>
        %shift_left3A_2261 = arith.constant 7 : i32
        %shift_left3A_2262 = vector.broadcast %shift_left3A_2261 : i32 to vector<16xi32>
        %shift_left3A_2263 = arith.shli %and3A_2260, %shift_left3A_2262 : vector<16xi32>
        %add3A_2264 = arith.addi %shift_left3A_2257, %shift_left3A_2263 : vector<16xi32>
        %add3A_2265 = arith.addi %add3A_2264, %add3A_2251 : vector<16xi32>
        %lt3A_2266 = arith.constant 32 : i32
        %lt3A_2267 = vector.broadcast %lt3A_2266 : i32 to vector<16xi32>
        %lt3A_2268 = arith.cmpi slt, %get3A_2248, %lt3A_2267 : vector<16xi32>
        tpu.vector_store_idx %arg5[%broadcast_in_dim3A_1868, %add3A_2265], %broadcast_in_dim3A_5 masked %lt3A_2268 : memref<2x32768xf32, #tpu.memory_space<vmem>>[vector<16xi32>, vector<16xi32>], vector<16xf32>, vector<16xi1>
        %get3A_2269 = arith.constant 2 : i32
        %get3A_2270 = arith.index_cast %rem3A_1867 : i32 to index
        %get3A_2271 = arith.index_cast %get3A_2269 : i32 to index
        %get3A_2272 = arith.constant 0 : index
        %get3A_2273 = tpu.vector_load %arg4[%get3A_2270, %get3A_2271, %get3A_2272] {strides = array<i32>} : memref<4x8x128xi32, #tpu.memory_space<vmem>>, vector<16xi32>,
        %add3A_2274 = arith.constant 2048 : i32
        %add3A_2275 = vector.broadcast %add3A_2274 : i32 to vector<16xi32>
        %add3A_2276 = arith.addi %add3A_2275, %iota3A : vector<16xi32>
        %shift_right_arithmetic3A_2277 = arith.constant 3 : i32
        %shift_right_arithmetic3A_2278 = vector.broadcast %shift_right_arithmetic3A_2277 : i32 to vector<16xi32>
        %shift_right_arithmetic3A_2279 = arith.shrsi %get3A_2273, %shift_right_arithmetic3A_2278 : vector<16xi32>
        %shift_left3A_2280 = arith.constant 13 : i32
        %shift_left3A_2281 = vector.broadcast %shift_left3A_2280 : i32 to vector<16xi32>
        %shift_left3A_2282 = arith.shli %shift_right_arithmetic3A_2279, %shift_left3A_2281 : vector<16xi32>
        %and3A_2283 = arith.constant 7 : i32
        %and3A_2284 = vector.broadcast %and3A_2283 : i32 to vector<16xi32>
        %and3A_2285 = arith.andi %get3A_2273, %and3A_2284 : vector<16xi32>
        %shift_left3A_2286 = arith.constant 7 : i32
        %shift_left3A_2287 = vector.broadcast %shift_left3A_2286 : i32 to vector<16xi32>
        %shift_left3A_2288 = arith.shli %and3A_2285, %shift_left3A_2287 : vector<16xi32>
        %add3A_2289 = arith.addi %shift_left3A_2282, %shift_left3A_2288 : vector<16xi32>
        %add3A_2290 = arith.addi %add3A_2289, %add3A_2276 : vector<16xi32>
        %lt3A_2291 = arith.constant 32 : i32
        %lt3A_2292 = vector.broadcast %lt3A_2291 : i32 to vector<16xi32>
        %lt3A_2293 = arith.cmpi slt, %get3A_2273, %lt3A_2292 : vector<16xi32>
        tpu.vector_store_idx %arg5[%broadcast_in_dim3A_1868, %add3A_2290], %broadcast_in_dim3A_5 masked %lt3A_2293 : memref<2x32768xf32, #tpu.memory_space<vmem>>[vector<16xi32>, vector<16xi32>], vector<16xf32>, vector<16xi1>
        %get3A_2294 = arith.constant 2 : i32
        %get3A_2295 = arith.index_cast %rem3A_1867 : i32 to index
        %get3A_2296 = arith.index_cast %get3A_2294 : i32 to index
        %get3A_2297 = arith.constant 16 : index
        %get3A_2298 = tpu.vector_load %arg4[%get3A_2295, %get3A_2296, %get3A_2297] {strides = array<i32>} : memref<4x8x128xi32, #tpu.memory_space<vmem>>, vector<16xi32>,
        %add3A_2299 = arith.constant 2064 : i32
        %add3A_2300 = vector.broadcast %add3A_2299 : i32 to vector<16xi32>
        %add3A_2301 = arith.addi %add3A_2300, %iota3A : vector<16xi32>
        %shift_right_arithmetic3A_2302 = arith.constant 3 : i32
        %shift_right_arithmetic3A_2303 = vector.broadcast %shift_right_arithmetic3A_2302 : i32 to vector<16xi32>
        %shift_right_arithmetic3A_2304 = arith.shrsi %get3A_2298, %shift_right_arithmetic3A_2303 : vector<16xi32>
        %shift_left3A_2305 = arith.constant 13 : i32
        %shift_left3A_2306 = vector.broadcast %shift_left3A_2305 : i32 to vector<16xi32>
        %shift_left3A_2307 = arith.shli %shift_right_arithmetic3A_2304, %shift_left3A_2306 : vector<16xi32>
        %and3A_2308 = arith.constant 7 : i32
        %and3A_2309 = vector.broadcast %and3A_2308 : i32 to vector<16xi32>
        %and3A_2310 = arith.andi %get3A_2298, %and3A_2309 : vector<16xi32>
        %shift_left3A_2311 = arith.constant 7 : i32
        %shift_left3A_2312 = vector.broadcast %shift_left3A_2311 : i32 to vector<16xi32>
        %shift_left3A_2313 = arith.shli %and3A_2310, %shift_left3A_2312 : vector<16xi32>
        %add3A_2314 = arith.addi %shift_left3A_2307, %shift_left3A_2313 : vector<16xi32>
        %add3A_2315 = arith.addi %add3A_2314, %add3A_2301 : vector<16xi32>
        %lt3A_2316 = arith.constant 32 : i32
        %lt3A_2317 = vector.broadcast %lt3A_2316 : i32 to vector<16xi32>
        %lt3A_2318 = arith.cmpi slt, %get3A_2298, %lt3A_2317 : vector<16xi32>
        tpu.vector_store_idx %arg5[%broadcast_in_dim3A_1868, %add3A_2315], %broadcast_in_dim3A_5 masked %lt3A_2318 : memref<2x32768xf32, #tpu.memory_space<vmem>>[vector<16xi32>, vector<16xi32>], vector<16xf32>, vector<16xi1>
        %get3A_2319 = arith.constant 2 : i32
        %get3A_2320 = arith.index_cast %rem3A_1867 : i32 to index
        %get3A_2321 = arith.index_cast %get3A_2319 : i32 to index
        %get3A_2322 = arith.constant 32 : index
        %get3A_2323 = tpu.vector_load %arg4[%get3A_2320, %get3A_2321, %get3A_2322] {strides = array<i32>} : memref<4x8x128xi32, #tpu.memory_space<vmem>>, vector<16xi32>,
        %add3A_2324 = arith.constant 2080 : i32
        %add3A_2325 = vector.broadcast %add3A_2324 : i32 to vector<16xi32>
        %add3A_2326 = arith.addi %add3A_2325, %iota3A : vector<16xi32>
        %shift_right_arithmetic3A_2327 = arith.constant 3 : i32
        %shift_right_arithmetic3A_2328 = vector.broadcast %shift_right_arithmetic3A_2327 : i32 to vector<16xi32>
        %shift_right_arithmetic3A_2329 = arith.shrsi %get3A_2323, %shift_right_arithmetic3A_2328 : vector<16xi32>
        %shift_left3A_2330 = arith.constant 13 : i32
        %shift_left3A_2331 = vector.broadcast %shift_left3A_2330 : i32 to vector<16xi32>
        %shift_left3A_2332 = arith.shli %shift_right_arithmetic3A_2329, %shift_left3A_2331 : vector<16xi32>
        %and3A_2333 = arith.constant 7 : i32
        %and3A_2334 = vector.broadcast %and3A_2333 : i32 to vector<16xi32>
        %and3A_2335 = arith.andi %get3A_2323, %and3A_2334 : vector<16xi32>
        %shift_left3A_2336 = arith.constant 7 : i32
        %shift_left3A_2337 = vector.broadcast %shift_left3A_2336 : i32 to vector<16xi32>
        %shift_left3A_2338 = arith.shli %and3A_2335, %shift_left3A_2337 : vector<16xi32>
        %add3A_2339 = arith.addi %shift_left3A_2332, %shift_left3A_2338 : vector<16xi32>
        %add3A_2340 = arith.addi %add3A_2339, %add3A_2326 : vector<16xi32>
        %lt3A_2341 = arith.constant 32 : i32
        %lt3A_2342 = vector.broadcast %lt3A_2341 : i32 to vector<16xi32>
        %lt3A_2343 = arith.cmpi slt, %get3A_2323, %lt3A_2342 : vector<16xi32>
        tpu.vector_store_idx %arg5[%broadcast_in_dim3A_1868, %add3A_2340], %broadcast_in_dim3A_5 masked %lt3A_2343 : memref<2x32768xf32, #tpu.memory_space<vmem>>[vector<16xi32>, vector<16xi32>], vector<16xf32>, vector<16xi1>
        %get3A_2344 = arith.constant 2 : i32
        %get3A_2345 = arith.index_cast %rem3A_1867 : i32 to index
        %get3A_2346 = arith.index_cast %get3A_2344 : i32 to index
        %get3A_2347 = arith.constant 48 : index
        %get3A_2348 = tpu.vector_load %arg4[%get3A_2345, %get3A_2346, %get3A_2347] {strides = array<i32>} : memref<4x8x128xi32, #tpu.memory_space<vmem>>, vector<16xi32>,
        %add3A_2349 = arith.constant 2096 : i32
        %add3A_2350 = vector.broadcast %add3A_2349 : i32 to vector<16xi32>
        %add3A_2351 = arith.addi %add3A_2350, %iota3A : vector<16xi32>
        %shift_right_arithmetic3A_2352 = arith.constant 3 : i32
        %shift_right_arithmetic3A_2353 = vector.broadcast %shift_right_arithmetic3A_2352 : i32 to vector<16xi32>
        %shift_right_arithmetic3A_2354 = arith.shrsi %get3A_2348, %shift_right_arithmetic3A_2353 : vector<16xi32>
        %shift_left3A_2355 = arith.constant 13 : i32
        %shift_left3A_2356 = vector.broadcast %shift_left3A_2355 : i32 to vector<16xi32>
        %shift_left3A_2357 = arith.shli %shift_right_arithmetic3A_2354, %shift_left3A_2356 : vector<16xi32>
        %and3A_2358 = arith.constant 7 : i32
        %and3A_2359 = vector.broadcast %and3A_2358 : i32 to vector<16xi32>
        %and3A_2360 = arith.andi %get3A_2348, %and3A_2359 : vector<16xi32>
        %shift_left3A_2361 = arith.constant 7 : i32
        %shift_left3A_2362 = vector.broadcast %shift_left3A_2361 : i32 to vector<16xi32>
        %shift_left3A_2363 = arith.shli %and3A_2360, %shift_left3A_2362 : vector<16xi32>
        %add3A_2364 = arith.addi %shift_left3A_2357, %shift_left3A_2363 : vector<16xi32>
        %add3A_2365 = arith.addi %add3A_2364, %add3A_2351 : vector<16xi32>
        %lt3A_2366 = arith.constant 32 : i32
        %lt3A_2367 = vector.broadcast %lt3A_2366 : i32 to vector<16xi32>
        %lt3A_2368 = arith.cmpi slt, %get3A_2348, %lt3A_2367 : vector<16xi32>
        tpu.vector_store_idx %arg5[%broadcast_in_dim3A_1868, %add3A_2365], %broadcast_in_dim3A_5 masked %lt3A_2368 : memref<2x32768xf32, #tpu.memory_space<vmem>>[vector<16xi32>, vector<16xi32>], vector<16xf32>, vector<16xi1>
        %get3A_2369 = arith.constant 2 : i32
        %get3A_2370 = arith.index_cast %rem3A_1867 : i32 to index
        %get3A_2371 = arith.index_cast %get3A_2369 : i32 to index
        %get3A_2372 = arith.constant 64 : index
        %get3A_2373 = tpu.vector_load %arg4[%get3A_2370, %get3A_2371, %get3A_2372] {strides = array<i32>} : memref<4x8x128xi32, #tpu.memory_space<vmem>>, vector<16xi32>,
        %add3A_2374 = arith.constant 2112 : i32
        %add3A_2375 = vector.broadcast %add3A_2374 : i32 to vector<16xi32>
        %add3A_2376 = arith.addi %add3A_2375, %iota3A : vector<16xi32>
        %shift_right_arithmetic3A_2377 = arith.constant 3 : i32
        %shift_right_arithmetic3A_2378 = vector.broadcast %shift_right_arithmetic3A_2377 : i32 to vector<16xi32>
        %shift_right_arithmetic3A_2379 = arith.shrsi %get3A_2373, %shift_right_arithmetic3A_2378 : vector<16xi32>
        %shift_left3A_2380 = arith.constant 13 : i32
        %shift_left3A_2381 = vector.broadcast %shift_left3A_2380 : i32 to vector<16xi32>
        %shift_left3A_2382 = arith.shli %shift_right_arithmetic3A_2379, %shift_left3A_2381 : vector<16xi32>
        %and3A_2383 = arith.constant 7 : i32
        %and3A_2384 = vector.broadcast %and3A_2383 : i32 to vector<16xi32>
        %and3A_2385 = arith.andi %get3A_2373, %and3A_2384 : vector<16xi32>
        %shift_left3A_2386 = arith.constant 7 : i32
        %shift_left3A_2387 = vector.broadcast %shift_left3A_2386 : i32 to vector<16xi32>
        %shift_left3A_2388 = arith.shli %and3A_2385, %shift_left3A_2387 : vector<16xi32>
        %add3A_2389 = arith.addi %shift_left3A_2382, %shift_left3A_2388 : vector<16xi32>
        %add3A_2390 = arith.addi %add3A_2389, %add3A_2376 : vector<16xi32>
        %lt3A_2391 = arith.constant 32 : i32
        %lt3A_2392 = vector.broadcast %lt3A_2391 : i32 to vector<16xi32>
        %lt3A_2393 = arith.cmpi slt, %get3A_2373, %lt3A_2392 : vector<16xi32>
        tpu.vector_store_idx %arg5[%broadcast_in_dim3A_1868, %add3A_2390], %broadcast_in_dim3A_5 masked %lt3A_2393 : memref<2x32768xf32, #tpu.memory_space<vmem>>[vector<16xi32>, vector<16xi32>], vector<16xf32>, vector<16xi1>
        %get3A_2394 = arith.constant 2 : i32
        %get3A_2395 = arith.index_cast %rem3A_1867 : i32 to index
        %get3A_2396 = arith.index_cast %get3A_2394 : i32 to index
        %get3A_2397 = arith.constant 80 : index
        %get3A_2398 = tpu.vector_load %arg4[%get3A_2395, %get3A_2396, %get3A_2397] {strides = array<i32>} : memref<4x8x128xi32, #tpu.memory_space<vmem>>, vector<16xi32>,
        %add3A_2399 = arith.constant 2128 : i32
        %add3A_2400 = vector.broadcast %add3A_2399 : i32 to vector<16xi32>
        %add3A_2401 = arith.addi %add3A_2400, %iota3A : vector<16xi32>
        %shift_right_arithmetic3A_2402 = arith.constant 3 : i32
        %shift_right_arithmetic3A_2403 = vector.broadcast %shift_right_arithmetic3A_2402 : i32 to vector<16xi32>
        %shift_right_arithmetic3A_2404 = arith.shrsi %get3A_2398, %shift_right_arithmetic3A_2403 : vector<16xi32>
        %shift_left3A_2405 = arith.constant 13 : i32
        %shift_left3A_2406 = vector.broadcast %shift_left3A_2405 : i32 to vector<16xi32>
        %shift_left3A_2407 = arith.shli %shift_right_arithmetic3A_2404, %shift_left3A_2406 : vector<16xi32>
        %and3A_2408 = arith.constant 7 : i32
        %and3A_2409 = vector.broadcast %and3A_2408 : i32 to vector<16xi32>
        %and3A_2410 = arith.andi %get3A_2398, %and3A_2409 : vector<16xi32>
        %shift_left3A_2411 = arith.constant 7 : i32
        %shift_left3A_2412 = vector.broadcast %shift_left3A_2411 : i32 to vector<16xi32>
        %shift_left3A_2413 = arith.shli %and3A_2410, %shift_left3A_2412 : vector<16xi32>
        %add3A_2414 = arith.addi %shift_left3A_2407, %shift_left3A_2413 : vector<16xi32>
        %add3A_2415 = arith.addi %add3A_2414, %add3A_2401 : vector<16xi32>
        %lt3A_2416 = arith.constant 32 : i32
        %lt3A_2417 = vector.broadcast %lt3A_2416 : i32 to vector<16xi32>
        %lt3A_2418 = arith.cmpi slt, %get3A_2398, %lt3A_2417 : vector<16xi32>
        tpu.vector_store_idx %arg5[%broadcast_in_dim3A_1868, %add3A_2415], %broadcast_in_dim3A_5 masked %lt3A_2418 : memref<2x32768xf32, #tpu.memory_space<vmem>>[vector<16xi32>, vector<16xi32>], vector<16xf32>, vector<16xi1>
        %get3A_2419 = arith.constant 2 : i32
        %get3A_2420 = arith.index_cast %rem3A_1867 : i32 to index
        %get3A_2421 = arith.index_cast %get3A_2419 : i32 to index
        %get3A_2422 = arith.constant 96 : index
        %get3A_2423 = tpu.vector_load %arg4[%get3A_2420, %get3A_2421, %get3A_2422] {strides = array<i32>} : memref<4x8x128xi32, #tpu.memory_space<vmem>>, vector<16xi32>,
        %add3A_2424 = arith.constant 2144 : i32
        %add3A_2425 = vector.broadcast %add3A_2424 : i32 to vector<16xi32>
        %add3A_2426 = arith.addi %add3A_2425, %iota3A : vector<16xi32>
        %shift_right_arithmetic3A_2427 = arith.constant 3 : i32
        %shift_right_arithmetic3A_2428 = vector.broadcast %shift_right_arithmetic3A_2427 : i32 to vector<16xi32>
        %shift_right_arithmetic3A_2429 = arith.shrsi %get3A_2423, %shift_right_arithmetic3A_2428 : vector<16xi32>
        %shift_left3A_2430 = arith.constant 13 : i32
        %shift_left3A_2431 = vector.broadcast %shift_left3A_2430 : i32 to vector<16xi32>
        %shift_left3A_2432 = arith.shli %shift_right_arithmetic3A_2429, %shift_left3A_2431 : vector<16xi32>
        %and3A_2433 = arith.constant 7 : i32
        %and3A_2434 = vector.broadcast %and3A_2433 : i32 to vector<16xi32>
        %and3A_2435 = arith.andi %get3A_2423, %and3A_2434 : vector<16xi32>
        %shift_left3A_2436 = arith.constant 7 : i32
        %shift_left3A_2437 = vector.broadcast %shift_left3A_2436 : i32 to vector<16xi32>
        %shift_left3A_2438 = arith.shli %and3A_2435, %shift_left3A_2437 : vector<16xi32>
        %add3A_2439 = arith.addi %shift_left3A_2432, %shift_left3A_2438 : vector<16xi32>
        %add3A_2440 = arith.addi %add3A_2439, %add3A_2426 : vector<16xi32>
        %lt3A_2441 = arith.constant 32 : i32
        %lt3A_2442 = vector.broadcast %lt3A_2441 : i32 to vector<16xi32>
        %lt3A_2443 = arith.cmpi slt, %get3A_2423, %lt3A_2442 : vector<16xi32>
        tpu.vector_store_idx %arg5[%broadcast_in_dim3A_1868, %add3A_2440], %broadcast_in_dim3A_5 masked %lt3A_2443 : memref<2x32768xf32, #tpu.memory_space<vmem>>[vector<16xi32>, vector<16xi32>], vector<16xf32>, vector<16xi1>
        %get3A_2444 = arith.constant 2 : i32
        %get3A_2445 = arith.index_cast %rem3A_1867 : i32 to index
        %get3A_2446 = arith.index_cast %get3A_2444 : i32 to index
        %get3A_2447 = arith.constant 112 : index
        %get3A_2448 = tpu.vector_load %arg4[%get3A_2445, %get3A_2446, %get3A_2447] {strides = array<i32>} : memref<4x8x128xi32, #tpu.memory_space<vmem>>, vector<16xi32>,
        %add3A_2449 = arith.constant 2160 : i32
        %add3A_2450 = vector.broadcast %add3A_2449 : i32 to vector<16xi32>
        %add3A_2451 = arith.addi %add3A_2450, %iota3A : vector<16xi32>
        %shift_right_arithmetic3A_2452 = arith.constant 3 : i32
        %shift_right_arithmetic3A_2453 = vector.broadcast %shift_right_arithmetic3A_2452 : i32 to vector<16xi32>
        %shift_right_arithmetic3A_2454 = arith.shrsi %get3A_2448, %shift_right_arithmetic3A_2453 : vector<16xi32>
        %shift_left3A_2455 = arith.constant 13 : i32
        %shift_left3A_2456 = vector.broadcast %shift_left3A_2455 : i32 to vector<16xi32>
        %shift_left3A_2457 = arith.shli %shift_right_arithmetic3A_2454, %shift_left3A_2456 : vector<16xi32>
        %and3A_2458 = arith.constant 7 : i32
        %and3A_2459 = vector.broadcast %and3A_2458 : i32 to vector<16xi32>
        %and3A_2460 = arith.andi %get3A_2448, %and3A_2459 : vector<16xi32>
        %shift_left3A_2461 = arith.constant 7 : i32
        %shift_left3A_2462 = vector.broadcast %shift_left3A_2461 : i32 to vector<16xi32>
        %shift_left3A_2463 = arith.shli %and3A_2460, %shift_left3A_2462 : vector<16xi32>
        %add3A_2464 = arith.addi %shift_left3A_2457, %shift_left3A_2463 : vector<16xi32>
        %add3A_2465 = arith.addi %add3A_2464, %add3A_2451 : vector<16xi32>
        %lt3A_2466 = arith.constant 32 : i32
        %lt3A_2467 = vector.broadcast %lt3A_2466 : i32 to vector<16xi32>
        %lt3A_2468 = arith.cmpi slt, %get3A_2448, %lt3A_2467 : vector<16xi32>
        tpu.vector_store_idx %arg5[%broadcast_in_dim3A_1868, %add3A_2465], %broadcast_in_dim3A_5 masked %lt3A_2468 : memref<2x32768xf32, #tpu.memory_space<vmem>>[vector<16xi32>, vector<16xi32>], vector<16xf32>, vector<16xi1>
        %get3A_2469 = arith.constant 3 : i32
        %get3A_2470 = arith.index_cast %rem3A_1867 : i32 to index
        %get3A_2471 = arith.index_cast %get3A_2469 : i32 to index
        %get3A_2472 = arith.constant 0 : index
        %get3A_2473 = tpu.vector_load %arg4[%get3A_2470, %get3A_2471, %get3A_2472] {strides = array<i32>} : memref<4x8x128xi32, #tpu.memory_space<vmem>>, vector<16xi32>,
        %add3A_2474 = arith.constant 3072 : i32
        %add3A_2475 = vector.broadcast %add3A_2474 : i32 to vector<16xi32>
        %add3A_2476 = arith.addi %add3A_2475, %iota3A : vector<16xi32>
        %shift_right_arithmetic3A_2477 = arith.constant 3 : i32
        %shift_right_arithmetic3A_2478 = vector.broadcast %shift_right_arithmetic3A_2477 : i32 to vector<16xi32>
        %shift_right_arithmetic3A_2479 = arith.shrsi %get3A_2473, %shift_right_arithmetic3A_2478 : vector<16xi32>
        %shift_left3A_2480 = arith.constant 13 : i32
        %shift_left3A_2481 = vector.broadcast %shift_left3A_2480 : i32 to vector<16xi32>
        %shift_left3A_2482 = arith.shli %shift_right_arithmetic3A_2479, %shift_left3A_2481 : vector<16xi32>
        %and3A_2483 = arith.constant 7 : i32
        %and3A_2484 = vector.broadcast %and3A_2483 : i32 to vector<16xi32>
        %and3A_2485 = arith.andi %get3A_2473, %and3A_2484 : vector<16xi32>
        %shift_left3A_2486 = arith.constant 7 : i32
        %shift_left3A_2487 = vector.broadcast %shift_left3A_2486 : i32 to vector<16xi32>
        %shift_left3A_2488 = arith.shli %and3A_2485, %shift_left3A_2487 : vector<16xi32>
        %add3A_2489 = arith.addi %shift_left3A_2482, %shift_left3A_2488 : vector<16xi32>
        %add3A_2490 = arith.addi %add3A_2489, %add3A_2476 : vector<16xi32>
        %lt3A_2491 = arith.constant 32 : i32
        %lt3A_2492 = vector.broadcast %lt3A_2491 : i32 to vector<16xi32>
        %lt3A_2493 = arith.cmpi slt, %get3A_2473, %lt3A_2492 : vector<16xi32>
        tpu.vector_store_idx %arg5[%broadcast_in_dim3A_1868, %add3A_2490], %broadcast_in_dim3A_5 masked %lt3A_2493 : memref<2x32768xf32, #tpu.memory_space<vmem>>[vector<16xi32>, vector<16xi32>], vector<16xf32>, vector<16xi1>
        %get3A_2494 = arith.constant 3 : i32
        %get3A_2495 = arith.index_cast %rem3A_1867 : i32 to index
        %get3A_2496 = arith.index_cast %get3A_2494 : i32 to index
        %get3A_2497 = arith.constant 16 : index
        %get3A_2498 = tpu.vector_load %arg4[%get3A_2495, %get3A_2496, %get3A_2497] {strides = array<i32>} : memref<4x8x128xi32, #tpu.memory_space<vmem>>, vector<16xi32>,
        %add3A_2499 = arith.constant 3088 : i32
        %add3A_2500 = vector.broadcast %add3A_2499 : i32 to vector<16xi32>
        %add3A_2501 = arith.addi %add3A_2500, %iota3A : vector<16xi32>
        %shift_right_arithmetic3A_2502 = arith.constant 3 : i32
        %shift_right_arithmetic3A_2503 = vector.broadcast %shift_right_arithmetic3A_2502 : i32 to vector<16xi32>
        %shift_right_arithmetic3A_2504 = arith.shrsi %get3A_2498, %shift_right_arithmetic3A_2503 : vector<16xi32>
        %shift_left3A_2505 = arith.constant 13 : i32
        %shift_left3A_2506 = vector.broadcast %shift_left3A_2505 : i32 to vector<16xi32>
        %shift_left3A_2507 = arith.shli %shift_right_arithmetic3A_2504, %shift_left3A_2506 : vector<16xi32>
        %and3A_2508 = arith.constant 7 : i32
        %and3A_2509 = vector.broadcast %and3A_2508 : i32 to vector<16xi32>
        %and3A_2510 = arith.andi %get3A_2498, %and3A_2509 : vector<16xi32>
        %shift_left3A_2511 = arith.constant 7 : i32
        %shift_left3A_2512 = vector.broadcast %shift_left3A_2511 : i32 to vector<16xi32>
        %shift_left3A_2513 = arith.shli %and3A_2510, %shift_left3A_2512 : vector<16xi32>
        %add3A_2514 = arith.addi %shift_left3A_2507, %shift_left3A_2513 : vector<16xi32>
        %add3A_2515 = arith.addi %add3A_2514, %add3A_2501 : vector<16xi32>
        %lt3A_2516 = arith.constant 32 : i32
        %lt3A_2517 = vector.broadcast %lt3A_2516 : i32 to vector<16xi32>
        %lt3A_2518 = arith.cmpi slt, %get3A_2498, %lt3A_2517 : vector<16xi32>
        tpu.vector_store_idx %arg5[%broadcast_in_dim3A_1868, %add3A_2515], %broadcast_in_dim3A_5 masked %lt3A_2518 : memref<2x32768xf32, #tpu.memory_space<vmem>>[vector<16xi32>, vector<16xi32>], vector<16xf32>, vector<16xi1>
        %get3A_2519 = arith.constant 3 : i32
        %get3A_2520 = arith.index_cast %rem3A_1867 : i32 to index
        %get3A_2521 = arith.index_cast %get3A_2519 : i32 to index
        %get3A_2522 = arith.constant 32 : index
        %get3A_2523 = tpu.vector_load %arg4[%get3A_2520, %get3A_2521, %get3A_2522] {strides = array<i32>} : memref<4x8x128xi32, #tpu.memory_space<vmem>>, vector<16xi32>,
        %add3A_2524 = arith.constant 3104 : i32
        %add3A_2525 = vector.broadcast %add3A_2524 : i32 to vector<16xi32>
        %add3A_2526 = arith.addi %add3A_2525, %iota3A : vector<16xi32>
        %shift_right_arithmetic3A_2527 = arith.constant 3 : i32
        %shift_right_arithmetic3A_2528 = vector.broadcast %shift_right_arithmetic3A_2527 : i32 to vector<16xi32>
        %shift_right_arithmetic3A_2529 = arith.shrsi %get3A_2523, %shift_right_arithmetic3A_2528 : vector<16xi32>
        %shift_left3A_2530 = arith.constant 13 : i32
        %shift_left3A_2531 = vector.broadcast %shift_left3A_2530 : i32 to vector<16xi32>
        %shift_left3A_2532 = arith.shli %shift_right_arithmetic3A_2529, %shift_left3A_2531 : vector<16xi32>
        %and3A_2533 = arith.constant 7 : i32
        %and3A_2534 = vector.broadcast %and3A_2533 : i32 to vector<16xi32>
        %and3A_2535 = arith.andi %get3A_2523, %and3A_2534 : vector<16xi32>
        %shift_left3A_2536 = arith.constant 7 : i32
        %shift_left3A_2537 = vector.broadcast %shift_left3A_2536 : i32 to vector<16xi32>
        %shift_left3A_2538 = arith.shli %and3A_2535, %shift_left3A_2537 : vector<16xi32>
        %add3A_2539 = arith.addi %shift_left3A_2532, %shift_left3A_2538 : vector<16xi32>
        %add3A_2540 = arith.addi %add3A_2539, %add3A_2526 : vector<16xi32>
        %lt3A_2541 = arith.constant 32 : i32
        %lt3A_2542 = vector.broadcast %lt3A_2541 : i32 to vector<16xi32>
        %lt3A_2543 = arith.cmpi slt, %get3A_2523, %lt3A_2542 : vector<16xi32>
        tpu.vector_store_idx %arg5[%broadcast_in_dim3A_1868, %add3A_2540], %broadcast_in_dim3A_5 masked %lt3A_2543 : memref<2x32768xf32, #tpu.memory_space<vmem>>[vector<16xi32>, vector<16xi32>], vector<16xf32>, vector<16xi1>
        %get3A_2544 = arith.constant 3 : i32
        %get3A_2545 = arith.index_cast %rem3A_1867 : i32 to index
        %get3A_2546 = arith.index_cast %get3A_2544 : i32 to index
        %get3A_2547 = arith.constant 48 : index
        %get3A_2548 = tpu.vector_load %arg4[%get3A_2545, %get3A_2546, %get3A_2547] {strides = array<i32>} : memref<4x8x128xi32, #tpu.memory_space<vmem>>, vector<16xi32>,
        %add3A_2549 = arith.constant 3120 : i32
        %add3A_2550 = vector.broadcast %add3A_2549 : i32 to vector<16xi32>
        %add3A_2551 = arith.addi %add3A_2550, %iota3A : vector<16xi32>
        %shift_right_arithmetic3A_2552 = arith.constant 3 : i32
        %shift_right_arithmetic3A_2553 = vector.broadcast %shift_right_arithmetic3A_2552 : i32 to vector<16xi32>
        %shift_right_arithmetic3A_2554 = arith.shrsi %get3A_2548, %shift_right_arithmetic3A_2553 : vector<16xi32>
        %shift_left3A_2555 = arith.constant 13 : i32
        %shift_left3A_2556 = vector.broadcast %shift_left3A_2555 : i32 to vector<16xi32>
        %shift_left3A_2557 = arith.shli %shift_right_arithmetic3A_2554, %shift_left3A_2556 : vector<16xi32>
        %and3A_2558 = arith.constant 7 : i32
        %and3A_2559 = vector.broadcast %and3A_2558 : i32 to vector<16xi32>
        %and3A_2560 = arith.andi %get3A_2548, %and3A_2559 : vector<16xi32>
        %shift_left3A_2561 = arith.constant 7 : i32
        %shift_left3A_2562 = vector.broadcast %shift_left3A_2561 : i32 to vector<16xi32>
        %shift_left3A_2563 = arith.shli %and3A_2560, %shift_left3A_2562 : vector<16xi32>
        %add3A_2564 = arith.addi %shift_left3A_2557, %shift_left3A_2563 : vector<16xi32>
        %add3A_2565 = arith.addi %add3A_2564, %add3A_2551 : vector<16xi32>
        %lt3A_2566 = arith.constant 32 : i32
        %lt3A_2567 = vector.broadcast %lt3A_2566 : i32 to vector<16xi32>
        %lt3A_2568 = arith.cmpi slt, %get3A_2548, %lt3A_2567 : vector<16xi32>
        tpu.vector_store_idx %arg5[%broadcast_in_dim3A_1868, %add3A_2565], %broadcast_in_dim3A_5 masked %lt3A_2568 : memref<2x32768xf32, #tpu.memory_space<vmem>>[vector<16xi32>, vector<16xi32>], vector<16xf32>, vector<16xi1>
        %get3A_2569 = arith.constant 3 : i32
        %get3A_2570 = arith.index_cast %rem3A_1867 : i32 to index
        %get3A_2571 = arith.index_cast %get3A_2569 : i32 to index
        %get3A_2572 = arith.constant 64 : index
        %get3A_2573 = tpu.vector_load %arg4[%get3A_2570, %get3A_2571, %get3A_2572] {strides = array<i32>} : memref<4x8x128xi32, #tpu.memory_space<vmem>>, vector<16xi32>,
        %add3A_2574 = arith.constant 3136 : i32
        %add3A_2575 = vector.broadcast %add3A_2574 : i32 to vector<16xi32>
        %add3A_2576 = arith.addi %add3A_2575, %iota3A : vector<16xi32>
        %shift_right_arithmetic3A_2577 = arith.constant 3 : i32
        %shift_right_arithmetic3A_2578 = vector.broadcast %shift_right_arithmetic3A_2577 : i32 to vector<16xi32>
        %shift_right_arithmetic3A_2579 = arith.shrsi %get3A_2573, %shift_right_arithmetic3A_2578 : vector<16xi32>
        %shift_left3A_2580 = arith.constant 13 : i32
        %shift_left3A_2581 = vector.broadcast %shift_left3A_2580 : i32 to vector<16xi32>
        %shift_left3A_2582 = arith.shli %shift_right_arithmetic3A_2579, %shift_left3A_2581 : vector<16xi32>
        %and3A_2583 = arith.constant 7 : i32
        %and3A_2584 = vector.broadcast %and3A_2583 : i32 to vector<16xi32>
        %and3A_2585 = arith.andi %get3A_2573, %and3A_2584 : vector<16xi32>
        %shift_left3A_2586 = arith.constant 7 : i32
        %shift_left3A_2587 = vector.broadcast %shift_left3A_2586 : i32 to vector<16xi32>
        %shift_left3A_2588 = arith.shli %and3A_2585, %shift_left3A_2587 : vector<16xi32>
        %add3A_2589 = arith.addi %shift_left3A_2582, %shift_left3A_2588 : vector<16xi32>
        %add3A_2590 = arith.addi %add3A_2589, %add3A_2576 : vector<16xi32>
        %lt3A_2591 = arith.constant 32 : i32
        %lt3A_2592 = vector.broadcast %lt3A_2591 : i32 to vector<16xi32>
        %lt3A_2593 = arith.cmpi slt, %get3A_2573, %lt3A_2592 : vector<16xi32>
        tpu.vector_store_idx %arg5[%broadcast_in_dim3A_1868, %add3A_2590], %broadcast_in_dim3A_5 masked %lt3A_2593 : memref<2x32768xf32, #tpu.memory_space<vmem>>[vector<16xi32>, vector<16xi32>], vector<16xf32>, vector<16xi1>
        %get3A_2594 = arith.constant 3 : i32
        %get3A_2595 = arith.index_cast %rem3A_1867 : i32 to index
        %get3A_2596 = arith.index_cast %get3A_2594 : i32 to index
        %get3A_2597 = arith.constant 80 : index
        %get3A_2598 = tpu.vector_load %arg4[%get3A_2595, %get3A_2596, %get3A_2597] {strides = array<i32>} : memref<4x8x128xi32, #tpu.memory_space<vmem>>, vector<16xi32>,
        %add3A_2599 = arith.constant 3152 : i32
        %add3A_2600 = vector.broadcast %add3A_2599 : i32 to vector<16xi32>
        %add3A_2601 = arith.addi %add3A_2600, %iota3A : vector<16xi32>
        %shift_right_arithmetic3A_2602 = arith.constant 3 : i32
        %shift_right_arithmetic3A_2603 = vector.broadcast %shift_right_arithmetic3A_2602 : i32 to vector<16xi32>
        %shift_right_arithmetic3A_2604 = arith.shrsi %get3A_2598, %shift_right_arithmetic3A_2603 : vector<16xi32>
        %shift_left3A_2605 = arith.constant 13 : i32
        %shift_left3A_2606 = vector.broadcast %shift_left3A_2605 : i32 to vector<16xi32>
        %shift_left3A_2607 = arith.shli %shift_right_arithmetic3A_2604, %shift_left3A_2606 : vector<16xi32>
        %and3A_2608 = arith.constant 7 : i32
        %and3A_2609 = vector.broadcast %and3A_2608 : i32 to vector<16xi32>
        %and3A_2610 = arith.andi %get3A_2598, %and3A_2609 : vector<16xi32>
        %shift_left3A_2611 = arith.constant 7 : i32
        %shift_left3A_2612 = vector.broadcast %shift_left3A_2611 : i32 to vector<16xi32>
        %shift_left3A_2613 = arith.shli %and3A_2610, %shift_left3A_2612 : vector<16xi32>
        %add3A_2614 = arith.addi %shift_left3A_2607, %shift_left3A_2613 : vector<16xi32>
        %add3A_2615 = arith.addi %add3A_2614, %add3A_2601 : vector<16xi32>
        %lt3A_2616 = arith.constant 32 : i32
        %lt3A_2617 = vector.broadcast %lt3A_2616 : i32 to vector<16xi32>
        %lt3A_2618 = arith.cmpi slt, %get3A_2598, %lt3A_2617 : vector<16xi32>
        tpu.vector_store_idx %arg5[%broadcast_in_dim3A_1868, %add3A_2615], %broadcast_in_dim3A_5 masked %lt3A_2618 : memref<2x32768xf32, #tpu.memory_space<vmem>>[vector<16xi32>, vector<16xi32>], vector<16xf32>, vector<16xi1>
        %get3A_2619 = arith.constant 3 : i32
        %get3A_2620 = arith.index_cast %rem3A_1867 : i32 to index
        %get3A_2621 = arith.index_cast %get3A_2619 : i32 to index
        %get3A_2622 = arith.constant 96 : index
        %get3A_2623 = tpu.vector_load %arg4[%get3A_2620, %get3A_2621, %get3A_2622] {strides = array<i32>} : memref<4x8x128xi32, #tpu.memory_space<vmem>>, vector<16xi32>,
        %add3A_2624 = arith.constant 3168 : i32
        %add3A_2625 = vector.broadcast %add3A_2624 : i32 to vector<16xi32>
        %add3A_2626 = arith.addi %add3A_2625, %iota3A : vector<16xi32>
        %shift_right_arithmetic3A_2627 = arith.constant 3 : i32
        %shift_right_arithmetic3A_2628 = vector.broadcast %shift_right_arithmetic3A_2627 : i32 to vector<16xi32>
        %shift_right_arithmetic3A_2629 = arith.shrsi %get3A_2623, %shift_right_arithmetic3A_2628 : vector<16xi32>
        %shift_left3A_2630 = arith.constant 13 : i32
        %shift_left3A_2631 = vector.broadcast %shift_left3A_2630 : i32 to vector<16xi32>
        %shift_left3A_2632 = arith.shli %shift_right_arithmetic3A_2629, %shift_left3A_2631 : vector<16xi32>
        %and3A_2633 = arith.constant 7 : i32
        %and3A_2634 = vector.broadcast %and3A_2633 : i32 to vector<16xi32>
        %and3A_2635 = arith.andi %get3A_2623, %and3A_2634 : vector<16xi32>
        %shift_left3A_2636 = arith.constant 7 : i32
        %shift_left3A_2637 = vector.broadcast %shift_left3A_2636 : i32 to vector<16xi32>
        %shift_left3A_2638 = arith.shli %and3A_2635, %shift_left3A_2637 : vector<16xi32>
        %add3A_2639 = arith.addi %shift_left3A_2632, %shift_left3A_2638 : vector<16xi32>
        %add3A_2640 = arith.addi %add3A_2639, %add3A_2626 : vector<16xi32>
        %lt3A_2641 = arith.constant 32 : i32
        %lt3A_2642 = vector.broadcast %lt3A_2641 : i32 to vector<16xi32>
        %lt3A_2643 = arith.cmpi slt, %get3A_2623, %lt3A_2642 : vector<16xi32>
        tpu.vector_store_idx %arg5[%broadcast_in_dim3A_1868, %add3A_2640], %broadcast_in_dim3A_5 masked %lt3A_2643 : memref<2x32768xf32, #tpu.memory_space<vmem>>[vector<16xi32>, vector<16xi32>], vector<16xf32>, vector<16xi1>
        %get3A_2644 = arith.constant 3 : i32
        %get3A_2645 = arith.index_cast %rem3A_1867 : i32 to index
        %get3A_2646 = arith.index_cast %get3A_2644 : i32 to index
        %get3A_2647 = arith.constant 112 : index
        %get3A_2648 = tpu.vector_load %arg4[%get3A_2645, %get3A_2646, %get3A_2647] {strides = array<i32>} : memref<4x8x128xi32, #tpu.memory_space<vmem>>, vector<16xi32>,
        %add3A_2649 = arith.constant 3184 : i32
        %add3A_2650 = vector.broadcast %add3A_2649 : i32 to vector<16xi32>
        %add3A_2651 = arith.addi %add3A_2650, %iota3A : vector<16xi32>
        %shift_right_arithmetic3A_2652 = arith.constant 3 : i32
        %shift_right_arithmetic3A_2653 = vector.broadcast %shift_right_arithmetic3A_2652 : i32 to vector<16xi32>
        %shift_right_arithmetic3A_2654 = arith.shrsi %get3A_2648, %shift_right_arithmetic3A_2653 : vector<16xi32>
        %shift_left3A_2655 = arith.constant 13 : i32
        %shift_left3A_2656 = vector.broadcast %shift_left3A_2655 : i32 to vector<16xi32>
        %shift_left3A_2657 = arith.shli %shift_right_arithmetic3A_2654, %shift_left3A_2656 : vector<16xi32>
        %and3A_2658 = arith.constant 7 : i32
        %and3A_2659 = vector.broadcast %and3A_2658 : i32 to vector<16xi32>
        %and3A_2660 = arith.andi %get3A_2648, %and3A_2659 : vector<16xi32>
        %shift_left3A_2661 = arith.constant 7 : i32
        %shift_left3A_2662 = vector.broadcast %shift_left3A_2661 : i32 to vector<16xi32>
        %shift_left3A_2663 = arith.shli %and3A_2660, %shift_left3A_2662 : vector<16xi32>
        %add3A_2664 = arith.addi %shift_left3A_2657, %shift_left3A_2663 : vector<16xi32>
        %add3A_2665 = arith.addi %add3A_2664, %add3A_2651 : vector<16xi32>
        %lt3A_2666 = arith.constant 32 : i32
        %lt3A_2667 = vector.broadcast %lt3A_2666 : i32 to vector<16xi32>
        %lt3A_2668 = arith.cmpi slt, %get3A_2648, %lt3A_2667 : vector<16xi32>
        tpu.vector_store_idx %arg5[%broadcast_in_dim3A_1868, %add3A_2665], %broadcast_in_dim3A_5 masked %lt3A_2668 : memref<2x32768xf32, #tpu.memory_space<vmem>>[vector<16xi32>, vector<16xi32>], vector<16xf32>, vector<16xi1>
        %get3A_2669 = arith.constant 4 : i32
        %get3A_2670 = arith.index_cast %rem3A_1867 : i32 to index
        %get3A_2671 = arith.index_cast %get3A_2669 : i32 to index
        %get3A_2672 = arith.constant 0 : index
        %get3A_2673 = tpu.vector_load %arg4[%get3A_2670, %get3A_2671, %get3A_2672] {strides = array<i32>} : memref<4x8x128xi32, #tpu.memory_space<vmem>>, vector<16xi32>,
        %add3A_2674 = arith.constant 4096 : i32
        %add3A_2675 = vector.broadcast %add3A_2674 : i32 to vector<16xi32>
        %add3A_2676 = arith.addi %add3A_2675, %iota3A : vector<16xi32>
        %shift_right_arithmetic3A_2677 = arith.constant 3 : i32
        %shift_right_arithmetic3A_2678 = vector.broadcast %shift_right_arithmetic3A_2677 : i32 to vector<16xi32>
        %shift_right_arithmetic3A_2679 = arith.shrsi %get3A_2673, %shift_right_arithmetic3A_2678 : vector<16xi32>
        %shift_left3A_2680 = arith.constant 13 : i32
        %shift_left3A_2681 = vector.broadcast %shift_left3A_2680 : i32 to vector<16xi32>
        %shift_left3A_2682 = arith.shli %shift_right_arithmetic3A_2679, %shift_left3A_2681 : vector<16xi32>
        %and3A_2683 = arith.constant 7 : i32
        %and3A_2684 = vector.broadcast %and3A_2683 : i32 to vector<16xi32>
        %and3A_2685 = arith.andi %get3A_2673, %and3A_2684 : vector<16xi32>
        %shift_left3A_2686 = arith.constant 7 : i32
        %shift_left3A_2687 = vector.broadcast %shift_left3A_2686 : i32 to vector<16xi32>
        %shift_left3A_2688 = arith.shli %and3A_2685, %shift_left3A_2687 : vector<16xi32>
        %add3A_2689 = arith.addi %shift_left3A_2682, %shift_left3A_2688 : vector<16xi32>
        %add3A_2690 = arith.addi %add3A_2689, %add3A_2676 : vector<16xi32>
        %lt3A_2691 = arith.constant 32 : i32
        %lt3A_2692 = vector.broadcast %lt3A_2691 : i32 to vector<16xi32>
        %lt3A_2693 = arith.cmpi slt, %get3A_2673, %lt3A_2692 : vector<16xi32>
        tpu.vector_store_idx %arg5[%broadcast_in_dim3A_1868, %add3A_2690], %broadcast_in_dim3A_5 masked %lt3A_2693 : memref<2x32768xf32, #tpu.memory_space<vmem>>[vector<16xi32>, vector<16xi32>], vector<16xf32>, vector<16xi1>
        %get3A_2694 = arith.constant 4 : i32
        %get3A_2695 = arith.index_cast %rem3A_1867 : i32 to index
        %get3A_2696 = arith.index_cast %get3A_2694 : i32 to index
        %get3A_2697 = arith.constant 16 : index
        %get3A_2698 = tpu.vector_load %arg4[%get3A_2695, %get3A_2696, %get3A_2697] {strides = array<i32>} : memref<4x8x128xi32, #tpu.memory_space<vmem>>, vector<16xi32>,
        %add3A_2699 = arith.constant 4112 : i32
        %add3A_2700 = vector.broadcast %add3A_2699 : i32 to vector<16xi32>
        %add3A_2701 = arith.addi %add3A_2700, %iota3A : vector<16xi32>
        %shift_right_arithmetic3A_2702 = arith.constant 3 : i32
        %shift_right_arithmetic3A_2703 = vector.broadcast %shift_right_arithmetic3A_2702 : i32 to vector<16xi32>
        %shift_right_arithmetic3A_2704 = arith.shrsi %get3A_2698, %shift_right_arithmetic3A_2703 : vector<16xi32>
        %shift_left3A_2705 = arith.constant 13 : i32
        %shift_left3A_2706 = vector.broadcast %shift_left3A_2705 : i32 to vector<16xi32>
        %shift_left3A_2707 = arith.shli %shift_right_arithmetic3A_2704, %shift_left3A_2706 : vector<16xi32>
        %and3A_2708 = arith.constant 7 : i32
        %and3A_2709 = vector.broadcast %and3A_2708 : i32 to vector<16xi32>
        %and3A_2710 = arith.andi %get3A_2698, %and3A_2709 : vector<16xi32>
        %shift_left3A_2711 = arith.constant 7 : i32
        %shift_left3A_2712 = vector.broadcast %shift_left3A_2711 : i32 to vector<16xi32>
        %shift_left3A_2713 = arith.shli %and3A_2710, %shift_left3A_2712 : vector<16xi32>
        %add3A_2714 = arith.addi %shift_left3A_2707, %shift_left3A_2713 : vector<16xi32>
        %add3A_2715 = arith.addi %add3A_2714, %add3A_2701 : vector<16xi32>
        %lt3A_2716 = arith.constant 32 : i32
        %lt3A_2717 = vector.broadcast %lt3A_2716 : i32 to vector<16xi32>
        %lt3A_2718 = arith.cmpi slt, %get3A_2698, %lt3A_2717 : vector<16xi32>
        tpu.vector_store_idx %arg5[%broadcast_in_dim3A_1868, %add3A_2715], %broadcast_in_dim3A_5 masked %lt3A_2718 : memref<2x32768xf32, #tpu.memory_space<vmem>>[vector<16xi32>, vector<16xi32>], vector<16xf32>, vector<16xi1>
        %get3A_2719 = arith.constant 4 : i32
        %get3A_2720 = arith.index_cast %rem3A_1867 : i32 to index
        %get3A_2721 = arith.index_cast %get3A_2719 : i32 to index
        %get3A_2722 = arith.constant 32 : index
        %get3A_2723 = tpu.vector_load %arg4[%get3A_2720, %get3A_2721, %get3A_2722] {strides = array<i32>} : memref<4x8x128xi32, #tpu.memory_space<vmem>>, vector<16xi32>,
        %add3A_2724 = arith.constant 4128 : i32
        %add3A_2725 = vector.broadcast %add3A_2724 : i32 to vector<16xi32>
        %add3A_2726 = arith.addi %add3A_2725, %iota3A : vector<16xi32>
        %shift_right_arithmetic3A_2727 = arith.constant 3 : i32
        %shift_right_arithmetic3A_2728 = vector.broadcast %shift_right_arithmetic3A_2727 : i32 to vector<16xi32>
        %shift_right_arithmetic3A_2729 = arith.shrsi %get3A_2723, %shift_right_arithmetic3A_2728 : vector<16xi32>
        %shift_left3A_2730 = arith.constant 13 : i32
        %shift_left3A_2731 = vector.broadcast %shift_left3A_2730 : i32 to vector<16xi32>
        %shift_left3A_2732 = arith.shli %shift_right_arithmetic3A_2729, %shift_left3A_2731 : vector<16xi32>
        %and3A_2733 = arith.constant 7 : i32
        %and3A_2734 = vector.broadcast %and3A_2733 : i32 to vector<16xi32>
        %and3A_2735 = arith.andi %get3A_2723, %and3A_2734 : vector<16xi32>
        %shift_left3A_2736 = arith.constant 7 : i32
        %shift_left3A_2737 = vector.broadcast %shift_left3A_2736 : i32 to vector<16xi32>
        %shift_left3A_2738 = arith.shli %and3A_2735, %shift_left3A_2737 : vector<16xi32>
        %add3A_2739 = arith.addi %shift_left3A_2732, %shift_left3A_2738 : vector<16xi32>
        %add3A_2740 = arith.addi %add3A_2739, %add3A_2726 : vector<16xi32>
        %lt3A_2741 = arith.constant 32 : i32
        %lt3A_2742 = vector.broadcast %lt3A_2741 : i32 to vector<16xi32>
        %lt3A_2743 = arith.cmpi slt, %get3A_2723, %lt3A_2742 : vector<16xi32>
        tpu.vector_store_idx %arg5[%broadcast_in_dim3A_1868, %add3A_2740], %broadcast_in_dim3A_5 masked %lt3A_2743 : memref<2x32768xf32, #tpu.memory_space<vmem>>[vector<16xi32>, vector<16xi32>], vector<16xf32>, vector<16xi1>
        %get3A_2744 = arith.constant 4 : i32
        %get3A_2745 = arith.index_cast %rem3A_1867 : i32 to index
        %get3A_2746 = arith.index_cast %get3A_2744 : i32 to index
        %get3A_2747 = arith.constant 48 : index
        %get3A_2748 = tpu.vector_load %arg4[%get3A_2745, %get3A_2746, %get3A_2747] {strides = array<i32>} : memref<4x8x128xi32, #tpu.memory_space<vmem>>, vector<16xi32>,
        %add3A_2749 = arith.constant 4144 : i32
        %add3A_2750 = vector.broadcast %add3A_2749 : i32 to vector<16xi32>
        %add3A_2751 = arith.addi %add3A_2750, %iota3A : vector<16xi32>
        %shift_right_arithmetic3A_2752 = arith.constant 3 : i32
        %shift_right_arithmetic3A_2753 = vector.broadcast %shift_right_arithmetic3A_2752 : i32 to vector<16xi32>
        %shift_right_arithmetic3A_2754 = arith.shrsi %get3A_2748, %shift_right_arithmetic3A_2753 : vector<16xi32>
        %shift_left3A_2755 = arith.constant 13 : i32
        %shift_left3A_2756 = vector.broadcast %shift_left3A_2755 : i32 to vector<16xi32>
        %shift_left3A_2757 = arith.shli %shift_right_arithmetic3A_2754, %shift_left3A_2756 : vector<16xi32>
        %and3A_2758 = arith.constant 7 : i32
        %and3A_2759 = vector.broadcast %and3A_2758 : i32 to vector<16xi32>
        %and3A_2760 = arith.andi %get3A_2748, %and3A_2759 : vector<16xi32>
        %shift_left3A_2761 = arith.constant 7 : i32
        %shift_left3A_2762 = vector.broadcast %shift_left3A_2761 : i32 to vector<16xi32>
        %shift_left3A_2763 = arith.shli %and3A_2760, %shift_left3A_2762 : vector<16xi32>
        %add3A_2764 = arith.addi %shift_left3A_2757, %shift_left3A_2763 : vector<16xi32>
        %add3A_2765 = arith.addi %add3A_2764, %add3A_2751 : vector<16xi32>
        %lt3A_2766 = arith.constant 32 : i32
        %lt3A_2767 = vector.broadcast %lt3A_2766 : i32 to vector<16xi32>
        %lt3A_2768 = arith.cmpi slt, %get3A_2748, %lt3A_2767 : vector<16xi32>
        tpu.vector_store_idx %arg5[%broadcast_in_dim3A_1868, %add3A_2765], %broadcast_in_dim3A_5 masked %lt3A_2768 : memref<2x32768xf32, #tpu.memory_space<vmem>>[vector<16xi32>, vector<16xi32>], vector<16xf32>, vector<16xi1>
        %get3A_2769 = arith.constant 4 : i32
        %get3A_2770 = arith.index_cast %rem3A_1867 : i32 to index
        %get3A_2771 = arith.index_cast %get3A_2769 : i32 to index
        %get3A_2772 = arith.constant 64 : index
        %get3A_2773 = tpu.vector_load %arg4[%get3A_2770, %get3A_2771, %get3A_2772] {strides = array<i32>} : memref<4x8x128xi32, #tpu.memory_space<vmem>>, vector<16xi32>,
        %add3A_2774 = arith.constant 4160 : i32
        %add3A_2775 = vector.broadcast %add3A_2774 : i32 to vector<16xi32>
        %add3A_2776 = arith.addi %add3A_2775, %iota3A : vector<16xi32>
        %shift_right_arithmetic3A_2777 = arith.constant 3 : i32
        %shift_right_arithmetic3A_2778 = vector.broadcast %shift_right_arithmetic3A_2777 : i32 to vector<16xi32>
        %shift_right_arithmetic3A_2779 = arith.shrsi %get3A_2773, %shift_right_arithmetic3A_2778 : vector<16xi32>
        %shift_left3A_2780 = arith.constant 13 : i32
        %shift_left3A_2781 = vector.broadcast %shift_left3A_2780 : i32 to vector<16xi32>
        %shift_left3A_2782 = arith.shli %shift_right_arithmetic3A_2779, %shift_left3A_2781 : vector<16xi32>
        %and3A_2783 = arith.constant 7 : i32
        %and3A_2784 = vector.broadcast %and3A_2783 : i32 to vector<16xi32>
        %and3A_2785 = arith.andi %get3A_2773, %and3A_2784 : vector<16xi32>
        %shift_left3A_2786 = arith.constant 7 : i32
        %shift_left3A_2787 = vector.broadcast %shift_left3A_2786 : i32 to vector<16xi32>
        %shift_left3A_2788 = arith.shli %and3A_2785, %shift_left3A_2787 : vector<16xi32>
        %add3A_2789 = arith.addi %shift_left3A_2782, %shift_left3A_2788 : vector<16xi32>
        %add3A_2790 = arith.addi %add3A_2789, %add3A_2776 : vector<16xi32>
        %lt3A_2791 = arith.constant 32 : i32
        %lt3A_2792 = vector.broadcast %lt3A_2791 : i32 to vector<16xi32>
        %lt3A_2793 = arith.cmpi slt, %get3A_2773, %lt3A_2792 : vector<16xi32>
        tpu.vector_store_idx %arg5[%broadcast_in_dim3A_1868, %add3A_2790], %broadcast_in_dim3A_5 masked %lt3A_2793 : memref<2x32768xf32, #tpu.memory_space<vmem>>[vector<16xi32>, vector<16xi32>], vector<16xf32>, vector<16xi1>
        %get3A_2794 = arith.constant 4 : i32
        %get3A_2795 = arith.index_cast %rem3A_1867 : i32 to index
        %get3A_2796 = arith.index_cast %get3A_2794 : i32 to index
        %get3A_2797 = arith.constant 80 : index
        %get3A_2798 = tpu.vector_load %arg4[%get3A_2795, %get3A_2796, %get3A_2797] {strides = array<i32>} : memref<4x8x128xi32, #tpu.memory_space<vmem>>, vector<16xi32>,
        %add3A_2799 = arith.constant 4176 : i32
        %add3A_2800 = vector.broadcast %add3A_2799 : i32 to vector<16xi32>
        %add3A_2801 = arith.addi %add3A_2800, %iota3A : vector<16xi32>
        %shift_right_arithmetic3A_2802 = arith.constant 3 : i32
        %shift_right_arithmetic3A_2803 = vector.broadcast %shift_right_arithmetic3A_2802 : i32 to vector<16xi32>
        %shift_right_arithmetic3A_2804 = arith.shrsi %get3A_2798, %shift_right_arithmetic3A_2803 : vector<16xi32>
        %shift_left3A_2805 = arith.constant 13 : i32
        %shift_left3A_2806 = vector.broadcast %shift_left3A_2805 : i32 to vector<16xi32>
        %shift_left3A_2807 = arith.shli %shift_right_arithmetic3A_2804, %shift_left3A_2806 : vector<16xi32>
        %and3A_2808 = arith.constant 7 : i32
        %and3A_2809 = vector.broadcast %and3A_2808 : i32 to vector<16xi32>
        %and3A_2810 = arith.andi %get3A_2798, %and3A_2809 : vector<16xi32>
        %shift_left3A_2811 = arith.constant 7 : i32
        %shift_left3A_2812 = vector.broadcast %shift_left3A_2811 : i32 to vector<16xi32>
        %shift_left3A_2813 = arith.shli %and3A_2810, %shift_left3A_2812 : vector<16xi32>
        %add3A_2814 = arith.addi %shift_left3A_2807, %shift_left3A_2813 : vector<16xi32>
        %add3A_2815 = arith.addi %add3A_2814, %add3A_2801 : vector<16xi32>
        %lt3A_2816 = arith.constant 32 : i32
        %lt3A_2817 = vector.broadcast %lt3A_2816 : i32 to vector<16xi32>
        %lt3A_2818 = arith.cmpi slt, %get3A_2798, %lt3A_2817 : vector<16xi32>
        tpu.vector_store_idx %arg5[%broadcast_in_dim3A_1868, %add3A_2815], %broadcast_in_dim3A_5 masked %lt3A_2818 : memref<2x32768xf32, #tpu.memory_space<vmem>>[vector<16xi32>, vector<16xi32>], vector<16xf32>, vector<16xi1>
        %get3A_2819 = arith.constant 4 : i32
        %get3A_2820 = arith.index_cast %rem3A_1867 : i32 to index
        %get3A_2821 = arith.index_cast %get3A_2819 : i32 to index
        %get3A_2822 = arith.constant 96 : index
        %get3A_2823 = tpu.vector_load %arg4[%get3A_2820, %get3A_2821, %get3A_2822] {strides = array<i32>} : memref<4x8x128xi32, #tpu.memory_space<vmem>>, vector<16xi32>,
        %add3A_2824 = arith.constant 4192 : i32
        %add3A_2825 = vector.broadcast %add3A_2824 : i32 to vector<16xi32>
        %add3A_2826 = arith.addi %add3A_2825, %iota3A : vector<16xi32>
        %shift_right_arithmetic3A_2827 = arith.constant 3 : i32
        %shift_right_arithmetic3A_2828 = vector.broadcast %shift_right_arithmetic3A_2827 : i32 to vector<16xi32>
        %shift_right_arithmetic3A_2829 = arith.shrsi %get3A_2823, %shift_right_arithmetic3A_2828 : vector<16xi32>
        %shift_left3A_2830 = arith.constant 13 : i32
        %shift_left3A_2831 = vector.broadcast %shift_left3A_2830 : i32 to vector<16xi32>
        %shift_left3A_2832 = arith.shli %shift_right_arithmetic3A_2829, %shift_left3A_2831 : vector<16xi32>
        %and3A_2833 = arith.constant 7 : i32
        %and3A_2834 = vector.broadcast %and3A_2833 : i32 to vector<16xi32>
        %and3A_2835 = arith.andi %get3A_2823, %and3A_2834 : vector<16xi32>
        %shift_left3A_2836 = arith.constant 7 : i32
        %shift_left3A_2837 = vector.broadcast %shift_left3A_2836 : i32 to vector<16xi32>
        %shift_left3A_2838 = arith.shli %and3A_2835, %shift_left3A_2837 : vector<16xi32>
        %add3A_2839 = arith.addi %shift_left3A_2832, %shift_left3A_2838 : vector<16xi32>
        %add3A_2840 = arith.addi %add3A_2839, %add3A_2826 : vector<16xi32>
        %lt3A_2841 = arith.constant 32 : i32
        %lt3A_2842 = vector.broadcast %lt3A_2841 : i32 to vector<16xi32>
        %lt3A_2843 = arith.cmpi slt, %get3A_2823, %lt3A_2842 : vector<16xi32>
        tpu.vector_store_idx %arg5[%broadcast_in_dim3A_1868, %add3A_2840], %broadcast_in_dim3A_5 masked %lt3A_2843 : memref<2x32768xf32, #tpu.memory_space<vmem>>[vector<16xi32>, vector<16xi32>], vector<16xf32>, vector<16xi1>
        %get3A_2844 = arith.constant 4 : i32
        %get3A_2845 = arith.index_cast %rem3A_1867 : i32 to index
        %get3A_2846 = arith.index_cast %get3A_2844 : i32 to index
        %get3A_2847 = arith.constant 112 : index
        %get3A_2848 = tpu.vector_load %arg4[%get3A_2845, %get3A_2846, %get3A_2847] {strides = array<i32>} : memref<4x8x128xi32, #tpu.memory_space<vmem>>, vector<16xi32>,
        %add3A_2849 = arith.constant 4208 : i32
        %add3A_2850 = vector.broadcast %add3A_2849 : i32 to vector<16xi32>
        %add3A_2851 = arith.addi %add3A_2850, %iota3A : vector<16xi32>
        %shift_right_arithmetic3A_2852 = arith.constant 3 : i32
        %shift_right_arithmetic3A_2853 = vector.broadcast %shift_right_arithmetic3A_2852 : i32 to vector<16xi32>
        %shift_right_arithmetic3A_2854 = arith.shrsi %get3A_2848, %shift_right_arithmetic3A_2853 : vector<16xi32>
        %shift_left3A_2855 = arith.constant 13 : i32
        %shift_left3A_2856 = vector.broadcast %shift_left3A_2855 : i32 to vector<16xi32>
        %shift_left3A_2857 = arith.shli %shift_right_arithmetic3A_2854, %shift_left3A_2856 : vector<16xi32>
        %and3A_2858 = arith.constant 7 : i32
        %and3A_2859 = vector.broadcast %and3A_2858 : i32 to vector<16xi32>
        %and3A_2860 = arith.andi %get3A_2848, %and3A_2859 : vector<16xi32>
        %shift_left3A_2861 = arith.constant 7 : i32
        %shift_left3A_2862 = vector.broadcast %shift_left3A_2861 : i32 to vector<16xi32>
        %shift_left3A_2863 = arith.shli %and3A_2860, %shift_left3A_2862 : vector<16xi32>
        %add3A_2864 = arith.addi %shift_left3A_2857, %shift_left3A_2863 : vector<16xi32>
        %add3A_2865 = arith.addi %add3A_2864, %add3A_2851 : vector<16xi32>
        %lt3A_2866 = arith.constant 32 : i32
        %lt3A_2867 = vector.broadcast %lt3A_2866 : i32 to vector<16xi32>
        %lt3A_2868 = arith.cmpi slt, %get3A_2848, %lt3A_2867 : vector<16xi32>
        tpu.vector_store_idx %arg5[%broadcast_in_dim3A_1868, %add3A_2865], %broadcast_in_dim3A_5 masked %lt3A_2868 : memref<2x32768xf32, #tpu.memory_space<vmem>>[vector<16xi32>, vector<16xi32>], vector<16xf32>, vector<16xi1>
        %get3A_2869 = arith.constant 5 : i32
        %get3A_2870 = arith.index_cast %rem3A_1867 : i32 to index
        %get3A_2871 = arith.index_cast %get3A_2869 : i32 to index
        %get3A_2872 = arith.constant 0 : index
        %get3A_2873 = tpu.vector_load %arg4[%get3A_2870, %get3A_2871, %get3A_2872] {strides = array<i32>} : memref<4x8x128xi32, #tpu.memory_space<vmem>>, vector<16xi32>,
        %add3A_2874 = arith.constant 5120 : i32
        %add3A_2875 = vector.broadcast %add3A_2874 : i32 to vector<16xi32>
        %add3A_2876 = arith.addi %add3A_2875, %iota3A : vector<16xi32>
        %shift_right_arithmetic3A_2877 = arith.constant 3 : i32
        %shift_right_arithmetic3A_2878 = vector.broadcast %shift_right_arithmetic3A_2877 : i32 to vector<16xi32>
        %shift_right_arithmetic3A_2879 = arith.shrsi %get3A_2873, %shift_right_arithmetic3A_2878 : vector<16xi32>
        %shift_left3A_2880 = arith.constant 13 : i32
        %shift_left3A_2881 = vector.broadcast %shift_left3A_2880 : i32 to vector<16xi32>
        %shift_left3A_2882 = arith.shli %shift_right_arithmetic3A_2879, %shift_left3A_2881 : vector<16xi32>
        %and3A_2883 = arith.constant 7 : i32
        %and3A_2884 = vector.broadcast %and3A_2883 : i32 to vector<16xi32>
        %and3A_2885 = arith.andi %get3A_2873, %and3A_2884 : vector<16xi32>
        %shift_left3A_2886 = arith.constant 7 : i32
        %shift_left3A_2887 = vector.broadcast %shift_left3A_2886 : i32 to vector<16xi32>
        %shift_left3A_2888 = arith.shli %and3A_2885, %shift_left3A_2887 : vector<16xi32>
        %add3A_2889 = arith.addi %shift_left3A_2882, %shift_left3A_2888 : vector<16xi32>
        %add3A_2890 = arith.addi %add3A_2889, %add3A_2876 : vector<16xi32>
        %lt3A_2891 = arith.constant 32 : i32
        %lt3A_2892 = vector.broadcast %lt3A_2891 : i32 to vector<16xi32>
        %lt3A_2893 = arith.cmpi slt, %get3A_2873, %lt3A_2892 : vector<16xi32>
        tpu.vector_store_idx %arg5[%broadcast_in_dim3A_1868, %add3A_2890], %broadcast_in_dim3A_5 masked %lt3A_2893 : memref<2x32768xf32, #tpu.memory_space<vmem>>[vector<16xi32>, vector<16xi32>], vector<16xf32>, vector<16xi1>
        %get3A_2894 = arith.constant 5 : i32
        %get3A_2895 = arith.index_cast %rem3A_1867 : i32 to index
        %get3A_2896 = arith.index_cast %get3A_2894 : i32 to index
        %get3A_2897 = arith.constant 16 : index
        %get3A_2898 = tpu.vector_load %arg4[%get3A_2895, %get3A_2896, %get3A_2897] {strides = array<i32>} : memref<4x8x128xi32, #tpu.memory_space<vmem>>, vector<16xi32>,
        %add3A_2899 = arith.constant 5136 : i32
        %add3A_2900 = vector.broadcast %add3A_2899 : i32 to vector<16xi32>
        %add3A_2901 = arith.addi %add3A_2900, %iota3A : vector<16xi32>
        %shift_right_arithmetic3A_2902 = arith.constant 3 : i32
        %shift_right_arithmetic3A_2903 = vector.broadcast %shift_right_arithmetic3A_2902 : i32 to vector<16xi32>
        %shift_right_arithmetic3A_2904 = arith.shrsi %get3A_2898, %shift_right_arithmetic3A_2903 : vector<16xi32>
        %shift_left3A_2905 = arith.constant 13 : i32
        %shift_left3A_2906 = vector.broadcast %shift_left3A_2905 : i32 to vector<16xi32>
        %shift_left3A_2907 = arith.shli %shift_right_arithmetic3A_2904, %shift_left3A_2906 : vector<16xi32>
        %and3A_2908 = arith.constant 7 : i32
        %and3A_2909 = vector.broadcast %and3A_2908 : i32 to vector<16xi32>
        %and3A_2910 = arith.andi %get3A_2898, %and3A_2909 : vector<16xi32>
        %shift_left3A_2911 = arith.constant 7 : i32
        %shift_left3A_2912 = vector.broadcast %shift_left3A_2911 : i32 to vector<16xi32>
        %shift_left3A_2913 = arith.shli %and3A_2910, %shift_left3A_2912 : vector<16xi32>
        %add3A_2914 = arith.addi %shift_left3A_2907, %shift_left3A_2913 : vector<16xi32>
        %add3A_2915 = arith.addi %add3A_2914, %add3A_2901 : vector<16xi32>
        %lt3A_2916 = arith.constant 32 : i32
        %lt3A_2917 = vector.broadcast %lt3A_2916 : i32 to vector<16xi32>
        %lt3A_2918 = arith.cmpi slt, %get3A_2898, %lt3A_2917 : vector<16xi32>
        tpu.vector_store_idx %arg5[%broadcast_in_dim3A_1868, %add3A_2915], %broadcast_in_dim3A_5 masked %lt3A_2918 : memref<2x32768xf32, #tpu.memory_space<vmem>>[vector<16xi32>, vector<16xi32>], vector<16xf32>, vector<16xi1>
        %get3A_2919 = arith.constant 5 : i32
        %get3A_2920 = arith.index_cast %rem3A_1867 : i32 to index
        %get3A_2921 = arith.index_cast %get3A_2919 : i32 to index
        %get3A_2922 = arith.constant 32 : index
        %get3A_2923 = tpu.vector_load %arg4[%get3A_2920, %get3A_2921, %get3A_2922] {strides = array<i32>} : memref<4x8x128xi32, #tpu.memory_space<vmem>>, vector<16xi32>,
        %add3A_2924 = arith.constant 5152 : i32
        %add3A_2925 = vector.broadcast %add3A_2924 : i32 to vector<16xi32>
        %add3A_2926 = arith.addi %add3A_2925, %iota3A : vector<16xi32>
        %shift_right_arithmetic3A_2927 = arith.constant 3 : i32
        %shift_right_arithmetic3A_2928 = vector.broadcast %shift_right_arithmetic3A_2927 : i32 to vector<16xi32>
        %shift_right_arithmetic3A_2929 = arith.shrsi %get3A_2923, %shift_right_arithmetic3A_2928 : vector<16xi32>
        %shift_left3A_2930 = arith.constant 13 : i32
        %shift_left3A_2931 = vector.broadcast %shift_left3A_2930 : i32 to vector<16xi32>
        %shift_left3A_2932 = arith.shli %shift_right_arithmetic3A_2929, %shift_left3A_2931 : vector<16xi32>
        %and3A_2933 = arith.constant 7 : i32
        %and3A_2934 = vector.broadcast %and3A_2933 : i32 to vector<16xi32>
        %and3A_2935 = arith.andi %get3A_2923, %and3A_2934 : vector<16xi32>
        %shift_left3A_2936 = arith.constant 7 : i32
        %shift_left3A_2937 = vector.broadcast %shift_left3A_2936 : i32 to vector<16xi32>
        %shift_left3A_2938 = arith.shli %and3A_2935, %shift_left3A_2937 : vector<16xi32>
        %add3A_2939 = arith.addi %shift_left3A_2932, %shift_left3A_2938 : vector<16xi32>
        %add3A_2940 = arith.addi %add3A_2939, %add3A_2926 : vector<16xi32>
        %lt3A_2941 = arith.constant 32 : i32
        %lt3A_2942 = vector.broadcast %lt3A_2941 : i32 to vector<16xi32>
        %lt3A_2943 = arith.cmpi slt, %get3A_2923, %lt3A_2942 : vector<16xi32>
        tpu.vector_store_idx %arg5[%broadcast_in_dim3A_1868, %add3A_2940], %broadcast_in_dim3A_5 masked %lt3A_2943 : memref<2x32768xf32, #tpu.memory_space<vmem>>[vector<16xi32>, vector<16xi32>], vector<16xf32>, vector<16xi1>
        %get3A_2944 = arith.constant 5 : i32
        %get3A_2945 = arith.index_cast %rem3A_1867 : i32 to index
        %get3A_2946 = arith.index_cast %get3A_2944 : i32 to index
        %get3A_2947 = arith.constant 48 : index
        %get3A_2948 = tpu.vector_load %arg4[%get3A_2945, %get3A_2946, %get3A_2947] {strides = array<i32>} : memref<4x8x128xi32, #tpu.memory_space<vmem>>, vector<16xi32>,
        %add3A_2949 = arith.constant 5168 : i32
        %add3A_2950 = vector.broadcast %add3A_2949 : i32 to vector<16xi32>
        %add3A_2951 = arith.addi %add3A_2950, %iota3A : vector<16xi32>
        %shift_right_arithmetic3A_2952 = arith.constant 3 : i32
        %shift_right_arithmetic3A_2953 = vector.broadcast %shift_right_arithmetic3A_2952 : i32 to vector<16xi32>
        %shift_right_arithmetic3A_2954 = arith.shrsi %get3A_2948, %shift_right_arithmetic3A_2953 : vector<16xi32>
        %shift_left3A_2955 = arith.constant 13 : i32
        %shift_left3A_2956 = vector.broadcast %shift_left3A_2955 : i32 to vector<16xi32>
        %shift_left3A_2957 = arith.shli %shift_right_arithmetic3A_2954, %shift_left3A_2956 : vector<16xi32>
        %and3A_2958 = arith.constant 7 : i32
        %and3A_2959 = vector.broadcast %and3A_2958 : i32 to vector<16xi32>
        %and3A_2960 = arith.andi %get3A_2948, %and3A_2959 : vector<16xi32>
        %shift_left3A_2961 = arith.constant 7 : i32
        %shift_left3A_2962 = vector.broadcast %shift_left3A_2961 : i32 to vector<16xi32>
        %shift_left3A_2963 = arith.shli %and3A_2960, %shift_left3A_2962 : vector<16xi32>
        %add3A_2964 = arith.addi %shift_left3A_2957, %shift_left3A_2963 : vector<16xi32>
        %add3A_2965 = arith.addi %add3A_2964, %add3A_2951 : vector<16xi32>
        %lt3A_2966 = arith.constant 32 : i32
        %lt3A_2967 = vector.broadcast %lt3A_2966 : i32 to vector<16xi32>
        %lt3A_2968 = arith.cmpi slt, %get3A_2948, %lt3A_2967 : vector<16xi32>
        tpu.vector_store_idx %arg5[%broadcast_in_dim3A_1868, %add3A_2965], %broadcast_in_dim3A_5 masked %lt3A_2968 : memref<2x32768xf32, #tpu.memory_space<vmem>>[vector<16xi32>, vector<16xi32>], vector<16xf32>, vector<16xi1>
        %get3A_2969 = arith.constant 5 : i32
        %get3A_2970 = arith.index_cast %rem3A_1867 : i32 to index
        %get3A_2971 = arith.index_cast %get3A_2969 : i32 to index
        %get3A_2972 = arith.constant 64 : index
        %get3A_2973 = tpu.vector_load %arg4[%get3A_2970, %get3A_2971, %get3A_2972] {strides = array<i32>} : memref<4x8x128xi32, #tpu.memory_space<vmem>>, vector<16xi32>,
        %add3A_2974 = arith.constant 5184 : i32
        %add3A_2975 = vector.broadcast %add3A_2974 : i32 to vector<16xi32>
        %add3A_2976 = arith.addi %add3A_2975, %iota3A : vector<16xi32>
        %shift_right_arithmetic3A_2977 = arith.constant 3 : i32
        %shift_right_arithmetic3A_2978 = vector.broadcast %shift_right_arithmetic3A_2977 : i32 to vector<16xi32>
        %shift_right_arithmetic3A_2979 = arith.shrsi %get3A_2973, %shift_right_arithmetic3A_2978 : vector<16xi32>
        %shift_left3A_2980 = arith.constant 13 : i32
        %shift_left3A_2981 = vector.broadcast %shift_left3A_2980 : i32 to vector<16xi32>
        %shift_left3A_2982 = arith.shli %shift_right_arithmetic3A_2979, %shift_left3A_2981 : vector<16xi32>
        %and3A_2983 = arith.constant 7 : i32
        %and3A_2984 = vector.broadcast %and3A_2983 : i32 to vector<16xi32>
        %and3A_2985 = arith.andi %get3A_2973, %and3A_2984 : vector<16xi32>
        %shift_left3A_2986 = arith.constant 7 : i32
        %shift_left3A_2987 = vector.broadcast %shift_left3A_2986 : i32 to vector<16xi32>
        %shift_left3A_2988 = arith.shli %and3A_2985, %shift_left3A_2987 : vector<16xi32>
        %add3A_2989 = arith.addi %shift_left3A_2982, %shift_left3A_2988 : vector<16xi32>
        %add3A_2990 = arith.addi %add3A_2989, %add3A_2976 : vector<16xi32>
        %lt3A_2991 = arith.constant 32 : i32
        %lt3A_2992 = vector.broadcast %lt3A_2991 : i32 to vector<16xi32>
        %lt3A_2993 = arith.cmpi slt, %get3A_2973, %lt3A_2992 : vector<16xi32>
        tpu.vector_store_idx %arg5[%broadcast_in_dim3A_1868, %add3A_2990], %broadcast_in_dim3A_5 masked %lt3A_2993 : memref<2x32768xf32, #tpu.memory_space<vmem>>[vector<16xi32>, vector<16xi32>], vector<16xf32>, vector<16xi1>
        %get3A_2994 = arith.constant 5 : i32
        %get3A_2995 = arith.index_cast %rem3A_1867 : i32 to index
        %get3A_2996 = arith.index_cast %get3A_2994 : i32 to index
        %get3A_2997 = arith.constant 80 : index
        %get3A_2998 = tpu.vector_load %arg4[%get3A_2995, %get3A_2996, %get3A_2997] {strides = array<i32>} : memref<4x8x128xi32, #tpu.memory_space<vmem>>, vector<16xi32>,
        %add3A_2999 = arith.constant 5200 : i32
        %add3A_3000 = vector.broadcast %add3A_2999 : i32 to vector<16xi32>
        %add3A_3001 = arith.addi %add3A_3000, %iota3A : vector<16xi32>
        %shift_right_arithmetic3A_3002 = arith.constant 3 : i32
        %shift_right_arithmetic3A_3003 = vector.broadcast %shift_right_arithmetic3A_3002 : i32 to vector<16xi32>
        %shift_right_arithmetic3A_3004 = arith.shrsi %get3A_2998, %shift_right_arithmetic3A_3003 : vector<16xi32>
        %shift_left3A_3005 = arith.constant 13 : i32
        %shift_left3A_3006 = vector.broadcast %shift_left3A_3005 : i32 to vector<16xi32>
        %shift_left3A_3007 = arith.shli %shift_right_arithmetic3A_3004, %shift_left3A_3006 : vector<16xi32>
        %and3A_3008 = arith.constant 7 : i32
        %and3A_3009 = vector.broadcast %and3A_3008 : i32 to vector<16xi32>
        %and3A_3010 = arith.andi %get3A_2998, %and3A_3009 : vector<16xi32>
        %shift_left3A_3011 = arith.constant 7 : i32
        %shift_left3A_3012 = vector.broadcast %shift_left3A_3011 : i32 to vector<16xi32>
        %shift_left3A_3013 = arith.shli %and3A_3010, %shift_left3A_3012 : vector<16xi32>
        %add3A_3014 = arith.addi %shift_left3A_3007, %shift_left3A_3013 : vector<16xi32>
        %add3A_3015 = arith.addi %add3A_3014, %add3A_3001 : vector<16xi32>
        %lt3A_3016 = arith.constant 32 : i32
        %lt3A_3017 = vector.broadcast %lt3A_3016 : i32 to vector<16xi32>
        %lt3A_3018 = arith.cmpi slt, %get3A_2998, %lt3A_3017 : vector<16xi32>
        tpu.vector_store_idx %arg5[%broadcast_in_dim3A_1868, %add3A_3015], %broadcast_in_dim3A_5 masked %lt3A_3018 : memref<2x32768xf32, #tpu.memory_space<vmem>>[vector<16xi32>, vector<16xi32>], vector<16xf32>, vector<16xi1>
        %get3A_3019 = arith.constant 5 : i32
        %get3A_3020 = arith.index_cast %rem3A_1867 : i32 to index
        %get3A_3021 = arith.index_cast %get3A_3019 : i32 to index
        %get3A_3022 = arith.constant 96 : index
        %get3A_3023 = tpu.vector_load %arg4[%get3A_3020, %get3A_3021, %get3A_3022] {strides = array<i32>} : memref<4x8x128xi32, #tpu.memory_space<vmem>>, vector<16xi32>,
        %add3A_3024 = arith.constant 5216 : i32
        %add3A_3025 = vector.broadcast %add3A_3024 : i32 to vector<16xi32>
        %add3A_3026 = arith.addi %add3A_3025, %iota3A : vector<16xi32>
        %shift_right_arithmetic3A_3027 = arith.constant 3 : i32
        %shift_right_arithmetic3A_3028 = vector.broadcast %shift_right_arithmetic3A_3027 : i32 to vector<16xi32>
        %shift_right_arithmetic3A_3029 = arith.shrsi %get3A_3023, %shift_right_arithmetic3A_3028 : vector<16xi32>
        %shift_left3A_3030 = arith.constant 13 : i32
        %shift_left3A_3031 = vector.broadcast %shift_left3A_3030 : i32 to vector<16xi32>
        %shift_left3A_3032 = arith.shli %shift_right_arithmetic3A_3029, %shift_left3A_3031 : vector<16xi32>
        %and3A_3033 = arith.constant 7 : i32
        %and3A_3034 = vector.broadcast %and3A_3033 : i32 to vector<16xi32>
        %and3A_3035 = arith.andi %get3A_3023, %and3A_3034 : vector<16xi32>
        %shift_left3A_3036 = arith.constant 7 : i32
        %shift_left3A_3037 = vector.broadcast %shift_left3A_3036 : i32 to vector<16xi32>
        %shift_left3A_3038 = arith.shli %and3A_3035, %shift_left3A_3037 : vector<16xi32>
        %add3A_3039 = arith.addi %shift_left3A_3032, %shift_left3A_3038 : vector<16xi32>
        %add3A_3040 = arith.addi %add3A_3039, %add3A_3026 : vector<16xi32>
        %lt3A_3041 = arith.constant 32 : i32
        %lt3A_3042 = vector.broadcast %lt3A_3041 : i32 to vector<16xi32>
        %lt3A_3043 = arith.cmpi slt, %get3A_3023, %lt3A_3042 : vector<16xi32>
        tpu.vector_store_idx %arg5[%broadcast_in_dim3A_1868, %add3A_3040], %broadcast_in_dim3A_5 masked %lt3A_3043 : memref<2x32768xf32, #tpu.memory_space<vmem>>[vector<16xi32>, vector<16xi32>], vector<16xf32>, vector<16xi1>
        %get3A_3044 = arith.constant 5 : i32
        %get3A_3045 = arith.index_cast %rem3A_1867 : i32 to index
        %get3A_3046 = arith.index_cast %get3A_3044 : i32 to index
        %get3A_3047 = arith.constant 112 : index
        %get3A_3048 = tpu.vector_load %arg4[%get3A_3045, %get3A_3046, %get3A_3047] {strides = array<i32>} : memref<4x8x128xi32, #tpu.memory_space<vmem>>, vector<16xi32>,
        %add3A_3049 = arith.constant 5232 : i32
        %add3A_3050 = vector.broadcast %add3A_3049 : i32 to vector<16xi32>
        %add3A_3051 = arith.addi %add3A_3050, %iota3A : vector<16xi32>
        %shift_right_arithmetic3A_3052 = arith.constant 3 : i32
        %shift_right_arithmetic3A_3053 = vector.broadcast %shift_right_arithmetic3A_3052 : i32 to vector<16xi32>
        %shift_right_arithmetic3A_3054 = arith.shrsi %get3A_3048, %shift_right_arithmetic3A_3053 : vector<16xi32>
        %shift_left3A_3055 = arith.constant 13 : i32
        %shift_left3A_3056 = vector.broadcast %shift_left3A_3055 : i32 to vector<16xi32>
        %shift_left3A_3057 = arith.shli %shift_right_arithmetic3A_3054, %shift_left3A_3056 : vector<16xi32>
        %and3A_3058 = arith.constant 7 : i32
        %and3A_3059 = vector.broadcast %and3A_3058 : i32 to vector<16xi32>
        %and3A_3060 = arith.andi %get3A_3048, %and3A_3059 : vector<16xi32>
        %shift_left3A_3061 = arith.constant 7 : i32
        %shift_left3A_3062 = vector.broadcast %shift_left3A_3061 : i32 to vector<16xi32>
        %shift_left3A_3063 = arith.shli %and3A_3060, %shift_left3A_3062 : vector<16xi32>
        %add3A_3064 = arith.addi %shift_left3A_3057, %shift_left3A_3063 : vector<16xi32>
        %add3A_3065 = arith.addi %add3A_3064, %add3A_3051 : vector<16xi32>
        %lt3A_3066 = arith.constant 32 : i32
        %lt3A_3067 = vector.broadcast %lt3A_3066 : i32 to vector<16xi32>
        %lt3A_3068 = arith.cmpi slt, %get3A_3048, %lt3A_3067 : vector<16xi32>
        tpu.vector_store_idx %arg5[%broadcast_in_dim3A_1868, %add3A_3065], %broadcast_in_dim3A_5 masked %lt3A_3068 : memref<2x32768xf32, #tpu.memory_space<vmem>>[vector<16xi32>, vector<16xi32>], vector<16xf32>, vector<16xi1>
        %get3A_3069 = arith.constant 6 : i32
        %get3A_3070 = arith.index_cast %rem3A_1867 : i32 to index
        %get3A_3071 = arith.index_cast %get3A_3069 : i32 to index
        %get3A_3072 = arith.constant 0 : index
        %get3A_3073 = tpu.vector_load %arg4[%get3A_3070, %get3A_3071, %get3A_3072] {strides = array<i32>} : memref<4x8x128xi32, #tpu.memory_space<vmem>>, vector<16xi32>,
        %add3A_3074 = arith.constant 6144 : i32
        %add3A_3075 = vector.broadcast %add3A_3074 : i32 to vector<16xi32>
        %add3A_3076 = arith.addi %add3A_3075, %iota3A : vector<16xi32>
        %shift_right_arithmetic3A_3077 = arith.constant 3 : i32
        %shift_right_arithmetic3A_3078 = vector.broadcast %shift_right_arithmetic3A_3077 : i32 to vector<16xi32>
        %shift_right_arithmetic3A_3079 = arith.shrsi %get3A_3073, %shift_right_arithmetic3A_3078 : vector<16xi32>
        %shift_left3A_3080 = arith.constant 13 : i32
        %shift_left3A_3081 = vector.broadcast %shift_left3A_3080 : i32 to vector<16xi32>
        %shift_left3A_3082 = arith.shli %shift_right_arithmetic3A_3079, %shift_left3A_3081 : vector<16xi32>
        %and3A_3083 = arith.constant 7 : i32
        %and3A_3084 = vector.broadcast %and3A_3083 : i32 to vector<16xi32>
        %and3A_3085 = arith.andi %get3A_3073, %and3A_3084 : vector<16xi32>
        %shift_left3A_3086 = arith.constant 7 : i32
        %shift_left3A_3087 = vector.broadcast %shift_left3A_3086 : i32 to vector<16xi32>
        %shift_left3A_3088 = arith.shli %and3A_3085, %shift_left3A_3087 : vector<16xi32>
        %add3A_3089 = arith.addi %shift_left3A_3082, %shift_left3A_3088 : vector<16xi32>
        %add3A_3090 = arith.addi %add3A_3089, %add3A_3076 : vector<16xi32>
        %lt3A_3091 = arith.constant 32 : i32
        %lt3A_3092 = vector.broadcast %lt3A_3091 : i32 to vector<16xi32>
        %lt3A_3093 = arith.cmpi slt, %get3A_3073, %lt3A_3092 : vector<16xi32>
        tpu.vector_store_idx %arg5[%broadcast_in_dim3A_1868, %add3A_3090], %broadcast_in_dim3A_5 masked %lt3A_3093 : memref<2x32768xf32, #tpu.memory_space<vmem>>[vector<16xi32>, vector<16xi32>], vector<16xf32>, vector<16xi1>
        %get3A_3094 = arith.constant 6 : i32
        %get3A_3095 = arith.index_cast %rem3A_1867 : i32 to index
        %get3A_3096 = arith.index_cast %get3A_3094 : i32 to index
        %get3A_3097 = arith.constant 16 : index
        %get3A_3098 = tpu.vector_load %arg4[%get3A_3095, %get3A_3096, %get3A_3097] {strides = array<i32>} : memref<4x8x128xi32, #tpu.memory_space<vmem>>, vector<16xi32>,
        %add3A_3099 = arith.constant 6160 : i32
        %add3A_3100 = vector.broadcast %add3A_3099 : i32 to vector<16xi32>
        %add3A_3101 = arith.addi %add3A_3100, %iota3A : vector<16xi32>
        %shift_right_arithmetic3A_3102 = arith.constant 3 : i32
        %shift_right_arithmetic3A_3103 = vector.broadcast %shift_right_arithmetic3A_3102 : i32 to vector<16xi32>
        %shift_right_arithmetic3A_3104 = arith.shrsi %get3A_3098, %shift_right_arithmetic3A_3103 : vector<16xi32>
        %shift_left3A_3105 = arith.constant 13 : i32
        %shift_left3A_3106 = vector.broadcast %shift_left3A_3105 : i32 to vector<16xi32>
        %shift_left3A_3107 = arith.shli %shift_right_arithmetic3A_3104, %shift_left3A_3106 : vector<16xi32>
        %and3A_3108 = arith.constant 7 : i32
        %and3A_3109 = vector.broadcast %and3A_3108 : i32 to vector<16xi32>
        %and3A_3110 = arith.andi %get3A_3098, %and3A_3109 : vector<16xi32>
        %shift_left3A_3111 = arith.constant 7 : i32
        %shift_left3A_3112 = vector.broadcast %shift_left3A_3111 : i32 to vector<16xi32>
        %shift_left3A_3113 = arith.shli %and3A_3110, %shift_left3A_3112 : vector<16xi32>
        %add3A_3114 = arith.addi %shift_left3A_3107, %shift_left3A_3113 : vector<16xi32>
        %add3A_3115 = arith.addi %add3A_3114, %add3A_3101 : vector<16xi32>
        %lt3A_3116 = arith.constant 32 : i32
        %lt3A_3117 = vector.broadcast %lt3A_3116 : i32 to vector<16xi32>
        %lt3A_3118 = arith.cmpi slt, %get3A_3098, %lt3A_3117 : vector<16xi32>
        tpu.vector_store_idx %arg5[%broadcast_in_dim3A_1868, %add3A_3115], %broadcast_in_dim3A_5 masked %lt3A_3118 : memref<2x32768xf32, #tpu.memory_space<vmem>>[vector<16xi32>, vector<16xi32>], vector<16xf32>, vector<16xi1>
        %get3A_3119 = arith.constant 6 : i32
        %get3A_3120 = arith.index_cast %rem3A_1867 : i32 to index
        %get3A_3121 = arith.index_cast %get3A_3119 : i32 to index
        %get3A_3122 = arith.constant 32 : index
        %get3A_3123 = tpu.vector_load %arg4[%get3A_3120, %get3A_3121, %get3A_3122] {strides = array<i32>} : memref<4x8x128xi32, #tpu.memory_space<vmem>>, vector<16xi32>,
        %add3A_3124 = arith.constant 6176 : i32
        %add3A_3125 = vector.broadcast %add3A_3124 : i32 to vector<16xi32>
        %add3A_3126 = arith.addi %add3A_3125, %iota3A : vector<16xi32>
        %shift_right_arithmetic3A_3127 = arith.constant 3 : i32
        %shift_right_arithmetic3A_3128 = vector.broadcast %shift_right_arithmetic3A_3127 : i32 to vector<16xi32>
        %shift_right_arithmetic3A_3129 = arith.shrsi %get3A_3123, %shift_right_arithmetic3A_3128 : vector<16xi32>
        %shift_left3A_3130 = arith.constant 13 : i32
        %shift_left3A_3131 = vector.broadcast %shift_left3A_3130 : i32 to vector<16xi32>
        %shift_left3A_3132 = arith.shli %shift_right_arithmetic3A_3129, %shift_left3A_3131 : vector<16xi32>
        %and3A_3133 = arith.constant 7 : i32
        %and3A_3134 = vector.broadcast %and3A_3133 : i32 to vector<16xi32>
        %and3A_3135 = arith.andi %get3A_3123, %and3A_3134 : vector<16xi32>
        %shift_left3A_3136 = arith.constant 7 : i32
        %shift_left3A_3137 = vector.broadcast %shift_left3A_3136 : i32 to vector<16xi32>
        %shift_left3A_3138 = arith.shli %and3A_3135, %shift_left3A_3137 : vector<16xi32>
        %add3A_3139 = arith.addi %shift_left3A_3132, %shift_left3A_3138 : vector<16xi32>
        %add3A_3140 = arith.addi %add3A_3139, %add3A_3126 : vector<16xi32>
        %lt3A_3141 = arith.constant 32 : i32
        %lt3A_3142 = vector.broadcast %lt3A_3141 : i32 to vector<16xi32>
        %lt3A_3143 = arith.cmpi slt, %get3A_3123, %lt3A_3142 : vector<16xi32>
        tpu.vector_store_idx %arg5[%broadcast_in_dim3A_1868, %add3A_3140], %broadcast_in_dim3A_5 masked %lt3A_3143 : memref<2x32768xf32, #tpu.memory_space<vmem>>[vector<16xi32>, vector<16xi32>], vector<16xf32>, vector<16xi1>
        %get3A_3144 = arith.constant 6 : i32
        %get3A_3145 = arith.index_cast %rem3A_1867 : i32 to index
        %get3A_3146 = arith.index_cast %get3A_3144 : i32 to index
        %get3A_3147 = arith.constant 48 : index
        %get3A_3148 = tpu.vector_load %arg4[%get3A_3145, %get3A_3146, %get3A_3147] {strides = array<i32>} : memref<4x8x128xi32, #tpu.memory_space<vmem>>, vector<16xi32>,
        %add3A_3149 = arith.constant 6192 : i32
        %add3A_3150 = vector.broadcast %add3A_3149 : i32 to vector<16xi32>
        %add3A_3151 = arith.addi %add3A_3150, %iota3A : vector<16xi32>
        %shift_right_arithmetic3A_3152 = arith.constant 3 : i32
        %shift_right_arithmetic3A_3153 = vector.broadcast %shift_right_arithmetic3A_3152 : i32 to vector<16xi32>
        %shift_right_arithmetic3A_3154 = arith.shrsi %get3A_3148, %shift_right_arithmetic3A_3153 : vector<16xi32>
        %shift_left3A_3155 = arith.constant 13 : i32
        %shift_left3A_3156 = vector.broadcast %shift_left3A_3155 : i32 to vector<16xi32>
        %shift_left3A_3157 = arith.shli %shift_right_arithmetic3A_3154, %shift_left3A_3156 : vector<16xi32>
        %and3A_3158 = arith.constant 7 : i32
        %and3A_3159 = vector.broadcast %and3A_3158 : i32 to vector<16xi32>
        %and3A_3160 = arith.andi %get3A_3148, %and3A_3159 : vector<16xi32>
        %shift_left3A_3161 = arith.constant 7 : i32
        %shift_left3A_3162 = vector.broadcast %shift_left3A_3161 : i32 to vector<16xi32>
        %shift_left3A_3163 = arith.shli %and3A_3160, %shift_left3A_3162 : vector<16xi32>
        %add3A_3164 = arith.addi %shift_left3A_3157, %shift_left3A_3163 : vector<16xi32>
        %add3A_3165 = arith.addi %add3A_3164, %add3A_3151 : vector<16xi32>
        %lt3A_3166 = arith.constant 32 : i32
        %lt3A_3167 = vector.broadcast %lt3A_3166 : i32 to vector<16xi32>
        %lt3A_3168 = arith.cmpi slt, %get3A_3148, %lt3A_3167 : vector<16xi32>
        tpu.vector_store_idx %arg5[%broadcast_in_dim3A_1868, %add3A_3165], %broadcast_in_dim3A_5 masked %lt3A_3168 : memref<2x32768xf32, #tpu.memory_space<vmem>>[vector<16xi32>, vector<16xi32>], vector<16xf32>, vector<16xi1>
        %get3A_3169 = arith.constant 6 : i32
        %get3A_3170 = arith.index_cast %rem3A_1867 : i32 to index
        %get3A_3171 = arith.index_cast %get3A_3169 : i32 to index
        %get3A_3172 = arith.constant 64 : index
        %get3A_3173 = tpu.vector_load %arg4[%get3A_3170, %get3A_3171, %get3A_3172] {strides = array<i32>} : memref<4x8x128xi32, #tpu.memory_space<vmem>>, vector<16xi32>,
        %add3A_3174 = arith.constant 6208 : i32
        %add3A_3175 = vector.broadcast %add3A_3174 : i32 to vector<16xi32>
        %add3A_3176 = arith.addi %add3A_3175, %iota3A : vector<16xi32>
        %shift_right_arithmetic3A_3177 = arith.constant 3 : i32
        %shift_right_arithmetic3A_3178 = vector.broadcast %shift_right_arithmetic3A_3177 : i32 to vector<16xi32>
        %shift_right_arithmetic3A_3179 = arith.shrsi %get3A_3173, %shift_right_arithmetic3A_3178 : vector<16xi32>
        %shift_left3A_3180 = arith.constant 13 : i32
        %shift_left3A_3181 = vector.broadcast %shift_left3A_3180 : i32 to vector<16xi32>
        %shift_left3A_3182 = arith.shli %shift_right_arithmetic3A_3179, %shift_left3A_3181 : vector<16xi32>
        %and3A_3183 = arith.constant 7 : i32
        %and3A_3184 = vector.broadcast %and3A_3183 : i32 to vector<16xi32>
        %and3A_3185 = arith.andi %get3A_3173, %and3A_3184 : vector<16xi32>
        %shift_left3A_3186 = arith.constant 7 : i32
        %shift_left3A_3187 = vector.broadcast %shift_left3A_3186 : i32 to vector<16xi32>
        %shift_left3A_3188 = arith.shli %and3A_3185, %shift_left3A_3187 : vector<16xi32>
        %add3A_3189 = arith.addi %shift_left3A_3182, %shift_left3A_3188 : vector<16xi32>
        %add3A_3190 = arith.addi %add3A_3189, %add3A_3176 : vector<16xi32>
        %lt3A_3191 = arith.constant 32 : i32
        %lt3A_3192 = vector.broadcast %lt3A_3191 : i32 to vector<16xi32>
        %lt3A_3193 = arith.cmpi slt, %get3A_3173, %lt3A_3192 : vector<16xi32>
        tpu.vector_store_idx %arg5[%broadcast_in_dim3A_1868, %add3A_3190], %broadcast_in_dim3A_5 masked %lt3A_3193 : memref<2x32768xf32, #tpu.memory_space<vmem>>[vector<16xi32>, vector<16xi32>], vector<16xf32>, vector<16xi1>
        %get3A_3194 = arith.constant 6 : i32
        %get3A_3195 = arith.index_cast %rem3A_1867 : i32 to index
        %get3A_3196 = arith.index_cast %get3A_3194 : i32 to index
        %get3A_3197 = arith.constant 80 : index
        %get3A_3198 = tpu.vector_load %arg4[%get3A_3195, %get3A_3196, %get3A_3197] {strides = array<i32>} : memref<4x8x128xi32, #tpu.memory_space<vmem>>, vector<16xi32>,
        %add3A_3199 = arith.constant 6224 : i32
        %add3A_3200 = vector.broadcast %add3A_3199 : i32 to vector<16xi32>
        %add3A_3201 = arith.addi %add3A_3200, %iota3A : vector<16xi32>
        %shift_right_arithmetic3A_3202 = arith.constant 3 : i32
        %shift_right_arithmetic3A_3203 = vector.broadcast %shift_right_arithmetic3A_3202 : i32 to vector<16xi32>
        %shift_right_arithmetic3A_3204 = arith.shrsi %get3A_3198, %shift_right_arithmetic3A_3203 : vector<16xi32>
        %shift_left3A_3205 = arith.constant 13 : i32
        %shift_left3A_3206 = vector.broadcast %shift_left3A_3205 : i32 to vector<16xi32>
        %shift_left3A_3207 = arith.shli %shift_right_arithmetic3A_3204, %shift_left3A_3206 : vector<16xi32>
        %and3A_3208 = arith.constant 7 : i32
        %and3A_3209 = vector.broadcast %and3A_3208 : i32 to vector<16xi32>
        %and3A_3210 = arith.andi %get3A_3198, %and3A_3209 : vector<16xi32>
        %shift_left3A_3211 = arith.constant 7 : i32
        %shift_left3A_3212 = vector.broadcast %shift_left3A_3211 : i32 to vector<16xi32>
        %shift_left3A_3213 = arith.shli %and3A_3210, %shift_left3A_3212 : vector<16xi32>
        %add3A_3214 = arith.addi %shift_left3A_3207, %shift_left3A_3213 : vector<16xi32>
        %add3A_3215 = arith.addi %add3A_3214, %add3A_3201 : vector<16xi32>
        %lt3A_3216 = arith.constant 32 : i32
        %lt3A_3217 = vector.broadcast %lt3A_3216 : i32 to vector<16xi32>
        %lt3A_3218 = arith.cmpi slt, %get3A_3198, %lt3A_3217 : vector<16xi32>
        tpu.vector_store_idx %arg5[%broadcast_in_dim3A_1868, %add3A_3215], %broadcast_in_dim3A_5 masked %lt3A_3218 : memref<2x32768xf32, #tpu.memory_space<vmem>>[vector<16xi32>, vector<16xi32>], vector<16xf32>, vector<16xi1>
        %get3A_3219 = arith.constant 6 : i32
        %get3A_3220 = arith.index_cast %rem3A_1867 : i32 to index
        %get3A_3221 = arith.index_cast %get3A_3219 : i32 to index
        %get3A_3222 = arith.constant 96 : index
        %get3A_3223 = tpu.vector_load %arg4[%get3A_3220, %get3A_3221, %get3A_3222] {strides = array<i32>} : memref<4x8x128xi32, #tpu.memory_space<vmem>>, vector<16xi32>,
        %add3A_3224 = arith.constant 6240 : i32
        %add3A_3225 = vector.broadcast %add3A_3224 : i32 to vector<16xi32>
        %add3A_3226 = arith.addi %add3A_3225, %iota3A : vector<16xi32>
        %shift_right_arithmetic3A_3227 = arith.constant 3 : i32
        %shift_right_arithmetic3A_3228 = vector.broadcast %shift_right_arithmetic3A_3227 : i32 to vector<16xi32>
        %shift_right_arithmetic3A_3229 = arith.shrsi %get3A_3223, %shift_right_arithmetic3A_3228 : vector<16xi32>
        %shift_left3A_3230 = arith.constant 13 : i32
        %shift_left3A_3231 = vector.broadcast %shift_left3A_3230 : i32 to vector<16xi32>
        %shift_left3A_3232 = arith.shli %shift_right_arithmetic3A_3229, %shift_left3A_3231 : vector<16xi32>
        %and3A_3233 = arith.constant 7 : i32
        %and3A_3234 = vector.broadcast %and3A_3233 : i32 to vector<16xi32>
        %and3A_3235 = arith.andi %get3A_3223, %and3A_3234 : vector<16xi32>
        %shift_left3A_3236 = arith.constant 7 : i32
        %shift_left3A_3237 = vector.broadcast %shift_left3A_3236 : i32 to vector<16xi32>
        %shift_left3A_3238 = arith.shli %and3A_3235, %shift_left3A_3237 : vector<16xi32>
        %add3A_3239 = arith.addi %shift_left3A_3232, %shift_left3A_3238 : vector<16xi32>
        %add3A_3240 = arith.addi %add3A_3239, %add3A_3226 : vector<16xi32>
        %lt3A_3241 = arith.constant 32 : i32
        %lt3A_3242 = vector.broadcast %lt3A_3241 : i32 to vector<16xi32>
        %lt3A_3243 = arith.cmpi slt, %get3A_3223, %lt3A_3242 : vector<16xi32>
        tpu.vector_store_idx %arg5[%broadcast_in_dim3A_1868, %add3A_3240], %broadcast_in_dim3A_5 masked %lt3A_3243 : memref<2x32768xf32, #tpu.memory_space<vmem>>[vector<16xi32>, vector<16xi32>], vector<16xf32>, vector<16xi1>
        %get3A_3244 = arith.constant 6 : i32
        %get3A_3245 = arith.index_cast %rem3A_1867 : i32 to index
        %get3A_3246 = arith.index_cast %get3A_3244 : i32 to index
        %get3A_3247 = arith.constant 112 : index
        %get3A_3248 = tpu.vector_load %arg4[%get3A_3245, %get3A_3246, %get3A_3247] {strides = array<i32>} : memref<4x8x128xi32, #tpu.memory_space<vmem>>, vector<16xi32>,
        %add3A_3249 = arith.constant 6256 : i32
        %add3A_3250 = vector.broadcast %add3A_3249 : i32 to vector<16xi32>
        %add3A_3251 = arith.addi %add3A_3250, %iota3A : vector<16xi32>
        %shift_right_arithmetic3A_3252 = arith.constant 3 : i32
        %shift_right_arithmetic3A_3253 = vector.broadcast %shift_right_arithmetic3A_3252 : i32 to vector<16xi32>
        %shift_right_arithmetic3A_3254 = arith.shrsi %get3A_3248, %shift_right_arithmetic3A_3253 : vector<16xi32>
        %shift_left3A_3255 = arith.constant 13 : i32
        %shift_left3A_3256 = vector.broadcast %shift_left3A_3255 : i32 to vector<16xi32>
        %shift_left3A_3257 = arith.shli %shift_right_arithmetic3A_3254, %shift_left3A_3256 : vector<16xi32>
        %and3A_3258 = arith.constant 7 : i32
        %and3A_3259 = vector.broadcast %and3A_3258 : i32 to vector<16xi32>
        %and3A_3260 = arith.andi %get3A_3248, %and3A_3259 : vector<16xi32>
        %shift_left3A_3261 = arith.constant 7 : i32
        %shift_left3A_3262 = vector.broadcast %shift_left3A_3261 : i32 to vector<16xi32>
        %shift_left3A_3263 = arith.shli %and3A_3260, %shift_left3A_3262 : vector<16xi32>
        %add3A_3264 = arith.addi %shift_left3A_3257, %shift_left3A_3263 : vector<16xi32>
        %add3A_3265 = arith.addi %add3A_3264, %add3A_3251 : vector<16xi32>
        %lt3A_3266 = arith.constant 32 : i32
        %lt3A_3267 = vector.broadcast %lt3A_3266 : i32 to vector<16xi32>
        %lt3A_3268 = arith.cmpi slt, %get3A_3248, %lt3A_3267 : vector<16xi32>
        tpu.vector_store_idx %arg5[%broadcast_in_dim3A_1868, %add3A_3265], %broadcast_in_dim3A_5 masked %lt3A_3268 : memref<2x32768xf32, #tpu.memory_space<vmem>>[vector<16xi32>, vector<16xi32>], vector<16xf32>, vector<16xi1>
        %get3A_3269 = arith.constant 7 : i32
        %get3A_3270 = arith.index_cast %rem3A_1867 : i32 to index
        %get3A_3271 = arith.index_cast %get3A_3269 : i32 to index
        %get3A_3272 = arith.constant 0 : index
        %get3A_3273 = tpu.vector_load %arg4[%get3A_3270, %get3A_3271, %get3A_3272] {strides = array<i32>} : memref<4x8x128xi32, #tpu.memory_space<vmem>>, vector<16xi32>,
        %add3A_3274 = arith.constant 7168 : i32
        %add3A_3275 = vector.broadcast %add3A_3274 : i32 to vector<16xi32>
        %add3A_3276 = arith.addi %add3A_3275, %iota3A : vector<16xi32>
        %shift_right_arithmetic3A_3277 = arith.constant 3 : i32
        %shift_right_arithmetic3A_3278 = vector.broadcast %shift_right_arithmetic3A_3277 : i32 to vector<16xi32>
        %shift_right_arithmetic3A_3279 = arith.shrsi %get3A_3273, %shift_right_arithmetic3A_3278 : vector<16xi32>
        %shift_left3A_3280 = arith.constant 13 : i32
        %shift_left3A_3281 = vector.broadcast %shift_left3A_3280 : i32 to vector<16xi32>
        %shift_left3A_3282 = arith.shli %shift_right_arithmetic3A_3279, %shift_left3A_3281 : vector<16xi32>
        %and3A_3283 = arith.constant 7 : i32
        %and3A_3284 = vector.broadcast %and3A_3283 : i32 to vector<16xi32>
        %and3A_3285 = arith.andi %get3A_3273, %and3A_3284 : vector<16xi32>
        %shift_left3A_3286 = arith.constant 7 : i32
        %shift_left3A_3287 = vector.broadcast %shift_left3A_3286 : i32 to vector<16xi32>
        %shift_left3A_3288 = arith.shli %and3A_3285, %shift_left3A_3287 : vector<16xi32>
        %add3A_3289 = arith.addi %shift_left3A_3282, %shift_left3A_3288 : vector<16xi32>
        %add3A_3290 = arith.addi %add3A_3289, %add3A_3276 : vector<16xi32>
        %lt3A_3291 = arith.constant 32 : i32
        %lt3A_3292 = vector.broadcast %lt3A_3291 : i32 to vector<16xi32>
        %lt3A_3293 = arith.cmpi slt, %get3A_3273, %lt3A_3292 : vector<16xi32>
        tpu.vector_store_idx %arg5[%broadcast_in_dim3A_1868, %add3A_3290], %broadcast_in_dim3A_5 masked %lt3A_3293 : memref<2x32768xf32, #tpu.memory_space<vmem>>[vector<16xi32>, vector<16xi32>], vector<16xf32>, vector<16xi1>
        %get3A_3294 = arith.constant 7 : i32
        %get3A_3295 = arith.index_cast %rem3A_1867 : i32 to index
        %get3A_3296 = arith.index_cast %get3A_3294 : i32 to index
        %get3A_3297 = arith.constant 16 : index
        %get3A_3298 = tpu.vector_load %arg4[%get3A_3295, %get3A_3296, %get3A_3297] {strides = array<i32>} : memref<4x8x128xi32, #tpu.memory_space<vmem>>, vector<16xi32>,
        %add3A_3299 = arith.constant 7184 : i32
        %add3A_3300 = vector.broadcast %add3A_3299 : i32 to vector<16xi32>
        %add3A_3301 = arith.addi %add3A_3300, %iota3A : vector<16xi32>
        %shift_right_arithmetic3A_3302 = arith.constant 3 : i32
        %shift_right_arithmetic3A_3303 = vector.broadcast %shift_right_arithmetic3A_3302 : i32 to vector<16xi32>
        %shift_right_arithmetic3A_3304 = arith.shrsi %get3A_3298, %shift_right_arithmetic3A_3303 : vector<16xi32>
        %shift_left3A_3305 = arith.constant 13 : i32
        %shift_left3A_3306 = vector.broadcast %shift_left3A_3305 : i32 to vector<16xi32>
        %shift_left3A_3307 = arith.shli %shift_right_arithmetic3A_3304, %shift_left3A_3306 : vector<16xi32>
        %and3A_3308 = arith.constant 7 : i32
        %and3A_3309 = vector.broadcast %and3A_3308 : i32 to vector<16xi32>
        %and3A_3310 = arith.andi %get3A_3298, %and3A_3309 : vector<16xi32>
        %shift_left3A_3311 = arith.constant 7 : i32
        %shift_left3A_3312 = vector.broadcast %shift_left3A_3311 : i32 to vector<16xi32>
        %shift_left3A_3313 = arith.shli %and3A_3310, %shift_left3A_3312 : vector<16xi32>
        %add3A_3314 = arith.addi %shift_left3A_3307, %shift_left3A_3313 : vector<16xi32>
        %add3A_3315 = arith.addi %add3A_3314, %add3A_3301 : vector<16xi32>
        %lt3A_3316 = arith.constant 32 : i32
        %lt3A_3317 = vector.broadcast %lt3A_3316 : i32 to vector<16xi32>
        %lt3A_3318 = arith.cmpi slt, %get3A_3298, %lt3A_3317 : vector<16xi32>
        tpu.vector_store_idx %arg5[%broadcast_in_dim3A_1868, %add3A_3315], %broadcast_in_dim3A_5 masked %lt3A_3318 : memref<2x32768xf32, #tpu.memory_space<vmem>>[vector<16xi32>, vector<16xi32>], vector<16xf32>, vector<16xi1>
        %get3A_3319 = arith.constant 7 : i32
        %get3A_3320 = arith.index_cast %rem3A_1867 : i32 to index
        %get3A_3321 = arith.index_cast %get3A_3319 : i32 to index
        %get3A_3322 = arith.constant 32 : index
        %get3A_3323 = tpu.vector_load %arg4[%get3A_3320, %get3A_3321, %get3A_3322] {strides = array<i32>} : memref<4x8x128xi32, #tpu.memory_space<vmem>>, vector<16xi32>,
        %add3A_3324 = arith.constant 7200 : i32
        %add3A_3325 = vector.broadcast %add3A_3324 : i32 to vector<16xi32>
        %add3A_3326 = arith.addi %add3A_3325, %iota3A : vector<16xi32>
        %shift_right_arithmetic3A_3327 = arith.constant 3 : i32
        %shift_right_arithmetic3A_3328 = vector.broadcast %shift_right_arithmetic3A_3327 : i32 to vector<16xi32>
        %shift_right_arithmetic3A_3329 = arith.shrsi %get3A_3323, %shift_right_arithmetic3A_3328 : vector<16xi32>
        %shift_left3A_3330 = arith.constant 13 : i32
        %shift_left3A_3331 = vector.broadcast %shift_left3A_3330 : i32 to vector<16xi32>
        %shift_left3A_3332 = arith.shli %shift_right_arithmetic3A_3329, %shift_left3A_3331 : vector<16xi32>
        %and3A_3333 = arith.constant 7 : i32
        %and3A_3334 = vector.broadcast %and3A_3333 : i32 to vector<16xi32>
        %and3A_3335 = arith.andi %get3A_3323, %and3A_3334 : vector<16xi32>
        %shift_left3A_3336 = arith.constant 7 : i32
        %shift_left3A_3337 = vector.broadcast %shift_left3A_3336 : i32 to vector<16xi32>
        %shift_left3A_3338 = arith.shli %and3A_3335, %shift_left3A_3337 : vector<16xi32>
        %add3A_3339 = arith.addi %shift_left3A_3332, %shift_left3A_3338 : vector<16xi32>
        %add3A_3340 = arith.addi %add3A_3339, %add3A_3326 : vector<16xi32>
        %lt3A_3341 = arith.constant 32 : i32
        %lt3A_3342 = vector.broadcast %lt3A_3341 : i32 to vector<16xi32>
        %lt3A_3343 = arith.cmpi slt, %get3A_3323, %lt3A_3342 : vector<16xi32>
        tpu.vector_store_idx %arg5[%broadcast_in_dim3A_1868, %add3A_3340], %broadcast_in_dim3A_5 masked %lt3A_3343 : memref<2x32768xf32, #tpu.memory_space<vmem>>[vector<16xi32>, vector<16xi32>], vector<16xf32>, vector<16xi1>
        %get3A_3344 = arith.constant 7 : i32
        %get3A_3345 = arith.index_cast %rem3A_1867 : i32 to index
        %get3A_3346 = arith.index_cast %get3A_3344 : i32 to index
        %get3A_3347 = arith.constant 48 : index
        %get3A_3348 = tpu.vector_load %arg4[%get3A_3345, %get3A_3346, %get3A_3347] {strides = array<i32>} : memref<4x8x128xi32, #tpu.memory_space<vmem>>, vector<16xi32>,
        %add3A_3349 = arith.constant 7216 : i32
        %add3A_3350 = vector.broadcast %add3A_3349 : i32 to vector<16xi32>
        %add3A_3351 = arith.addi %add3A_3350, %iota3A : vector<16xi32>
        %shift_right_arithmetic3A_3352 = arith.constant 3 : i32
        %shift_right_arithmetic3A_3353 = vector.broadcast %shift_right_arithmetic3A_3352 : i32 to vector<16xi32>
        %shift_right_arithmetic3A_3354 = arith.shrsi %get3A_3348, %shift_right_arithmetic3A_3353 : vector<16xi32>
        %shift_left3A_3355 = arith.constant 13 : i32
        %shift_left3A_3356 = vector.broadcast %shift_left3A_3355 : i32 to vector<16xi32>
        %shift_left3A_3357 = arith.shli %shift_right_arithmetic3A_3354, %shift_left3A_3356 : vector<16xi32>
        %and3A_3358 = arith.constant 7 : i32
        %and3A_3359 = vector.broadcast %and3A_3358 : i32 to vector<16xi32>
        %and3A_3360 = arith.andi %get3A_3348, %and3A_3359 : vector<16xi32>
        %shift_left3A_3361 = arith.constant 7 : i32
        %shift_left3A_3362 = vector.broadcast %shift_left3A_3361 : i32 to vector<16xi32>
        %shift_left3A_3363 = arith.shli %and3A_3360, %shift_left3A_3362 : vector<16xi32>
        %add3A_3364 = arith.addi %shift_left3A_3357, %shift_left3A_3363 : vector<16xi32>
        %add3A_3365 = arith.addi %add3A_3364, %add3A_3351 : vector<16xi32>
        %lt3A_3366 = arith.constant 32 : i32
        %lt3A_3367 = vector.broadcast %lt3A_3366 : i32 to vector<16xi32>
        %lt3A_3368 = arith.cmpi slt, %get3A_3348, %lt3A_3367 : vector<16xi32>
        tpu.vector_store_idx %arg5[%broadcast_in_dim3A_1868, %add3A_3365], %broadcast_in_dim3A_5 masked %lt3A_3368 : memref<2x32768xf32, #tpu.memory_space<vmem>>[vector<16xi32>, vector<16xi32>], vector<16xf32>, vector<16xi1>
        %get3A_3369 = arith.constant 7 : i32
        %get3A_3370 = arith.index_cast %rem3A_1867 : i32 to index
        %get3A_3371 = arith.index_cast %get3A_3369 : i32 to index
        %get3A_3372 = arith.constant 64 : index
        %get3A_3373 = tpu.vector_load %arg4[%get3A_3370, %get3A_3371, %get3A_3372] {strides = array<i32>} : memref<4x8x128xi32, #tpu.memory_space<vmem>>, vector<16xi32>,
        %add3A_3374 = arith.constant 7232 : i32
        %add3A_3375 = vector.broadcast %add3A_3374 : i32 to vector<16xi32>
        %add3A_3376 = arith.addi %add3A_3375, %iota3A : vector<16xi32>
        %shift_right_arithmetic3A_3377 = arith.constant 3 : i32
        %shift_right_arithmetic3A_3378 = vector.broadcast %shift_right_arithmetic3A_3377 : i32 to vector<16xi32>
        %shift_right_arithmetic3A_3379 = arith.shrsi %get3A_3373, %shift_right_arithmetic3A_3378 : vector<16xi32>
        %shift_left3A_3380 = arith.constant 13 : i32
        %shift_left3A_3381 = vector.broadcast %shift_left3A_3380 : i32 to vector<16xi32>
        %shift_left3A_3382 = arith.shli %shift_right_arithmetic3A_3379, %shift_left3A_3381 : vector<16xi32>
        %and3A_3383 = arith.constant 7 : i32
        %and3A_3384 = vector.broadcast %and3A_3383 : i32 to vector<16xi32>
        %and3A_3385 = arith.andi %get3A_3373, %and3A_3384 : vector<16xi32>
        %shift_left3A_3386 = arith.constant 7 : i32
        %shift_left3A_3387 = vector.broadcast %shift_left3A_3386 : i32 to vector<16xi32>
        %shift_left3A_3388 = arith.shli %and3A_3385, %shift_left3A_3387 : vector<16xi32>
        %add3A_3389 = arith.addi %shift_left3A_3382, %shift_left3A_3388 : vector<16xi32>
        %add3A_3390 = arith.addi %add3A_3389, %add3A_3376 : vector<16xi32>
        %lt3A_3391 = arith.constant 32 : i32
        %lt3A_3392 = vector.broadcast %lt3A_3391 : i32 to vector<16xi32>
        %lt3A_3393 = arith.cmpi slt, %get3A_3373, %lt3A_3392 : vector<16xi32>
        tpu.vector_store_idx %arg5[%broadcast_in_dim3A_1868, %add3A_3390], %broadcast_in_dim3A_5 masked %lt3A_3393 : memref<2x32768xf32, #tpu.memory_space<vmem>>[vector<16xi32>, vector<16xi32>], vector<16xf32>, vector<16xi1>
        %get3A_3394 = arith.constant 7 : i32
        %get3A_3395 = arith.index_cast %rem3A_1867 : i32 to index
        %get3A_3396 = arith.index_cast %get3A_3394 : i32 to index
        %get3A_3397 = arith.constant 80 : index
        %get3A_3398 = tpu.vector_load %arg4[%get3A_3395, %get3A_3396, %get3A_3397] {strides = array<i32>} : memref<4x8x128xi32, #tpu.memory_space<vmem>>, vector<16xi32>,
        %add3A_3399 = arith.constant 7248 : i32
        %add3A_3400 = vector.broadcast %add3A_3399 : i32 to vector<16xi32>
        %add3A_3401 = arith.addi %add3A_3400, %iota3A : vector<16xi32>
        %shift_right_arithmetic3A_3402 = arith.constant 3 : i32
        %shift_right_arithmetic3A_3403 = vector.broadcast %shift_right_arithmetic3A_3402 : i32 to vector<16xi32>
        %shift_right_arithmetic3A_3404 = arith.shrsi %get3A_3398, %shift_right_arithmetic3A_3403 : vector<16xi32>
        %shift_left3A_3405 = arith.constant 13 : i32
        %shift_left3A_3406 = vector.broadcast %shift_left3A_3405 : i32 to vector<16xi32>
        %shift_left3A_3407 = arith.shli %shift_right_arithmetic3A_3404, %shift_left3A_3406 : vector<16xi32>
        %and3A_3408 = arith.constant 7 : i32
        %and3A_3409 = vector.broadcast %and3A_3408 : i32 to vector<16xi32>
        %and3A_3410 = arith.andi %get3A_3398, %and3A_3409 : vector<16xi32>
        %shift_left3A_3411 = arith.constant 7 : i32
        %shift_left3A_3412 = vector.broadcast %shift_left3A_3411 : i32 to vector<16xi32>
        %shift_left3A_3413 = arith.shli %and3A_3410, %shift_left3A_3412 : vector<16xi32>
        %add3A_3414 = arith.addi %shift_left3A_3407, %shift_left3A_3413 : vector<16xi32>
        %add3A_3415 = arith.addi %add3A_3414, %add3A_3401 : vector<16xi32>
        %lt3A_3416 = arith.constant 32 : i32
        %lt3A_3417 = vector.broadcast %lt3A_3416 : i32 to vector<16xi32>
        %lt3A_3418 = arith.cmpi slt, %get3A_3398, %lt3A_3417 : vector<16xi32>
        tpu.vector_store_idx %arg5[%broadcast_in_dim3A_1868, %add3A_3415], %broadcast_in_dim3A_5 masked %lt3A_3418 : memref<2x32768xf32, #tpu.memory_space<vmem>>[vector<16xi32>, vector<16xi32>], vector<16xf32>, vector<16xi1>
        %get3A_3419 = arith.constant 7 : i32
        %get3A_3420 = arith.index_cast %rem3A_1867 : i32 to index
        %get3A_3421 = arith.index_cast %get3A_3419 : i32 to index
        %get3A_3422 = arith.constant 96 : index
        %get3A_3423 = tpu.vector_load %arg4[%get3A_3420, %get3A_3421, %get3A_3422] {strides = array<i32>} : memref<4x8x128xi32, #tpu.memory_space<vmem>>, vector<16xi32>,
        %add3A_3424 = arith.constant 7264 : i32
        %add3A_3425 = vector.broadcast %add3A_3424 : i32 to vector<16xi32>
        %add3A_3426 = arith.addi %add3A_3425, %iota3A : vector<16xi32>
        %shift_right_arithmetic3A_3427 = arith.constant 3 : i32
        %shift_right_arithmetic3A_3428 = vector.broadcast %shift_right_arithmetic3A_3427 : i32 to vector<16xi32>
        %shift_right_arithmetic3A_3429 = arith.shrsi %get3A_3423, %shift_right_arithmetic3A_3428 : vector<16xi32>
        %shift_left3A_3430 = arith.constant 13 : i32
        %shift_left3A_3431 = vector.broadcast %shift_left3A_3430 : i32 to vector<16xi32>
        %shift_left3A_3432 = arith.shli %shift_right_arithmetic3A_3429, %shift_left3A_3431 : vector<16xi32>
        %and3A_3433 = arith.constant 7 : i32
        %and3A_3434 = vector.broadcast %and3A_3433 : i32 to vector<16xi32>
        %and3A_3435 = arith.andi %get3A_3423, %and3A_3434 : vector<16xi32>
        %shift_left3A_3436 = arith.constant 7 : i32
        %shift_left3A_3437 = vector.broadcast %shift_left3A_3436 : i32 to vector<16xi32>
        %shift_left3A_3438 = arith.shli %and3A_3435, %shift_left3A_3437 : vector<16xi32>
        %add3A_3439 = arith.addi %shift_left3A_3432, %shift_left3A_3438 : vector<16xi32>
        %add3A_3440 = arith.addi %add3A_3439, %add3A_3426 : vector<16xi32>
        %lt3A_3441 = arith.constant 32 : i32
        %lt3A_3442 = vector.broadcast %lt3A_3441 : i32 to vector<16xi32>
        %lt3A_3443 = arith.cmpi slt, %get3A_3423, %lt3A_3442 : vector<16xi32>
        tpu.vector_store_idx %arg5[%broadcast_in_dim3A_1868, %add3A_3440], %broadcast_in_dim3A_5 masked %lt3A_3443 : memref<2x32768xf32, #tpu.memory_space<vmem>>[vector<16xi32>, vector<16xi32>], vector<16xf32>, vector<16xi1>
        %get3A_3444 = arith.constant 7 : i32
        %get3A_3445 = arith.index_cast %rem3A_1867 : i32 to index
        %get3A_3446 = arith.index_cast %get3A_3444 : i32 to index
        %get3A_3447 = arith.constant 112 : index
        %get3A_3448 = tpu.vector_load %arg4[%get3A_3445, %get3A_3446, %get3A_3447] {strides = array<i32>} : memref<4x8x128xi32, #tpu.memory_space<vmem>>, vector<16xi32>,
        %add3A_3449 = arith.constant 7280 : i32
        %add3A_3450 = vector.broadcast %add3A_3449 : i32 to vector<16xi32>
        %add3A_3451 = arith.addi %add3A_3450, %iota3A : vector<16xi32>
        %shift_right_arithmetic3A_3452 = arith.constant 3 : i32
        %shift_right_arithmetic3A_3453 = vector.broadcast %shift_right_arithmetic3A_3452 : i32 to vector<16xi32>
        %shift_right_arithmetic3A_3454 = arith.shrsi %get3A_3448, %shift_right_arithmetic3A_3453 : vector<16xi32>
        %shift_left3A_3455 = arith.constant 13 : i32
        %shift_left3A_3456 = vector.broadcast %shift_left3A_3455 : i32 to vector<16xi32>
        %shift_left3A_3457 = arith.shli %shift_right_arithmetic3A_3454, %shift_left3A_3456 : vector<16xi32>
        %and3A_3458 = arith.constant 7 : i32
        %and3A_3459 = vector.broadcast %and3A_3458 : i32 to vector<16xi32>
        %and3A_3460 = arith.andi %get3A_3448, %and3A_3459 : vector<16xi32>
        %shift_left3A_3461 = arith.constant 7 : i32
        %shift_left3A_3462 = vector.broadcast %shift_left3A_3461 : i32 to vector<16xi32>
        %shift_left3A_3463 = arith.shli %and3A_3460, %shift_left3A_3462 : vector<16xi32>
        %add3A_3464 = arith.addi %shift_left3A_3457, %shift_left3A_3463 : vector<16xi32>
        %add3A_3465 = arith.addi %add3A_3464, %add3A_3451 : vector<16xi32>
        %lt3A_3466 = arith.constant 32 : i32
        %lt3A_3467 = vector.broadcast %lt3A_3466 : i32 to vector<16xi32>
        %lt3A_3468 = arith.cmpi slt, %get3A_3448, %lt3A_3467 : vector<16xi32>
        tpu.vector_store_idx %arg5[%broadcast_in_dim3A_1868, %add3A_3465], %broadcast_in_dim3A_5 masked %lt3A_3468 : memref<2x32768xf32, #tpu.memory_space<vmem>>[vector<16xi32>, vector<16xi32>], vector<16xf32>, vector<16xi1>
      } else {
      }
      %add3A_233 = arith.constant 2 : i32
      %add3A_234 = arith.addi %scan3A_165, %add3A_233 : i32
      %lt3A_235 = arith.constant 128 : i32
      %lt3A_236 = arith.cmpi slt, %add3A_234, %lt3A_235 : i32
      %convert_element_type3A_237 = arith.extui %lt3A_236 : i1 to i32
      %cond3A_238 = arith.constant 0 : i32
      %cond3A_239 = arith.cmpi ne, %convert_element_type3A_237, %cond3A_238 : i32
      scf.if %cond3A_239 {
        %add3A_1850 = arith.constant 2 : i32
        %add3A_1851 = arith.addi %add3A_170, %add3A_1850 : i32
        %jit3A_1852 = arith.constant 8 : i32
        %div3A_1853 = arith.divsi %add3A_1851, %jit3A_1852 : i32
        %sign3A_1854 = arith.constant 0 : i32
        %sign3A_1855 = arith.cmpi sgt, %add3A_1851, %sign3A_1854 : i32
        %sign3A_1856 = arith.extui %sign3A_1855 : i1 to i32
        %sign3A_1857 = arith.constant 0 : i32
        %sign3A_1858 = arith.cmpi slt, %add3A_1851, %sign3A_1857 : i32
        %sign3A_1859 = arith.extui %sign3A_1858 : i1 to i32
        %sign3A_1860 = arith.subi %sign3A_1856, %sign3A_1859 : i32
        %sign3A_1861 = arith.constant 0 : i32
        %sign3A_1862 = arith.cmpi sgt, %jit3A_1852, %sign3A_1861 : i32
        %sign3A_1863 = arith.extui %sign3A_1862 : i1 to i32
        %sign3A_1864 = arith.constant 0 : i32
        %sign3A_1865 = arith.cmpi slt, %jit3A_1852, %sign3A_1864 : i32
        %sign3A_1866 = arith.extui %sign3A_1865 : i1 to i32
        %sign3A_1867 = arith.subi %sign3A_1863, %sign3A_1866 : i32
        %ne3A_1868 = arith.cmpi ne, %sign3A_1860, %sign3A_1867 : i32
        %rem3A_1869 = arith.remsi %add3A_1851, %jit3A_1852 : i32
        %ne3A_1870 = arith.constant 0 : i32
        %ne3A_1871 = arith.cmpi ne, %rem3A_1869, %ne3A_1870 : i32
        %and3A_1872 = arith.andi %ne3A_1868, %ne3A_1871 : i1
        %sub3A_1873 = arith.constant 1 : i32
        %sub3A_1874 = arith.subi %div3A_1853, %sub3A_1873 : i32
        %select_n3A_1875 = arith.select %and3A_1872, %sub3A_1874, %div3A_1853 : i32
        %jit3A_1876 = arith.constant 8 : i32
        %eq3A_1877 = arith.constant 0 : i32
        %eq3A_1878 = arith.cmpi eq, %jit3A_1876, %eq3A_1877 : i32
        %jit3A_1879 = arith.constant 1 : i32
        %select_n3A_1880 = arith.select %eq3A_1878, %jit3A_1879, %jit3A_1876 : i32
        %rem3A_1881 = arith.remsi %add3A_1851, %select_n3A_1880 : i32
        %ne3A_1882 = arith.constant 0 : i32
        %ne3A_1883 = arith.cmpi ne, %rem3A_1881, %ne3A_1882 : i32
        %lt3A_1884 = arith.constant 0 : i32
        %lt3A_1885 = arith.cmpi slt, %rem3A_1881, %lt3A_1884 : i32
        %lt3A_1886 = arith.constant 0 : i32
        %lt3A_1887 = arith.cmpi slt, %select_n3A_1880, %lt3A_1886 : i32
        %ne3A_1888 = arith.xori %lt3A_1885, %lt3A_1887 : i1
        %and3A_1889 = arith.andi %ne3A_1888, %ne3A_1883 : i1
        %add3A_1890 = arith.addi %rem3A_1881, %select_n3A_1880 : i32
        %select_n3A_1891 = arith.select %and3A_1889, %add3A_1890, %rem3A_1881 : i32
        %add3A_1892 = arith.constant 2 : i32
        %add3A_1893 = arith.addi %scan3A_165, %add3A_1892 : i32
        %rem3A_1894 = arith.constant 4 : i32
        %rem3A_1895 = arith.remsi %add3A_1893, %rem3A_1894 : i32
        %add3A_1896 = arith.constant 2 : i32
        %add3A_1897 = arith.addi %scan3A_165, %add3A_1896 : i32
        %rem3A_1898 = arith.constant 4 : i32
        %rem3A_1899 = arith.remsi %add3A_1897, %rem3A_1898 : i32
        %dma_start3A_1900 = arith.constant 0 : i32
        %dma_start3A_1901 = arith.constant 0 : i32
        %dma_start3A_1902 = tpu.memref_slice %arg4[%rem3A_1895, %dma_start3A_1900, %dma_start3A_1901] : memref<4x8x128xi32, #tpu.memory_space<vmem>> -> memref<1x8x128xi32, #tpu.memory_space<vmem>>
        %dma_start3A_1903 = tpu.memref_squeeze %dma_start3A_1902 : memref<1x8x128xi32, #tpu.memory_space<vmem>> -> memref<8x128xi32, #tpu.memory_space<vmem>>
        %dma_start3A_1904 = arith.constant 0 : i32
        %dma_start3A_1905 = arith.constant 0 : i32
        %dma_start3A_1906 = tpu.memref_slice %arg2[%select_n3A_1875, %dma_start3A_1904, %select_n3A_1891, %dma_start3A_1905] : memref<512x8x8x128xi32, #tpu.memory_space<hbm>> -> memref<1x8x1x128xi32, #tpu.memory_space<hbm>>
        %dma_start3A_1907 = tpu.memref_squeeze %dma_start3A_1906 : memref<1x8x1x128xi32, #tpu.memory_space<hbm>> -> memref<8x128xi32, #tpu.memory_space<hbm>>
        %dma_start3A_1908 = tpu.memref_slice %arg6[%rem3A_1899] : memref<4x!tpu.dma_semaphore, #tpu.memory_space<semaphore_mem>> -> memref<1x!tpu.dma_semaphore, #tpu.memory_space<semaphore_mem>>
        %dma_start3A_1909 = tpu.memref_squeeze %dma_start3A_1908 : memref<1x!tpu.dma_semaphore, #tpu.memory_space<semaphore_mem>> -> memref<!tpu.dma_semaphore, #tpu.memory_space<semaphore_mem>>
        %dma_start3A_1910 = arith.constant 0 : i32
        %dma_start3A_1911 = arith.constant 0 : i32
        %dma_start3A_1912 = tpu.memref_slice %arg4[%rem3A_1895, %dma_start3A_1910, %dma_start3A_1911] : memref<4x8x128xi32, #tpu.memory_space<vmem>> -> memref<1x8x128xi32, #tpu.memory_space<vmem>>
        %dma_start3A_1913 = tpu.memref_squeeze %dma_start3A_1912 : memref<1x8x128xi32, #tpu.memory_space<vmem>> -> memref<8x128xi32, #tpu.memory_space<vmem>>
        %dma_start3A_1914 = arith.constant 0 : i32
        %dma_start3A_1915 = arith.constant 0 : i32
        %dma_start3A_1916 = tpu.memref_slice %arg2[%select_n3A_1875, %dma_start3A_1914, %select_n3A_1891, %dma_start3A_1915] : memref<512x8x8x128xi32, #tpu.memory_space<hbm>> -> memref<1x8x1x128xi32, #tpu.memory_space<hbm>>
        %dma_start3A_1917 = tpu.memref_squeeze %dma_start3A_1916 : memref<1x8x1x128xi32, #tpu.memory_space<hbm>> -> memref<8x128xi32, #tpu.memory_space<hbm>>
        tpu.enqueue_dma source(%dma_start3A_1917 : memref<8x128xi32, #tpu.memory_space<hbm>>) target(%dma_start3A_1913 : memref<8x128xi32, #tpu.memory_space<vmem>>) target_semaphore(%dma_start3A_1909 : memref<!tpu.dma_semaphore, #tpu.memory_space<semaphore_mem>>)
      } else {
      }
      %broadcast_in_dim3A_240 = vector.broadcast %rem3A_167 : i32 to vector<16xi32>
      %get3A = arith.constant 0 : i32
      %get3A_241 = arith.index_cast %rem3A_169 : i32 to index
      %get3A_242 = arith.index_cast %get3A : i32 to index
      %get3A_243 = arith.constant 0 : index
      %get3A_244 = tpu.vector_load %arg4[%get3A_241, %get3A_242, %get3A_243] {strides = array<i32>} : memref<4x8x128xi32, #tpu.memory_space<vmem>>, vector<16xi32>,
      %add3A_245 = arith.constant 0 : i32
      %add3A_246 = vector.broadcast %add3A_245 : i32 to vector<16xi32>
      %add3A_247 = arith.addi %add3A_246, %iota3A : vector<16xi32>
      %shift_right_arithmetic3A = arith.constant 3 : i32
      %shift_right_arithmetic3A_248 = vector.broadcast %shift_right_arithmetic3A : i32 to vector<16xi32>
      %shift_right_arithmetic3A_249 = arith.shrsi %get3A_244, %shift_right_arithmetic3A_248 : vector<16xi32>
      %shift_left3A = arith.constant 13 : i32
      %shift_left3A_250 = vector.broadcast %shift_left3A : i32 to vector<16xi32>
      %shift_left3A_251 = arith.shli %shift_right_arithmetic3A_249, %shift_left3A_250 : vector<16xi32>
      %and3A_252 = arith.constant 7 : i32
      %and3A_253 = vector.broadcast %and3A_252 : i32 to vector<16xi32>
      %and3A_254 = arith.andi %get3A_244, %and3A_253 : vector<16xi32>
      %shift_left3A_255 = arith.constant 7 : i32
      %shift_left3A_256 = vector.broadcast %shift_left3A_255 : i32 to vector<16xi32>
      %shift_left3A_257 = arith.shli %and3A_254, %shift_left3A_256 : vector<16xi32>
      %add3A_258 = arith.addi %shift_left3A_251, %shift_left3A_257 : vector<16xi32>
      %add3A_259 = arith.addi %add3A_258, %add3A_247 : vector<16xi32>
      %lt3A_260 = arith.constant 32 : i32
      %lt3A_261 = vector.broadcast %lt3A_260 : i32 to vector<16xi32>
      %lt3A_262 = arith.cmpi slt, %get3A_244, %lt3A_261 : vector<16xi32>
      tpu.vector_store_idx %arg5[%broadcast_in_dim3A_240, %add3A_259], %broadcast_in_dim3A_3 masked %lt3A_262 : memref<2x32768xf32, #tpu.memory_space<vmem>>[vector<16xi32>, vector<16xi32>], vector<16xf32>, vector<16xi1>
      %get3A_263 = arith.constant 0 : i32
      %get3A_264 = arith.index_cast %rem3A_169 : i32 to index
      %get3A_265 = arith.index_cast %get3A_263 : i32 to index
      %get3A_266 = arith.constant 16 : index
      %get3A_267 = tpu.vector_load %arg4[%get3A_264, %get3A_265, %get3A_266] {strides = array<i32>} : memref<4x8x128xi32, #tpu.memory_space<vmem>>, vector<16xi32>,
      %add3A_268 = arith.constant 16 : i32
      %add3A_269 = vector.broadcast %add3A_268 : i32 to vector<16xi32>
      %add3A_270 = arith.addi %add3A_269, %iota3A : vector<16xi32>
      %shift_right_arithmetic3A_271 = arith.constant 3 : i32
      %shift_right_arithmetic3A_272 = vector.broadcast %shift_right_arithmetic3A_271 : i32 to vector<16xi32>
      %shift_right_arithmetic3A_273 = arith.shrsi %get3A_267, %shift_right_arithmetic3A_272 : vector<16xi32>
      %shift_left3A_274 = arith.constant 13 : i32
      %shift_left3A_275 = vector.broadcast %shift_left3A_274 : i32 to vector<16xi32>
      %shift_left3A_276 = arith.shli %shift_right_arithmetic3A_273, %shift_left3A_275 : vector<16xi32>
      %and3A_277 = arith.constant 7 : i32
      %and3A_278 = vector.broadcast %and3A_277 : i32 to vector<16xi32>
      %and3A_279 = arith.andi %get3A_267, %and3A_278 : vector<16xi32>
      %shift_left3A_280 = arith.constant 7 : i32
      %shift_left3A_281 = vector.broadcast %shift_left3A_280 : i32 to vector<16xi32>
      %shift_left3A_282 = arith.shli %and3A_279, %shift_left3A_281 : vector<16xi32>
      %add3A_283 = arith.addi %shift_left3A_276, %shift_left3A_282 : vector<16xi32>
      %add3A_284 = arith.addi %add3A_283, %add3A_270 : vector<16xi32>
      %lt3A_285 = arith.constant 32 : i32
      %lt3A_286 = vector.broadcast %lt3A_285 : i32 to vector<16xi32>
      %lt3A_287 = arith.cmpi slt, %get3A_267, %lt3A_286 : vector<16xi32>
      tpu.vector_store_idx %arg5[%broadcast_in_dim3A_240, %add3A_284], %broadcast_in_dim3A_3 masked %lt3A_287 : memref<2x32768xf32, #tpu.memory_space<vmem>>[vector<16xi32>, vector<16xi32>], vector<16xf32>, vector<16xi1>
      %get3A_288 = arith.constant 0 : i32
      %get3A_289 = arith.index_cast %rem3A_169 : i32 to index
      %get3A_290 = arith.index_cast %get3A_288 : i32 to index
      %get3A_291 = arith.constant 32 : index
      %get3A_292 = tpu.vector_load %arg4[%get3A_289, %get3A_290, %get3A_291] {strides = array<i32>} : memref<4x8x128xi32, #tpu.memory_space<vmem>>, vector<16xi32>,
      %add3A_293 = arith.constant 32 : i32
      %add3A_294 = vector.broadcast %add3A_293 : i32 to vector<16xi32>
      %add3A_295 = arith.addi %add3A_294, %iota3A : vector<16xi32>
      %shift_right_arithmetic3A_296 = arith.constant 3 : i32
      %shift_right_arithmetic3A_297 = vector.broadcast %shift_right_arithmetic3A_296 : i32 to vector<16xi32>
      %shift_right_arithmetic3A_298 = arith.shrsi %get3A_292, %shift_right_arithmetic3A_297 : vector<16xi32>
      %shift_left3A_299 = arith.constant 13 : i32
      %shift_left3A_300 = vector.broadcast %shift_left3A_299 : i32 to vector<16xi32>
      %shift_left3A_301 = arith.shli %shift_right_arithmetic3A_298, %shift_left3A_300 : vector<16xi32>
      %and3A_302 = arith.constant 7 : i32
      %and3A_303 = vector.broadcast %and3A_302 : i32 to vector<16xi32>
      %and3A_304 = arith.andi %get3A_292, %and3A_303 : vector<16xi32>
      %shift_left3A_305 = arith.constant 7 : i32
      %shift_left3A_306 = vector.broadcast %shift_left3A_305 : i32 to vector<16xi32>
      %shift_left3A_307 = arith.shli %and3A_304, %shift_left3A_306 : vector<16xi32>
      %add3A_308 = arith.addi %shift_left3A_301, %shift_left3A_307 : vector<16xi32>
      %add3A_309 = arith.addi %add3A_308, %add3A_295 : vector<16xi32>
      %lt3A_310 = arith.constant 32 : i32
      %lt3A_311 = vector.broadcast %lt3A_310 : i32 to vector<16xi32>
      %lt3A_312 = arith.cmpi slt, %get3A_292, %lt3A_311 : vector<16xi32>
      tpu.vector_store_idx %arg5[%broadcast_in_dim3A_240, %add3A_309], %broadcast_in_dim3A_3 masked %lt3A_312 : memref<2x32768xf32, #tpu.memory_space<vmem>>[vector<16xi32>, vector<16xi32>], vector<16xf32>, vector<16xi1>
      %get3A_313 = arith.constant 0 : i32
      %get3A_314 = arith.index_cast %rem3A_169 : i32 to index
      %get3A_315 = arith.index_cast %get3A_313 : i32 to index
      %get3A_316 = arith.constant 48 : index
      %get3A_317 = tpu.vector_load %arg4[%get3A_314, %get3A_315, %get3A_316] {strides = array<i32>} : memref<4x8x128xi32, #tpu.memory_space<vmem>>, vector<16xi32>,
      %add3A_318 = arith.constant 48 : i32
      %add3A_319 = vector.broadcast %add3A_318 : i32 to vector<16xi32>
      %add3A_320 = arith.addi %add3A_319, %iota3A : vector<16xi32>
      %shift_right_arithmetic3A_321 = arith.constant 3 : i32
      %shift_right_arithmetic3A_322 = vector.broadcast %shift_right_arithmetic3A_321 : i32 to vector<16xi32>
      %shift_right_arithmetic3A_323 = arith.shrsi %get3A_317, %shift_right_arithmetic3A_322 : vector<16xi32>
      %shift_left3A_324 = arith.constant 13 : i32
      %shift_left3A_325 = vector.broadcast %shift_left3A_324 : i32 to vector<16xi32>
      %shift_left3A_326 = arith.shli %shift_right_arithmetic3A_323, %shift_left3A_325 : vector<16xi32>
      %and3A_327 = arith.constant 7 : i32
      %and3A_328 = vector.broadcast %and3A_327 : i32 to vector<16xi32>
      %and3A_329 = arith.andi %get3A_317, %and3A_328 : vector<16xi32>
      %shift_left3A_330 = arith.constant 7 : i32
      %shift_left3A_331 = vector.broadcast %shift_left3A_330 : i32 to vector<16xi32>
      %shift_left3A_332 = arith.shli %and3A_329, %shift_left3A_331 : vector<16xi32>
      %add3A_333 = arith.addi %shift_left3A_326, %shift_left3A_332 : vector<16xi32>
      %add3A_334 = arith.addi %add3A_333, %add3A_320 : vector<16xi32>
      %lt3A_335 = arith.constant 32 : i32
      %lt3A_336 = vector.broadcast %lt3A_335 : i32 to vector<16xi32>
      %lt3A_337 = arith.cmpi slt, %get3A_317, %lt3A_336 : vector<16xi32>
      tpu.vector_store_idx %arg5[%broadcast_in_dim3A_240, %add3A_334], %broadcast_in_dim3A_3 masked %lt3A_337 : memref<2x32768xf32, #tpu.memory_space<vmem>>[vector<16xi32>, vector<16xi32>], vector<16xf32>, vector<16xi1>
      %get3A_338 = arith.constant 0 : i32
      %get3A_339 = arith.index_cast %rem3A_169 : i32 to index
      %get3A_340 = arith.index_cast %get3A_338 : i32 to index
      %get3A_341 = arith.constant 64 : index
      %get3A_342 = tpu.vector_load %arg4[%get3A_339, %get3A_340, %get3A_341] {strides = array<i32>} : memref<4x8x128xi32, #tpu.memory_space<vmem>>, vector<16xi32>,
      %add3A_343 = arith.constant 64 : i32
      %add3A_344 = vector.broadcast %add3A_343 : i32 to vector<16xi32>
      %add3A_345 = arith.addi %add3A_344, %iota3A : vector<16xi32>
      %shift_right_arithmetic3A_346 = arith.constant 3 : i32
      %shift_right_arithmetic3A_347 = vector.broadcast %shift_right_arithmetic3A_346 : i32 to vector<16xi32>
      %shift_right_arithmetic3A_348 = arith.shrsi %get3A_342, %shift_right_arithmetic3A_347 : vector<16xi32>
      %shift_left3A_349 = arith.constant 13 : i32
      %shift_left3A_350 = vector.broadcast %shift_left3A_349 : i32 to vector<16xi32>
      %shift_left3A_351 = arith.shli %shift_right_arithmetic3A_348, %shift_left3A_350 : vector<16xi32>
      %and3A_352 = arith.constant 7 : i32
      %and3A_353 = vector.broadcast %and3A_352 : i32 to vector<16xi32>
      %and3A_354 = arith.andi %get3A_342, %and3A_353 : vector<16xi32>
      %shift_left3A_355 = arith.constant 7 : i32
      %shift_left3A_356 = vector.broadcast %shift_left3A_355 : i32 to vector<16xi32>
      %shift_left3A_357 = arith.shli %and3A_354, %shift_left3A_356 : vector<16xi32>
      %add3A_358 = arith.addi %shift_left3A_351, %shift_left3A_357 : vector<16xi32>
      %add3A_359 = arith.addi %add3A_358, %add3A_345 : vector<16xi32>
      %lt3A_360 = arith.constant 32 : i32
      %lt3A_361 = vector.broadcast %lt3A_360 : i32 to vector<16xi32>
      %lt3A_362 = arith.cmpi slt, %get3A_342, %lt3A_361 : vector<16xi32>
      tpu.vector_store_idx %arg5[%broadcast_in_dim3A_240, %add3A_359], %broadcast_in_dim3A_3 masked %lt3A_362 : memref<2x32768xf32, #tpu.memory_space<vmem>>[vector<16xi32>, vector<16xi32>], vector<16xf32>, vector<16xi1>
      %get3A_363 = arith.constant 0 : i32
      %get3A_364 = arith.index_cast %rem3A_169 : i32 to index
      %get3A_365 = arith.index_cast %get3A_363 : i32 to index
      %get3A_366 = arith.constant 80 : index
      %get3A_367 = tpu.vector_load %arg4[%get3A_364, %get3A_365, %get3A_366] {strides = array<i32>} : memref<4x8x128xi32, #tpu.memory_space<vmem>>, vector<16xi32>,
      %add3A_368 = arith.constant 80 : i32
      %add3A_369 = vector.broadcast %add3A_368 : i32 to vector<16xi32>
      %add3A_370 = arith.addi %add3A_369, %iota3A : vector<16xi32>
      %shift_right_arithmetic3A_371 = arith.constant 3 : i32
      %shift_right_arithmetic3A_372 = vector.broadcast %shift_right_arithmetic3A_371 : i32 to vector<16xi32>
      %shift_right_arithmetic3A_373 = arith.shrsi %get3A_367, %shift_right_arithmetic3A_372 : vector<16xi32>
      %shift_left3A_374 = arith.constant 13 : i32
      %shift_left3A_375 = vector.broadcast %shift_left3A_374 : i32 to vector<16xi32>
      %shift_left3A_376 = arith.shli %shift_right_arithmetic3A_373, %shift_left3A_375 : vector<16xi32>
      %and3A_377 = arith.constant 7 : i32
      %and3A_378 = vector.broadcast %and3A_377 : i32 to vector<16xi32>
      %and3A_379 = arith.andi %get3A_367, %and3A_378 : vector<16xi32>
      %shift_left3A_380 = arith.constant 7 : i32
      %shift_left3A_381 = vector.broadcast %shift_left3A_380 : i32 to vector<16xi32>
      %shift_left3A_382 = arith.shli %and3A_379, %shift_left3A_381 : vector<16xi32>
      %add3A_383 = arith.addi %shift_left3A_376, %shift_left3A_382 : vector<16xi32>
      %add3A_384 = arith.addi %add3A_383, %add3A_370 : vector<16xi32>
      %lt3A_385 = arith.constant 32 : i32
      %lt3A_386 = vector.broadcast %lt3A_385 : i32 to vector<16xi32>
      %lt3A_387 = arith.cmpi slt, %get3A_367, %lt3A_386 : vector<16xi32>
      tpu.vector_store_idx %arg5[%broadcast_in_dim3A_240, %add3A_384], %broadcast_in_dim3A_3 masked %lt3A_387 : memref<2x32768xf32, #tpu.memory_space<vmem>>[vector<16xi32>, vector<16xi32>], vector<16xf32>, vector<16xi1>
      %get3A_388 = arith.constant 0 : i32
      %get3A_389 = arith.index_cast %rem3A_169 : i32 to index
      %get3A_390 = arith.index_cast %get3A_388 : i32 to index
      %get3A_391 = arith.constant 96 : index
      %get3A_392 = tpu.vector_load %arg4[%get3A_389, %get3A_390, %get3A_391] {strides = array<i32>} : memref<4x8x128xi32, #tpu.memory_space<vmem>>, vector<16xi32>,
      %add3A_393 = arith.constant 96 : i32
      %add3A_394 = vector.broadcast %add3A_393 : i32 to vector<16xi32>
      %add3A_395 = arith.addi %add3A_394, %iota3A : vector<16xi32>
      %shift_right_arithmetic3A_396 = arith.constant 3 : i32
      %shift_right_arithmetic3A_397 = vector.broadcast %shift_right_arithmetic3A_396 : i32 to vector<16xi32>
      %shift_right_arithmetic3A_398 = arith.shrsi %get3A_392, %shift_right_arithmetic3A_397 : vector<16xi32>
      %shift_left3A_399 = arith.constant 13 : i32
      %shift_left3A_400 = vector.broadcast %shift_left3A_399 : i32 to vector<16xi32>
      %shift_left3A_401 = arith.shli %shift_right_arithmetic3A_398, %shift_left3A_400 : vector<16xi32>
      %and3A_402 = arith.constant 7 : i32
      %and3A_403 = vector.broadcast %and3A_402 : i32 to vector<16xi32>
      %and3A_404 = arith.andi %get3A_392, %and3A_403 : vector<16xi32>
      %shift_left3A_405 = arith.constant 7 : i32
      %shift_left3A_406 = vector.broadcast %shift_left3A_405 : i32 to vector<16xi32>
      %shift_left3A_407 = arith.shli %and3A_404, %shift_left3A_406 : vector<16xi32>
      %add3A_408 = arith.addi %shift_left3A_401, %shift_left3A_407 : vector<16xi32>
      %add3A_409 = arith.addi %add3A_408, %add3A_395 : vector<16xi32>
      %lt3A_410 = arith.constant 32 : i32
      %lt3A_411 = vector.broadcast %lt3A_410 : i32 to vector<16xi32>
      %lt3A_412 = arith.cmpi slt, %get3A_392, %lt3A_411 : vector<16xi32>
      tpu.vector_store_idx %arg5[%broadcast_in_dim3A_240, %add3A_409], %broadcast_in_dim3A_3 masked %lt3A_412 : memref<2x32768xf32, #tpu.memory_space<vmem>>[vector<16xi32>, vector<16xi32>], vector<16xf32>, vector<16xi1>
      %get3A_413 = arith.constant 0 : i32
      %get3A_414 = arith.index_cast %rem3A_169 : i32 to index
      %get3A_415 = arith.index_cast %get3A_413 : i32 to index
      %get3A_416 = arith.constant 112 : index
      %get3A_417 = tpu.vector_load %arg4[%get3A_414, %get3A_415, %get3A_416] {strides = array<i32>} : memref<4x8x128xi32, #tpu.memory_space<vmem>>, vector<16xi32>,
      %add3A_418 = arith.constant 112 : i32
      %add3A_419 = vector.broadcast %add3A_418 : i32 to vector<16xi32>
      %add3A_420 = arith.addi %add3A_419, %iota3A : vector<16xi32>
      %shift_right_arithmetic3A_421 = arith.constant 3 : i32
      %shift_right_arithmetic3A_422 = vector.broadcast %shift_right_arithmetic3A_421 : i32 to vector<16xi32>
      %shift_right_arithmetic3A_423 = arith.shrsi %get3A_417, %shift_right_arithmetic3A_422 : vector<16xi32>
      %shift_left3A_424 = arith.constant 13 : i32
      %shift_left3A_425 = vector.broadcast %shift_left3A_424 : i32 to vector<16xi32>
      %shift_left3A_426 = arith.shli %shift_right_arithmetic3A_423, %shift_left3A_425 : vector<16xi32>
      %and3A_427 = arith.constant 7 : i32
      %and3A_428 = vector.broadcast %and3A_427 : i32 to vector<16xi32>
      %and3A_429 = arith.andi %get3A_417, %and3A_428 : vector<16xi32>
      %shift_left3A_430 = arith.constant 7 : i32
      %shift_left3A_431 = vector.broadcast %shift_left3A_430 : i32 to vector<16xi32>
      %shift_left3A_432 = arith.shli %and3A_429, %shift_left3A_431 : vector<16xi32>
      %add3A_433 = arith.addi %shift_left3A_426, %shift_left3A_432 : vector<16xi32>
      %add3A_434 = arith.addi %add3A_433, %add3A_420 : vector<16xi32>
      %lt3A_435 = arith.constant 32 : i32
      %lt3A_436 = vector.broadcast %lt3A_435 : i32 to vector<16xi32>
      %lt3A_437 = arith.cmpi slt, %get3A_417, %lt3A_436 : vector<16xi32>
      tpu.vector_store_idx %arg5[%broadcast_in_dim3A_240, %add3A_434], %broadcast_in_dim3A_3 masked %lt3A_437 : memref<2x32768xf32, #tpu.memory_space<vmem>>[vector<16xi32>, vector<16xi32>], vector<16xf32>, vector<16xi1>
      %get3A_438 = arith.constant 1 : i32
      %get3A_439 = arith.index_cast %rem3A_169 : i32 to index
      %get3A_440 = arith.index_cast %get3A_438 : i32 to index
      %get3A_441 = arith.constant 0 : index
      %get3A_442 = tpu.vector_load %arg4[%get3A_439, %get3A_440, %get3A_441] {strides = array<i32>} : memref<4x8x128xi32, #tpu.memory_space<vmem>>, vector<16xi32>,
      %add3A_443 = arith.constant 1024 : i32
      %add3A_444 = vector.broadcast %add3A_443 : i32 to vector<16xi32>
      %add3A_445 = arith.addi %add3A_444, %iota3A : vector<16xi32>
      %shift_right_arithmetic3A_446 = arith.constant 3 : i32
      %shift_right_arithmetic3A_447 = vector.broadcast %shift_right_arithmetic3A_446 : i32 to vector<16xi32>
      %shift_right_arithmetic3A_448 = arith.shrsi %get3A_442, %shift_right_arithmetic3A_447 : vector<16xi32>
      %shift_left3A_449 = arith.constant 13 : i32
      %shift_left3A_450 = vector.broadcast %shift_left3A_449 : i32 to vector<16xi32>
      %shift_left3A_451 = arith.shli %shift_right_arithmetic3A_448, %shift_left3A_450 : vector<16xi32>
      %and3A_452 = arith.constant 7 : i32
      %and3A_453 = vector.broadcast %and3A_452 : i32 to vector<16xi32>
      %and3A_454 = arith.andi %get3A_442, %and3A_453 : vector<16xi32>
      %shift_left3A_455 = arith.constant 7 : i32
      %shift_left3A_456 = vector.broadcast %shift_left3A_455 : i32 to vector<16xi32>
      %shift_left3A_457 = arith.shli %and3A_454, %shift_left3A_456 : vector<16xi32>
      %add3A_458 = arith.addi %shift_left3A_451, %shift_left3A_457 : vector<16xi32>
      %add3A_459 = arith.addi %add3A_458, %add3A_445 : vector<16xi32>
      %lt3A_460 = arith.constant 32 : i32
      %lt3A_461 = vector.broadcast %lt3A_460 : i32 to vector<16xi32>
      %lt3A_462 = arith.cmpi slt, %get3A_442, %lt3A_461 : vector<16xi32>
      tpu.vector_store_idx %arg5[%broadcast_in_dim3A_240, %add3A_459], %broadcast_in_dim3A_3 masked %lt3A_462 : memref<2x32768xf32, #tpu.memory_space<vmem>>[vector<16xi32>, vector<16xi32>], vector<16xf32>, vector<16xi1>
      %get3A_463 = arith.constant 1 : i32
      %get3A_464 = arith.index_cast %rem3A_169 : i32 to index
      %get3A_465 = arith.index_cast %get3A_463 : i32 to index
      %get3A_466 = arith.constant 16 : index
      %get3A_467 = tpu.vector_load %arg4[%get3A_464, %get3A_465, %get3A_466] {strides = array<i32>} : memref<4x8x128xi32, #tpu.memory_space<vmem>>, vector<16xi32>,
      %add3A_468 = arith.constant 1040 : i32
      %add3A_469 = vector.broadcast %add3A_468 : i32 to vector<16xi32>
      %add3A_470 = arith.addi %add3A_469, %iota3A : vector<16xi32>
      %shift_right_arithmetic3A_471 = arith.constant 3 : i32
      %shift_right_arithmetic3A_472 = vector.broadcast %shift_right_arithmetic3A_471 : i32 to vector<16xi32>
      %shift_right_arithmetic3A_473 = arith.shrsi %get3A_467, %shift_right_arithmetic3A_472 : vector<16xi32>
      %shift_left3A_474 = arith.constant 13 : i32
      %shift_left3A_475 = vector.broadcast %shift_left3A_474 : i32 to vector<16xi32>
      %shift_left3A_476 = arith.shli %shift_right_arithmetic3A_473, %shift_left3A_475 : vector<16xi32>
      %and3A_477 = arith.constant 7 : i32
      %and3A_478 = vector.broadcast %and3A_477 : i32 to vector<16xi32>
      %and3A_479 = arith.andi %get3A_467, %and3A_478 : vector<16xi32>
      %shift_left3A_480 = arith.constant 7 : i32
      %shift_left3A_481 = vector.broadcast %shift_left3A_480 : i32 to vector<16xi32>
      %shift_left3A_482 = arith.shli %and3A_479, %shift_left3A_481 : vector<16xi32>
      %add3A_483 = arith.addi %shift_left3A_476, %shift_left3A_482 : vector<16xi32>
      %add3A_484 = arith.addi %add3A_483, %add3A_470 : vector<16xi32>
      %lt3A_485 = arith.constant 32 : i32
      %lt3A_486 = vector.broadcast %lt3A_485 : i32 to vector<16xi32>
      %lt3A_487 = arith.cmpi slt, %get3A_467, %lt3A_486 : vector<16xi32>
      tpu.vector_store_idx %arg5[%broadcast_in_dim3A_240, %add3A_484], %broadcast_in_dim3A_3 masked %lt3A_487 : memref<2x32768xf32, #tpu.memory_space<vmem>>[vector<16xi32>, vector<16xi32>], vector<16xf32>, vector<16xi1>
      %get3A_488 = arith.constant 1 : i32
      %get3A_489 = arith.index_cast %rem3A_169 : i32 to index
      %get3A_490 = arith.index_cast %get3A_488 : i32 to index
      %get3A_491 = arith.constant 32 : index
      %get3A_492 = tpu.vector_load %arg4[%get3A_489, %get3A_490, %get3A_491] {strides = array<i32>} : memref<4x8x128xi32, #tpu.memory_space<vmem>>, vector<16xi32>,
      %add3A_493 = arith.constant 1056 : i32
      %add3A_494 = vector.broadcast %add3A_493 : i32 to vector<16xi32>
      %add3A_495 = arith.addi %add3A_494, %iota3A : vector<16xi32>
      %shift_right_arithmetic3A_496 = arith.constant 3 : i32
      %shift_right_arithmetic3A_497 = vector.broadcast %shift_right_arithmetic3A_496 : i32 to vector<16xi32>
      %shift_right_arithmetic3A_498 = arith.shrsi %get3A_492, %shift_right_arithmetic3A_497 : vector<16xi32>
      %shift_left3A_499 = arith.constant 13 : i32
      %shift_left3A_500 = vector.broadcast %shift_left3A_499 : i32 to vector<16xi32>
      %shift_left3A_501 = arith.shli %shift_right_arithmetic3A_498, %shift_left3A_500 : vector<16xi32>
      %and3A_502 = arith.constant 7 : i32
      %and3A_503 = vector.broadcast %and3A_502 : i32 to vector<16xi32>
      %and3A_504 = arith.andi %get3A_492, %and3A_503 : vector<16xi32>
      %shift_left3A_505 = arith.constant 7 : i32
      %shift_left3A_506 = vector.broadcast %shift_left3A_505 : i32 to vector<16xi32>
      %shift_left3A_507 = arith.shli %and3A_504, %shift_left3A_506 : vector<16xi32>
      %add3A_508 = arith.addi %shift_left3A_501, %shift_left3A_507 : vector<16xi32>
      %add3A_509 = arith.addi %add3A_508, %add3A_495 : vector<16xi32>
      %lt3A_510 = arith.constant 32 : i32
      %lt3A_511 = vector.broadcast %lt3A_510 : i32 to vector<16xi32>
      %lt3A_512 = arith.cmpi slt, %get3A_492, %lt3A_511 : vector<16xi32>
      tpu.vector_store_idx %arg5[%broadcast_in_dim3A_240, %add3A_509], %broadcast_in_dim3A_3 masked %lt3A_512 : memref<2x32768xf32, #tpu.memory_space<vmem>>[vector<16xi32>, vector<16xi32>], vector<16xf32>, vector<16xi1>
      %get3A_513 = arith.constant 1 : i32
      %get3A_514 = arith.index_cast %rem3A_169 : i32 to index
      %get3A_515 = arith.index_cast %get3A_513 : i32 to index
      %get3A_516 = arith.constant 48 : index
      %get3A_517 = tpu.vector_load %arg4[%get3A_514, %get3A_515, %get3A_516] {strides = array<i32>} : memref<4x8x128xi32, #tpu.memory_space<vmem>>, vector<16xi32>,
      %add3A_518 = arith.constant 1072 : i32
      %add3A_519 = vector.broadcast %add3A_518 : i32 to vector<16xi32>
      %add3A_520 = arith.addi %add3A_519, %iota3A : vector<16xi32>
      %shift_right_arithmetic3A_521 = arith.constant 3 : i32
      %shift_right_arithmetic3A_522 = vector.broadcast %shift_right_arithmetic3A_521 : i32 to vector<16xi32>
      %shift_right_arithmetic3A_523 = arith.shrsi %get3A_517, %shift_right_arithmetic3A_522 : vector<16xi32>
      %shift_left3A_524 = arith.constant 13 : i32
      %shift_left3A_525 = vector.broadcast %shift_left3A_524 : i32 to vector<16xi32>
      %shift_left3A_526 = arith.shli %shift_right_arithmetic3A_523, %shift_left3A_525 : vector<16xi32>
      %and3A_527 = arith.constant 7 : i32
      %and3A_528 = vector.broadcast %and3A_527 : i32 to vector<16xi32>
      %and3A_529 = arith.andi %get3A_517, %and3A_528 : vector<16xi32>
      %shift_left3A_530 = arith.constant 7 : i32
      %shift_left3A_531 = vector.broadcast %shift_left3A_530 : i32 to vector<16xi32>
      %shift_left3A_532 = arith.shli %and3A_529, %shift_left3A_531 : vector<16xi32>
      %add3A_533 = arith.addi %shift_left3A_526, %shift_left3A_532 : vector<16xi32>
      %add3A_534 = arith.addi %add3A_533, %add3A_520 : vector<16xi32>
      %lt3A_535 = arith.constant 32 : i32
      %lt3A_536 = vector.broadcast %lt3A_535 : i32 to vector<16xi32>
      %lt3A_537 = arith.cmpi slt, %get3A_517, %lt3A_536 : vector<16xi32>
      tpu.vector_store_idx %arg5[%broadcast_in_dim3A_240, %add3A_534], %broadcast_in_dim3A_3 masked %lt3A_537 : memref<2x32768xf32, #tpu.memory_space<vmem>>[vector<16xi32>, vector<16xi32>], vector<16xf32>, vector<16xi1>
      %get3A_538 = arith.constant 1 : i32
      %get3A_539 = arith.index_cast %rem3A_169 : i32 to index
      %get3A_540 = arith.index_cast %get3A_538 : i32 to index
      %get3A_541 = arith.constant 64 : index
      %get3A_542 = tpu.vector_load %arg4[%get3A_539, %get3A_540, %get3A_541] {strides = array<i32>} : memref<4x8x128xi32, #tpu.memory_space<vmem>>, vector<16xi32>,
      %add3A_543 = arith.constant 1088 : i32
      %add3A_544 = vector.broadcast %add3A_543 : i32 to vector<16xi32>
      %add3A_545 = arith.addi %add3A_544, %iota3A : vector<16xi32>
      %shift_right_arithmetic3A_546 = arith.constant 3 : i32
      %shift_right_arithmetic3A_547 = vector.broadcast %shift_right_arithmetic3A_546 : i32 to vector<16xi32>
      %shift_right_arithmetic3A_548 = arith.shrsi %get3A_542, %shift_right_arithmetic3A_547 : vector<16xi32>
      %shift_left3A_549 = arith.constant 13 : i32
      %shift_left3A_550 = vector.broadcast %shift_left3A_549 : i32 to vector<16xi32>
      %shift_left3A_551 = arith.shli %shift_right_arithmetic3A_548, %shift_left3A_550 : vector<16xi32>
      %and3A_552 = arith.constant 7 : i32
      %and3A_553 = vector.broadcast %and3A_552 : i32 to vector<16xi32>
      %and3A_554 = arith.andi %get3A_542, %and3A_553 : vector<16xi32>
      %shift_left3A_555 = arith.constant 7 : i32
      %shift_left3A_556 = vector.broadcast %shift_left3A_555 : i32 to vector<16xi32>
      %shift_left3A_557 = arith.shli %and3A_554, %shift_left3A_556 : vector<16xi32>
      %add3A_558 = arith.addi %shift_left3A_551, %shift_left3A_557 : vector<16xi32>
      %add3A_559 = arith.addi %add3A_558, %add3A_545 : vector<16xi32>
      %lt3A_560 = arith.constant 32 : i32
      %lt3A_561 = vector.broadcast %lt3A_560 : i32 to vector<16xi32>
      %lt3A_562 = arith.cmpi slt, %get3A_542, %lt3A_561 : vector<16xi32>
      tpu.vector_store_idx %arg5[%broadcast_in_dim3A_240, %add3A_559], %broadcast_in_dim3A_3 masked %lt3A_562 : memref<2x32768xf32, #tpu.memory_space<vmem>>[vector<16xi32>, vector<16xi32>], vector<16xf32>, vector<16xi1>
      %get3A_563 = arith.constant 1 : i32
      %get3A_564 = arith.index_cast %rem3A_169 : i32 to index
      %get3A_565 = arith.index_cast %get3A_563 : i32 to index
      %get3A_566 = arith.constant 80 : index
      %get3A_567 = tpu.vector_load %arg4[%get3A_564, %get3A_565, %get3A_566] {strides = array<i32>} : memref<4x8x128xi32, #tpu.memory_space<vmem>>, vector<16xi32>,
      %add3A_568 = arith.constant 1104 : i32
      %add3A_569 = vector.broadcast %add3A_568 : i32 to vector<16xi32>
      %add3A_570 = arith.addi %add3A_569, %iota3A : vector<16xi32>
      %shift_right_arithmetic3A_571 = arith.constant 3 : i32
      %shift_right_arithmetic3A_572 = vector.broadcast %shift_right_arithmetic3A_571 : i32 to vector<16xi32>
      %shift_right_arithmetic3A_573 = arith.shrsi %get3A_567, %shift_right_arithmetic3A_572 : vector<16xi32>
      %shift_left3A_574 = arith.constant 13 : i32
      %shift_left3A_575 = vector.broadcast %shift_left3A_574 : i32 to vector<16xi32>
      %shift_left3A_576 = arith.shli %shift_right_arithmetic3A_573, %shift_left3A_575 : vector<16xi32>
      %and3A_577 = arith.constant 7 : i32
      %and3A_578 = vector.broadcast %and3A_577 : i32 to vector<16xi32>
      %and3A_579 = arith.andi %get3A_567, %and3A_578 : vector<16xi32>
      %shift_left3A_580 = arith.constant 7 : i32
      %shift_left3A_581 = vector.broadcast %shift_left3A_580 : i32 to vector<16xi32>
      %shift_left3A_582 = arith.shli %and3A_579, %shift_left3A_581 : vector<16xi32>
      %add3A_583 = arith.addi %shift_left3A_576, %shift_left3A_582 : vector<16xi32>
      %add3A_584 = arith.addi %add3A_583, %add3A_570 : vector<16xi32>
      %lt3A_585 = arith.constant 32 : i32
      %lt3A_586 = vector.broadcast %lt3A_585 : i32 to vector<16xi32>
      %lt3A_587 = arith.cmpi slt, %get3A_567, %lt3A_586 : vector<16xi32>
      tpu.vector_store_idx %arg5[%broadcast_in_dim3A_240, %add3A_584], %broadcast_in_dim3A_3 masked %lt3A_587 : memref<2x32768xf32, #tpu.memory_space<vmem>>[vector<16xi32>, vector<16xi32>], vector<16xf32>, vector<16xi1>
      %get3A_588 = arith.constant 1 : i32
      %get3A_589 = arith.index_cast %rem3A_169 : i32 to index
      %get3A_590 = arith.index_cast %get3A_588 : i32 to index
      %get3A_591 = arith.constant 96 : index
      %get3A_592 = tpu.vector_load %arg4[%get3A_589, %get3A_590, %get3A_591] {strides = array<i32>} : memref<4x8x128xi32, #tpu.memory_space<vmem>>, vector<16xi32>,
      %add3A_593 = arith.constant 1120 : i32
      %add3A_594 = vector.broadcast %add3A_593 : i32 to vector<16xi32>
      %add3A_595 = arith.addi %add3A_594, %iota3A : vector<16xi32>
      %shift_right_arithmetic3A_596 = arith.constant 3 : i32
      %shift_right_arithmetic3A_597 = vector.broadcast %shift_right_arithmetic3A_596 : i32 to vector<16xi32>
      %shift_right_arithmetic3A_598 = arith.shrsi %get3A_592, %shift_right_arithmetic3A_597 : vector<16xi32>
      %shift_left3A_599 = arith.constant 13 : i32
      %shift_left3A_600 = vector.broadcast %shift_left3A_599 : i32 to vector<16xi32>
      %shift_left3A_601 = arith.shli %shift_right_arithmetic3A_598, %shift_left3A_600 : vector<16xi32>
      %and3A_602 = arith.constant 7 : i32
      %and3A_603 = vector.broadcast %and3A_602 : i32 to vector<16xi32>
      %and3A_604 = arith.andi %get3A_592, %and3A_603 : vector<16xi32>
      %shift_left3A_605 = arith.constant 7 : i32
      %shift_left3A_606 = vector.broadcast %shift_left3A_605 : i32 to vector<16xi32>
      %shift_left3A_607 = arith.shli %and3A_604, %shift_left3A_606 : vector<16xi32>
      %add3A_608 = arith.addi %shift_left3A_601, %shift_left3A_607 : vector<16xi32>
      %add3A_609 = arith.addi %add3A_608, %add3A_595 : vector<16xi32>
      %lt3A_610 = arith.constant 32 : i32
      %lt3A_611 = vector.broadcast %lt3A_610 : i32 to vector<16xi32>
      %lt3A_612 = arith.cmpi slt, %get3A_592, %lt3A_611 : vector<16xi32>
      tpu.vector_store_idx %arg5[%broadcast_in_dim3A_240, %add3A_609], %broadcast_in_dim3A_3 masked %lt3A_612 : memref<2x32768xf32, #tpu.memory_space<vmem>>[vector<16xi32>, vector<16xi32>], vector<16xf32>, vector<16xi1>
      %get3A_613 = arith.constant 1 : i32
      %get3A_614 = arith.index_cast %rem3A_169 : i32 to index
      %get3A_615 = arith.index_cast %get3A_613 : i32 to index
      %get3A_616 = arith.constant 112 : index
      %get3A_617 = tpu.vector_load %arg4[%get3A_614, %get3A_615, %get3A_616] {strides = array<i32>} : memref<4x8x128xi32, #tpu.memory_space<vmem>>, vector<16xi32>,
      %add3A_618 = arith.constant 1136 : i32
      %add3A_619 = vector.broadcast %add3A_618 : i32 to vector<16xi32>
      %add3A_620 = arith.addi %add3A_619, %iota3A : vector<16xi32>
      %shift_right_arithmetic3A_621 = arith.constant 3 : i32
      %shift_right_arithmetic3A_622 = vector.broadcast %shift_right_arithmetic3A_621 : i32 to vector<16xi32>
      %shift_right_arithmetic3A_623 = arith.shrsi %get3A_617, %shift_right_arithmetic3A_622 : vector<16xi32>
      %shift_left3A_624 = arith.constant 13 : i32
      %shift_left3A_625 = vector.broadcast %shift_left3A_624 : i32 to vector<16xi32>
      %shift_left3A_626 = arith.shli %shift_right_arithmetic3A_623, %shift_left3A_625 : vector<16xi32>
      %and3A_627 = arith.constant 7 : i32
      %and3A_628 = vector.broadcast %and3A_627 : i32 to vector<16xi32>
      %and3A_629 = arith.andi %get3A_617, %and3A_628 : vector<16xi32>
      %shift_left3A_630 = arith.constant 7 : i32
      %shift_left3A_631 = vector.broadcast %shift_left3A_630 : i32 to vector<16xi32>
      %shift_left3A_632 = arith.shli %and3A_629, %shift_left3A_631 : vector<16xi32>
      %add3A_633 = arith.addi %shift_left3A_626, %shift_left3A_632 : vector<16xi32>
      %add3A_634 = arith.addi %add3A_633, %add3A_620 : vector<16xi32>
      %lt3A_635 = arith.constant 32 : i32
      %lt3A_636 = vector.broadcast %lt3A_635 : i32 to vector<16xi32>
      %lt3A_637 = arith.cmpi slt, %get3A_617, %lt3A_636 : vector<16xi32>
      tpu.vector_store_idx %arg5[%broadcast_in_dim3A_240, %add3A_634], %broadcast_in_dim3A_3 masked %lt3A_637 : memref<2x32768xf32, #tpu.memory_space<vmem>>[vector<16xi32>, vector<16xi32>], vector<16xf32>, vector<16xi1>
      %get3A_638 = arith.constant 2 : i32
      %get3A_639 = arith.index_cast %rem3A_169 : i32 to index
      %get3A_640 = arith.index_cast %get3A_638 : i32 to index
      %get3A_641 = arith.constant 0 : index
      %get3A_642 = tpu.vector_load %arg4[%get3A_639, %get3A_640, %get3A_641] {strides = array<i32>} : memref<4x8x128xi32, #tpu.memory_space<vmem>>, vector<16xi32>,
      %add3A_643 = arith.constant 2048 : i32
      %add3A_644 = vector.broadcast %add3A_643 : i32 to vector<16xi32>
      %add3A_645 = arith.addi %add3A_644, %iota3A : vector<16xi32>
      %shift_right_arithmetic3A_646 = arith.constant 3 : i32
      %shift_right_arithmetic3A_647 = vector.broadcast %shift_right_arithmetic3A_646 : i32 to vector<16xi32>
      %shift_right_arithmetic3A_648 = arith.shrsi %get3A_642, %shift_right_arithmetic3A_647 : vector<16xi32>
      %shift_left3A_649 = arith.constant 13 : i32
      %shift_left3A_650 = vector.broadcast %shift_left3A_649 : i32 to vector<16xi32>
      %shift_left3A_651 = arith.shli %shift_right_arithmetic3A_648, %shift_left3A_650 : vector<16xi32>
      %and3A_652 = arith.constant 7 : i32
      %and3A_653 = vector.broadcast %and3A_652 : i32 to vector<16xi32>
      %and3A_654 = arith.andi %get3A_642, %and3A_653 : vector<16xi32>
      %shift_left3A_655 = arith.constant 7 : i32
      %shift_left3A_656 = vector.broadcast %shift_left3A_655 : i32 to vector<16xi32>
      %shift_left3A_657 = arith.shli %and3A_654, %shift_left3A_656 : vector<16xi32>
      %add3A_658 = arith.addi %shift_left3A_651, %shift_left3A_657 : vector<16xi32>
      %add3A_659 = arith.addi %add3A_658, %add3A_645 : vector<16xi32>
      %lt3A_660 = arith.constant 32 : i32
      %lt3A_661 = vector.broadcast %lt3A_660 : i32 to vector<16xi32>
      %lt3A_662 = arith.cmpi slt, %get3A_642, %lt3A_661 : vector<16xi32>
      tpu.vector_store_idx %arg5[%broadcast_in_dim3A_240, %add3A_659], %broadcast_in_dim3A_3 masked %lt3A_662 : memref<2x32768xf32, #tpu.memory_space<vmem>>[vector<16xi32>, vector<16xi32>], vector<16xf32>, vector<16xi1>
      %get3A_663 = arith.constant 2 : i32
      %get3A_664 = arith.index_cast %rem3A_169 : i32 to index
      %get3A_665 = arith.index_cast %get3A_663 : i32 to index
      %get3A_666 = arith.constant 16 : index
      %get3A_667 = tpu.vector_load %arg4[%get3A_664, %get3A_665, %get3A_666] {strides = array<i32>} : memref<4x8x128xi32, #tpu.memory_space<vmem>>, vector<16xi32>,
      %add3A_668 = arith.constant 2064 : i32
      %add3A_669 = vector.broadcast %add3A_668 : i32 to vector<16xi32>
      %add3A_670 = arith.addi %add3A_669, %iota3A : vector<16xi32>
      %shift_right_arithmetic3A_671 = arith.constant 3 : i32
      %shift_right_arithmetic3A_672 = vector.broadcast %shift_right_arithmetic3A_671 : i32 to vector<16xi32>
      %shift_right_arithmetic3A_673 = arith.shrsi %get3A_667, %shift_right_arithmetic3A_672 : vector<16xi32>
      %shift_left3A_674 = arith.constant 13 : i32
      %shift_left3A_675 = vector.broadcast %shift_left3A_674 : i32 to vector<16xi32>
      %shift_left3A_676 = arith.shli %shift_right_arithmetic3A_673, %shift_left3A_675 : vector<16xi32>
      %and3A_677 = arith.constant 7 : i32
      %and3A_678 = vector.broadcast %and3A_677 : i32 to vector<16xi32>
      %and3A_679 = arith.andi %get3A_667, %and3A_678 : vector<16xi32>
      %shift_left3A_680 = arith.constant 7 : i32
      %shift_left3A_681 = vector.broadcast %shift_left3A_680 : i32 to vector<16xi32>
      %shift_left3A_682 = arith.shli %and3A_679, %shift_left3A_681 : vector<16xi32>
      %add3A_683 = arith.addi %shift_left3A_676, %shift_left3A_682 : vector<16xi32>
      %add3A_684 = arith.addi %add3A_683, %add3A_670 : vector<16xi32>
      %lt3A_685 = arith.constant 32 : i32
      %lt3A_686 = vector.broadcast %lt3A_685 : i32 to vector<16xi32>
      %lt3A_687 = arith.cmpi slt, %get3A_667, %lt3A_686 : vector<16xi32>
      tpu.vector_store_idx %arg5[%broadcast_in_dim3A_240, %add3A_684], %broadcast_in_dim3A_3 masked %lt3A_687 : memref<2x32768xf32, #tpu.memory_space<vmem>>[vector<16xi32>, vector<16xi32>], vector<16xf32>, vector<16xi1>
      %get3A_688 = arith.constant 2 : i32
      %get3A_689 = arith.index_cast %rem3A_169 : i32 to index
      %get3A_690 = arith.index_cast %get3A_688 : i32 to index
      %get3A_691 = arith.constant 32 : index
      %get3A_692 = tpu.vector_load %arg4[%get3A_689, %get3A_690, %get3A_691] {strides = array<i32>} : memref<4x8x128xi32, #tpu.memory_space<vmem>>, vector<16xi32>,
      %add3A_693 = arith.constant 2080 : i32
      %add3A_694 = vector.broadcast %add3A_693 : i32 to vector<16xi32>
      %add3A_695 = arith.addi %add3A_694, %iota3A : vector<16xi32>
      %shift_right_arithmetic3A_696 = arith.constant 3 : i32
      %shift_right_arithmetic3A_697 = vector.broadcast %shift_right_arithmetic3A_696 : i32 to vector<16xi32>
      %shift_right_arithmetic3A_698 = arith.shrsi %get3A_692, %shift_right_arithmetic3A_697 : vector<16xi32>
      %shift_left3A_699 = arith.constant 13 : i32
      %shift_left3A_700 = vector.broadcast %shift_left3A_699 : i32 to vector<16xi32>
      %shift_left3A_701 = arith.shli %shift_right_arithmetic3A_698, %shift_left3A_700 : vector<16xi32>
      %and3A_702 = arith.constant 7 : i32
      %and3A_703 = vector.broadcast %and3A_702 : i32 to vector<16xi32>
      %and3A_704 = arith.andi %get3A_692, %and3A_703 : vector<16xi32>
      %shift_left3A_705 = arith.constant 7 : i32
      %shift_left3A_706 = vector.broadcast %shift_left3A_705 : i32 to vector<16xi32>
      %shift_left3A_707 = arith.shli %and3A_704, %shift_left3A_706 : vector<16xi32>
      %add3A_708 = arith.addi %shift_left3A_701, %shift_left3A_707 : vector<16xi32>
      %add3A_709 = arith.addi %add3A_708, %add3A_695 : vector<16xi32>
      %lt3A_710 = arith.constant 32 : i32
      %lt3A_711 = vector.broadcast %lt3A_710 : i32 to vector<16xi32>
      %lt3A_712 = arith.cmpi slt, %get3A_692, %lt3A_711 : vector<16xi32>
      tpu.vector_store_idx %arg5[%broadcast_in_dim3A_240, %add3A_709], %broadcast_in_dim3A_3 masked %lt3A_712 : memref<2x32768xf32, #tpu.memory_space<vmem>>[vector<16xi32>, vector<16xi32>], vector<16xf32>, vector<16xi1>
      %get3A_713 = arith.constant 2 : i32
      %get3A_714 = arith.index_cast %rem3A_169 : i32 to index
      %get3A_715 = arith.index_cast %get3A_713 : i32 to index
      %get3A_716 = arith.constant 48 : index
      %get3A_717 = tpu.vector_load %arg4[%get3A_714, %get3A_715, %get3A_716] {strides = array<i32>} : memref<4x8x128xi32, #tpu.memory_space<vmem>>, vector<16xi32>,
      %add3A_718 = arith.constant 2096 : i32
      %add3A_719 = vector.broadcast %add3A_718 : i32 to vector<16xi32>
      %add3A_720 = arith.addi %add3A_719, %iota3A : vector<16xi32>
      %shift_right_arithmetic3A_721 = arith.constant 3 : i32
      %shift_right_arithmetic3A_722 = vector.broadcast %shift_right_arithmetic3A_721 : i32 to vector<16xi32>
      %shift_right_arithmetic3A_723 = arith.shrsi %get3A_717, %shift_right_arithmetic3A_722 : vector<16xi32>
      %shift_left3A_724 = arith.constant 13 : i32
      %shift_left3A_725 = vector.broadcast %shift_left3A_724 : i32 to vector<16xi32>
      %shift_left3A_726 = arith.shli %shift_right_arithmetic3A_723, %shift_left3A_725 : vector<16xi32>
      %and3A_727 = arith.constant 7 : i32
      %and3A_728 = vector.broadcast %and3A_727 : i32 to vector<16xi32>
      %and3A_729 = arith.andi %get3A_717, %and3A_728 : vector<16xi32>
      %shift_left3A_730 = arith.constant 7 : i32
      %shift_left3A_731 = vector.broadcast %shift_left3A_730 : i32 to vector<16xi32>
      %shift_left3A_732 = arith.shli %and3A_729, %shift_left3A_731 : vector<16xi32>
      %add3A_733 = arith.addi %shift_left3A_726, %shift_left3A_732 : vector<16xi32>
      %add3A_734 = arith.addi %add3A_733, %add3A_720 : vector<16xi32>
      %lt3A_735 = arith.constant 32 : i32
      %lt3A_736 = vector.broadcast %lt3A_735 : i32 to vector<16xi32>
      %lt3A_737 = arith.cmpi slt, %get3A_717, %lt3A_736 : vector<16xi32>
      tpu.vector_store_idx %arg5[%broadcast_in_dim3A_240, %add3A_734], %broadcast_in_dim3A_3 masked %lt3A_737 : memref<2x32768xf32, #tpu.memory_space<vmem>>[vector<16xi32>, vector<16xi32>], vector<16xf32>, vector<16xi1>
      %get3A_738 = arith.constant 2 : i32
      %get3A_739 = arith.index_cast %rem3A_169 : i32 to index
      %get3A_740 = arith.index_cast %get3A_738 : i32 to index
      %get3A_741 = arith.constant 64 : index
      %get3A_742 = tpu.vector_load %arg4[%get3A_739, %get3A_740, %get3A_741] {strides = array<i32>} : memref<4x8x128xi32, #tpu.memory_space<vmem>>, vector<16xi32>,
      %add3A_743 = arith.constant 2112 : i32
      %add3A_744 = vector.broadcast %add3A_743 : i32 to vector<16xi32>
      %add3A_745 = arith.addi %add3A_744, %iota3A : vector<16xi32>
      %shift_right_arithmetic3A_746 = arith.constant 3 : i32
      %shift_right_arithmetic3A_747 = vector.broadcast %shift_right_arithmetic3A_746 : i32 to vector<16xi32>
      %shift_right_arithmetic3A_748 = arith.shrsi %get3A_742, %shift_right_arithmetic3A_747 : vector<16xi32>
      %shift_left3A_749 = arith.constant 13 : i32
      %shift_left3A_750 = vector.broadcast %shift_left3A_749 : i32 to vector<16xi32>
      %shift_left3A_751 = arith.shli %shift_right_arithmetic3A_748, %shift_left3A_750 : vector<16xi32>
      %and3A_752 = arith.constant 7 : i32
      %and3A_753 = vector.broadcast %and3A_752 : i32 to vector<16xi32>
      %and3A_754 = arith.andi %get3A_742, %and3A_753 : vector<16xi32>
      %shift_left3A_755 = arith.constant 7 : i32
      %shift_left3A_756 = vector.broadcast %shift_left3A_755 : i32 to vector<16xi32>
      %shift_left3A_757 = arith.shli %and3A_754, %shift_left3A_756 : vector<16xi32>
      %add3A_758 = arith.addi %shift_left3A_751, %shift_left3A_757 : vector<16xi32>
      %add3A_759 = arith.addi %add3A_758, %add3A_745 : vector<16xi32>
      %lt3A_760 = arith.constant 32 : i32
      %lt3A_761 = vector.broadcast %lt3A_760 : i32 to vector<16xi32>
      %lt3A_762 = arith.cmpi slt, %get3A_742, %lt3A_761 : vector<16xi32>
      tpu.vector_store_idx %arg5[%broadcast_in_dim3A_240, %add3A_759], %broadcast_in_dim3A_3 masked %lt3A_762 : memref<2x32768xf32, #tpu.memory_space<vmem>>[vector<16xi32>, vector<16xi32>], vector<16xf32>, vector<16xi1>
      %get3A_763 = arith.constant 2 : i32
      %get3A_764 = arith.index_cast %rem3A_169 : i32 to index
      %get3A_765 = arith.index_cast %get3A_763 : i32 to index
      %get3A_766 = arith.constant 80 : index
      %get3A_767 = tpu.vector_load %arg4[%get3A_764, %get3A_765, %get3A_766] {strides = array<i32>} : memref<4x8x128xi32, #tpu.memory_space<vmem>>, vector<16xi32>,
      %add3A_768 = arith.constant 2128 : i32
      %add3A_769 = vector.broadcast %add3A_768 : i32 to vector<16xi32>
      %add3A_770 = arith.addi %add3A_769, %iota3A : vector<16xi32>
      %shift_right_arithmetic3A_771 = arith.constant 3 : i32
      %shift_right_arithmetic3A_772 = vector.broadcast %shift_right_arithmetic3A_771 : i32 to vector<16xi32>
      %shift_right_arithmetic3A_773 = arith.shrsi %get3A_767, %shift_right_arithmetic3A_772 : vector<16xi32>
      %shift_left3A_774 = arith.constant 13 : i32
      %shift_left3A_775 = vector.broadcast %shift_left3A_774 : i32 to vector<16xi32>
      %shift_left3A_776 = arith.shli %shift_right_arithmetic3A_773, %shift_left3A_775 : vector<16xi32>
      %and3A_777 = arith.constant 7 : i32
      %and3A_778 = vector.broadcast %and3A_777 : i32 to vector<16xi32>
      %and3A_779 = arith.andi %get3A_767, %and3A_778 : vector<16xi32>
      %shift_left3A_780 = arith.constant 7 : i32
      %shift_left3A_781 = vector.broadcast %shift_left3A_780 : i32 to vector<16xi32>
      %shift_left3A_782 = arith.shli %and3A_779, %shift_left3A_781 : vector<16xi32>
      %add3A_783 = arith.addi %shift_left3A_776, %shift_left3A_782 : vector<16xi32>
      %add3A_784 = arith.addi %add3A_783, %add3A_770 : vector<16xi32>
      %lt3A_785 = arith.constant 32 : i32
      %lt3A_786 = vector.broadcast %lt3A_785 : i32 to vector<16xi32>
      %lt3A_787 = arith.cmpi slt, %get3A_767, %lt3A_786 : vector<16xi32>
      tpu.vector_store_idx %arg5[%broadcast_in_dim3A_240, %add3A_784], %broadcast_in_dim3A_3 masked %lt3A_787 : memref<2x32768xf32, #tpu.memory_space<vmem>>[vector<16xi32>, vector<16xi32>], vector<16xf32>, vector<16xi1>
      %get3A_788 = arith.constant 2 : i32
      %get3A_789 = arith.index_cast %rem3A_169 : i32 to index
      %get3A_790 = arith.index_cast %get3A_788 : i32 to index
      %get3A_791 = arith.constant 96 : index
      %get3A_792 = tpu.vector_load %arg4[%get3A_789, %get3A_790, %get3A_791] {strides = array<i32>} : memref<4x8x128xi32, #tpu.memory_space<vmem>>, vector<16xi32>,
      %add3A_793 = arith.constant 2144 : i32
      %add3A_794 = vector.broadcast %add3A_793 : i32 to vector<16xi32>
      %add3A_795 = arith.addi %add3A_794, %iota3A : vector<16xi32>
      %shift_right_arithmetic3A_796 = arith.constant 3 : i32
      %shift_right_arithmetic3A_797 = vector.broadcast %shift_right_arithmetic3A_796 : i32 to vector<16xi32>
      %shift_right_arithmetic3A_798 = arith.shrsi %get3A_792, %shift_right_arithmetic3A_797 : vector<16xi32>
      %shift_left3A_799 = arith.constant 13 : i32
      %shift_left3A_800 = vector.broadcast %shift_left3A_799 : i32 to vector<16xi32>
      %shift_left3A_801 = arith.shli %shift_right_arithmetic3A_798, %shift_left3A_800 : vector<16xi32>
      %and3A_802 = arith.constant 7 : i32
      %and3A_803 = vector.broadcast %and3A_802 : i32 to vector<16xi32>
      %and3A_804 = arith.andi %get3A_792, %and3A_803 : vector<16xi32>
      %shift_left3A_805 = arith.constant 7 : i32
      %shift_left3A_806 = vector.broadcast %shift_left3A_805 : i32 to vector<16xi32>
      %shift_left3A_807 = arith.shli %and3A_804, %shift_left3A_806 : vector<16xi32>
      %add3A_808 = arith.addi %shift_left3A_801, %shift_left3A_807 : vector<16xi32>
      %add3A_809 = arith.addi %add3A_808, %add3A_795 : vector<16xi32>
      %lt3A_810 = arith.constant 32 : i32
      %lt3A_811 = vector.broadcast %lt3A_810 : i32 to vector<16xi32>
      %lt3A_812 = arith.cmpi slt, %get3A_792, %lt3A_811 : vector<16xi32>
      tpu.vector_store_idx %arg5[%broadcast_in_dim3A_240, %add3A_809], %broadcast_in_dim3A_3 masked %lt3A_812 : memref<2x32768xf32, #tpu.memory_space<vmem>>[vector<16xi32>, vector<16xi32>], vector<16xf32>, vector<16xi1>
      %get3A_813 = arith.constant 2 : i32
      %get3A_814 = arith.index_cast %rem3A_169 : i32 to index
      %get3A_815 = arith.index_cast %get3A_813 : i32 to index
      %get3A_816 = arith.constant 112 : index
      %get3A_817 = tpu.vector_load %arg4[%get3A_814, %get3A_815, %get3A_816] {strides = array<i32>} : memref<4x8x128xi32, #tpu.memory_space<vmem>>, vector<16xi32>,
      %add3A_818 = arith.constant 2160 : i32
      %add3A_819 = vector.broadcast %add3A_818 : i32 to vector<16xi32>
      %add3A_820 = arith.addi %add3A_819, %iota3A : vector<16xi32>
      %shift_right_arithmetic3A_821 = arith.constant 3 : i32
      %shift_right_arithmetic3A_822 = vector.broadcast %shift_right_arithmetic3A_821 : i32 to vector<16xi32>
      %shift_right_arithmetic3A_823 = arith.shrsi %get3A_817, %shift_right_arithmetic3A_822 : vector<16xi32>
      %shift_left3A_824 = arith.constant 13 : i32
      %shift_left3A_825 = vector.broadcast %shift_left3A_824 : i32 to vector<16xi32>
      %shift_left3A_826 = arith.shli %shift_right_arithmetic3A_823, %shift_left3A_825 : vector<16xi32>
      %and3A_827 = arith.constant 7 : i32
      %and3A_828 = vector.broadcast %and3A_827 : i32 to vector<16xi32>
      %and3A_829 = arith.andi %get3A_817, %and3A_828 : vector<16xi32>
      %shift_left3A_830 = arith.constant 7 : i32
      %shift_left3A_831 = vector.broadcast %shift_left3A_830 : i32 to vector<16xi32>
      %shift_left3A_832 = arith.shli %and3A_829, %shift_left3A_831 : vector<16xi32>
      %add3A_833 = arith.addi %shift_left3A_826, %shift_left3A_832 : vector<16xi32>
      %add3A_834 = arith.addi %add3A_833, %add3A_820 : vector<16xi32>
      %lt3A_835 = arith.constant 32 : i32
      %lt3A_836 = vector.broadcast %lt3A_835 : i32 to vector<16xi32>
      %lt3A_837 = arith.cmpi slt, %get3A_817, %lt3A_836 : vector<16xi32>
      tpu.vector_store_idx %arg5[%broadcast_in_dim3A_240, %add3A_834], %broadcast_in_dim3A_3 masked %lt3A_837 : memref<2x32768xf32, #tpu.memory_space<vmem>>[vector<16xi32>, vector<16xi32>], vector<16xf32>, vector<16xi1>
      %get3A_838 = arith.constant 3 : i32
      %get3A_839 = arith.index_cast %rem3A_169 : i32 to index
      %get3A_840 = arith.index_cast %get3A_838 : i32 to index
      %get3A_841 = arith.constant 0 : index
      %get3A_842 = tpu.vector_load %arg4[%get3A_839, %get3A_840, %get3A_841] {strides = array<i32>} : memref<4x8x128xi32, #tpu.memory_space<vmem>>, vector<16xi32>,
      %add3A_843 = arith.constant 3072 : i32
      %add3A_844 = vector.broadcast %add3A_843 : i32 to vector<16xi32>
      %add3A_845 = arith.addi %add3A_844, %iota3A : vector<16xi32>
      %shift_right_arithmetic3A_846 = arith.constant 3 : i32
      %shift_right_arithmetic3A_847 = vector.broadcast %shift_right_arithmetic3A_846 : i32 to vector<16xi32>
      %shift_right_arithmetic3A_848 = arith.shrsi %get3A_842, %shift_right_arithmetic3A_847 : vector<16xi32>
      %shift_left3A_849 = arith.constant 13 : i32
      %shift_left3A_850 = vector.broadcast %shift_left3A_849 : i32 to vector<16xi32>
      %shift_left3A_851 = arith.shli %shift_right_arithmetic3A_848, %shift_left3A_850 : vector<16xi32>
      %and3A_852 = arith.constant 7 : i32
      %and3A_853 = vector.broadcast %and3A_852 : i32 to vector<16xi32>
      %and3A_854 = arith.andi %get3A_842, %and3A_853 : vector<16xi32>
      %shift_left3A_855 = arith.constant 7 : i32
      %shift_left3A_856 = vector.broadcast %shift_left3A_855 : i32 to vector<16xi32>
      %shift_left3A_857 = arith.shli %and3A_854, %shift_left3A_856 : vector<16xi32>
      %add3A_858 = arith.addi %shift_left3A_851, %shift_left3A_857 : vector<16xi32>
      %add3A_859 = arith.addi %add3A_858, %add3A_845 : vector<16xi32>
      %lt3A_860 = arith.constant 32 : i32
      %lt3A_861 = vector.broadcast %lt3A_860 : i32 to vector<16xi32>
      %lt3A_862 = arith.cmpi slt, %get3A_842, %lt3A_861 : vector<16xi32>
      tpu.vector_store_idx %arg5[%broadcast_in_dim3A_240, %add3A_859], %broadcast_in_dim3A_3 masked %lt3A_862 : memref<2x32768xf32, #tpu.memory_space<vmem>>[vector<16xi32>, vector<16xi32>], vector<16xf32>, vector<16xi1>
      %get3A_863 = arith.constant 3 : i32
      %get3A_864 = arith.index_cast %rem3A_169 : i32 to index
      %get3A_865 = arith.index_cast %get3A_863 : i32 to index
      %get3A_866 = arith.constant 16 : index
      %get3A_867 = tpu.vector_load %arg4[%get3A_864, %get3A_865, %get3A_866] {strides = array<i32>} : memref<4x8x128xi32, #tpu.memory_space<vmem>>, vector<16xi32>,
      %add3A_868 = arith.constant 3088 : i32
      %add3A_869 = vector.broadcast %add3A_868 : i32 to vector<16xi32>
      %add3A_870 = arith.addi %add3A_869, %iota3A : vector<16xi32>
      %shift_right_arithmetic3A_871 = arith.constant 3 : i32
      %shift_right_arithmetic3A_872 = vector.broadcast %shift_right_arithmetic3A_871 : i32 to vector<16xi32>
      %shift_right_arithmetic3A_873 = arith.shrsi %get3A_867, %shift_right_arithmetic3A_872 : vector<16xi32>
      %shift_left3A_874 = arith.constant 13 : i32
      %shift_left3A_875 = vector.broadcast %shift_left3A_874 : i32 to vector<16xi32>
      %shift_left3A_876 = arith.shli %shift_right_arithmetic3A_873, %shift_left3A_875 : vector<16xi32>
      %and3A_877 = arith.constant 7 : i32
      %and3A_878 = vector.broadcast %and3A_877 : i32 to vector<16xi32>
      %and3A_879 = arith.andi %get3A_867, %and3A_878 : vector<16xi32>
      %shift_left3A_880 = arith.constant 7 : i32
      %shift_left3A_881 = vector.broadcast %shift_left3A_880 : i32 to vector<16xi32>
      %shift_left3A_882 = arith.shli %and3A_879, %shift_left3A_881 : vector<16xi32>
      %add3A_883 = arith.addi %shift_left3A_876, %shift_left3A_882 : vector<16xi32>
      %add3A_884 = arith.addi %add3A_883, %add3A_870 : vector<16xi32>
      %lt3A_885 = arith.constant 32 : i32
      %lt3A_886 = vector.broadcast %lt3A_885 : i32 to vector<16xi32>
      %lt3A_887 = arith.cmpi slt, %get3A_867, %lt3A_886 : vector<16xi32>
      tpu.vector_store_idx %arg5[%broadcast_in_dim3A_240, %add3A_884], %broadcast_in_dim3A_3 masked %lt3A_887 : memref<2x32768xf32, #tpu.memory_space<vmem>>[vector<16xi32>, vector<16xi32>], vector<16xf32>, vector<16xi1>
      %get3A_888 = arith.constant 3 : i32
      %get3A_889 = arith.index_cast %rem3A_169 : i32 to index
      %get3A_890 = arith.index_cast %get3A_888 : i32 to index
      %get3A_891 = arith.constant 32 : index
      %get3A_892 = tpu.vector_load %arg4[%get3A_889, %get3A_890, %get3A_891] {strides = array<i32>} : memref<4x8x128xi32, #tpu.memory_space<vmem>>, vector<16xi32>,
      %add3A_893 = arith.constant 3104 : i32
      %add3A_894 = vector.broadcast %add3A_893 : i32 to vector<16xi32>
      %add3A_895 = arith.addi %add3A_894, %iota3A : vector<16xi32>
      %shift_right_arithmetic3A_896 = arith.constant 3 : i32
      %shift_right_arithmetic3A_897 = vector.broadcast %shift_right_arithmetic3A_896 : i32 to vector<16xi32>
      %shift_right_arithmetic3A_898 = arith.shrsi %get3A_892, %shift_right_arithmetic3A_897 : vector<16xi32>
      %shift_left3A_899 = arith.constant 13 : i32
      %shift_left3A_900 = vector.broadcast %shift_left3A_899 : i32 to vector<16xi32>
      %shift_left3A_901 = arith.shli %shift_right_arithmetic3A_898, %shift_left3A_900 : vector<16xi32>
      %and3A_902 = arith.constant 7 : i32
      %and3A_903 = vector.broadcast %and3A_902 : i32 to vector<16xi32>
      %and3A_904 = arith.andi %get3A_892, %and3A_903 : vector<16xi32>
      %shift_left3A_905 = arith.constant 7 : i32
      %shift_left3A_906 = vector.broadcast %shift_left3A_905 : i32 to vector<16xi32>
      %shift_left3A_907 = arith.shli %and3A_904, %shift_left3A_906 : vector<16xi32>
      %add3A_908 = arith.addi %shift_left3A_901, %shift_left3A_907 : vector<16xi32>
      %add3A_909 = arith.addi %add3A_908, %add3A_895 : vector<16xi32>
      %lt3A_910 = arith.constant 32 : i32
      %lt3A_911 = vector.broadcast %lt3A_910 : i32 to vector<16xi32>
      %lt3A_912 = arith.cmpi slt, %get3A_892, %lt3A_911 : vector<16xi32>
      tpu.vector_store_idx %arg5[%broadcast_in_dim3A_240, %add3A_909], %broadcast_in_dim3A_3 masked %lt3A_912 : memref<2x32768xf32, #tpu.memory_space<vmem>>[vector<16xi32>, vector<16xi32>], vector<16xf32>, vector<16xi1>
      %get3A_913 = arith.constant 3 : i32
      %get3A_914 = arith.index_cast %rem3A_169 : i32 to index
      %get3A_915 = arith.index_cast %get3A_913 : i32 to index
      %get3A_916 = arith.constant 48 : index
      %get3A_917 = tpu.vector_load %arg4[%get3A_914, %get3A_915, %get3A_916] {strides = array<i32>} : memref<4x8x128xi32, #tpu.memory_space<vmem>>, vector<16xi32>,
      %add3A_918 = arith.constant 3120 : i32
      %add3A_919 = vector.broadcast %add3A_918 : i32 to vector<16xi32>
      %add3A_920 = arith.addi %add3A_919, %iota3A : vector<16xi32>
      %shift_right_arithmetic3A_921 = arith.constant 3 : i32
      %shift_right_arithmetic3A_922 = vector.broadcast %shift_right_arithmetic3A_921 : i32 to vector<16xi32>
      %shift_right_arithmetic3A_923 = arith.shrsi %get3A_917, %shift_right_arithmetic3A_922 : vector<16xi32>
      %shift_left3A_924 = arith.constant 13 : i32
      %shift_left3A_925 = vector.broadcast %shift_left3A_924 : i32 to vector<16xi32>
      %shift_left3A_926 = arith.shli %shift_right_arithmetic3A_923, %shift_left3A_925 : vector<16xi32>
      %and3A_927 = arith.constant 7 : i32
      %and3A_928 = vector.broadcast %and3A_927 : i32 to vector<16xi32>
      %and3A_929 = arith.andi %get3A_917, %and3A_928 : vector<16xi32>
      %shift_left3A_930 = arith.constant 7 : i32
      %shift_left3A_931 = vector.broadcast %shift_left3A_930 : i32 to vector<16xi32>
      %shift_left3A_932 = arith.shli %and3A_929, %shift_left3A_931 : vector<16xi32>
      %add3A_933 = arith.addi %shift_left3A_926, %shift_left3A_932 : vector<16xi32>
      %add3A_934 = arith.addi %add3A_933, %add3A_920 : vector<16xi32>
      %lt3A_935 = arith.constant 32 : i32
      %lt3A_936 = vector.broadcast %lt3A_935 : i32 to vector<16xi32>
      %lt3A_937 = arith.cmpi slt, %get3A_917, %lt3A_936 : vector<16xi32>
      tpu.vector_store_idx %arg5[%broadcast_in_dim3A_240, %add3A_934], %broadcast_in_dim3A_3 masked %lt3A_937 : memref<2x32768xf32, #tpu.memory_space<vmem>>[vector<16xi32>, vector<16xi32>], vector<16xf32>, vector<16xi1>
      %get3A_938 = arith.constant 3 : i32
      %get3A_939 = arith.index_cast %rem3A_169 : i32 to index
      %get3A_940 = arith.index_cast %get3A_938 : i32 to index
      %get3A_941 = arith.constant 64 : index
      %get3A_942 = tpu.vector_load %arg4[%get3A_939, %get3A_940, %get3A_941] {strides = array<i32>} : memref<4x8x128xi32, #tpu.memory_space<vmem>>, vector<16xi32>,
      %add3A_943 = arith.constant 3136 : i32
      %add3A_944 = vector.broadcast %add3A_943 : i32 to vector<16xi32>
      %add3A_945 = arith.addi %add3A_944, %iota3A : vector<16xi32>
      %shift_right_arithmetic3A_946 = arith.constant 3 : i32
      %shift_right_arithmetic3A_947 = vector.broadcast %shift_right_arithmetic3A_946 : i32 to vector<16xi32>
      %shift_right_arithmetic3A_948 = arith.shrsi %get3A_942, %shift_right_arithmetic3A_947 : vector<16xi32>
      %shift_left3A_949 = arith.constant 13 : i32
      %shift_left3A_950 = vector.broadcast %shift_left3A_949 : i32 to vector<16xi32>
      %shift_left3A_951 = arith.shli %shift_right_arithmetic3A_948, %shift_left3A_950 : vector<16xi32>
      %and3A_952 = arith.constant 7 : i32
      %and3A_953 = vector.broadcast %and3A_952 : i32 to vector<16xi32>
      %and3A_954 = arith.andi %get3A_942, %and3A_953 : vector<16xi32>
      %shift_left3A_955 = arith.constant 7 : i32
      %shift_left3A_956 = vector.broadcast %shift_left3A_955 : i32 to vector<16xi32>
      %shift_left3A_957 = arith.shli %and3A_954, %shift_left3A_956 : vector<16xi32>
      %add3A_958 = arith.addi %shift_left3A_951, %shift_left3A_957 : vector<16xi32>
      %add3A_959 = arith.addi %add3A_958, %add3A_945 : vector<16xi32>
      %lt3A_960 = arith.constant 32 : i32
      %lt3A_961 = vector.broadcast %lt3A_960 : i32 to vector<16xi32>
      %lt3A_962 = arith.cmpi slt, %get3A_942, %lt3A_961 : vector<16xi32>
      tpu.vector_store_idx %arg5[%broadcast_in_dim3A_240, %add3A_959], %broadcast_in_dim3A_3 masked %lt3A_962 : memref<2x32768xf32, #tpu.memory_space<vmem>>[vector<16xi32>, vector<16xi32>], vector<16xf32>, vector<16xi1>
      %get3A_963 = arith.constant 3 : i32
      %get3A_964 = arith.index_cast %rem3A_169 : i32 to index
      %get3A_965 = arith.index_cast %get3A_963 : i32 to index
      %get3A_966 = arith.constant 80 : index
      %get3A_967 = tpu.vector_load %arg4[%get3A_964, %get3A_965, %get3A_966] {strides = array<i32>} : memref<4x8x128xi32, #tpu.memory_space<vmem>>, vector<16xi32>,
      %add3A_968 = arith.constant 3152 : i32
      %add3A_969 = vector.broadcast %add3A_968 : i32 to vector<16xi32>
      %add3A_970 = arith.addi %add3A_969, %iota3A : vector<16xi32>
      %shift_right_arithmetic3A_971 = arith.constant 3 : i32
      %shift_right_arithmetic3A_972 = vector.broadcast %shift_right_arithmetic3A_971 : i32 to vector<16xi32>
      %shift_right_arithmetic3A_973 = arith.shrsi %get3A_967, %shift_right_arithmetic3A_972 : vector<16xi32>
      %shift_left3A_974 = arith.constant 13 : i32
      %shift_left3A_975 = vector.broadcast %shift_left3A_974 : i32 to vector<16xi32>
      %shift_left3A_976 = arith.shli %shift_right_arithmetic3A_973, %shift_left3A_975 : vector<16xi32>
      %and3A_977 = arith.constant 7 : i32
      %and3A_978 = vector.broadcast %and3A_977 : i32 to vector<16xi32>
      %and3A_979 = arith.andi %get3A_967, %and3A_978 : vector<16xi32>
      %shift_left3A_980 = arith.constant 7 : i32
      %shift_left3A_981 = vector.broadcast %shift_left3A_980 : i32 to vector<16xi32>
      %shift_left3A_982 = arith.shli %and3A_979, %shift_left3A_981 : vector<16xi32>
      %add3A_983 = arith.addi %shift_left3A_976, %shift_left3A_982 : vector<16xi32>
      %add3A_984 = arith.addi %add3A_983, %add3A_970 : vector<16xi32>
      %lt3A_985 = arith.constant 32 : i32
      %lt3A_986 = vector.broadcast %lt3A_985 : i32 to vector<16xi32>
      %lt3A_987 = arith.cmpi slt, %get3A_967, %lt3A_986 : vector<16xi32>
      tpu.vector_store_idx %arg5[%broadcast_in_dim3A_240, %add3A_984], %broadcast_in_dim3A_3 masked %lt3A_987 : memref<2x32768xf32, #tpu.memory_space<vmem>>[vector<16xi32>, vector<16xi32>], vector<16xf32>, vector<16xi1>
      %get3A_988 = arith.constant 3 : i32
      %get3A_989 = arith.index_cast %rem3A_169 : i32 to index
      %get3A_990 = arith.index_cast %get3A_988 : i32 to index
      %get3A_991 = arith.constant 96 : index
      %get3A_992 = tpu.vector_load %arg4[%get3A_989, %get3A_990, %get3A_991] {strides = array<i32>} : memref<4x8x128xi32, #tpu.memory_space<vmem>>, vector<16xi32>,
      %add3A_993 = arith.constant 3168 : i32
      %add3A_994 = vector.broadcast %add3A_993 : i32 to vector<16xi32>
      %add3A_995 = arith.addi %add3A_994, %iota3A : vector<16xi32>
      %shift_right_arithmetic3A_996 = arith.constant 3 : i32
      %shift_right_arithmetic3A_997 = vector.broadcast %shift_right_arithmetic3A_996 : i32 to vector<16xi32>
      %shift_right_arithmetic3A_998 = arith.shrsi %get3A_992, %shift_right_arithmetic3A_997 : vector<16xi32>
      %shift_left3A_999 = arith.constant 13 : i32
      %shift_left3A_1000 = vector.broadcast %shift_left3A_999 : i32 to vector<16xi32>
      %shift_left3A_1001 = arith.shli %shift_right_arithmetic3A_998, %shift_left3A_1000 : vector<16xi32>
      %and3A_1002 = arith.constant 7 : i32
      %and3A_1003 = vector.broadcast %and3A_1002 : i32 to vector<16xi32>
      %and3A_1004 = arith.andi %get3A_992, %and3A_1003 : vector<16xi32>
      %shift_left3A_1005 = arith.constant 7 : i32
      %shift_left3A_1006 = vector.broadcast %shift_left3A_1005 : i32 to vector<16xi32>
      %shift_left3A_1007 = arith.shli %and3A_1004, %shift_left3A_1006 : vector<16xi32>
      %add3A_1008 = arith.addi %shift_left3A_1001, %shift_left3A_1007 : vector<16xi32>
      %add3A_1009 = arith.addi %add3A_1008, %add3A_995 : vector<16xi32>
      %lt3A_1010 = arith.constant 32 : i32
      %lt3A_1011 = vector.broadcast %lt3A_1010 : i32 to vector<16xi32>
      %lt3A_1012 = arith.cmpi slt, %get3A_992, %lt3A_1011 : vector<16xi32>
      tpu.vector_store_idx %arg5[%broadcast_in_dim3A_240, %add3A_1009], %broadcast_in_dim3A_3 masked %lt3A_1012 : memref<2x32768xf32, #tpu.memory_space<vmem>>[vector<16xi32>, vector<16xi32>], vector<16xf32>, vector<16xi1>
      %get3A_1013 = arith.constant 3 : i32
      %get3A_1014 = arith.index_cast %rem3A_169 : i32 to index
      %get3A_1015 = arith.index_cast %get3A_1013 : i32 to index
      %get3A_1016 = arith.constant 112 : index
      %get3A_1017 = tpu.vector_load %arg4[%get3A_1014, %get3A_1015, %get3A_1016] {strides = array<i32>} : memref<4x8x128xi32, #tpu.memory_space<vmem>>, vector<16xi32>,
      %add3A_1018 = arith.constant 3184 : i32
      %add3A_1019 = vector.broadcast %add3A_1018 : i32 to vector<16xi32>
      %add3A_1020 = arith.addi %add3A_1019, %iota3A : vector<16xi32>
      %shift_right_arithmetic3A_1021 = arith.constant 3 : i32
      %shift_right_arithmetic3A_1022 = vector.broadcast %shift_right_arithmetic3A_1021 : i32 to vector<16xi32>
      %shift_right_arithmetic3A_1023 = arith.shrsi %get3A_1017, %shift_right_arithmetic3A_1022 : vector<16xi32>
      %shift_left3A_1024 = arith.constant 13 : i32
      %shift_left3A_1025 = vector.broadcast %shift_left3A_1024 : i32 to vector<16xi32>
      %shift_left3A_1026 = arith.shli %shift_right_arithmetic3A_1023, %shift_left3A_1025 : vector<16xi32>
      %and3A_1027 = arith.constant 7 : i32
      %and3A_1028 = vector.broadcast %and3A_1027 : i32 to vector<16xi32>
      %and3A_1029 = arith.andi %get3A_1017, %and3A_1028 : vector<16xi32>
      %shift_left3A_1030 = arith.constant 7 : i32
      %shift_left3A_1031 = vector.broadcast %shift_left3A_1030 : i32 to vector<16xi32>
      %shift_left3A_1032 = arith.shli %and3A_1029, %shift_left3A_1031 : vector<16xi32>
      %add3A_1033 = arith.addi %shift_left3A_1026, %shift_left3A_1032 : vector<16xi32>
      %add3A_1034 = arith.addi %add3A_1033, %add3A_1020 : vector<16xi32>
      %lt3A_1035 = arith.constant 32 : i32
      %lt3A_1036 = vector.broadcast %lt3A_1035 : i32 to vector<16xi32>
      %lt3A_1037 = arith.cmpi slt, %get3A_1017, %lt3A_1036 : vector<16xi32>
      tpu.vector_store_idx %arg5[%broadcast_in_dim3A_240, %add3A_1034], %broadcast_in_dim3A_3 masked %lt3A_1037 : memref<2x32768xf32, #tpu.memory_space<vmem>>[vector<16xi32>, vector<16xi32>], vector<16xf32>, vector<16xi1>
      %get3A_1038 = arith.constant 4 : i32
      %get3A_1039 = arith.index_cast %rem3A_169 : i32 to index
      %get3A_1040 = arith.index_cast %get3A_1038 : i32 to index
      %get3A_1041 = arith.constant 0 : index
      %get3A_1042 = tpu.vector_load %arg4[%get3A_1039, %get3A_1040, %get3A_1041] {strides = array<i32>} : memref<4x8x128xi32, #tpu.memory_space<vmem>>, vector<16xi32>,
      %add3A_1043 = arith.constant 4096 : i32
      %add3A_1044 = vector.broadcast %add3A_1043 : i32 to vector<16xi32>
      %add3A_1045 = arith.addi %add3A_1044, %iota3A : vector<16xi32>
      %shift_right_arithmetic3A_1046 = arith.constant 3 : i32
      %shift_right_arithmetic3A_1047 = vector.broadcast %shift_right_arithmetic3A_1046 : i32 to vector<16xi32>
      %shift_right_arithmetic3A_1048 = arith.shrsi %get3A_1042, %shift_right_arithmetic3A_1047 : vector<16xi32>
      %shift_left3A_1049 = arith.constant 13 : i32
      %shift_left3A_1050 = vector.broadcast %shift_left3A_1049 : i32 to vector<16xi32>
      %shift_left3A_1051 = arith.shli %shift_right_arithmetic3A_1048, %shift_left3A_1050 : vector<16xi32>
      %and3A_1052 = arith.constant 7 : i32
      %and3A_1053 = vector.broadcast %and3A_1052 : i32 to vector<16xi32>
      %and3A_1054 = arith.andi %get3A_1042, %and3A_1053 : vector<16xi32>
      %shift_left3A_1055 = arith.constant 7 : i32
      %shift_left3A_1056 = vector.broadcast %shift_left3A_1055 : i32 to vector<16xi32>
      %shift_left3A_1057 = arith.shli %and3A_1054, %shift_left3A_1056 : vector<16xi32>
      %add3A_1058 = arith.addi %shift_left3A_1051, %shift_left3A_1057 : vector<16xi32>
      %add3A_1059 = arith.addi %add3A_1058, %add3A_1045 : vector<16xi32>
      %lt3A_1060 = arith.constant 32 : i32
      %lt3A_1061 = vector.broadcast %lt3A_1060 : i32 to vector<16xi32>
      %lt3A_1062 = arith.cmpi slt, %get3A_1042, %lt3A_1061 : vector<16xi32>
      tpu.vector_store_idx %arg5[%broadcast_in_dim3A_240, %add3A_1059], %broadcast_in_dim3A_3 masked %lt3A_1062 : memref<2x32768xf32, #tpu.memory_space<vmem>>[vector<16xi32>, vector<16xi32>], vector<16xf32>, vector<16xi1>
      %get3A_1063 = arith.constant 4 : i32
      %get3A_1064 = arith.index_cast %rem3A_169 : i32 to index
      %get3A_1065 = arith.index_cast %get3A_1063 : i32 to index
      %get3A_1066 = arith.constant 16 : index
      %get3A_1067 = tpu.vector_load %arg4[%get3A_1064, %get3A_1065, %get3A_1066] {strides = array<i32>} : memref<4x8x128xi32, #tpu.memory_space<vmem>>, vector<16xi32>,
      %add3A_1068 = arith.constant 4112 : i32
      %add3A_1069 = vector.broadcast %add3A_1068 : i32 to vector<16xi32>
      %add3A_1070 = arith.addi %add3A_1069, %iota3A : vector<16xi32>
      %shift_right_arithmetic3A_1071 = arith.constant 3 : i32
      %shift_right_arithmetic3A_1072 = vector.broadcast %shift_right_arithmetic3A_1071 : i32 to vector<16xi32>
      %shift_right_arithmetic3A_1073 = arith.shrsi %get3A_1067, %shift_right_arithmetic3A_1072 : vector<16xi32>
      %shift_left3A_1074 = arith.constant 13 : i32
      %shift_left3A_1075 = vector.broadcast %shift_left3A_1074 : i32 to vector<16xi32>
      %shift_left3A_1076 = arith.shli %shift_right_arithmetic3A_1073, %shift_left3A_1075 : vector<16xi32>
      %and3A_1077 = arith.constant 7 : i32
      %and3A_1078 = vector.broadcast %and3A_1077 : i32 to vector<16xi32>
      %and3A_1079 = arith.andi %get3A_1067, %and3A_1078 : vector<16xi32>
      %shift_left3A_1080 = arith.constant 7 : i32
      %shift_left3A_1081 = vector.broadcast %shift_left3A_1080 : i32 to vector<16xi32>
      %shift_left3A_1082 = arith.shli %and3A_1079, %shift_left3A_1081 : vector<16xi32>
      %add3A_1083 = arith.addi %shift_left3A_1076, %shift_left3A_1082 : vector<16xi32>
      %add3A_1084 = arith.addi %add3A_1083, %add3A_1070 : vector<16xi32>
      %lt3A_1085 = arith.constant 32 : i32
      %lt3A_1086 = vector.broadcast %lt3A_1085 : i32 to vector<16xi32>
      %lt3A_1087 = arith.cmpi slt, %get3A_1067, %lt3A_1086 : vector<16xi32>
      tpu.vector_store_idx %arg5[%broadcast_in_dim3A_240, %add3A_1084], %broadcast_in_dim3A_3 masked %lt3A_1087 : memref<2x32768xf32, #tpu.memory_space<vmem>>[vector<16xi32>, vector<16xi32>], vector<16xf32>, vector<16xi1>
      %get3A_1088 = arith.constant 4 : i32
      %get3A_1089 = arith.index_cast %rem3A_169 : i32 to index
      %get3A_1090 = arith.index_cast %get3A_1088 : i32 to index
      %get3A_1091 = arith.constant 32 : index
      %get3A_1092 = tpu.vector_load %arg4[%get3A_1089, %get3A_1090, %get3A_1091] {strides = array<i32>} : memref<4x8x128xi32, #tpu.memory_space<vmem>>, vector<16xi32>,
      %add3A_1093 = arith.constant 4128 : i32
      %add3A_1094 = vector.broadcast %add3A_1093 : i32 to vector<16xi32>
      %add3A_1095 = arith.addi %add3A_1094, %iota3A : vector<16xi32>
      %shift_right_arithmetic3A_1096 = arith.constant 3 : i32
      %shift_right_arithmetic3A_1097 = vector.broadcast %shift_right_arithmetic3A_1096 : i32 to vector<16xi32>
      %shift_right_arithmetic3A_1098 = arith.shrsi %get3A_1092, %shift_right_arithmetic3A_1097 : vector<16xi32>
      %shift_left3A_1099 = arith.constant 13 : i32
      %shift_left3A_1100 = vector.broadcast %shift_left3A_1099 : i32 to vector<16xi32>
      %shift_left3A_1101 = arith.shli %shift_right_arithmetic3A_1098, %shift_left3A_1100 : vector<16xi32>
      %and3A_1102 = arith.constant 7 : i32
      %and3A_1103 = vector.broadcast %and3A_1102 : i32 to vector<16xi32>
      %and3A_1104 = arith.andi %get3A_1092, %and3A_1103 : vector<16xi32>
      %shift_left3A_1105 = arith.constant 7 : i32
      %shift_left3A_1106 = vector.broadcast %shift_left3A_1105 : i32 to vector<16xi32>
      %shift_left3A_1107 = arith.shli %and3A_1104, %shift_left3A_1106 : vector<16xi32>
      %add3A_1108 = arith.addi %shift_left3A_1101, %shift_left3A_1107 : vector<16xi32>
      %add3A_1109 = arith.addi %add3A_1108, %add3A_1095 : vector<16xi32>
      %lt3A_1110 = arith.constant 32 : i32
      %lt3A_1111 = vector.broadcast %lt3A_1110 : i32 to vector<16xi32>
      %lt3A_1112 = arith.cmpi slt, %get3A_1092, %lt3A_1111 : vector<16xi32>
      tpu.vector_store_idx %arg5[%broadcast_in_dim3A_240, %add3A_1109], %broadcast_in_dim3A_3 masked %lt3A_1112 : memref<2x32768xf32, #tpu.memory_space<vmem>>[vector<16xi32>, vector<16xi32>], vector<16xf32>, vector<16xi1>
      %get3A_1113 = arith.constant 4 : i32
      %get3A_1114 = arith.index_cast %rem3A_169 : i32 to index
      %get3A_1115 = arith.index_cast %get3A_1113 : i32 to index
      %get3A_1116 = arith.constant 48 : index
      %get3A_1117 = tpu.vector_load %arg4[%get3A_1114, %get3A_1115, %get3A_1116] {strides = array<i32>} : memref<4x8x128xi32, #tpu.memory_space<vmem>>, vector<16xi32>,
      %add3A_1118 = arith.constant 4144 : i32
      %add3A_1119 = vector.broadcast %add3A_1118 : i32 to vector<16xi32>
      %add3A_1120 = arith.addi %add3A_1119, %iota3A : vector<16xi32>
      %shift_right_arithmetic3A_1121 = arith.constant 3 : i32
      %shift_right_arithmetic3A_1122 = vector.broadcast %shift_right_arithmetic3A_1121 : i32 to vector<16xi32>
      %shift_right_arithmetic3A_1123 = arith.shrsi %get3A_1117, %shift_right_arithmetic3A_1122 : vector<16xi32>
      %shift_left3A_1124 = arith.constant 13 : i32
      %shift_left3A_1125 = vector.broadcast %shift_left3A_1124 : i32 to vector<16xi32>
      %shift_left3A_1126 = arith.shli %shift_right_arithmetic3A_1123, %shift_left3A_1125 : vector<16xi32>
      %and3A_1127 = arith.constant 7 : i32
      %and3A_1128 = vector.broadcast %and3A_1127 : i32 to vector<16xi32>
      %and3A_1129 = arith.andi %get3A_1117, %and3A_1128 : vector<16xi32>
      %shift_left3A_1130 = arith.constant 7 : i32
      %shift_left3A_1131 = vector.broadcast %shift_left3A_1130 : i32 to vector<16xi32>
      %shift_left3A_1132 = arith.shli %and3A_1129, %shift_left3A_1131 : vector<16xi32>
      %add3A_1133 = arith.addi %shift_left3A_1126, %shift_left3A_1132 : vector<16xi32>
      %add3A_1134 = arith.addi %add3A_1133, %add3A_1120 : vector<16xi32>
      %lt3A_1135 = arith.constant 32 : i32
      %lt3A_1136 = vector.broadcast %lt3A_1135 : i32 to vector<16xi32>
      %lt3A_1137 = arith.cmpi slt, %get3A_1117, %lt3A_1136 : vector<16xi32>
      tpu.vector_store_idx %arg5[%broadcast_in_dim3A_240, %add3A_1134], %broadcast_in_dim3A_3 masked %lt3A_1137 : memref<2x32768xf32, #tpu.memory_space<vmem>>[vector<16xi32>, vector<16xi32>], vector<16xf32>, vector<16xi1>
      %get3A_1138 = arith.constant 4 : i32
      %get3A_1139 = arith.index_cast %rem3A_169 : i32 to index
      %get3A_1140 = arith.index_cast %get3A_1138 : i32 to index
      %get3A_1141 = arith.constant 64 : index
      %get3A_1142 = tpu.vector_load %arg4[%get3A_1139, %get3A_1140, %get3A_1141] {strides = array<i32>} : memref<4x8x128xi32, #tpu.memory_space<vmem>>, vector<16xi32>,
      %add3A_1143 = arith.constant 4160 : i32
      %add3A_1144 = vector.broadcast %add3A_1143 : i32 to vector<16xi32>
      %add3A_1145 = arith.addi %add3A_1144, %iota3A : vector<16xi32>
      %shift_right_arithmetic3A_1146 = arith.constant 3 : i32
      %shift_right_arithmetic3A_1147 = vector.broadcast %shift_right_arithmetic3A_1146 : i32 to vector<16xi32>
      %shift_right_arithmetic3A_1148 = arith.shrsi %get3A_1142, %shift_right_arithmetic3A_1147 : vector<16xi32>
      %shift_left3A_1149 = arith.constant 13 : i32
      %shift_left3A_1150 = vector.broadcast %shift_left3A_1149 : i32 to vector<16xi32>
      %shift_left3A_1151 = arith.shli %shift_right_arithmetic3A_1148, %shift_left3A_1150 : vector<16xi32>
      %and3A_1152 = arith.constant 7 : i32
      %and3A_1153 = vector.broadcast %and3A_1152 : i32 to vector<16xi32>
      %and3A_1154 = arith.andi %get3A_1142, %and3A_1153 : vector<16xi32>
      %shift_left3A_1155 = arith.constant 7 : i32
      %shift_left3A_1156 = vector.broadcast %shift_left3A_1155 : i32 to vector<16xi32>
      %shift_left3A_1157 = arith.shli %and3A_1154, %shift_left3A_1156 : vector<16xi32>
      %add3A_1158 = arith.addi %shift_left3A_1151, %shift_left3A_1157 : vector<16xi32>
      %add3A_1159 = arith.addi %add3A_1158, %add3A_1145 : vector<16xi32>
      %lt3A_1160 = arith.constant 32 : i32
      %lt3A_1161 = vector.broadcast %lt3A_1160 : i32 to vector<16xi32>
      %lt3A_1162 = arith.cmpi slt, %get3A_1142, %lt3A_1161 : vector<16xi32>
      tpu.vector_store_idx %arg5[%broadcast_in_dim3A_240, %add3A_1159], %broadcast_in_dim3A_3 masked %lt3A_1162 : memref<2x32768xf32, #tpu.memory_space<vmem>>[vector<16xi32>, vector<16xi32>], vector<16xf32>, vector<16xi1>
      %get3A_1163 = arith.constant 4 : i32
      %get3A_1164 = arith.index_cast %rem3A_169 : i32 to index
      %get3A_1165 = arith.index_cast %get3A_1163 : i32 to index
      %get3A_1166 = arith.constant 80 : index
      %get3A_1167 = tpu.vector_load %arg4[%get3A_1164, %get3A_1165, %get3A_1166] {strides = array<i32>} : memref<4x8x128xi32, #tpu.memory_space<vmem>>, vector<16xi32>,
      %add3A_1168 = arith.constant 4176 : i32
      %add3A_1169 = vector.broadcast %add3A_1168 : i32 to vector<16xi32>
      %add3A_1170 = arith.addi %add3A_1169, %iota3A : vector<16xi32>
      %shift_right_arithmetic3A_1171 = arith.constant 3 : i32
      %shift_right_arithmetic3A_1172 = vector.broadcast %shift_right_arithmetic3A_1171 : i32 to vector<16xi32>
      %shift_right_arithmetic3A_1173 = arith.shrsi %get3A_1167, %shift_right_arithmetic3A_1172 : vector<16xi32>
      %shift_left3A_1174 = arith.constant 13 : i32
      %shift_left3A_1175 = vector.broadcast %shift_left3A_1174 : i32 to vector<16xi32>
      %shift_left3A_1176 = arith.shli %shift_right_arithmetic3A_1173, %shift_left3A_1175 : vector<16xi32>
      %and3A_1177 = arith.constant 7 : i32
      %and3A_1178 = vector.broadcast %and3A_1177 : i32 to vector<16xi32>
      %and3A_1179 = arith.andi %get3A_1167, %and3A_1178 : vector<16xi32>
      %shift_left3A_1180 = arith.constant 7 : i32
      %shift_left3A_1181 = vector.broadcast %shift_left3A_1180 : i32 to vector<16xi32>
      %shift_left3A_1182 = arith.shli %and3A_1179, %shift_left3A_1181 : vector<16xi32>
      %add3A_1183 = arith.addi %shift_left3A_1176, %shift_left3A_1182 : vector<16xi32>
      %add3A_1184 = arith.addi %add3A_1183, %add3A_1170 : vector<16xi32>
      %lt3A_1185 = arith.constant 32 : i32
      %lt3A_1186 = vector.broadcast %lt3A_1185 : i32 to vector<16xi32>
      %lt3A_1187 = arith.cmpi slt, %get3A_1167, %lt3A_1186 : vector<16xi32>
      tpu.vector_store_idx %arg5[%broadcast_in_dim3A_240, %add3A_1184], %broadcast_in_dim3A_3 masked %lt3A_1187 : memref<2x32768xf32, #tpu.memory_space<vmem>>[vector<16xi32>, vector<16xi32>], vector<16xf32>, vector<16xi1>
      %get3A_1188 = arith.constant 4 : i32
      %get3A_1189 = arith.index_cast %rem3A_169 : i32 to index
      %get3A_1190 = arith.index_cast %get3A_1188 : i32 to index
      %get3A_1191 = arith.constant 96 : index
      %get3A_1192 = tpu.vector_load %arg4[%get3A_1189, %get3A_1190, %get3A_1191] {strides = array<i32>} : memref<4x8x128xi32, #tpu.memory_space<vmem>>, vector<16xi32>,
      %add3A_1193 = arith.constant 4192 : i32
      %add3A_1194 = vector.broadcast %add3A_1193 : i32 to vector<16xi32>
      %add3A_1195 = arith.addi %add3A_1194, %iota3A : vector<16xi32>
      %shift_right_arithmetic3A_1196 = arith.constant 3 : i32
      %shift_right_arithmetic3A_1197 = vector.broadcast %shift_right_arithmetic3A_1196 : i32 to vector<16xi32>
      %shift_right_arithmetic3A_1198 = arith.shrsi %get3A_1192, %shift_right_arithmetic3A_1197 : vector<16xi32>
      %shift_left3A_1199 = arith.constant 13 : i32
      %shift_left3A_1200 = vector.broadcast %shift_left3A_1199 : i32 to vector<16xi32>
      %shift_left3A_1201 = arith.shli %shift_right_arithmetic3A_1198, %shift_left3A_1200 : vector<16xi32>
      %and3A_1202 = arith.constant 7 : i32
      %and3A_1203 = vector.broadcast %and3A_1202 : i32 to vector<16xi32>
      %and3A_1204 = arith.andi %get3A_1192, %and3A_1203 : vector<16xi32>
      %shift_left3A_1205 = arith.constant 7 : i32
      %shift_left3A_1206 = vector.broadcast %shift_left3A_1205 : i32 to vector<16xi32>
      %shift_left3A_1207 = arith.shli %and3A_1204, %shift_left3A_1206 : vector<16xi32>
      %add3A_1208 = arith.addi %shift_left3A_1201, %shift_left3A_1207 : vector<16xi32>
      %add3A_1209 = arith.addi %add3A_1208, %add3A_1195 : vector<16xi32>
      %lt3A_1210 = arith.constant 32 : i32
      %lt3A_1211 = vector.broadcast %lt3A_1210 : i32 to vector<16xi32>
      %lt3A_1212 = arith.cmpi slt, %get3A_1192, %lt3A_1211 : vector<16xi32>
      tpu.vector_store_idx %arg5[%broadcast_in_dim3A_240, %add3A_1209], %broadcast_in_dim3A_3 masked %lt3A_1212 : memref<2x32768xf32, #tpu.memory_space<vmem>>[vector<16xi32>, vector<16xi32>], vector<16xf32>, vector<16xi1>
      %get3A_1213 = arith.constant 4 : i32
      %get3A_1214 = arith.index_cast %rem3A_169 : i32 to index
      %get3A_1215 = arith.index_cast %get3A_1213 : i32 to index
      %get3A_1216 = arith.constant 112 : index
      %get3A_1217 = tpu.vector_load %arg4[%get3A_1214, %get3A_1215, %get3A_1216] {strides = array<i32>} : memref<4x8x128xi32, #tpu.memory_space<vmem>>, vector<16xi32>,
      %add3A_1218 = arith.constant 4208 : i32
      %add3A_1219 = vector.broadcast %add3A_1218 : i32 to vector<16xi32>
      %add3A_1220 = arith.addi %add3A_1219, %iota3A : vector<16xi32>
      %shift_right_arithmetic3A_1221 = arith.constant 3 : i32
      %shift_right_arithmetic3A_1222 = vector.broadcast %shift_right_arithmetic3A_1221 : i32 to vector<16xi32>
      %shift_right_arithmetic3A_1223 = arith.shrsi %get3A_1217, %shift_right_arithmetic3A_1222 : vector<16xi32>
      %shift_left3A_1224 = arith.constant 13 : i32
      %shift_left3A_1225 = vector.broadcast %shift_left3A_1224 : i32 to vector<16xi32>
      %shift_left3A_1226 = arith.shli %shift_right_arithmetic3A_1223, %shift_left3A_1225 : vector<16xi32>
      %and3A_1227 = arith.constant 7 : i32
      %and3A_1228 = vector.broadcast %and3A_1227 : i32 to vector<16xi32>
      %and3A_1229 = arith.andi %get3A_1217, %and3A_1228 : vector<16xi32>
      %shift_left3A_1230 = arith.constant 7 : i32
      %shift_left3A_1231 = vector.broadcast %shift_left3A_1230 : i32 to vector<16xi32>
      %shift_left3A_1232 = arith.shli %and3A_1229, %shift_left3A_1231 : vector<16xi32>
      %add3A_1233 = arith.addi %shift_left3A_1226, %shift_left3A_1232 : vector<16xi32>
      %add3A_1234 = arith.addi %add3A_1233, %add3A_1220 : vector<16xi32>
      %lt3A_1235 = arith.constant 32 : i32
      %lt3A_1236 = vector.broadcast %lt3A_1235 : i32 to vector<16xi32>
      %lt3A_1237 = arith.cmpi slt, %get3A_1217, %lt3A_1236 : vector<16xi32>
      tpu.vector_store_idx %arg5[%broadcast_in_dim3A_240, %add3A_1234], %broadcast_in_dim3A_3 masked %lt3A_1237 : memref<2x32768xf32, #tpu.memory_space<vmem>>[vector<16xi32>, vector<16xi32>], vector<16xf32>, vector<16xi1>
      %get3A_1238 = arith.constant 5 : i32
      %get3A_1239 = arith.index_cast %rem3A_169 : i32 to index
      %get3A_1240 = arith.index_cast %get3A_1238 : i32 to index
      %get3A_1241 = arith.constant 0 : index
      %get3A_1242 = tpu.vector_load %arg4[%get3A_1239, %get3A_1240, %get3A_1241] {strides = array<i32>} : memref<4x8x128xi32, #tpu.memory_space<vmem>>, vector<16xi32>,
      %add3A_1243 = arith.constant 5120 : i32
      %add3A_1244 = vector.broadcast %add3A_1243 : i32 to vector<16xi32>
      %add3A_1245 = arith.addi %add3A_1244, %iota3A : vector<16xi32>
      %shift_right_arithmetic3A_1246 = arith.constant 3 : i32
      %shift_right_arithmetic3A_1247 = vector.broadcast %shift_right_arithmetic3A_1246 : i32 to vector<16xi32>
      %shift_right_arithmetic3A_1248 = arith.shrsi %get3A_1242, %shift_right_arithmetic3A_1247 : vector<16xi32>
      %shift_left3A_1249 = arith.constant 13 : i32
      %shift_left3A_1250 = vector.broadcast %shift_left3A_1249 : i32 to vector<16xi32>
      %shift_left3A_1251 = arith.shli %shift_right_arithmetic3A_1248, %shift_left3A_1250 : vector<16xi32>
      %and3A_1252 = arith.constant 7 : i32
      %and3A_1253 = vector.broadcast %and3A_1252 : i32 to vector<16xi32>
      %and3A_1254 = arith.andi %get3A_1242, %and3A_1253 : vector<16xi32>
      %shift_left3A_1255 = arith.constant 7 : i32
      %shift_left3A_1256 = vector.broadcast %shift_left3A_1255 : i32 to vector<16xi32>
      %shift_left3A_1257 = arith.shli %and3A_1254, %shift_left3A_1256 : vector<16xi32>
      %add3A_1258 = arith.addi %shift_left3A_1251, %shift_left3A_1257 : vector<16xi32>
      %add3A_1259 = arith.addi %add3A_1258, %add3A_1245 : vector<16xi32>
      %lt3A_1260 = arith.constant 32 : i32
      %lt3A_1261 = vector.broadcast %lt3A_1260 : i32 to vector<16xi32>
      %lt3A_1262 = arith.cmpi slt, %get3A_1242, %lt3A_1261 : vector<16xi32>
      tpu.vector_store_idx %arg5[%broadcast_in_dim3A_240, %add3A_1259], %broadcast_in_dim3A_3 masked %lt3A_1262 : memref<2x32768xf32, #tpu.memory_space<vmem>>[vector<16xi32>, vector<16xi32>], vector<16xf32>, vector<16xi1>
      %get3A_1263 = arith.constant 5 : i32
      %get3A_1264 = arith.index_cast %rem3A_169 : i32 to index
      %get3A_1265 = arith.index_cast %get3A_1263 : i32 to index
      %get3A_1266 = arith.constant 16 : index
      %get3A_1267 = tpu.vector_load %arg4[%get3A_1264, %get3A_1265, %get3A_1266] {strides = array<i32>} : memref<4x8x128xi32, #tpu.memory_space<vmem>>, vector<16xi32>,
      %add3A_1268 = arith.constant 5136 : i32
      %add3A_1269 = vector.broadcast %add3A_1268 : i32 to vector<16xi32>
      %add3A_1270 = arith.addi %add3A_1269, %iota3A : vector<16xi32>
      %shift_right_arithmetic3A_1271 = arith.constant 3 : i32
      %shift_right_arithmetic3A_1272 = vector.broadcast %shift_right_arithmetic3A_1271 : i32 to vector<16xi32>
      %shift_right_arithmetic3A_1273 = arith.shrsi %get3A_1267, %shift_right_arithmetic3A_1272 : vector<16xi32>
      %shift_left3A_1274 = arith.constant 13 : i32
      %shift_left3A_1275 = vector.broadcast %shift_left3A_1274 : i32 to vector<16xi32>
      %shift_left3A_1276 = arith.shli %shift_right_arithmetic3A_1273, %shift_left3A_1275 : vector<16xi32>
      %and3A_1277 = arith.constant 7 : i32
      %and3A_1278 = vector.broadcast %and3A_1277 : i32 to vector<16xi32>
      %and3A_1279 = arith.andi %get3A_1267, %and3A_1278 : vector<16xi32>
      %shift_left3A_1280 = arith.constant 7 : i32
      %shift_left3A_1281 = vector.broadcast %shift_left3A_1280 : i32 to vector<16xi32>
      %shift_left3A_1282 = arith.shli %and3A_1279, %shift_left3A_1281 : vector<16xi32>
      %add3A_1283 = arith.addi %shift_left3A_1276, %shift_left3A_1282 : vector<16xi32>
      %add3A_1284 = arith.addi %add3A_1283, %add3A_1270 : vector<16xi32>
      %lt3A_1285 = arith.constant 32 : i32
      %lt3A_1286 = vector.broadcast %lt3A_1285 : i32 to vector<16xi32>
      %lt3A_1287 = arith.cmpi slt, %get3A_1267, %lt3A_1286 : vector<16xi32>
      tpu.vector_store_idx %arg5[%broadcast_in_dim3A_240, %add3A_1284], %broadcast_in_dim3A_3 masked %lt3A_1287 : memref<2x32768xf32, #tpu.memory_space<vmem>>[vector<16xi32>, vector<16xi32>], vector<16xf32>, vector<16xi1>
      %get3A_1288 = arith.constant 5 : i32
      %get3A_1289 = arith.index_cast %rem3A_169 : i32 to index
      %get3A_1290 = arith.index_cast %get3A_1288 : i32 to index
      %get3A_1291 = arith.constant 32 : index
      %get3A_1292 = tpu.vector_load %arg4[%get3A_1289, %get3A_1290, %get3A_1291] {strides = array<i32>} : memref<4x8x128xi32, #tpu.memory_space<vmem>>, vector<16xi32>,
      %add3A_1293 = arith.constant 5152 : i32
      %add3A_1294 = vector.broadcast %add3A_1293 : i32 to vector<16xi32>
      %add3A_1295 = arith.addi %add3A_1294, %iota3A : vector<16xi32>
      %shift_right_arithmetic3A_1296 = arith.constant 3 : i32
      %shift_right_arithmetic3A_1297 = vector.broadcast %shift_right_arithmetic3A_1296 : i32 to vector<16xi32>
      %shift_right_arithmetic3A_1298 = arith.shrsi %get3A_1292, %shift_right_arithmetic3A_1297 : vector<16xi32>
      %shift_left3A_1299 = arith.constant 13 : i32
      %shift_left3A_1300 = vector.broadcast %shift_left3A_1299 : i32 to vector<16xi32>
      %shift_left3A_1301 = arith.shli %shift_right_arithmetic3A_1298, %shift_left3A_1300 : vector<16xi32>
      %and3A_1302 = arith.constant 7 : i32
      %and3A_1303 = vector.broadcast %and3A_1302 : i32 to vector<16xi32>
      %and3A_1304 = arith.andi %get3A_1292, %and3A_1303 : vector<16xi32>
      %shift_left3A_1305 = arith.constant 7 : i32
      %shift_left3A_1306 = vector.broadcast %shift_left3A_1305 : i32 to vector<16xi32>
      %shift_left3A_1307 = arith.shli %and3A_1304, %shift_left3A_1306 : vector<16xi32>
      %add3A_1308 = arith.addi %shift_left3A_1301, %shift_left3A_1307 : vector<16xi32>
      %add3A_1309 = arith.addi %add3A_1308, %add3A_1295 : vector<16xi32>
      %lt3A_1310 = arith.constant 32 : i32
      %lt3A_1311 = vector.broadcast %lt3A_1310 : i32 to vector<16xi32>
      %lt3A_1312 = arith.cmpi slt, %get3A_1292, %lt3A_1311 : vector<16xi32>
      tpu.vector_store_idx %arg5[%broadcast_in_dim3A_240, %add3A_1309], %broadcast_in_dim3A_3 masked %lt3A_1312 : memref<2x32768xf32, #tpu.memory_space<vmem>>[vector<16xi32>, vector<16xi32>], vector<16xf32>, vector<16xi1>
      %get3A_1313 = arith.constant 5 : i32
      %get3A_1314 = arith.index_cast %rem3A_169 : i32 to index
      %get3A_1315 = arith.index_cast %get3A_1313 : i32 to index
      %get3A_1316 = arith.constant 48 : index
      %get3A_1317 = tpu.vector_load %arg4[%get3A_1314, %get3A_1315, %get3A_1316] {strides = array<i32>} : memref<4x8x128xi32, #tpu.memory_space<vmem>>, vector<16xi32>,
      %add3A_1318 = arith.constant 5168 : i32
      %add3A_1319 = vector.broadcast %add3A_1318 : i32 to vector<16xi32>
      %add3A_1320 = arith.addi %add3A_1319, %iota3A : vector<16xi32>
      %shift_right_arithmetic3A_1321 = arith.constant 3 : i32
      %shift_right_arithmetic3A_1322 = vector.broadcast %shift_right_arithmetic3A_1321 : i32 to vector<16xi32>
      %shift_right_arithmetic3A_1323 = arith.shrsi %get3A_1317, %shift_right_arithmetic3A_1322 : vector<16xi32>
      %shift_left3A_1324 = arith.constant 13 : i32
      %shift_left3A_1325 = vector.broadcast %shift_left3A_1324 : i32 to vector<16xi32>
      %shift_left3A_1326 = arith.shli %shift_right_arithmetic3A_1323, %shift_left3A_1325 : vector<16xi32>
      %and3A_1327 = arith.constant 7 : i32
      %and3A_1328 = vector.broadcast %and3A_1327 : i32 to vector<16xi32>
      %and3A_1329 = arith.andi %get3A_1317, %and3A_1328 : vector<16xi32>
      %shift_left3A_1330 = arith.constant 7 : i32
      %shift_left3A_1331 = vector.broadcast %shift_left3A_1330 : i32 to vector<16xi32>
      %shift_left3A_1332 = arith.shli %and3A_1329, %shift_left3A_1331 : vector<16xi32>
      %add3A_1333 = arith.addi %shift_left3A_1326, %shift_left3A_1332 : vector<16xi32>
      %add3A_1334 = arith.addi %add3A_1333, %add3A_1320 : vector<16xi32>
      %lt3A_1335 = arith.constant 32 : i32
      %lt3A_1336 = vector.broadcast %lt3A_1335 : i32 to vector<16xi32>
      %lt3A_1337 = arith.cmpi slt, %get3A_1317, %lt3A_1336 : vector<16xi32>
      tpu.vector_store_idx %arg5[%broadcast_in_dim3A_240, %add3A_1334], %broadcast_in_dim3A_3 masked %lt3A_1337 : memref<2x32768xf32, #tpu.memory_space<vmem>>[vector<16xi32>, vector<16xi32>], vector<16xf32>, vector<16xi1>
      %get3A_1338 = arith.constant 5 : i32
      %get3A_1339 = arith.index_cast %rem3A_169 : i32 to index
      %get3A_1340 = arith.index_cast %get3A_1338 : i32 to index
      %get3A_1341 = arith.constant 64 : index
      %get3A_1342 = tpu.vector_load %arg4[%get3A_1339, %get3A_1340, %get3A_1341] {strides = array<i32>} : memref<4x8x128xi32, #tpu.memory_space<vmem>>, vector<16xi32>,
      %add3A_1343 = arith.constant 5184 : i32
      %add3A_1344 = vector.broadcast %add3A_1343 : i32 to vector<16xi32>
      %add3A_1345 = arith.addi %add3A_1344, %iota3A : vector<16xi32>
      %shift_right_arithmetic3A_1346 = arith.constant 3 : i32
      %shift_right_arithmetic3A_1347 = vector.broadcast %shift_right_arithmetic3A_1346 : i32 to vector<16xi32>
      %shift_right_arithmetic3A_1348 = arith.shrsi %get3A_1342, %shift_right_arithmetic3A_1347 : vector<16xi32>
      %shift_left3A_1349 = arith.constant 13 : i32
      %shift_left3A_1350 = vector.broadcast %shift_left3A_1349 : i32 to vector<16xi32>
      %shift_left3A_1351 = arith.shli %shift_right_arithmetic3A_1348, %shift_left3A_1350 : vector<16xi32>
      %and3A_1352 = arith.constant 7 : i32
      %and3A_1353 = vector.broadcast %and3A_1352 : i32 to vector<16xi32>
      %and3A_1354 = arith.andi %get3A_1342, %and3A_1353 : vector<16xi32>
      %shift_left3A_1355 = arith.constant 7 : i32
      %shift_left3A_1356 = vector.broadcast %shift_left3A_1355 : i32 to vector<16xi32>
      %shift_left3A_1357 = arith.shli %and3A_1354, %shift_left3A_1356 : vector<16xi32>
      %add3A_1358 = arith.addi %shift_left3A_1351, %shift_left3A_1357 : vector<16xi32>
      %add3A_1359 = arith.addi %add3A_1358, %add3A_1345 : vector<16xi32>
      %lt3A_1360 = arith.constant 32 : i32
      %lt3A_1361 = vector.broadcast %lt3A_1360 : i32 to vector<16xi32>
      %lt3A_1362 = arith.cmpi slt, %get3A_1342, %lt3A_1361 : vector<16xi32>
      tpu.vector_store_idx %arg5[%broadcast_in_dim3A_240, %add3A_1359], %broadcast_in_dim3A_3 masked %lt3A_1362 : memref<2x32768xf32, #tpu.memory_space<vmem>>[vector<16xi32>, vector<16xi32>], vector<16xf32>, vector<16xi1>
      %get3A_1363 = arith.constant 5 : i32
      %get3A_1364 = arith.index_cast %rem3A_169 : i32 to index
      %get3A_1365 = arith.index_cast %get3A_1363 : i32 to index
      %get3A_1366 = arith.constant 80 : index
      %get3A_1367 = tpu.vector_load %arg4[%get3A_1364, %get3A_1365, %get3A_1366] {strides = array<i32>} : memref<4x8x128xi32, #tpu.memory_space<vmem>>, vector<16xi32>,
      %add3A_1368 = arith.constant 5200 : i32
      %add3A_1369 = vector.broadcast %add3A_1368 : i32 to vector<16xi32>
      %add3A_1370 = arith.addi %add3A_1369, %iota3A : vector<16xi32>
      %shift_right_arithmetic3A_1371 = arith.constant 3 : i32
      %shift_right_arithmetic3A_1372 = vector.broadcast %shift_right_arithmetic3A_1371 : i32 to vector<16xi32>
      %shift_right_arithmetic3A_1373 = arith.shrsi %get3A_1367, %shift_right_arithmetic3A_1372 : vector<16xi32>
      %shift_left3A_1374 = arith.constant 13 : i32
      %shift_left3A_1375 = vector.broadcast %shift_left3A_1374 : i32 to vector<16xi32>
      %shift_left3A_1376 = arith.shli %shift_right_arithmetic3A_1373, %shift_left3A_1375 : vector<16xi32>
      %and3A_1377 = arith.constant 7 : i32
      %and3A_1378 = vector.broadcast %and3A_1377 : i32 to vector<16xi32>
      %and3A_1379 = arith.andi %get3A_1367, %and3A_1378 : vector<16xi32>
      %shift_left3A_1380 = arith.constant 7 : i32
      %shift_left3A_1381 = vector.broadcast %shift_left3A_1380 : i32 to vector<16xi32>
      %shift_left3A_1382 = arith.shli %and3A_1379, %shift_left3A_1381 : vector<16xi32>
      %add3A_1383 = arith.addi %shift_left3A_1376, %shift_left3A_1382 : vector<16xi32>
      %add3A_1384 = arith.addi %add3A_1383, %add3A_1370 : vector<16xi32>
      %lt3A_1385 = arith.constant 32 : i32
      %lt3A_1386 = vector.broadcast %lt3A_1385 : i32 to vector<16xi32>
      %lt3A_1387 = arith.cmpi slt, %get3A_1367, %lt3A_1386 : vector<16xi32>
      tpu.vector_store_idx %arg5[%broadcast_in_dim3A_240, %add3A_1384], %broadcast_in_dim3A_3 masked %lt3A_1387 : memref<2x32768xf32, #tpu.memory_space<vmem>>[vector<16xi32>, vector<16xi32>], vector<16xf32>, vector<16xi1>
      %get3A_1388 = arith.constant 5 : i32
      %get3A_1389 = arith.index_cast %rem3A_169 : i32 to index
      %get3A_1390 = arith.index_cast %get3A_1388 : i32 to index
      %get3A_1391 = arith.constant 96 : index
      %get3A_1392 = tpu.vector_load %arg4[%get3A_1389, %get3A_1390, %get3A_1391] {strides = array<i32>} : memref<4x8x128xi32, #tpu.memory_space<vmem>>, vector<16xi32>,
      %add3A_1393 = arith.constant 5216 : i32
      %add3A_1394 = vector.broadcast %add3A_1393 : i32 to vector<16xi32>
      %add3A_1395 = arith.addi %add3A_1394, %iota3A : vector<16xi32>
      %shift_right_arithmetic3A_1396 = arith.constant 3 : i32
      %shift_right_arithmetic3A_1397 = vector.broadcast %shift_right_arithmetic3A_1396 : i32 to vector<16xi32>
      %shift_right_arithmetic3A_1398 = arith.shrsi %get3A_1392, %shift_right_arithmetic3A_1397 : vector<16xi32>
      %shift_left3A_1399 = arith.constant 13 : i32
      %shift_left3A_1400 = vector.broadcast %shift_left3A_1399 : i32 to vector<16xi32>
      %shift_left3A_1401 = arith.shli %shift_right_arithmetic3A_1398, %shift_left3A_1400 : vector<16xi32>
      %and3A_1402 = arith.constant 7 : i32
      %and3A_1403 = vector.broadcast %and3A_1402 : i32 to vector<16xi32>
      %and3A_1404 = arith.andi %get3A_1392, %and3A_1403 : vector<16xi32>
      %shift_left3A_1405 = arith.constant 7 : i32
      %shift_left3A_1406 = vector.broadcast %shift_left3A_1405 : i32 to vector<16xi32>
      %shift_left3A_1407 = arith.shli %and3A_1404, %shift_left3A_1406 : vector<16xi32>
      %add3A_1408 = arith.addi %shift_left3A_1401, %shift_left3A_1407 : vector<16xi32>
      %add3A_1409 = arith.addi %add3A_1408, %add3A_1395 : vector<16xi32>
      %lt3A_1410 = arith.constant 32 : i32
      %lt3A_1411 = vector.broadcast %lt3A_1410 : i32 to vector<16xi32>
      %lt3A_1412 = arith.cmpi slt, %get3A_1392, %lt3A_1411 : vector<16xi32>
      tpu.vector_store_idx %arg5[%broadcast_in_dim3A_240, %add3A_1409], %broadcast_in_dim3A_3 masked %lt3A_1412 : memref<2x32768xf32, #tpu.memory_space<vmem>>[vector<16xi32>, vector<16xi32>], vector<16xf32>, vector<16xi1>
      %get3A_1413 = arith.constant 5 : i32
      %get3A_1414 = arith.index_cast %rem3A_169 : i32 to index
      %get3A_1415 = arith.index_cast %get3A_1413 : i32 to index
      %get3A_1416 = arith.constant 112 : index
      %get3A_1417 = tpu.vector_load %arg4[%get3A_1414, %get3A_1415, %get3A_1416] {strides = array<i32>} : memref<4x8x128xi32, #tpu.memory_space<vmem>>, vector<16xi32>,
      %add3A_1418 = arith.constant 5232 : i32
      %add3A_1419 = vector.broadcast %add3A_1418 : i32 to vector<16xi32>
      %add3A_1420 = arith.addi %add3A_1419, %iota3A : vector<16xi32>
      %shift_right_arithmetic3A_1421 = arith.constant 3 : i32
      %shift_right_arithmetic3A_1422 = vector.broadcast %shift_right_arithmetic3A_1421 : i32 to vector<16xi32>
      %shift_right_arithmetic3A_1423 = arith.shrsi %get3A_1417, %shift_right_arithmetic3A_1422 : vector<16xi32>
      %shift_left3A_1424 = arith.constant 13 : i32
      %shift_left3A_1425 = vector.broadcast %shift_left3A_1424 : i32 to vector<16xi32>
      %shift_left3A_1426 = arith.shli %shift_right_arithmetic3A_1423, %shift_left3A_1425 : vector<16xi32>
      %and3A_1427 = arith.constant 7 : i32
      %and3A_1428 = vector.broadcast %and3A_1427 : i32 to vector<16xi32>
      %and3A_1429 = arith.andi %get3A_1417, %and3A_1428 : vector<16xi32>
      %shift_left3A_1430 = arith.constant 7 : i32
      %shift_left3A_1431 = vector.broadcast %shift_left3A_1430 : i32 to vector<16xi32>
      %shift_left3A_1432 = arith.shli %and3A_1429, %shift_left3A_1431 : vector<16xi32>
      %add3A_1433 = arith.addi %shift_left3A_1426, %shift_left3A_1432 : vector<16xi32>
      %add3A_1434 = arith.addi %add3A_1433, %add3A_1420 : vector<16xi32>
      %lt3A_1435 = arith.constant 32 : i32
      %lt3A_1436 = vector.broadcast %lt3A_1435 : i32 to vector<16xi32>
      %lt3A_1437 = arith.cmpi slt, %get3A_1417, %lt3A_1436 : vector<16xi32>
      tpu.vector_store_idx %arg5[%broadcast_in_dim3A_240, %add3A_1434], %broadcast_in_dim3A_3 masked %lt3A_1437 : memref<2x32768xf32, #tpu.memory_space<vmem>>[vector<16xi32>, vector<16xi32>], vector<16xf32>, vector<16xi1>
      %get3A_1438 = arith.constant 6 : i32
      %get3A_1439 = arith.index_cast %rem3A_169 : i32 to index
      %get3A_1440 = arith.index_cast %get3A_1438 : i32 to index
      %get3A_1441 = arith.constant 0 : index
      %get3A_1442 = tpu.vector_load %arg4[%get3A_1439, %get3A_1440, %get3A_1441] {strides = array<i32>} : memref<4x8x128xi32, #tpu.memory_space<vmem>>, vector<16xi32>,
      %add3A_1443 = arith.constant 6144 : i32
      %add3A_1444 = vector.broadcast %add3A_1443 : i32 to vector<16xi32>
      %add3A_1445 = arith.addi %add3A_1444, %iota3A : vector<16xi32>
      %shift_right_arithmetic3A_1446 = arith.constant 3 : i32
      %shift_right_arithmetic3A_1447 = vector.broadcast %shift_right_arithmetic3A_1446 : i32 to vector<16xi32>
      %shift_right_arithmetic3A_1448 = arith.shrsi %get3A_1442, %shift_right_arithmetic3A_1447 : vector<16xi32>
      %shift_left3A_1449 = arith.constant 13 : i32
      %shift_left3A_1450 = vector.broadcast %shift_left3A_1449 : i32 to vector<16xi32>
      %shift_left3A_1451 = arith.shli %shift_right_arithmetic3A_1448, %shift_left3A_1450 : vector<16xi32>
      %and3A_1452 = arith.constant 7 : i32
      %and3A_1453 = vector.broadcast %and3A_1452 : i32 to vector<16xi32>
      %and3A_1454 = arith.andi %get3A_1442, %and3A_1453 : vector<16xi32>
      %shift_left3A_1455 = arith.constant 7 : i32
      %shift_left3A_1456 = vector.broadcast %shift_left3A_1455 : i32 to vector<16xi32>
      %shift_left3A_1457 = arith.shli %and3A_1454, %shift_left3A_1456 : vector<16xi32>
      %add3A_1458 = arith.addi %shift_left3A_1451, %shift_left3A_1457 : vector<16xi32>
      %add3A_1459 = arith.addi %add3A_1458, %add3A_1445 : vector<16xi32>
      %lt3A_1460 = arith.constant 32 : i32
      %lt3A_1461 = vector.broadcast %lt3A_1460 : i32 to vector<16xi32>
      %lt3A_1462 = arith.cmpi slt, %get3A_1442, %lt3A_1461 : vector<16xi32>
      tpu.vector_store_idx %arg5[%broadcast_in_dim3A_240, %add3A_1459], %broadcast_in_dim3A_3 masked %lt3A_1462 : memref<2x32768xf32, #tpu.memory_space<vmem>>[vector<16xi32>, vector<16xi32>], vector<16xf32>, vector<16xi1>
      %get3A_1463 = arith.constant 6 : i32
      %get3A_1464 = arith.index_cast %rem3A_169 : i32 to index
      %get3A_1465 = arith.index_cast %get3A_1463 : i32 to index
      %get3A_1466 = arith.constant 16 : index
      %get3A_1467 = tpu.vector_load %arg4[%get3A_1464, %get3A_1465, %get3A_1466] {strides = array<i32>} : memref<4x8x128xi32, #tpu.memory_space<vmem>>, vector<16xi32>,
      %add3A_1468 = arith.constant 6160 : i32
      %add3A_1469 = vector.broadcast %add3A_1468 : i32 to vector<16xi32>
      %add3A_1470 = arith.addi %add3A_1469, %iota3A : vector<16xi32>
      %shift_right_arithmetic3A_1471 = arith.constant 3 : i32
      %shift_right_arithmetic3A_1472 = vector.broadcast %shift_right_arithmetic3A_1471 : i32 to vector<16xi32>
      %shift_right_arithmetic3A_1473 = arith.shrsi %get3A_1467, %shift_right_arithmetic3A_1472 : vector<16xi32>
      %shift_left3A_1474 = arith.constant 13 : i32
      %shift_left3A_1475 = vector.broadcast %shift_left3A_1474 : i32 to vector<16xi32>
      %shift_left3A_1476 = arith.shli %shift_right_arithmetic3A_1473, %shift_left3A_1475 : vector<16xi32>
      %and3A_1477 = arith.constant 7 : i32
      %and3A_1478 = vector.broadcast %and3A_1477 : i32 to vector<16xi32>
      %and3A_1479 = arith.andi %get3A_1467, %and3A_1478 : vector<16xi32>
      %shift_left3A_1480 = arith.constant 7 : i32
      %shift_left3A_1481 = vector.broadcast %shift_left3A_1480 : i32 to vector<16xi32>
      %shift_left3A_1482 = arith.shli %and3A_1479, %shift_left3A_1481 : vector<16xi32>
      %add3A_1483 = arith.addi %shift_left3A_1476, %shift_left3A_1482 : vector<16xi32>
      %add3A_1484 = arith.addi %add3A_1483, %add3A_1470 : vector<16xi32>
      %lt3A_1485 = arith.constant 32 : i32
      %lt3A_1486 = vector.broadcast %lt3A_1485 : i32 to vector<16xi32>
      %lt3A_1487 = arith.cmpi slt, %get3A_1467, %lt3A_1486 : vector<16xi32>
      tpu.vector_store_idx %arg5[%broadcast_in_dim3A_240, %add3A_1484], %broadcast_in_dim3A_3 masked %lt3A_1487 : memref<2x32768xf32, #tpu.memory_space<vmem>>[vector<16xi32>, vector<16xi32>], vector<16xf32>, vector<16xi1>
      %get3A_1488 = arith.constant 6 : i32
      %get3A_1489 = arith.index_cast %rem3A_169 : i32 to index
      %get3A_1490 = arith.index_cast %get3A_1488 : i32 to index
      %get3A_1491 = arith.constant 32 : index
      %get3A_1492 = tpu.vector_load %arg4[%get3A_1489, %get3A_1490, %get3A_1491] {strides = array<i32>} : memref<4x8x128xi32, #tpu.memory_space<vmem>>, vector<16xi32>,
      %add3A_1493 = arith.constant 6176 : i32
      %add3A_1494 = vector.broadcast %add3A_1493 : i32 to vector<16xi32>
      %add3A_1495 = arith.addi %add3A_1494, %iota3A : vector<16xi32>
      %shift_right_arithmetic3A_1496 = arith.constant 3 : i32
      %shift_right_arithmetic3A_1497 = vector.broadcast %shift_right_arithmetic3A_1496 : i32 to vector<16xi32>
      %shift_right_arithmetic3A_1498 = arith.shrsi %get3A_1492, %shift_right_arithmetic3A_1497 : vector<16xi32>
      %shift_left3A_1499 = arith.constant 13 : i32
      %shift_left3A_1500 = vector.broadcast %shift_left3A_1499 : i32 to vector<16xi32>
      %shift_left3A_1501 = arith.shli %shift_right_arithmetic3A_1498, %shift_left3A_1500 : vector<16xi32>
      %and3A_1502 = arith.constant 7 : i32
      %and3A_1503 = vector.broadcast %and3A_1502 : i32 to vector<16xi32>
      %and3A_1504 = arith.andi %get3A_1492, %and3A_1503 : vector<16xi32>
      %shift_left3A_1505 = arith.constant 7 : i32
      %shift_left3A_1506 = vector.broadcast %shift_left3A_1505 : i32 to vector<16xi32>
      %shift_left3A_1507 = arith.shli %and3A_1504, %shift_left3A_1506 : vector<16xi32>
      %add3A_1508 = arith.addi %shift_left3A_1501, %shift_left3A_1507 : vector<16xi32>
      %add3A_1509 = arith.addi %add3A_1508, %add3A_1495 : vector<16xi32>
      %lt3A_1510 = arith.constant 32 : i32
      %lt3A_1511 = vector.broadcast %lt3A_1510 : i32 to vector<16xi32>
      %lt3A_1512 = arith.cmpi slt, %get3A_1492, %lt3A_1511 : vector<16xi32>
      tpu.vector_store_idx %arg5[%broadcast_in_dim3A_240, %add3A_1509], %broadcast_in_dim3A_3 masked %lt3A_1512 : memref<2x32768xf32, #tpu.memory_space<vmem>>[vector<16xi32>, vector<16xi32>], vector<16xf32>, vector<16xi1>
      %get3A_1513 = arith.constant 6 : i32
      %get3A_1514 = arith.index_cast %rem3A_169 : i32 to index
      %get3A_1515 = arith.index_cast %get3A_1513 : i32 to index
      %get3A_1516 = arith.constant 48 : index
      %get3A_1517 = tpu.vector_load %arg4[%get3A_1514, %get3A_1515, %get3A_1516] {strides = array<i32>} : memref<4x8x128xi32, #tpu.memory_space<vmem>>, vector<16xi32>,
      %add3A_1518 = arith.constant 6192 : i32
      %add3A_1519 = vector.broadcast %add3A_1518 : i32 to vector<16xi32>
      %add3A_1520 = arith.addi %add3A_1519, %iota3A : vector<16xi32>
      %shift_right_arithmetic3A_1521 = arith.constant 3 : i32
      %shift_right_arithmetic3A_1522 = vector.broadcast %shift_right_arithmetic3A_1521 : i32 to vector<16xi32>
      %shift_right_arithmetic3A_1523 = arith.shrsi %get3A_1517, %shift_right_arithmetic3A_1522 : vector<16xi32>
      %shift_left3A_1524 = arith.constant 13 : i32
      %shift_left3A_1525 = vector.broadcast %shift_left3A_1524 : i32 to vector<16xi32>
      %shift_left3A_1526 = arith.shli %shift_right_arithmetic3A_1523, %shift_left3A_1525 : vector<16xi32>
      %and3A_1527 = arith.constant 7 : i32
      %and3A_1528 = vector.broadcast %and3A_1527 : i32 to vector<16xi32>
      %and3A_1529 = arith.andi %get3A_1517, %and3A_1528 : vector<16xi32>
      %shift_left3A_1530 = arith.constant 7 : i32
      %shift_left3A_1531 = vector.broadcast %shift_left3A_1530 : i32 to vector<16xi32>
      %shift_left3A_1532 = arith.shli %and3A_1529, %shift_left3A_1531 : vector<16xi32>
      %add3A_1533 = arith.addi %shift_left3A_1526, %shift_left3A_1532 : vector<16xi32>
      %add3A_1534 = arith.addi %add3A_1533, %add3A_1520 : vector<16xi32>
      %lt3A_1535 = arith.constant 32 : i32
      %lt3A_1536 = vector.broadcast %lt3A_1535 : i32 to vector<16xi32>
      %lt3A_1537 = arith.cmpi slt, %get3A_1517, %lt3A_1536 : vector<16xi32>
      tpu.vector_store_idx %arg5[%broadcast_in_dim3A_240, %add3A_1534], %broadcast_in_dim3A_3 masked %lt3A_1537 : memref<2x32768xf32, #tpu.memory_space<vmem>>[vector<16xi32>, vector<16xi32>], vector<16xf32>, vector<16xi1>
      %get3A_1538 = arith.constant 6 : i32
      %get3A_1539 = arith.index_cast %rem3A_169 : i32 to index
      %get3A_1540 = arith.index_cast %get3A_1538 : i32 to index
      %get3A_1541 = arith.constant 64 : index
      %get3A_1542 = tpu.vector_load %arg4[%get3A_1539, %get3A_1540, %get3A_1541] {strides = array<i32>} : memref<4x8x128xi32, #tpu.memory_space<vmem>>, vector<16xi32>,
      %add3A_1543 = arith.constant 6208 : i32
      %add3A_1544 = vector.broadcast %add3A_1543 : i32 to vector<16xi32>
      %add3A_1545 = arith.addi %add3A_1544, %iota3A : vector<16xi32>
      %shift_right_arithmetic3A_1546 = arith.constant 3 : i32
      %shift_right_arithmetic3A_1547 = vector.broadcast %shift_right_arithmetic3A_1546 : i32 to vector<16xi32>
      %shift_right_arithmetic3A_1548 = arith.shrsi %get3A_1542, %shift_right_arithmetic3A_1547 : vector<16xi32>
      %shift_left3A_1549 = arith.constant 13 : i32
      %shift_left3A_1550 = vector.broadcast %shift_left3A_1549 : i32 to vector<16xi32>
      %shift_left3A_1551 = arith.shli %shift_right_arithmetic3A_1548, %shift_left3A_1550 : vector<16xi32>
      %and3A_1552 = arith.constant 7 : i32
      %and3A_1553 = vector.broadcast %and3A_1552 : i32 to vector<16xi32>
      %and3A_1554 = arith.andi %get3A_1542, %and3A_1553 : vector<16xi32>
      %shift_left3A_1555 = arith.constant 7 : i32
      %shift_left3A_1556 = vector.broadcast %shift_left3A_1555 : i32 to vector<16xi32>
      %shift_left3A_1557 = arith.shli %and3A_1554, %shift_left3A_1556 : vector<16xi32>
      %add3A_1558 = arith.addi %shift_left3A_1551, %shift_left3A_1557 : vector<16xi32>
      %add3A_1559 = arith.addi %add3A_1558, %add3A_1545 : vector<16xi32>
      %lt3A_1560 = arith.constant 32 : i32
      %lt3A_1561 = vector.broadcast %lt3A_1560 : i32 to vector<16xi32>
      %lt3A_1562 = arith.cmpi slt, %get3A_1542, %lt3A_1561 : vector<16xi32>
      tpu.vector_store_idx %arg5[%broadcast_in_dim3A_240, %add3A_1559], %broadcast_in_dim3A_3 masked %lt3A_1562 : memref<2x32768xf32, #tpu.memory_space<vmem>>[vector<16xi32>, vector<16xi32>], vector<16xf32>, vector<16xi1>
      %get3A_1563 = arith.constant 6 : i32
      %get3A_1564 = arith.index_cast %rem3A_169 : i32 to index
      %get3A_1565 = arith.index_cast %get3A_1563 : i32 to index
      %get3A_1566 = arith.constant 80 : index
      %get3A_1567 = tpu.vector_load %arg4[%get3A_1564, %get3A_1565, %get3A_1566] {strides = array<i32>} : memref<4x8x128xi32, #tpu.memory_space<vmem>>, vector<16xi32>,
      %add3A_1568 = arith.constant 6224 : i32
      %add3A_1569 = vector.broadcast %add3A_1568 : i32 to vector<16xi32>
      %add3A_1570 = arith.addi %add3A_1569, %iota3A : vector<16xi32>
      %shift_right_arithmetic3A_1571 = arith.constant 3 : i32
      %shift_right_arithmetic3A_1572 = vector.broadcast %shift_right_arithmetic3A_1571 : i32 to vector<16xi32>
      %shift_right_arithmetic3A_1573 = arith.shrsi %get3A_1567, %shift_right_arithmetic3A_1572 : vector<16xi32>
      %shift_left3A_1574 = arith.constant 13 : i32
      %shift_left3A_1575 = vector.broadcast %shift_left3A_1574 : i32 to vector<16xi32>
      %shift_left3A_1576 = arith.shli %shift_right_arithmetic3A_1573, %shift_left3A_1575 : vector<16xi32>
      %and3A_1577 = arith.constant 7 : i32
      %and3A_1578 = vector.broadcast %and3A_1577 : i32 to vector<16xi32>
      %and3A_1579 = arith.andi %get3A_1567, %and3A_1578 : vector<16xi32>
      %shift_left3A_1580 = arith.constant 7 : i32
      %shift_left3A_1581 = vector.broadcast %shift_left3A_1580 : i32 to vector<16xi32>
      %shift_left3A_1582 = arith.shli %and3A_1579, %shift_left3A_1581 : vector<16xi32>
      %add3A_1583 = arith.addi %shift_left3A_1576, %shift_left3A_1582 : vector<16xi32>
      %add3A_1584 = arith.addi %add3A_1583, %add3A_1570 : vector<16xi32>
      %lt3A_1585 = arith.constant 32 : i32
      %lt3A_1586 = vector.broadcast %lt3A_1585 : i32 to vector<16xi32>
      %lt3A_1587 = arith.cmpi slt, %get3A_1567, %lt3A_1586 : vector<16xi32>
      tpu.vector_store_idx %arg5[%broadcast_in_dim3A_240, %add3A_1584], %broadcast_in_dim3A_3 masked %lt3A_1587 : memref<2x32768xf32, #tpu.memory_space<vmem>>[vector<16xi32>, vector<16xi32>], vector<16xf32>, vector<16xi1>
      %get3A_1588 = arith.constant 6 : i32
      %get3A_1589 = arith.index_cast %rem3A_169 : i32 to index
      %get3A_1590 = arith.index_cast %get3A_1588 : i32 to index
      %get3A_1591 = arith.constant 96 : index
      %get3A_1592 = tpu.vector_load %arg4[%get3A_1589, %get3A_1590, %get3A_1591] {strides = array<i32>} : memref<4x8x128xi32, #tpu.memory_space<vmem>>, vector<16xi32>,
      %add3A_1593 = arith.constant 6240 : i32
      %add3A_1594 = vector.broadcast %add3A_1593 : i32 to vector<16xi32>
      %add3A_1595 = arith.addi %add3A_1594, %iota3A : vector<16xi32>
      %shift_right_arithmetic3A_1596 = arith.constant 3 : i32
      %shift_right_arithmetic3A_1597 = vector.broadcast %shift_right_arithmetic3A_1596 : i32 to vector<16xi32>
      %shift_right_arithmetic3A_1598 = arith.shrsi %get3A_1592, %shift_right_arithmetic3A_1597 : vector<16xi32>
      %shift_left3A_1599 = arith.constant 13 : i32
      %shift_left3A_1600 = vector.broadcast %shift_left3A_1599 : i32 to vector<16xi32>
      %shift_left3A_1601 = arith.shli %shift_right_arithmetic3A_1598, %shift_left3A_1600 : vector<16xi32>
      %and3A_1602 = arith.constant 7 : i32
      %and3A_1603 = vector.broadcast %and3A_1602 : i32 to vector<16xi32>
      %and3A_1604 = arith.andi %get3A_1592, %and3A_1603 : vector<16xi32>
      %shift_left3A_1605 = arith.constant 7 : i32
      %shift_left3A_1606 = vector.broadcast %shift_left3A_1605 : i32 to vector<16xi32>
      %shift_left3A_1607 = arith.shli %and3A_1604, %shift_left3A_1606 : vector<16xi32>
      %add3A_1608 = arith.addi %shift_left3A_1601, %shift_left3A_1607 : vector<16xi32>
      %add3A_1609 = arith.addi %add3A_1608, %add3A_1595 : vector<16xi32>
      %lt3A_1610 = arith.constant 32 : i32
      %lt3A_1611 = vector.broadcast %lt3A_1610 : i32 to vector<16xi32>
      %lt3A_1612 = arith.cmpi slt, %get3A_1592, %lt3A_1611 : vector<16xi32>
      tpu.vector_store_idx %arg5[%broadcast_in_dim3A_240, %add3A_1609], %broadcast_in_dim3A_3 masked %lt3A_1612 : memref<2x32768xf32, #tpu.memory_space<vmem>>[vector<16xi32>, vector<16xi32>], vector<16xf32>, vector<16xi1>
      %get3A_1613 = arith.constant 6 : i32
      %get3A_1614 = arith.index_cast %rem3A_169 : i32 to index
      %get3A_1615 = arith.index_cast %get3A_1613 : i32 to index
      %get3A_1616 = arith.constant 112 : index
      %get3A_1617 = tpu.vector_load %arg4[%get3A_1614, %get3A_1615, %get3A_1616] {strides = array<i32>} : memref<4x8x128xi32, #tpu.memory_space<vmem>>, vector<16xi32>,
      %add3A_1618 = arith.constant 6256 : i32
      %add3A_1619 = vector.broadcast %add3A_1618 : i32 to vector<16xi32>
      %add3A_1620 = arith.addi %add3A_1619, %iota3A : vector<16xi32>
      %shift_right_arithmetic3A_1621 = arith.constant 3 : i32
      %shift_right_arithmetic3A_1622 = vector.broadcast %shift_right_arithmetic3A_1621 : i32 to vector<16xi32>
      %shift_right_arithmetic3A_1623 = arith.shrsi %get3A_1617, %shift_right_arithmetic3A_1622 : vector<16xi32>
      %shift_left3A_1624 = arith.constant 13 : i32
      %shift_left3A_1625 = vector.broadcast %shift_left3A_1624 : i32 to vector<16xi32>
      %shift_left3A_1626 = arith.shli %shift_right_arithmetic3A_1623, %shift_left3A_1625 : vector<16xi32>
      %and3A_1627 = arith.constant 7 : i32
      %and3A_1628 = vector.broadcast %and3A_1627 : i32 to vector<16xi32>
      %and3A_1629 = arith.andi %get3A_1617, %and3A_1628 : vector<16xi32>
      %shift_left3A_1630 = arith.constant 7 : i32
      %shift_left3A_1631 = vector.broadcast %shift_left3A_1630 : i32 to vector<16xi32>
      %shift_left3A_1632 = arith.shli %and3A_1629, %shift_left3A_1631 : vector<16xi32>
      %add3A_1633 = arith.addi %shift_left3A_1626, %shift_left3A_1632 : vector<16xi32>
      %add3A_1634 = arith.addi %add3A_1633, %add3A_1620 : vector<16xi32>
      %lt3A_1635 = arith.constant 32 : i32
      %lt3A_1636 = vector.broadcast %lt3A_1635 : i32 to vector<16xi32>
      %lt3A_1637 = arith.cmpi slt, %get3A_1617, %lt3A_1636 : vector<16xi32>
      tpu.vector_store_idx %arg5[%broadcast_in_dim3A_240, %add3A_1634], %broadcast_in_dim3A_3 masked %lt3A_1637 : memref<2x32768xf32, #tpu.memory_space<vmem>>[vector<16xi32>, vector<16xi32>], vector<16xf32>, vector<16xi1>
      %get3A_1638 = arith.constant 7 : i32
      %get3A_1639 = arith.index_cast %rem3A_169 : i32 to index
      %get3A_1640 = arith.index_cast %get3A_1638 : i32 to index
      %get3A_1641 = arith.constant 0 : index
      %get3A_1642 = tpu.vector_load %arg4[%get3A_1639, %get3A_1640, %get3A_1641] {strides = array<i32>} : memref<4x8x128xi32, #tpu.memory_space<vmem>>, vector<16xi32>,
      %add3A_1643 = arith.constant 7168 : i32
      %add3A_1644 = vector.broadcast %add3A_1643 : i32 to vector<16xi32>
      %add3A_1645 = arith.addi %add3A_1644, %iota3A : vector<16xi32>
      %shift_right_arithmetic3A_1646 = arith.constant 3 : i32
      %shift_right_arithmetic3A_1647 = vector.broadcast %shift_right_arithmetic3A_1646 : i32 to vector<16xi32>
      %shift_right_arithmetic3A_1648 = arith.shrsi %get3A_1642, %shift_right_arithmetic3A_1647 : vector<16xi32>
      %shift_left3A_1649 = arith.constant 13 : i32
      %shift_left3A_1650 = vector.broadcast %shift_left3A_1649 : i32 to vector<16xi32>
      %shift_left3A_1651 = arith.shli %shift_right_arithmetic3A_1648, %shift_left3A_1650 : vector<16xi32>
      %and3A_1652 = arith.constant 7 : i32
      %and3A_1653 = vector.broadcast %and3A_1652 : i32 to vector<16xi32>
      %and3A_1654 = arith.andi %get3A_1642, %and3A_1653 : vector<16xi32>
      %shift_left3A_1655 = arith.constant 7 : i32
      %shift_left3A_1656 = vector.broadcast %shift_left3A_1655 : i32 to vector<16xi32>
      %shift_left3A_1657 = arith.shli %and3A_1654, %shift_left3A_1656 : vector<16xi32>
      %add3A_1658 = arith.addi %shift_left3A_1651, %shift_left3A_1657 : vector<16xi32>
      %add3A_1659 = arith.addi %add3A_1658, %add3A_1645 : vector<16xi32>
      %lt3A_1660 = arith.constant 32 : i32
      %lt3A_1661 = vector.broadcast %lt3A_1660 : i32 to vector<16xi32>
      %lt3A_1662 = arith.cmpi slt, %get3A_1642, %lt3A_1661 : vector<16xi32>
      tpu.vector_store_idx %arg5[%broadcast_in_dim3A_240, %add3A_1659], %broadcast_in_dim3A_3 masked %lt3A_1662 : memref<2x32768xf32, #tpu.memory_space<vmem>>[vector<16xi32>, vector<16xi32>], vector<16xf32>, vector<16xi1>
      %get3A_1663 = arith.constant 7 : i32
      %get3A_1664 = arith.index_cast %rem3A_169 : i32 to index
      %get3A_1665 = arith.index_cast %get3A_1663 : i32 to index
      %get3A_1666 = arith.constant 16 : index
      %get3A_1667 = tpu.vector_load %arg4[%get3A_1664, %get3A_1665, %get3A_1666] {strides = array<i32>} : memref<4x8x128xi32, #tpu.memory_space<vmem>>, vector<16xi32>,
      %add3A_1668 = arith.constant 7184 : i32
      %add3A_1669 = vector.broadcast %add3A_1668 : i32 to vector<16xi32>
      %add3A_1670 = arith.addi %add3A_1669, %iota3A : vector<16xi32>
      %shift_right_arithmetic3A_1671 = arith.constant 3 : i32
      %shift_right_arithmetic3A_1672 = vector.broadcast %shift_right_arithmetic3A_1671 : i32 to vector<16xi32>
      %shift_right_arithmetic3A_1673 = arith.shrsi %get3A_1667, %shift_right_arithmetic3A_1672 : vector<16xi32>
      %shift_left3A_1674 = arith.constant 13 : i32
      %shift_left3A_1675 = vector.broadcast %shift_left3A_1674 : i32 to vector<16xi32>
      %shift_left3A_1676 = arith.shli %shift_right_arithmetic3A_1673, %shift_left3A_1675 : vector<16xi32>
      %and3A_1677 = arith.constant 7 : i32
      %and3A_1678 = vector.broadcast %and3A_1677 : i32 to vector<16xi32>
      %and3A_1679 = arith.andi %get3A_1667, %and3A_1678 : vector<16xi32>
      %shift_left3A_1680 = arith.constant 7 : i32
      %shift_left3A_1681 = vector.broadcast %shift_left3A_1680 : i32 to vector<16xi32>
      %shift_left3A_1682 = arith.shli %and3A_1679, %shift_left3A_1681 : vector<16xi32>
      %add3A_1683 = arith.addi %shift_left3A_1676, %shift_left3A_1682 : vector<16xi32>
      %add3A_1684 = arith.addi %add3A_1683, %add3A_1670 : vector<16xi32>
      %lt3A_1685 = arith.constant 32 : i32
      %lt3A_1686 = vector.broadcast %lt3A_1685 : i32 to vector<16xi32>
      %lt3A_1687 = arith.cmpi slt, %get3A_1667, %lt3A_1686 : vector<16xi32>
      tpu.vector_store_idx %arg5[%broadcast_in_dim3A_240, %add3A_1684], %broadcast_in_dim3A_3 masked %lt3A_1687 : memref<2x32768xf32, #tpu.memory_space<vmem>>[vector<16xi32>, vector<16xi32>], vector<16xf32>, vector<16xi1>
      %get3A_1688 = arith.constant 7 : i32
      %get3A_1689 = arith.index_cast %rem3A_169 : i32 to index
      %get3A_1690 = arith.index_cast %get3A_1688 : i32 to index
      %get3A_1691 = arith.constant 32 : index
      %get3A_1692 = tpu.vector_load %arg4[%get3A_1689, %get3A_1690, %get3A_1691] {strides = array<i32>} : memref<4x8x128xi32, #tpu.memory_space<vmem>>, vector<16xi32>,
      %add3A_1693 = arith.constant 7200 : i32
      %add3A_1694 = vector.broadcast %add3A_1693 : i32 to vector<16xi32>
      %add3A_1695 = arith.addi %add3A_1694, %iota3A : vector<16xi32>
      %shift_right_arithmetic3A_1696 = arith.constant 3 : i32
      %shift_right_arithmetic3A_1697 = vector.broadcast %shift_right_arithmetic3A_1696 : i32 to vector<16xi32>
      %shift_right_arithmetic3A_1698 = arith.shrsi %get3A_1692, %shift_right_arithmetic3A_1697 : vector<16xi32>
      %shift_left3A_1699 = arith.constant 13 : i32
      %shift_left3A_1700 = vector.broadcast %shift_left3A_1699 : i32 to vector<16xi32>
      %shift_left3A_1701 = arith.shli %shift_right_arithmetic3A_1698, %shift_left3A_1700 : vector<16xi32>
      %and3A_1702 = arith.constant 7 : i32
      %and3A_1703 = vector.broadcast %and3A_1702 : i32 to vector<16xi32>
      %and3A_1704 = arith.andi %get3A_1692, %and3A_1703 : vector<16xi32>
      %shift_left3A_1705 = arith.constant 7 : i32
      %shift_left3A_1706 = vector.broadcast %shift_left3A_1705 : i32 to vector<16xi32>
      %shift_left3A_1707 = arith.shli %and3A_1704, %shift_left3A_1706 : vector<16xi32>
      %add3A_1708 = arith.addi %shift_left3A_1701, %shift_left3A_1707 : vector<16xi32>
      %add3A_1709 = arith.addi %add3A_1708, %add3A_1695 : vector<16xi32>
      %lt3A_1710 = arith.constant 32 : i32
      %lt3A_1711 = vector.broadcast %lt3A_1710 : i32 to vector<16xi32>
      %lt3A_1712 = arith.cmpi slt, %get3A_1692, %lt3A_1711 : vector<16xi32>
      tpu.vector_store_idx %arg5[%broadcast_in_dim3A_240, %add3A_1709], %broadcast_in_dim3A_3 masked %lt3A_1712 : memref<2x32768xf32, #tpu.memory_space<vmem>>[vector<16xi32>, vector<16xi32>], vector<16xf32>, vector<16xi1>
      %get3A_1713 = arith.constant 7 : i32
      %get3A_1714 = arith.index_cast %rem3A_169 : i32 to index
      %get3A_1715 = arith.index_cast %get3A_1713 : i32 to index
      %get3A_1716 = arith.constant 48 : index
      %get3A_1717 = tpu.vector_load %arg4[%get3A_1714, %get3A_1715, %get3A_1716] {strides = array<i32>} : memref<4x8x128xi32, #tpu.memory_space<vmem>>, vector<16xi32>,
      %add3A_1718 = arith.constant 7216 : i32
      %add3A_1719 = vector.broadcast %add3A_1718 : i32 to vector<16xi32>
      %add3A_1720 = arith.addi %add3A_1719, %iota3A : vector<16xi32>
      %shift_right_arithmetic3A_1721 = arith.constant 3 : i32
      %shift_right_arithmetic3A_1722 = vector.broadcast %shift_right_arithmetic3A_1721 : i32 to vector<16xi32>
      %shift_right_arithmetic3A_1723 = arith.shrsi %get3A_1717, %shift_right_arithmetic3A_1722 : vector<16xi32>
      %shift_left3A_1724 = arith.constant 13 : i32
      %shift_left3A_1725 = vector.broadcast %shift_left3A_1724 : i32 to vector<16xi32>
      %shift_left3A_1726 = arith.shli %shift_right_arithmetic3A_1723, %shift_left3A_1725 : vector<16xi32>
      %and3A_1727 = arith.constant 7 : i32
      %and3A_1728 = vector.broadcast %and3A_1727 : i32 to vector<16xi32>
      %and3A_1729 = arith.andi %get3A_1717, %and3A_1728 : vector<16xi32>
      %shift_left3A_1730 = arith.constant 7 : i32
      %shift_left3A_1731 = vector.broadcast %shift_left3A_1730 : i32 to vector<16xi32>
      %shift_left3A_1732 = arith.shli %and3A_1729, %shift_left3A_1731 : vector<16xi32>
      %add3A_1733 = arith.addi %shift_left3A_1726, %shift_left3A_1732 : vector<16xi32>
      %add3A_1734 = arith.addi %add3A_1733, %add3A_1720 : vector<16xi32>
      %lt3A_1735 = arith.constant 32 : i32
      %lt3A_1736 = vector.broadcast %lt3A_1735 : i32 to vector<16xi32>
      %lt3A_1737 = arith.cmpi slt, %get3A_1717, %lt3A_1736 : vector<16xi32>
      tpu.vector_store_idx %arg5[%broadcast_in_dim3A_240, %add3A_1734], %broadcast_in_dim3A_3 masked %lt3A_1737 : memref<2x32768xf32, #tpu.memory_space<vmem>>[vector<16xi32>, vector<16xi32>], vector<16xf32>, vector<16xi1>
      %get3A_1738 = arith.constant 7 : i32
      %get3A_1739 = arith.index_cast %rem3A_169 : i32 to index
      %get3A_1740 = arith.index_cast %get3A_1738 : i32 to index
      %get3A_1741 = arith.constant 64 : index
      %get3A_1742 = tpu.vector_load %arg4[%get3A_1739, %get3A_1740, %get3A_1741] {strides = array<i32>} : memref<4x8x128xi32, #tpu.memory_space<vmem>>, vector<16xi32>,
      %add3A_1743 = arith.constant 7232 : i32
      %add3A_1744 = vector.broadcast %add3A_1743 : i32 to vector<16xi32>
      %add3A_1745 = arith.addi %add3A_1744, %iota3A : vector<16xi32>
      %shift_right_arithmetic3A_1746 = arith.constant 3 : i32
      %shift_right_arithmetic3A_1747 = vector.broadcast %shift_right_arithmetic3A_1746 : i32 to vector<16xi32>
      %shift_right_arithmetic3A_1748 = arith.shrsi %get3A_1742, %shift_right_arithmetic3A_1747 : vector<16xi32>
      %shift_left3A_1749 = arith.constant 13 : i32
      %shift_left3A_1750 = vector.broadcast %shift_left3A_1749 : i32 to vector<16xi32>
      %shift_left3A_1751 = arith.shli %shift_right_arithmetic3A_1748, %shift_left3A_1750 : vector<16xi32>
      %and3A_1752 = arith.constant 7 : i32
      %and3A_1753 = vector.broadcast %and3A_1752 : i32 to vector<16xi32>
      %and3A_1754 = arith.andi %get3A_1742, %and3A_1753 : vector<16xi32>
      %shift_left3A_1755 = arith.constant 7 : i32
      %shift_left3A_1756 = vector.broadcast %shift_left3A_1755 : i32 to vector<16xi32>
      %shift_left3A_1757 = arith.shli %and3A_1754, %shift_left3A_1756 : vector<16xi32>
      %add3A_1758 = arith.addi %shift_left3A_1751, %shift_left3A_1757 : vector<16xi32>
      %add3A_1759 = arith.addi %add3A_1758, %add3A_1745 : vector<16xi32>
      %lt3A_1760 = arith.constant 32 : i32
      %lt3A_1761 = vector.broadcast %lt3A_1760 : i32 to vector<16xi32>
      %lt3A_1762 = arith.cmpi slt, %get3A_1742, %lt3A_1761 : vector<16xi32>
      tpu.vector_store_idx %arg5[%broadcast_in_dim3A_240, %add3A_1759], %broadcast_in_dim3A_3 masked %lt3A_1762 : memref<2x32768xf32, #tpu.memory_space<vmem>>[vector<16xi32>, vector<16xi32>], vector<16xf32>, vector<16xi1>
      %get3A_1763 = arith.constant 7 : i32
      %get3A_1764 = arith.index_cast %rem3A_169 : i32 to index
      %get3A_1765 = arith.index_cast %get3A_1763 : i32 to index
      %get3A_1766 = arith.constant 80 : index
      %get3A_1767 = tpu.vector_load %arg4[%get3A_1764, %get3A_1765, %get3A_1766] {strides = array<i32>} : memref<4x8x128xi32, #tpu.memory_space<vmem>>, vector<16xi32>,
      %add3A_1768 = arith.constant 7248 : i32
      %add3A_1769 = vector.broadcast %add3A_1768 : i32 to vector<16xi32>
      %add3A_1770 = arith.addi %add3A_1769, %iota3A : vector<16xi32>
      %shift_right_arithmetic3A_1771 = arith.constant 3 : i32
      %shift_right_arithmetic3A_1772 = vector.broadcast %shift_right_arithmetic3A_1771 : i32 to vector<16xi32>
      %shift_right_arithmetic3A_1773 = arith.shrsi %get3A_1767, %shift_right_arithmetic3A_1772 : vector<16xi32>
      %shift_left3A_1774 = arith.constant 13 : i32
      %shift_left3A_1775 = vector.broadcast %shift_left3A_1774 : i32 to vector<16xi32>
      %shift_left3A_1776 = arith.shli %shift_right_arithmetic3A_1773, %shift_left3A_1775 : vector<16xi32>
      %and3A_1777 = arith.constant 7 : i32
      %and3A_1778 = vector.broadcast %and3A_1777 : i32 to vector<16xi32>
      %and3A_1779 = arith.andi %get3A_1767, %and3A_1778 : vector<16xi32>
      %shift_left3A_1780 = arith.constant 7 : i32
      %shift_left3A_1781 = vector.broadcast %shift_left3A_1780 : i32 to vector<16xi32>
      %shift_left3A_1782 = arith.shli %and3A_1779, %shift_left3A_1781 : vector<16xi32>
      %add3A_1783 = arith.addi %shift_left3A_1776, %shift_left3A_1782 : vector<16xi32>
      %add3A_1784 = arith.addi %add3A_1783, %add3A_1770 : vector<16xi32>
      %lt3A_1785 = arith.constant 32 : i32
      %lt3A_1786 = vector.broadcast %lt3A_1785 : i32 to vector<16xi32>
      %lt3A_1787 = arith.cmpi slt, %get3A_1767, %lt3A_1786 : vector<16xi32>
      tpu.vector_store_idx %arg5[%broadcast_in_dim3A_240, %add3A_1784], %broadcast_in_dim3A_3 masked %lt3A_1787 : memref<2x32768xf32, #tpu.memory_space<vmem>>[vector<16xi32>, vector<16xi32>], vector<16xf32>, vector<16xi1>
      %get3A_1788 = arith.constant 7 : i32
      %get3A_1789 = arith.index_cast %rem3A_169 : i32 to index
      %get3A_1790 = arith.index_cast %get3A_1788 : i32 to index
      %get3A_1791 = arith.constant 96 : index
      %get3A_1792 = tpu.vector_load %arg4[%get3A_1789, %get3A_1790, %get3A_1791] {strides = array<i32>} : memref<4x8x128xi32, #tpu.memory_space<vmem>>, vector<16xi32>,
      %add3A_1793 = arith.constant 7264 : i32
      %add3A_1794 = vector.broadcast %add3A_1793 : i32 to vector<16xi32>
      %add3A_1795 = arith.addi %add3A_1794, %iota3A : vector<16xi32>
      %shift_right_arithmetic3A_1796 = arith.constant 3 : i32
      %shift_right_arithmetic3A_1797 = vector.broadcast %shift_right_arithmetic3A_1796 : i32 to vector<16xi32>
      %shift_right_arithmetic3A_1798 = arith.shrsi %get3A_1792, %shift_right_arithmetic3A_1797 : vector<16xi32>
      %shift_left3A_1799 = arith.constant 13 : i32
      %shift_left3A_1800 = vector.broadcast %shift_left3A_1799 : i32 to vector<16xi32>
      %shift_left3A_1801 = arith.shli %shift_right_arithmetic3A_1798, %shift_left3A_1800 : vector<16xi32>
      %and3A_1802 = arith.constant 7 : i32
      %and3A_1803 = vector.broadcast %and3A_1802 : i32 to vector<16xi32>
      %and3A_1804 = arith.andi %get3A_1792, %and3A_1803 : vector<16xi32>
      %shift_left3A_1805 = arith.constant 7 : i32
      %shift_left3A_1806 = vector.broadcast %shift_left3A_1805 : i32 to vector<16xi32>
      %shift_left3A_1807 = arith.shli %and3A_1804, %shift_left3A_1806 : vector<16xi32>
      %add3A_1808 = arith.addi %shift_left3A_1801, %shift_left3A_1807 : vector<16xi32>
      %add3A_1809 = arith.addi %add3A_1808, %add3A_1795 : vector<16xi32>
      %lt3A_1810 = arith.constant 32 : i32
      %lt3A_1811 = vector.broadcast %lt3A_1810 : i32 to vector<16xi32>
      %lt3A_1812 = arith.cmpi slt, %get3A_1792, %lt3A_1811 : vector<16xi32>
      tpu.vector_store_idx %arg5[%broadcast_in_dim3A_240, %add3A_1809], %broadcast_in_dim3A_3 masked %lt3A_1812 : memref<2x32768xf32, #tpu.memory_space<vmem>>[vector<16xi32>, vector<16xi32>], vector<16xf32>, vector<16xi1>
      %get3A_1813 = arith.constant 7 : i32
      %get3A_1814 = arith.index_cast %rem3A_169 : i32 to index
      %get3A_1815 = arith.index_cast %get3A_1813 : i32 to index
      %get3A_1816 = arith.constant 112 : index
      %get3A_1817 = tpu.vector_load %arg4[%get3A_1814, %get3A_1815, %get3A_1816] {strides = array<i32>} : memref<4x8x128xi32, #tpu.memory_space<vmem>>, vector<16xi32>,
      %add3A_1818 = arith.constant 7280 : i32
      %add3A_1819 = vector.broadcast %add3A_1818 : i32 to vector<16xi32>
      %add3A_1820 = arith.addi %add3A_1819, %iota3A : vector<16xi32>
      %shift_right_arithmetic3A_1821 = arith.constant 3 : i32
      %shift_right_arithmetic3A_1822 = vector.broadcast %shift_right_arithmetic3A_1821 : i32 to vector<16xi32>
      %shift_right_arithmetic3A_1823 = arith.shrsi %get3A_1817, %shift_right_arithmetic3A_1822 : vector<16xi32>
      %shift_left3A_1824 = arith.constant 13 : i32
      %shift_left3A_1825 = vector.broadcast %shift_left3A_1824 : i32 to vector<16xi32>
      %shift_left3A_1826 = arith.shli %shift_right_arithmetic3A_1823, %shift_left3A_1825 : vector<16xi32>
      %and3A_1827 = arith.constant 7 : i32
      %and3A_1828 = vector.broadcast %and3A_1827 : i32 to vector<16xi32>
      %and3A_1829 = arith.andi %get3A_1817, %and3A_1828 : vector<16xi32>
      %shift_left3A_1830 = arith.constant 7 : i32
      %shift_left3A_1831 = vector.broadcast %shift_left3A_1830 : i32 to vector<16xi32>
      %shift_left3A_1832 = arith.shli %and3A_1829, %shift_left3A_1831 : vector<16xi32>
      %add3A_1833 = arith.addi %shift_left3A_1826, %shift_left3A_1832 : vector<16xi32>
      %add3A_1834 = arith.addi %add3A_1833, %add3A_1820 : vector<16xi32>
      %lt3A_1835 = arith.constant 32 : i32
      %lt3A_1836 = vector.broadcast %lt3A_1835 : i32 to vector<16xi32>
      %lt3A_1837 = arith.cmpi slt, %get3A_1817, %lt3A_1836 : vector<16xi32>
      tpu.vector_store_idx %arg5[%broadcast_in_dim3A_240, %add3A_1834], %broadcast_in_dim3A_3 masked %lt3A_1837 : memref<2x32768xf32, #tpu.memory_space<vmem>>[vector<16xi32>, vector<16xi32>], vector<16xf32>, vector<16xi1>
      %mul3A_1838 = arith.constant 32 : i32
      %mul3A_1839 = arith.muli %mul3A_172, %mul3A_1838 : i32
      %dma_start3A_1840 = arith.constant 0 : i32
      %dma_start3A_1841 = tpu.memref_slice %arg5[%rem3A_167, %dma_start3A_1840] : memref<2x32768xf32, #tpu.memory_space<vmem>> -> memref<1x32768xf32, #tpu.memory_space<vmem>>
      %dma_start3A_1842 = tpu.memref_squeeze %dma_start3A_1841 : memref<1x32768xf32, #tpu.memory_space<vmem>> -> memref<32768xf32, #tpu.memory_space<vmem>>
      %dma_start3A_1843 = tpu.memref_slice %arg3[%mul3A_1839] : memref<134217728xf32, #tpu.memory_space<hbm>> -> memref<32768xf32, #tpu.memory_space<hbm>>
      %dma_start3A_1844 = tpu.memref_slice %arg7[%rem3A_167] : memref<2x!tpu.dma_semaphore, #tpu.memory_space<semaphore_mem>> -> memref<1x!tpu.dma_semaphore, #tpu.memory_space<semaphore_mem>>
      %dma_start3A_1845 = tpu.memref_squeeze %dma_start3A_1844 : memref<1x!tpu.dma_semaphore, #tpu.memory_space<semaphore_mem>> -> memref<!tpu.dma_semaphore, #tpu.memory_space<semaphore_mem>>
      %dma_start3A_1846 = tpu.memref_slice %arg3[%mul3A_1839] : memref<134217728xf32, #tpu.memory_space<hbm>> -> memref<32768xf32, #tpu.memory_space<hbm>>
      %dma_start3A_1847 = arith.constant 0 : i32
      %dma_start3A_1848 = tpu.memref_slice %arg5[%rem3A_167, %dma_start3A_1847] : memref<2x32768xf32, #tpu.memory_space<vmem>> -> memref<1x32768xf32, #tpu.memory_space<vmem>>
      %dma_start3A_1849 = tpu.memref_squeeze %dma_start3A_1848 : memref<1x32768xf32, #tpu.memory_space<vmem>> -> memref<32768xf32, #tpu.memory_space<vmem>>
      tpu.enqueue_dma source(%dma_start3A_1849 : memref<32768xf32, #tpu.memory_space<vmem>>) target(%dma_start3A_1846 : memref<32768xf32, #tpu.memory_space<hbm>>) target_semaphore(%dma_start3A_1845 : memref<!tpu.dma_semaphore, #tpu.memory_space<semaphore_mem>>)
    }
    %scan3A_129 = arith.constant 128 : i32
    %add3A_130 = arith.constant 126 : i32
    %add3A_131 = arith.addi %mul3A_2, %add3A_130 : i32
    %mul3A_132 = arith.constant 1024 : i32
    %mul3A_133 = arith.muli %add3A_131, %mul3A_132 : i32
    %mul3A_134 = arith.constant 32 : i32
    %mul3A_135 = arith.muli %mul3A_133, %mul3A_134 : i32
    %dma_wait3A = arith.constant 0 : i32
    %dma_wait3A_136 = arith.constant 0 : i32
    %dma_wait3A_137 = arith.constant 0 : i32
    %dma_wait3A_138 = tpu.memref_slice %arg5[%dma_wait3A, %dma_wait3A_137] : memref<2x32768xf32, #tpu.memory_space<vmem>> -> memref<1x32768xf32, #tpu.memory_space<vmem>>
    %dma_wait3A_139 = tpu.memref_squeeze %dma_wait3A_138 : memref<1x32768xf32, #tpu.memory_space<vmem>> -> memref<32768xf32, #tpu.memory_space<vmem>>
    %dma_wait3A_140 = tpu.memref_slice %arg3[%mul3A_135] : memref<134217728xf32, #tpu.memory_space<hbm>> -> memref<32768xf32, #tpu.memory_space<hbm>>
    %dma_wait3A_141 = tpu.memref_slice %arg7[%dma_wait3A_136] : memref<2x!tpu.dma_semaphore, #tpu.memory_space<semaphore_mem>> -> memref<1x!tpu.dma_semaphore, #tpu.memory_space<semaphore_mem>>
    %dma_wait3A_142 = tpu.memref_squeeze %dma_wait3A_141 : memref<1x!tpu.dma_semaphore, #tpu.memory_space<semaphore_mem>> -> memref<!tpu.dma_semaphore, #tpu.memory_space<semaphore_mem>>
    %dma_wait3A_143 = tpu.memref_slice %arg3[%mul3A_135] : memref<134217728xf32, #tpu.memory_space<hbm>> -> memref<32768xf32, #tpu.memory_space<hbm>>
    %dma_wait3A_144 = arith.constant 0 : i32
    %dma_wait3A_145 = tpu.memref_slice %arg5[%dma_wait3A, %dma_wait3A_144] : memref<2x32768xf32, #tpu.memory_space<vmem>> -> memref<1x32768xf32, #tpu.memory_space<vmem>>
    %dma_wait3A_146 = tpu.memref_squeeze %dma_wait3A_145 : memref<1x32768xf32, #tpu.memory_space<vmem>> -> memref<32768xf32, #tpu.memory_space<vmem>>
    tpu.wait_dma2 semaphore(%dma_wait3A_142 : memref<!tpu.dma_semaphore, #tpu.memory_space<semaphore_mem>>) src(%dma_wait3A_146 : memref<32768xf32, #tpu.memory_space<vmem>>) dst(%dma_wait3A_143 : memref<32768xf32, #tpu.memory_space<hbm>>)
    %add3A_147 = arith.constant 127 : i32
    %add3A_148 = arith.addi %mul3A_2, %add3A_147 : i32
    %mul3A_149 = arith.constant 1024 : i32
    %mul3A_150 = arith.muli %add3A_148, %mul3A_149 : i32
    %mul3A_151 = arith.constant 32 : i32
    %mul3A_152 = arith.muli %mul3A_150, %mul3A_151 : i32
    %dma_wait3A_153 = arith.constant 1 : i32
    %dma_wait3A_154 = arith.constant 1 : i32
    %dma_wait3A_155 = arith.constant 0 : i32
    %dma_wait3A_156 = tpu.memref_slice %arg5[%dma_wait3A_153, %dma_wait3A_155] : memref<2x32768xf32, #tpu.memory_space<vmem>> -> memref<1x32768xf32, #tpu.memory_space<vmem>>
    %dma_wait3A_157 = tpu.memref_squeeze %dma_wait3A_156 : memref<1x32768xf32, #tpu.memory_space<vmem>> -> memref<32768xf32, #tpu.memory_space<vmem>>
    %dma_wait3A_158 = tpu.memref_slice %arg3[%mul3A_152] : memref<134217728xf32, #tpu.memory_space<hbm>> -> memref<32768xf32, #tpu.memory_space<hbm>>
    %dma_wait3A_159 = tpu.memref_slice %arg7[%dma_wait3A_154] : memref<2x!tpu.dma_semaphore, #tpu.memory_space<semaphore_mem>> -> memref<1x!tpu.dma_semaphore, #tpu.memory_space<semaphore_mem>>
    %dma_wait3A_160 = tpu.memref_squeeze %dma_wait3A_159 : memref<1x!tpu.dma_semaphore, #tpu.memory_space<semaphore_mem>> -> memref<!tpu.dma_semaphore, #tpu.memory_space<semaphore_mem>>
    %dma_wait3A_161 = tpu.memref_slice %arg3[%mul3A_152] : memref<134217728xf32, #tpu.memory_space<hbm>> -> memref<32768xf32, #tpu.memory_space<hbm>>
    %dma_wait3A_162 = arith.constant 0 : i32
    %dma_wait3A_163 = tpu.memref_slice %arg5[%dma_wait3A_153, %dma_wait3A_162] : memref<2x32768xf32, #tpu.memory_space<vmem>> -> memref<1x32768xf32, #tpu.memory_space<vmem>>
    %dma_wait3A_164 = tpu.memref_squeeze %dma_wait3A_163 : memref<1x32768xf32, #tpu.memory_space<vmem>> -> memref<32768xf32, #tpu.memory_space<vmem>>
    tpu.wait_dma2 semaphore(%dma_wait3A_160 : memref<!tpu.dma_semaphore, #tpu.memory_space<semaphore_mem>>) src(%dma_wait3A_164 : memref<32768xf32, #tpu.memory_space<vmem>>) dst(%dma_wait3A_161 : memref<32768xf32, #tpu.memory_space<hbm>>)
    return
  }
}

</mosaic_0001>

<sc_bundles>
// kernel: _onehot_scatter.3.cloned.1.call-start
scs
__scs_entry_jumppad:
0x0: {  	(pc) =	sbr.rel $0x88, $3  }
0x1: {  	(tag) =	ssettag $0x0;
	lr =	simm.s32 $0x1  }
0x2: {  	[smem:$0x3FA0] =	sst lr;
	_ =	strace $0xD0000000  }
0x3: {  	_ = 	snop  }
0x4: {  	_ = 	snop  }
0x5: {  	_ = 	snop  }
0x6: {  	_ = 	snop  }
0x7: {  	_ = 	snop  }
__scs_overlays_trampoline_lowered:
0x8: {  	[smem:$0x3FAF] =	sst s0  }
0x9: {  	[smem:$0x3FB0] =	sst s1  }
0xa: {  	[smem:$0x3FB1] =	sst s2  }
0xb: {  	[smem:$0x3FB2] =	sst s3  }
0xc: {  	[smem:$0x3FB3] =	sst s4  }
0xd: {  	[smem:$0x3FB4] =	sst s5  }
0xe: {  	[smem:$0x3FB5] =	sst s6  }
0xf: {  	[smem:$0x3FB6] =	sst s7  }
0x10: {  	[smem:$0x3FB7] =	sst s8  }
0x11: {  	[smem:$0x3FB8] =	sst s9;
	s0 =	simm.s32 @!p0 $0x0  }
0x12: {  	s1 =	sld [smem:$0x3F9E];
	s0 =	simm.s32 @p0 $0x1  }
0x13: {  	[smem:$0x3FB9] =	sst s0;
	s0 =	simm.s32 @!p1 $0x0  }
0x14: {  	s2 =	sld [smem:$0x3F9D];
	s0 =	simm.s32 @p1 $0x1  }
0x15: {  	[smem:$0x3FBA] =	sst s0;
	s0 =	simm.s32 @!p2 $0x0  }
0x16: {  	s3 =	sld [smem:$0x3FDB];
	s0 =	simm.s32 @p2 $0x1  }
0x17: {  	s4 =	simm.s32 $0x1BF5;
	[smem:$0x3FBC] =	sst s0  }
0x18: {  	s0 =	sld [smem:$0x3F9F];
	_ =	swait.ge [sflag:s4], $0x0  }
0x19: {  	s7 =	sld [smem:$0x3FA0]  }
0x1a: {  	s8 =	sadd.s32 $0xFFFFE003, lr  }
0x1b: {  	s9 =	sadd.s32 $0xFFFFFEF7, lr;
	s5 =	simm.s32 $0xFFFFFFFF;
	p2 =	slt.u32 s8, $0xFFFFF086  }
0x1c: {  	p1 =	slt.u32 s9, $0xF7A;
	s5 =	simm.s32 @!p2 $0x0  }
0x1d: {  	s5 =	simm.s32 @p1 $0x1;
	p0 =	seq.s32 s7, s2  }
0x1e: {  	s7 =	smul.u32 @!p0 $0xF7A, s2;
	p2 =	seq.s32 @!p0 s5, $0x0  }
0x1f: {  	s9 =	smul.u32 $0xF7A, s1;
	s8 =	simm.s32 @!p0 $0x1BF5;
	p2 =	por !p2, p0  }
0x20: {  	[sflag:s8] =	ssyncset.s32 @!p0 $0xFFFFF086;
	s6 =	sadd.s32 @!p0 s3, s7;
	s7 =	simm.s32 @!p0 $0x108  }
0x21: {  	s3 =	sadd.s32 s3, s9;
	s6 =	sadd.s32 @!p0 $0x88, s6;
	s7 =	simm.s32 @p2 $0x1082  }
0x22: {  	[simem:s7], [sflag:s8] =	dma.local @!p0 [hbm:s6], $0xF7A  }
0x23: {  	s9 =	sor.u32 $0xD0000000, s2;
	s6 =	simm.s32 $0x108;
	_ =	swait.ge @!p0 [sflag:s8], $0x0  }
0x24: {  	s3 =	sadd.s32 $0x88, s3;
	s6 =	simm.s32 @!p1 $0x1082;
	[sflag:s4] =	ssyncset.s32 $0xFFFFF086  }
0x25: {  	[simem:s6], [sflag:s4] =	dma.local [hbm:s3], $0xF7A  }
0x26: {  	[smem:$0x3FA0] =	sst s1;
	(tag) =	ssettag s2;
	_ =	strace s9  }
0x27: {  	s1 =	sld [smem:$0x3FB0]  }
0x28: {  	s2 =	sld [smem:$0x3FB1]  }
0x29: {  	s4 =	sld [smem:$0x3FB3]  }
0x2a: {  	p0 =	seq.s32 s5, $0x0;
	s5 =	sld [smem:$0x3FB4]  }
0x2b: {  	s6 =	sld [smem:$0x3FB5]  }
0x2c: {  	s7 =	sld [smem:$0x3FB6]  }
0x2d: {  	s3 =	simm.s32 $0x108;
	s8 =	sld [smem:$0x3FB7]  }
0x2e: {  	s3 =	simm.s32 @!p0 $0x1082;
	s9 =	sld [smem:$0x3FB8]  }
0x2f: {  	lr =	sadd.s32 s0, s3;
	s0 =	sld [smem:$0x3FAF]  }
0x30: {  	s3 =	sld [smem:$0x3FB2]  }
0x31: {  	[smem:$0x3FBB] =	sst s10  }
0x32: {  	s10 =	sld [smem:$0x3FB9];
	_ =	sdelay $0x3  }
0x33: {  	p0 =	seq.s32 s10, $0x1;
	s10 =	sld [smem:$0x3FBB];
	_ =	sdelay $0x3  }
0x34: {  	[smem:$0x3FBB] =	sst s10  }
0x35: {  	s10 =	sld [smem:$0x3FBA];
	_ =	sdelay $0x3  }
0x36: {  	p1 =	seq.s32 s10, $0x1;
	s10 =	sld [smem:$0x3FBB];
	_ =	sdelay $0x3  }
0x37: {  	[smem:$0x3FBB] =	sst s10  }
0x38: {  	s10 =	sld [smem:$0x3FBC]  }
0x39: {  	_ = 	snop;
	(pc) =	sbr.ind lr, $3  }
0x3a: {  	_ = 	snop  }
0x3b: {  	_ = 	snop  }
0x3c: {  	p2 =	seq.s32 s10, $0x1;
	s10 =	sld [smem:$0x3FBB]  }
0x3d: {  	_ =	shalt  }
0x3e: {  	_ =	shalt  }
0x3f: {  	_ =	shalt  }
0x40: {  	_ =	shalt  }
0x41: {  	_ =	shalt  }
0x42: {  	_ =	shalt  }
0x43: {  	_ =	shalt  }
0x44: {  	_ =	shalt  }
0x45: {  	_ =	shalt  }
0x46: {  	_ =	shalt  }
0x47: {  	_ =	shalt  }
0x48: {  	_ =	shalt  }
0x49: {  	_ =	shalt  }
0x4a: {  	_ =	shalt  }
0x4b: {  	_ =	shalt  }
0x4c: {  	_ =	shalt  }
0x4d: {  	_ =	shalt  }
0x4e: {  	_ =	shalt  }
0x4f: {  	_ =	shalt  }
0x50: {  	_ =	shalt  }
0x51: {  	_ =	shalt  }
0x52: {  	_ =	shalt  }
0x53: {  	_ =	shalt  }
0x54: {  	_ =	shalt  }
0x55: {  	_ =	shalt  }
0x56: {  	_ =	shalt  }
0x57: {  	_ =	shalt  }
0x58: {  	_ =	shalt  }
0x59: {  	_ =	shalt  }
0x5a: {  	_ =	shalt  }
0x5b: {  	_ =	shalt  }
0x5c: {  	_ =	shalt  }
0x5d: {  	_ =	shalt  }
0x5e: {  	_ =	shalt  }
0x5f: {  	_ =	shalt  }
0x60: {  	_ =	shalt  }
0x61: {  	_ =	shalt  }
0x62: {  	_ =	shalt  }
0x63: {  	_ =	shalt  }
0x64: {  	_ =	shalt  }
0x65: {  	_ =	shalt  }
0x66: {  	_ =	shalt  }
0x67: {  	_ =	shalt  }
0x68: {  	_ =	shalt  }
0x69: {  	_ =	shalt  }
0x6a: {  	_ =	shalt  }
0x6b: {  	_ =	shalt  }
0x6c: {  	_ =	shalt  }
0x6d: {  	_ =	shalt  }
0x6e: {  	_ =	shalt  }
0x6f: {  	_ =	shalt  }
0x70: {  	_ =	shalt  }
0x71: {  	_ =	shalt  }
0x72: {  	_ =	shalt  }
0x73: {  	_ =	shalt  }
0x74: {  	_ =	shalt  }
0x75: {  	_ =	shalt  }
0x76: {  	_ =	shalt  }
0x77: {  	_ =	shalt  }
0x78: {  	_ =	shalt  }
0x79: {  	_ =	shalt  }
0x7a: {  	_ =	shalt  }
0x7b: {  	_ =	shalt  }
0x7c: {  	_ =	shalt  }
0x7d: {  	_ =	shalt  }
0x7e: {  	_ =	shalt  }
0x7f: {  	_ =	shalt  }
0x80: {  	_ =	shalt  }
0x81: {  	_ =	shalt  }
0x82: {  	_ =	shalt  }
0x83: {  	_ =	shalt  }
0x84: {  	_ =	shalt  }
0x85: {  	_ =	shalt  }
0x86: {  	_ =	shalt  }
0x87: {  	_ =	shalt  }
.Lfunc_end0:
.L_simem_size_0:
called_computation_lowered:
.L_overlay_start_0:
0x88: {  	s2 =	sld [smem:$0x3FD9]  }
0x89: {  	s3 =	sld [smem:$0x3FFE];
	_ =	sdelay $0x1  }
0x8a: {  	s1 =	srdreg.scid  }
0x8b: {  	s0 =	sand.u32 $0x1, s1  }
0x8c: {  	s18 =	sshll.u32 s0, $0xA;
	s2 =	sadd.s32 s3, s2  }
0x8d: {  	s2 =	sadd.s32 s2, s18  }
0x8e: {  	[smem:$0x3FC7] =	sst s2  }
0x8f: {  	_ = 	snop  }
0x90: {  	s2 =	sld [smem:$0x3FC9]  }
0x91: {  	s19 =	sld [smem:$0x3FD0];
	(tm) =	ssettm $0x1  }
0x92: {  	s4 =	sld [smem:$0x3FFB];
	_ =	sdelay $0x3  }
0x93: {  	_ =	strace s4  }
0x94: {  	s4 =	sld [smem:$0x3FFC];
	_ =	sdelay $0x3  }
0x95: {  	_ =	strace s4  }
0x96: {  	s4 =	sld [smem:$0x3FFD];
	_ =	sdelay $0x3  }
0x97: {  	_ =	strace s4  }
0x98: {  	_ =	strace $0x8FFFFFFF  }
0x99: {  	s20 =	sld [smem:$0x3FDB];
	_ =	sdelay $0x1  }
0x9a: {  	s5 =	simm.s32 $_scs_section_size  }
0x9b: {  	s6 =	simm.s32 $_size__tile_overlayer_lowered;
	s7 =	simm.s32 $_tile_overlayer_lowered  }
0x9c: {  	s23 =	simm.s32 $0x1BFF;
	s22 =	sshll.u32 s7, $0x1;
	s4 =	sadd.s32 s5, s20  }
0x9d: {  	s8 =	simm.s32 $0x0;
	s21 =	sshll.u32 s6, $0x1;
	s6 =	sadd.s32 s22, s4  }
0x9e: {  	[timem:s8], [sflag:s23] =	dma.local [hbm:s6], s21  }
0x9f: {  	_ =	swait.ge [sflag:s23], s21  }
0xa0: {  	s5 =	ssub.s32 $0x0, s21;
	[sflag:s23] =	ssyncset.done $0x0  }
0xa1: {  	[sflag:s23] =	ssyncadd.s32 s5;
	_ =	sdelay $0x1  }
0xa2: {  	s24 =	simm.s32 $0x1B8B  }
0xa3: {  	_ =	swait.ge [sflag:s24], $0x1  }
0xa4: {  	[sflag:s24] =	ssyncset.done $0x0  }
0xa5: {  	s25 =	simm.s32 $0x1B8E;
	[sflag:s24] =	ssyncadd.s32 $0xFFFFFFFF  }
0xa6: {  	s26 =	simm.s32 $execute0_lowered;
	[smem:$0x3FD2] =	sst s25  }
0xa7: {  	s5 =	sshll.u32 s26, $0x1;
	_ =	strace $0x80000046;
	[dreg:$0x1] =	wrdreg $0xFFFFFFFF  }
0xa8: {  	s28 =	simm.s32 $_size_execute0_lowered;
	s4 =	sadd.s32 s4, s5;
	[dreg:$0x0] =	wrdreg $0x0  }
0xa9: {  	s5 =	sshll.u32 s28, $0x1;
	[dreg:$0x2] =	wrdreg s4  }
0xaa: {  	[dreg:$0x3] =	wrdreg s5  }
0xab: {  	[dreg:$0x4] =	wrdreg $0xC0  }
0xac: {  	_ =	task [dreg:s8], $0x5FFFF  }
0xad: {  	[dreg:$0x1] =	wrdreg $0xFFFFFFFF  }
0xae: {  	[dreg:$0x0] =	wrdreg $0x60  }
0xaf: {  	[dreg:$0x2] =	wrdreg s2  }
0xb0: {  	[dreg:$0x3] =	wrdreg s19  }
0xb1: {  	[dreg:$0x4] =	wrdreg $0x9  }
0xb2: {  	_ =	task.clear_ibuf [dreg:s8], $0x5FFFF;
	_ =	strace $0x90000046  }
0xb3: {  	s29 =	simm.s32 $0x9;
	_ =	strace $0x80000048  }
0xb4: {  	_ =	swait.ge [sflag:s29], $0x1  }
0xb5: {  	[sflag:s29] =	ssyncadd.s32 $0xFFFFFFFF  }
0xb6: {  	_ =	strace $0x90000048  }
0xb7: {  	_ =	sfence  }
0xb8: {  	s30 =	sld [smem:$0x0];
	_ =	sdelay $0x2  }
0xb9: {  	s31 =	sshll.u32 s1, $0xD;
	s1 =	sshrl.u32 s1, $0x2  }
0xba: {  	s3 =	sand.u32 $0x4000, s31;
	s1 =	sadd.s32 s1, s30  }
0xbb: {  	s0 =	sor.u32 s3, s0;
	s1 =	sshll.u32 s1, $0x11  }
0xbc: {  	s0 =	sor.u32 s1, s0  }
0xbd: {  	s0 =	sadd.s32 $0x8F2B, s0  }
0xbe: {  	[sflag:s0] =	ssyncadd.remote.s32 $0x1  }
0xbf: {  	_ =	sfence.sel $0xFFFF  }
0xc0: {  	[dreg:$0x0] =	wrdreg $0xFFFFFFFF;
	(pc) =	sbr.abs _section_cstart, $3  }
0xc1: {  	[dreg:$0x1] =	wrdreg $0xFFFFFFFF  }
0xc2: {  	_ =	task.clear_ibuf [dreg:s8], $0x2FFFF;
	_ =	strace $0x9FFFFFFF  }
0xc3: {  	(tm) =	ssettm $0x7FFFFFFF  }
tec
execute0_lowered:
.L_overlay_start_1:
0x0: {  	(tag) =	ssettag $0x1  }
0x1: {  	v3 =	vlaneseq.u32  }
0x2: {  	v1 =	vimm.f32 $0.0e+00;
	v2 =	vand.u32 $0x7, v3  }
0x3: {  	v0 =	vor.u32 $0x10, v3;
	v7 =	vor.u32 $0x50, v3;
	v8 =	vor.u32 $0x60, v3  }
0x4: {  	v9 =	vor.u32 $0x70, v3;
	v10 =	vor.u32 $0x400, v3;
	v11 =	vor.u32 $0x410, v3  }
0x5: {  	v12 =	vor.u32 $0x420, v3;
	v13 =	vor.u32 $0x430, v3;
	v14 =	vor.u32 $0x440, v3  }
0x6: {  	v15 =	vor.u32 $0x450, v3;
	v16 =	vor.u32 $0x460, v3;
	v17 =	vor.u32 $0x470, v3  }
0x7: {  	v18 =	vor.u32 $0x800, v3;
	v19 =	vor.u32 $0x810, v3;
	v20 =	vor.u32 $0x820, v3  }
0x8: {  	v21 =	vor.u32 $0x830, v3;
	v22 =	vor.u32 $0x840, v3;
	v23 =	vor.u32 $0x850, v3  }
0x9: {  	v24 =	vor.u32 $0x860, v3;
	v25 =	vor.u32 $0x870, v3;
	v26 =	vor.u32 $0xC00, v3  }
0xa: {  	v27 =	vor.u32 $0xC10, v3;
	v28 =	vor.u32 $0xC20, v3;
	v29 =	vor.u32 $0xC30, v3  }
0xb: {  	v30 =	vor.u32 $0xC40, v3;
	v31 =	vor.u32 $0xC50, v3;
	v32 =	vor.u32 $0xC60, v3  }
0xc: {  	s0 =	rddreg [dreg:$0x0];
	v33 =	vor.u32 $0xC70, v3;
	v34 =	vor.u32 $0x1000, v3;
	v35 =	vor.u32 $0x1010, v3  }
0xd: {  	s2 =	srdreg.scid;
	s7 =	rddreg [dreg:$0x1];
	v36 =	vor.u32 $0x1020, v3;
	v37 =	vor.u32 $0x1030, v3;
	v38 =	vor.u32 $0x1040, v3  }
0xe: {  	s1 =	stileid.u32;
	s3 =	simm.s32 $0x0;
	s11 =	simm.s32 $0x400;
	v39 =	vor.u32 $0x1050, v3;
	v40 =	vor.u32 $0x1060, v3;
	v41 =	vor.u32 $0x1070, v3  }
0xf: {  	s12 =	simm.s32 $0x1000;
	s13 =	simm.s32 $0x5;
	s14 =	simm.s32 $0x6;
	v42 =	vor.u32 $0x1400, v3;
	v43 =	vor.u32 $0x1410, v3;
	v44 =	vor.u32 $0x1420, v3  }
0x10: {  	s15 =	simm.s32 $0x0;
	s8 =	sand.u32 $0x1, s2;
	s2 =	rddreg [dreg:$0x2];
	v45 =	vor.u32 $0x1430, v3;
	v46 =	vor.u32 $0x1440, v3;
	[tilespmem:$0x1FFC0] =	vst v0;
	v0 =	vor.u32 $0x20, v3  }
0x11: {  	s4 =	sshll.u32 s1, $0x8;
	[smem:$0x7FF] =	sst s3;
	v47 =	vor.u32 $0x1450, v3;
	v48 =	vor.u32 $0x1460, v3;
	s10 =	sshll.u32 s1, $0x14;
	[tilespmem:$0x1FFD0] =	vst v0;
	v0 =	vor.u32 $0x30, v3  }
0x12: {  	v49 =	vor.u32 $0x1470, v3;
	v50 =	vor.u32 $0x1800, v3;
	s5 =	sshll.u32 s8, $0x7;
	s6 =	ssub.s32 $0x2, s8;
	s7 =	sadd.s32 s10, s7;
	[tilespmem:$0x1FFE0] =	vst v0;
	v0 =	vor.u32 $0x40, v3  }
.Ltmp0:
0x13: {  	v51 =	vor.u32 $0x1810, v3;
	v52 =	vor.u32 $0x1820, v3;
	s8 =	sshll.u32 s8, $0x13;
	s10 =	simm.s32 $0x80;
	[tilespmem:$0x1FFF0] =	vst v0;
	v0 =	vshrl.u32 v3, $0x3;
	(pc) =	sbr.rel .LBB2_1-.Ltmp0, $4  }
0x14: {  	v53 =	vor.u32 $0x1830, v3;
	v54 =	vor.u32 $0x1840, v3;
	s9 =	sor.u32 s5, s4;
	s31 =	sshrl.u32 s6, $0x1;
	s7 =	sadd.s32 s8, s7;
	v55 =	vmul.u32 $0x8, v0  }
0x15: {  	v56 =	vor.u32 $0x1850, v3;
	v57 =	vor.u32 $0x1860, v3;
	v58 =	vor.u32 $0x1870, v3;
	s5 =	sshll.u32 s9, $0x7;
	s6 =	ssub.s32 s6, s31;
	s9 =	sor.u32 $0x2, s9  }
0x16: {  	s4 =	sadd.s32 s0, s5;
	s6 =	smax.u32 s6, $0x1;
	s8 =	sshll.u32 s9, $0x4;
	v0 =	vimm.f32 $1.000000000e+00;
	v59 =	vor.u32 $0x1C00, v55;
	v60 =	vor.u32 $0x1C10, v55  }
0x17: {  	s9 =	sshll.u32 s9, $0x7;
	_ =	strace $0x80000047;
	s5 =	sadd.s32 $0x10, s4;
	v61 =	vor.u32 $0x1C20, v55;
	v62 =	vor.u32 $0x1C30, v55;
	v63 =	vor.u32 $0x1C40, v55  }
.LBB2_9:
0x18: {  	s15 =	sadd.s32 $0x1, s15  }
0x19: {  	_ =	swait.ge [sflag:s13], $0x8000;
	p0 =	sne.s32 s15, s6  }
.Ltmp1:
0x1a: {  	[sflag:s13] =	ssyncset.done $0x0;
	(pc) =	sbr.rel @!p0 .LBB2_10-.Ltmp1, $4  }
0x1b: {  	[sflag:s13] =	ssyncadd.s32 $0xFFFF8000  }
0x1c: {  	_ =	swait.ge [sflag:s14], $0x8000  }
0x1d: {  	[sflag:s14] =	ssyncset.done $0x0  }
0x1e: {  	[sflag:s14] =	ssyncadd.s32 $0xFFFF8000  }
.LBB2_1:
0x1f: {  	[tilespmem:s3], [sflag:$0x1] =	stream.strided.gather [hbm4b:s4+s10], $0x400, s11, s10, $0x38;
	[tilespmem:$0x11000] =	vst v63  }
0x20: {  	s16 =	sand.u32 $0x1FC00, s3  }
0x21: {  	s17 =	sand.u32 $0x8000, s3;
	s16 =	sshrl.u32 s16, $0x2  }
0x22: {  	[tilespmem:s11], [sflag:$0x2] =	stream.strided.gather [hbm4b:s5+s10], $0x400, s11, s10, $0x38;
	[tilespmem:$0x11000] =	vst v63  }
0x23: {  	s16 =	sor.u32 s16, s17  }
0x24: {  	[tilespmem:s16+$0x10F0] =	vst v1  }
0x25: {  	[tilespmem:s16+$0x1000] =	vst v1  }
0x26: {  	[tilespmem:s16+$0x1010] =	vst v1  }
0x27: {  	[tilespmem:s16+$0x1020] =	vst v1  }
0x28: {  	[tilespmem:s16+$0x1030] =	vst v1  }
0x29: {  	[tilespmem:s16+$0x1040] =	vst v1  }
0x2a: {  	[tilespmem:s16+$0x1050] =	vst v1  }
0x2b: {  	[tilespmem:s16+$0x1060] =	vst v1  }
0x2c: {  	[tilespmem:s16+$0x1070] =	vst v1  }
0x2d: {  	[tilespmem:s16+$0x1080] =	vst v1  }
0x2e: {  	[tilespmem:s16+$0x1090] =	vst v1  }
0x2f: {  	[tilespmem:s16+$0x10A0] =	vst v1  }
0x30: {  	s31 =	simm.s32 $0x400;
	[tilespmem:s16+$0x10B0] =	vst v1  }
0x31: {  	s18 =	simm.s32 $0x100;
	s19 =	sand.u32 $0x1FC00, s31;
	s17 =	simm.s32 $0x800;
	[tilespmem:s16+$0x10C0] =	vst v1  }
.LBB2_2:
0x32: {  	p0 =	sne.s32 s17, $0x3FC00;
	s20 =	sand.u32 $0x8000, s18;
	s19 =	sshrl.u32 s19, $0x2;
	[tilespmem:s16+$0x10D0] =	vst v1  }
0x33: {  	[tilespmem:s16+$0x10E0] =	vst v1;
	s16 =	sor.u32 s19, s20  }
0x34: {  	[tilespmem:s16+$0x10F0] =	vst v1  }
0x35: {  	[tilespmem:s16+$0x1000] =	vst v1  }
0x36: {  	[tilespmem:s16+$0x1010] =	vst v1  }
0x37: {  	[tilespmem:s16+$0x1020] =	vst v1  }
0x38: {  	[tilespmem:s16+$0x1030] =	vst v1  }
0x39: {  	[tilespmem:s16+$0x1040] =	vst v1  }
0x3a: {  	[tilespmem:s16+$0x1050] =	vst v1  }
0x3b: {  	[tilespmem:s16+$0x1060] =	vst v1  }
0x3c: {  	[tilespmem:s16+$0x1070] =	vst v1  }
.Ltmp2:
0x3d: {  	[tilespmem:s16+$0x1080] =	vst v1;
	(pc) =	sbr.rel @p0 .LBB2_2-.Ltmp2, $4  }
0x3e: {  	[tilespmem:s16+$0x1090] =	vst v1  }
0x3f: {  	[tilespmem:s16+$0x10A0] =	vst v1  }
0x40: {  	[tilespmem:s16+$0x10B0] =	vst v1  }
0x41: {  	s18 =	sadd.s32 $0x100, s18;
	s19 =	sand.u32 $0x1FC00, s17;
	s17 =	sadd.s32 $0x400, s17;
	[tilespmem:s16+$0x10C0] =	vst v1  }
0x42: {  	s17 =	sand.u32 $0x8000, s18;
	s31 =	sshrl.u32 s19, $0x2;
	[tilespmem:s16+$0x10D0] =	vst v1  }
0x43: {  	[tilespmem:s16+$0x10E0] =	vst v1;
	s17 =	sor.u32 s31, s17  }
0x44: {  	[tilespmem:s17+$0x10F0] =	vst v1  }
0x45: {  	[tilespmem:s17+$0x1000] =	vst v1  }
0x46: {  	[tilespmem:s17+$0x1010] =	vst v1  }
0x47: {  	[tilespmem:s17+$0x1020] =	vst v1  }
0x48: {  	[tilespmem:s17+$0x1030] =	vst v1  }
0x49: {  	[tilespmem:s17+$0x1040] =	vst v1  }
0x4a: {  	[tilespmem:s17+$0x1050] =	vst v1  }
0x4b: {  	[tilespmem:s17+$0x1060] =	vst v1  }
0x4c: {  	[tilespmem:s17+$0x1070] =	vst v1  }
0x4d: {  	[tilespmem:s17+$0x1080] =	vst v1  }
0x4e: {  	[tilespmem:s17+$0x1090] =	vst v1  }
.Ltmp3:
0x4f: {  	[tilespmem:s17+$0x10A0] =	vst v1;
	(pc) =	sbr.rel .LBB2_4-.Ltmp3, $4  }
0x50: {  	[tilespmem:s17+$0x10B0] =	vst v1  }
0x51: {  	[tilespmem:s17+$0x10C0] =	vst v1  }
0x52: {  	s16 =	simm.s32 $0x0;
	s18 =	smov.u32 s8;
	[tilespmem:s17+$0x10D0] =	vst v1  }
0x53: {  	s19 =	smov.u32 s7;
	s20 =	simm.s32 $0x0;
	[tilespmem:s17+$0x10E0] =	vst v1;
	s17 =	smov.u32 s9  }
.LBB2_5:
0x54: {  	s24 =	sshll.u32 s21, $0xF  }
0x55: {  	v3 =	vmov s24  }
.LBB2_7:
0x56: {  	s24 =	sand.u32 $0x70, s18  }
0x57: {  	s25 =	sand.u32 $0xFFFFC00, s17;
	s26 =	sxor.u32 $0x2, s23;
	s24 =	sadd.s32 s0, s24  }
0x58: {  	s28 =	sshll.u32 s26, $0xA;
	s26 =	sadd.s32 $0x1, s26;
	s24 =	sadd.s32 s25, s24  }
0x59: {  	[tilespmem:s28], [sflag:s26] =	stream.strided.gather [hbm4b:s24+s10], $0x400, s11, s10, $0x38;
	[tilespmem:$0x11000] =	vst v63  }
.LBB2_8:
0x5a: {  	s23 =	sshll.u32 s23, $0xA  }
0x5b: {  	v4 =	vld [tilespmem:s23+$0x0];
	_ =	sdelay $0x4  }
0x5c: {  	v5 =	vshll.u32 v4, $0x7  }
0x5d: {  	v6 =	vshll.u32 v4, $0xA;
	v5 =	vand.u32 $0x380, v5  }
0x5e: {  	v5 =	vor.u32 v6, v5;
	v6 =	vlaneseq.u32  }
0x5f: {  	v5 =	vor.u32 v6, v5  }
0x60: {  	v5 =	vand.u32 $0xFFFFE388, v5  }
0x61: {  	vm0 =	vlt.s32 v4, $0x20;
	v4 =	vadd.s32 v3, v5  }
0x62: {  	v4 =	vor.u32 v2, v4;
	_ =	sdelay $0x4  }
0x63: {  	[tilespmem:v4+s12+$0x0] =	vst.idx.msk vm0, v0  }
0x64: {  	v4 =	vld [tilespmem:s23+$0x10];
	_ =	sdelay $0x4  }
0x65: {  	v5 =	vshll.u32 v4, $0x7  }
0x66: {  	v6 =	vshll.u32 v4, $0xA;
	v5 =	vand.u32 $0x380, v5  }
0x67: {  	v5 =	vor.u32 v6, v5;
	v6 =	vld [tilespmem:$0x1FFC0];
	_ =	sdelay $0x4  }
0x68: {  	v5 =	vor.u32 v6, v5  }
0x69: {  	v5 =	vand.u32 $0xFFFFE398, v5  }
0x6a: {  	vm13 =	vlt.s32 v4, $0x20;
	v4 =	vadd.s32 v3, v5  }
0x6b: {  	v4 =	vor.u32 v2, v4;
	_ =	sdelay $0x4  }
0x6c: {  	[tilespmem:v4+s12+$0x0] =	vst.idx.msk vm13, v0  }
0x6d: {  	v4 =	vld [tilespmem:s23+$0x20];
	_ =	sdelay $0x4  }
0x6e: {  	v5 =	vshll.u32 v4, $0x7  }
0x6f: {  	v6 =	vshll.u32 v4, $0xA;
	v5 =	vand.u32 $0x380, v5  }
0x70: {  	v5 =	vor.u32 v6, v5;
	v6 =	vld [tilespmem:$0x1FFD0];
	_ =	sdelay $0x4  }
0x71: {  	v5 =	vor.u32 v6, v5  }
0x72: {  	v5 =	vand.u32 $0xFFFFE3A8, v5  }
0x73: {  	vm14 =	vlt.s32 v4, $0x20;
	v4 =	vadd.s32 v3, v5  }
0x74: {  	v4 =	vor.u32 v2, v4;
	_ =	sdelay $0x4  }
0x75: {  	[tilespmem:v4+s12+$0x0] =	vst.idx.msk vm14, v0  }
0x76: {  	v4 =	vld [tilespmem:s23+$0x30];
	_ =	sdelay $0x4  }
0x77: {  	v5 =	vshll.u32 v4, $0x7  }
0x78: {  	v6 =	vshll.u32 v4, $0xA;
	v5 =	vand.u32 $0x380, v5  }
0x79: {  	v5 =	vor.u32 v6, v5;
	v6 =	vld [tilespmem:$0x1FFE0];
	_ =	sdelay $0x4  }
0x7a: {  	v5 =	vor.u32 v6, v5  }
0x7b: {  	v5 =	vand.u32 $0xFFFFE3B8, v5  }
0x7c: {  	vm15 =	vlt.s32 v4, $0x20;
	v4 =	vadd.s32 v3, v5  }
0x7d: {  	v4 =	vor.u32 v2, v4;
	_ =	sdelay $0x4  }
0x7e: {  	[tilespmem:v4+s12+$0x0] =	vst.idx.msk vm15, v0  }
0x7f: {  	v4 =	vld [tilespmem:s23+$0x40];
	_ =	sdelay $0x4  }
0x80: {  	v5 =	vshll.u32 v4, $0x7  }
0x81: {  	v6 =	vshll.u32 v4, $0xA;
	v5 =	vand.u32 $0x380, v5  }
0x82: {  	v5 =	vor.u32 v6, v5;
	v6 =	vld [tilespmem:$0x1FFF0];
	_ =	sdelay $0x4  }
0x83: {  	v5 =	vor.u32 v6, v5  }
0x84: {  	v5 =	vand.u32 $0xFFFFE3C8, v5  }
0x85: {  	vm4 =	vlt.s32 v4, $0x20;
	v4 =	vadd.s32 v3, v5  }
0x86: {  	v4 =	vor.u32 v2, v4;
	_ =	sdelay $0x4  }
0x87: {  	[tilespmem:v4+s12+$0x0] =	vst.idx.msk vm4, v0  }
0x88: {  	v4 =	vld [tilespmem:s23+$0x50];
	_ =	sdelay $0x4  }
0x89: {  	v5 =	vshll.u32 v4, $0x7  }
0x8a: {  	v6 =	vshll.u32 v4, $0xA;
	v5 =	vand.u32 $0x380, v5  }
0x8b: {  	v5 =	vor.u32 v6, v5  }
0x8c: {  	v5 =	vor.u32 v7, v5  }
0x8d: {  	v5 =	vand.u32 $0xFFFFE3D8, v5  }
0x8e: {  	vm5 =	vlt.s32 v4, $0x20;
	v4 =	vadd.s32 v3, v5  }
0x8f: {  	v4 =	vor.u32 v2, v4;
	_ =	sdelay $0x4  }
0x90: {  	[tilespmem:v4+s12+$0x0] =	vst.idx.msk vm5, v0  }
0x91: {  	v4 =	vld [tilespmem:s23+$0x60];
	_ =	sdelay $0x4  }
0x92: {  	v5 =	vshll.u32 v4, $0x7  }
0x93: {  	v6 =	vshll.u32 v4, $0xA;
	v5 =	vand.u32 $0x380, v5  }
0x94: {  	v5 =	vor.u32 v6, v5  }
0x95: {  	v5 =	vor.u32 v8, v5  }
0x96: {  	v5 =	vand.u32 $0xFFFFE3E8, v5  }
0x97: {  	vm6 =	vlt.s32 v4, $0x20;
	v4 =	vadd.s32 v3, v5  }
0x98: {  	v4 =	vor.u32 v2, v4;
	_ =	sdelay $0x4  }
0x99: {  	[tilespmem:v4+s12+$0x0] =	vst.idx.msk vm6, v0  }
0x9a: {  	v4 =	vld [tilespmem:s23+$0x70];
	_ =	sdelay $0x4  }
0x9b: {  	v5 =	vshll.u32 v4, $0x7  }
0x9c: {  	v6 =	vshll.u32 v4, $0xA;
	v5 =	vand.u32 $0x380, v5  }
0x9d: {  	v5 =	vor.u32 v6, v5  }
0x9e: {  	v5 =	vor.u32 v9, v5  }
0x9f: {  	v5 =	vand.u32 $0xFFFFE3F8, v5  }
0xa0: {  	vm7 =	vlt.s32 v4, $0x20;
	v4 =	vadd.s32 v3, v5  }
0xa1: {  	v4 =	vor.u32 v2, v4;
	_ =	sdelay $0x4  }
0xa2: {  	[tilespmem:v4+s12+$0x0] =	vst.idx.msk vm7, v0  }
0xa3: {  	v4 =	vld [tilespmem:s23+$0x80];
	_ =	sdelay $0x4  }
0xa4: {  	v5 =	vshll.u32 v4, $0x7  }
0xa5: {  	v6 =	vshll.u32 v4, $0xA;
	v5 =	vand.u32 $0x380, v5  }
0xa6: {  	v5 =	vor.u32 v6, v5  }
0xa7: {  	v5 =	vor.u32 v10, v5  }
0xa8: {  	v5 =	vand.u32 $0xFFFFE788, v5  }
0xa9: {  	vm8 =	vlt.s32 v4, $0x20;
	v4 =	vadd.s32 v3, v5  }
0xaa: {  	v4 =	vor.u32 v2, v4;
	_ =	sdelay $0x4  }
0xab: {  	[tilespmem:v4+s12+$0x0] =	vst.idx.msk vm8, v0  }
0xac: {  	v4 =	vld [tilespmem:s23+$0x90];
	_ =	sdelay $0x4  }
0xad: {  	v5 =	vshll.u32 v4, $0x7  }
0xae: {  	v6 =	vshll.u32 v4, $0xA;
	v5 =	vand.u32 $0x380, v5  }
0xaf: {  	v5 =	vor.u32 v6, v5  }
0xb0: {  	v5 =	vor.u32 v11, v5  }
0xb1: {  	v5 =	vand.u32 $0xFFFFE798, v5  }
0xb2: {  	vm9 =	vlt.s32 v4, $0x20;
	v4 =	vadd.s32 v3, v5  }
0xb3: {  	v4 =	vor.u32 v2, v4;
	_ =	sdelay $0x4  }
0xb4: {  	[tilespmem:v4+s12+$0x0] =	vst.idx.msk vm9, v0  }
0xb5: {  	v4 =	vld [tilespmem:s23+$0xA0];
	_ =	sdelay $0x4  }
0xb6: {  	v5 =	vshll.u32 v4, $0x7  }
0xb7: {  	v6 =	vshll.u32 v4, $0xA;
	v5 =	vand.u32 $0x380, v5  }
0xb8: {  	v5 =	vor.u32 v6, v5  }
0xb9: {  	v5 =	vor.u32 v12, v5  }
0xba: {  	v5 =	vand.u32 $0xFFFFE7A8, v5  }
0xbb: {  	vm10 =	vlt.s32 v4, $0x20;
	v4 =	vadd.s32 v3, v5  }
0xbc: {  	v4 =	vor.u32 v2, v4;
	_ =	sdelay $0x4  }
0xbd: {  	[tilespmem:v4+s12+$0x0] =	vst.idx.msk vm10, v0  }
0xbe: {  	v4 =	vld [tilespmem:s23+$0xB0];
	_ =	sdelay $0x4  }
0xbf: {  	v5 =	vshll.u32 v4, $0x7  }
0xc0: {  	v6 =	vshll.u32 v4, $0xA;
	v5 =	vand.u32 $0x380, v5  }
0xc1: {  	v5 =	vor.u32 v6, v5  }
0xc2: {  	v5 =	vor.u32 v13, v5  }
0xc3: {  	v5 =	vand.u32 $0xFFFFE7B8, v5  }
0xc4: {  	vm11 =	vlt.s32 v4, $0x20;
	v4 =	vadd.s32 v3, v5  }
0xc5: {  	v4 =	vor.u32 v2, v4;
	_ =	sdelay $0x4  }
0xc6: {  	[tilespmem:v4+s12+$0x0] =	vst.idx.msk vm11, v0  }
0xc7: {  	v4 =	vld [tilespmem:s23+$0xC0];
	_ =	sdelay $0x4  }
0xc8: {  	v5 =	vshll.u32 v4, $0x7  }
0xc9: {  	v6 =	vshll.u32 v4, $0xA;
	v5 =	vand.u32 $0x380, v5  }
0xca: {  	v5 =	vor.u32 v6, v5  }
0xcb: {  	v5 =	vor.u32 v14, v5  }
0xcc: {  	v5 =	vand.u32 $0xFFFFE7C8, v5  }
0xcd: {  	vm12 =	vlt.s32 v4, $0x20;
	v4 =	vadd.s32 v3, v5  }
0xce: {  	v4 =	vor.u32 v2, v4;
	_ =	sdelay $0x4  }
0xcf: {  	[tilespmem:v4+s12+$0x0] =	vst.idx.msk vm12, v0  }
0xd0: {  	v4 =	vld [tilespmem:s23+$0xD0];
	_ =	sdelay $0x4  }
0xd1: {  	v5 =	vshll.u32 v4, $0x7  }
0xd2: {  	v6 =	vshll.u32 v4, $0xA;
	v5 =	vand.u32 $0x380, v5  }
0xd3: {  	v5 =	vor.u32 v6, v5  }
0xd4: {  	v5 =	vor.u32 v15, v5  }
0xd5: {  	v5 =	vand.u32 $0xFFFFE7D8, v5  }
0xd6: {  	vm13 =	vlt.s32 v4, $0x20;
	v4 =	vadd.s32 v3, v5  }
0xd7: {  	v4 =	vor.u32 v2, v4;
	_ =	sdelay $0x4  }
0xd8: {  	[tilespmem:v4+s12+$0x0] =	vst.idx.msk vm13, v0  }
0xd9: {  	v4 =	vld [tilespmem:s23+$0xE0];
	_ =	sdelay $0x4  }
0xda: {  	v5 =	vshll.u32 v4, $0x7  }
0xdb: {  	v6 =	vshll.u32 v4, $0xA;
	v5 =	vand.u32 $0x380, v5  }
0xdc: {  	v5 =	vor.u32 v6, v5  }
0xdd: {  	v5 =	vor.u32 v16, v5  }
0xde: {  	v5 =	vand.u32 $0xFFFFE7E8, v5  }
0xdf: {  	vm14 =	vlt.s32 v4, $0x20;
	v4 =	vadd.s32 v3, v5  }
0xe0: {  	v4 =	vor.u32 v2, v4;
	_ =	sdelay $0x4  }
0xe1: {  	[tilespmem:v4+s12+$0x0] =	vst.idx.msk vm14, v0  }
0xe2: {  	v4 =	vld [tilespmem:s23+$0xF0];
	_ =	sdelay $0x4  }
0xe3: {  	v5 =	vshll.u32 v4, $0x7  }
0xe4: {  	v6 =	vshll.u32 v4, $0xA;
	v5 =	vand.u32 $0x380, v5  }
0xe5: {  	v5 =	vor.u32 v6, v5  }
0xe6: {  	v5 =	vor.u32 v17, v5  }
0xe7: {  	v5 =	vand.u32 $0xFFFFE7F8, v5  }
0xe8: {  	vm15 =	vlt.s32 v4, $0x20;
	v4 =	vadd.s32 v3, v5  }
0xe9: {  	v4 =	vor.u32 v2, v4;
	_ =	sdelay $0x4  }
0xea: {  	[tilespmem:v4+s12+$0x0] =	vst.idx.msk vm15, v0  }
0xeb: {  	v4 =	vld [tilespmem:s23+$0x100];
	_ =	sdelay $0x4  }
0xec: {  	v5 =	vshll.u32 v4, $0x7  }
0xed: {  	v6 =	vshll.u32 v4, $0xA;
	v5 =	vand.u32 $0x380, v5  }
0xee: {  	v5 =	vor.u32 v6, v5  }
0xef: {  	v5 =	vor.u32 v18, v5  }
0xf0: {  	v5 =	vand.u32 $0xFFFFEB88, v5  }
0xf1: {  	vm4 =	vlt.s32 v4, $0x20;
	v4 =	vadd.s32 v3, v5  }
0xf2: {  	v4 =	vor.u32 v2, v4;
	_ =	sdelay $0x4  }
0xf3: {  	[tilespmem:v4+s12+$0x0] =	vst.idx.msk vm4, v0  }
0xf4: {  	v4 =	vld [tilespmem:s23+$0x110];
	_ =	sdelay $0x4  }
0xf5: {  	v5 =	vshll.u32 v4, $0x7  }
0xf6: {  	v6 =	vshll.u32 v4, $0xA;
	v5 =	vand.u32 $0x380, v5  }
0xf7: {  	v5 =	vor.u32 v6, v5  }
0xf8: {  	v5 =	vor.u32 v19, v5  }
0xf9: {  	v5 =	vand.u32 $0xFFFFEB98, v5  }
0xfa: {  	vm5 =	vlt.s32 v4, $0x20;
	v4 =	vadd.s32 v3, v5  }
0xfb: {  	v4 =	vor.u32 v2, v4;
	_ =	sdelay $0x4  }
0xfc: {  	[tilespmem:v4+s12+$0x0] =	vst.idx.msk vm5, v0  }
0xfd: {  	v4 =	vld [tilespmem:s23+$0x120];
	_ =	sdelay $0x4  }
0xfe: {  	v5 =	vshll.u32 v4, $0x7  }
0xff: {  	v6 =	vshll.u32 v4, $0xA;
	v5 =	vand.u32 $0x380, v5  }
0x100: {  	v5 =	vor.u32 v6, v5  }
0x101: {  	v5 =	vor.u32 v20, v5  }
0x102: {  	v5 =	vand.u32 $0xFFFFEBA8, v5  }
0x103: {  	vm6 =	vlt.s32 v4, $0x20;
	v4 =	vadd.s32 v3, v5  }
0x104: {  	v4 =	vor.u32 v2, v4;
	_ =	sdelay $0x4  }
0x105: {  	[tilespmem:v4+s12+$0x0] =	vst.idx.msk vm6, v0  }
0x106: {  	v4 =	vld [tilespmem:s23+$0x130];
	_ =	sdelay $0x4  }
0x107: {  	v5 =	vshll.u32 v4, $0x7  }
0x108: {  	v6 =	vshll.u32 v4, $0xA;
	v5 =	vand.u32 $0x380, v5  }
0x109: {  	v5 =	vor.u32 v6, v5  }
0x10a: {  	v5 =	vor.u32 v21, v5  }
0x10b: {  	v5 =	vand.u32 $0xFFFFEBB8, v5  }
0x10c: {  	vm7 =	vlt.s32 v4, $0x20;
	v4 =	vadd.s32 v3, v5  }
0x10d: {  	v4 =	vor.u32 v2, v4;
	_ =	sdelay $0x4  }
0x10e: {  	[tilespmem:v4+s12+$0x0] =	vst.idx.msk vm7, v0  }
0x10f: {  	v4 =	vld [tilespmem:s23+$0x140];
	_ =	sdelay $0x4  }
0x110: {  	v5 =	vshll.u32 v4, $0x7  }
0x111: {  	v6 =	vshll.u32 v4, $0xA;
	v5 =	vand.u32 $0x380, v5  }
0x112: {  	v5 =	vor.u32 v6, v5  }
0x113: {  	v5 =	vor.u32 v22, v5  }
0x114: {  	v5 =	vand.u32 $0xFFFFEBC8, v5  }
0x115: {  	vm8 =	vlt.s32 v4, $0x20;
	v4 =	vadd.s32 v3, v5  }
0x116: {  	v4 =	vor.u32 v2, v4;
	_ =	sdelay $0x4  }
0x117: {  	[tilespmem:v4+s12+$0x0] =	vst.idx.msk vm8, v0  }
0x118: {  	v4 =	vld [tilespmem:s23+$0x150];
	_ =	sdelay $0x4  }
0x119: {  	v5 =	vshll.u32 v4, $0x7  }
0x11a: {  	v6 =	vshll.u32 v4, $0xA;
	v5 =	vand.u32 $0x380, v5  }
0x11b: {  	v5 =	vor.u32 v6, v5  }
0x11c: {  	v5 =	vor.u32 v23, v5  }
0x11d: {  	v5 =	vand.u32 $0xFFFFEBD8, v5  }
0x11e: {  	vm9 =	vlt.s32 v4, $0x20;
	v4 =	vadd.s32 v3, v5  }
0x11f: {  	v4 =	vor.u32 v2, v4;
	_ =	sdelay $0x4  }
0x120: {  	[tilespmem:v4+s12+$0x0] =	vst.idx.msk vm9, v0  }
0x121: {  	v4 =	vld [tilespmem:s23+$0x160];
	_ =	sdelay $0x4  }
0x122: {  	v5 =	vshll.u32 v4, $0x7  }
0x123: {  	v6 =	vshll.u32 v4, $0xA;
	v5 =	vand.u32 $0x380, v5  }
0x124: {  	v5 =	vor.u32 v6, v5  }
0x125: {  	v5 =	vor.u32 v24, v5  }
0x126: {  	v5 =	vand.u32 $0xFFFFEBE8, v5  }
0x127: {  	vm10 =	vlt.s32 v4, $0x20;
	v4 =	vadd.s32 v3, v5  }
0x128: {  	v4 =	vor.u32 v2, v4;
	_ =	sdelay $0x4  }
0x129: {  	[tilespmem:v4+s12+$0x0] =	vst.idx.msk vm10, v0  }
0x12a: {  	v4 =	vld [tilespmem:s23+$0x170];
	_ =	sdelay $0x4  }
0x12b: {  	v5 =	vshll.u32 v4, $0x7  }
0x12c: {  	v6 =	vshll.u32 v4, $0xA;
	v5 =	vand.u32 $0x380, v5  }
0x12d: {  	v5 =	vor.u32 v6, v5  }
0x12e: {  	v5 =	vor.u32 v25, v5  }
0x12f: {  	v5 =	vand.u32 $0xFFFFEBF8, v5  }
0x130: {  	vm11 =	vlt.s32 v4, $0x20;
	v4 =	vadd.s32 v3, v5  }
0x131: {  	v4 =	vor.u32 v2, v4;
	_ =	sdelay $0x4  }
0x132: {  	[tilespmem:v4+s12+$0x0] =	vst.idx.msk vm11, v0  }
0x133: {  	v4 =	vld [tilespmem:s23+$0x180];
	_ =	sdelay $0x4  }
0x134: {  	v5 =	vshll.u32 v4, $0x7  }
0x135: {  	v6 =	vshll.u32 v4, $0xA;
	v5 =	vand.u32 $0x380, v5  }
0x136: {  	v5 =	vor.u32 v6, v5  }
0x137: {  	v5 =	vor.u32 v26, v5  }
0x138: {  	v5 =	vand.u32 $0xFFFFEF88, v5  }
0x139: {  	vm12 =	vlt.s32 v4, $0x20;
	v4 =	vadd.s32 v3, v5  }
0x13a: {  	v4 =	vor.u32 v2, v4;
	_ =	sdelay $0x4  }
0x13b: {  	[tilespmem:v4+s12+$0x0] =	vst.idx.msk vm12, v0  }
0x13c: {  	v4 =	vld [tilespmem:s23+$0x190];
	_ =	sdelay $0x4  }
0x13d: {  	v5 =	vshll.u32 v4, $0x7  }
0x13e: {  	v6 =	vshll.u32 v4, $0xA;
	v5 =	vand.u32 $0x380, v5  }
0x13f: {  	v5 =	vor.u32 v6, v5  }
0x140: {  	v5 =	vor.u32 v27, v5  }
0x141: {  	v5 =	vand.u32 $0xFFFFEF98, v5  }
0x142: {  	vm13 =	vlt.s32 v4, $0x20;
	v4 =	vadd.s32 v3, v5  }
0x143: {  	v4 =	vor.u32 v2, v4;
	_ =	sdelay $0x4  }
0x144: {  	[tilespmem:v4+s12+$0x0] =	vst.idx.msk vm13, v0  }
0x145: {  	v4 =	vld [tilespmem:s23+$0x1A0];
	_ =	sdelay $0x4  }
0x146: {  	v5 =	vshll.u32 v4, $0x7  }
0x147: {  	v6 =	vshll.u32 v4, $0xA;
	v5 =	vand.u32 $0x380, v5  }
0x148: {  	v5 =	vor.u32 v6, v5  }
0x149: {  	v5 =	vor.u32 v28, v5  }
0x14a: {  	v5 =	vand.u32 $0xFFFFEFA8, v5  }
0x14b: {  	vm14 =	vlt.s32 v4, $0x20;
	v4 =	vadd.s32 v3, v5  }
0x14c: {  	v4 =	vor.u32 v2, v4;
	_ =	sdelay $0x4  }
0x14d: {  	[tilespmem:v4+s12+$0x0] =	vst.idx.msk vm14, v0  }
0x14e: {  	v4 =	vld [tilespmem:s23+$0x1B0];
	_ =	sdelay $0x4  }
0x14f: {  	v5 =	vshll.u32 v4, $0x7  }
0x150: {  	v6 =	vshll.u32 v4, $0xA;
	v5 =	vand.u32 $0x380, v5  }
0x151: {  	v5 =	vor.u32 v6, v5  }
0x152: {  	v5 =	vor.u32 v29, v5  }
0x153: {  	v5 =	vand.u32 $0xFFFFEFB8, v5  }
0x154: {  	vm15 =	vlt.s32 v4, $0x20;
	v4 =	vadd.s32 v3, v5  }
0x155: {  	v4 =	vor.u32 v2, v4;
	_ =	sdelay $0x4  }
0x156: {  	[tilespmem:v4+s12+$0x0] =	vst.idx.msk vm15, v0  }
0x157: {  	v4 =	vld [tilespmem:s23+$0x1C0];
	_ =	sdelay $0x4  }
0x158: {  	v5 =	vshll.u32 v4, $0x7  }
0x159: {  	v6 =	vshll.u32 v4, $0xA;
	v5 =	vand.u32 $0x380, v5  }
0x15a: {  	v5 =	vor.u32 v6, v5  }
0x15b: {  	v5 =	vor.u32 v30, v5  }
0x15c: {  	v5 =	vand.u32 $0xFFFFEFC8, v5  }
0x15d: {  	vm4 =	vlt.s32 v4, $0x20;
	v4 =	vadd.s32 v3, v5  }
0x15e: {  	v4 =	vor.u32 v2, v4;
	_ =	sdelay $0x4  }
0x15f: {  	[tilespmem:v4+s12+$0x0] =	vst.idx.msk vm4, v0  }
0x160: {  	v4 =	vld [tilespmem:s23+$0x1D0];
	_ =	sdelay $0x4  }
0x161: {  	v5 =	vshll.u32 v4, $0x7  }
0x162: {  	v6 =	vshll.u32 v4, $0xA;
	v5 =	vand.u32 $0x380, v5  }
0x163: {  	v5 =	vor.u32 v6, v5  }
0x164: {  	v5 =	vor.u32 v31, v5  }
0x165: {  	v5 =	vand.u32 $0xFFFFEFD8, v5  }
0x166: {  	vm5 =	vlt.s32 v4, $0x20;
	v4 =	vadd.s32 v3, v5  }
0x167: {  	v4 =	vor.u32 v2, v4;
	_ =	sdelay $0x4  }
0x168: {  	[tilespmem:v4+s12+$0x0] =	vst.idx.msk vm5, v0  }
0x169: {  	v4 =	vld [tilespmem:s23+$0x1E0];
	_ =	sdelay $0x4  }
0x16a: {  	v5 =	vshll.u32 v4, $0x7  }
0x16b: {  	v6 =	vshll.u32 v4, $0xA;
	v5 =	vand.u32 $0x380, v5  }
0x16c: {  	v5 =	vor.u32 v6, v5  }
0x16d: {  	v5 =	vor.u32 v32, v5  }
0x16e: {  	v5 =	vand.u32 $0xFFFFEFE8, v5  }
0x16f: {  	vm6 =	vlt.s32 v4, $0x20;
	v4 =	vadd.s32 v3, v5  }
0x170: {  	v4 =	vor.u32 v2, v4;
	_ =	sdelay $0x4  }
0x171: {  	[tilespmem:v4+s12+$0x0] =	vst.idx.msk vm6, v0  }
0x172: {  	v4 =	vld [tilespmem:s23+$0x1F0];
	_ =	sdelay $0x4  }
0x173: {  	v5 =	vshll.u32 v4, $0x7  }
0x174: {  	v6 =	vshll.u32 v4, $0xA;
	v5 =	vand.u32 $0x380, v5  }
0x175: {  	v5 =	vor.u32 v6, v5  }
0x176: {  	v5 =	vor.u32 v33, v5  }
0x177: {  	v5 =	vand.u32 $0xFFFFEFF8, v5  }
0x178: {  	vm7 =	vlt.s32 v4, $0x20;
	v4 =	vadd.s32 v3, v5  }
0x179: {  	v4 =	vor.u32 v2, v4;
	_ =	sdelay $0x4  }
0x17a: {  	[tilespmem:v4+s12+$0x0] =	vst.idx.msk vm7, v0  }
0x17b: {  	v4 =	vld [tilespmem:s23+$0x200];
	_ =	sdelay $0x4  }
0x17c: {  	v5 =	vshll.u32 v4, $0x7  }
0x17d: {  	v6 =	vshll.u32 v4, $0xA;
	v5 =	vand.u32 $0x380, v5  }
0x17e: {  	v5 =	vor.u32 v6, v5  }
0x17f: {  	v5 =	vor.u32 v34, v5  }
0x180: {  	v5 =	vand.u32 $0xFFFFF388, v5  }
0x181: {  	vm8 =	vlt.s32 v4, $0x20;
	v4 =	vadd.s32 v3, v5  }
0x182: {  	v4 =	vor.u32 v2, v4;
	_ =	sdelay $0x4  }
0x183: {  	[tilespmem:v4+s12+$0x0] =	vst.idx.msk vm8, v0  }
0x184: {  	v4 =	vld [tilespmem:s23+$0x210];
	_ =	sdelay $0x4  }
0x185: {  	v5 =	vshll.u32 v4, $0x7  }
0x186: {  	v6 =	vshll.u32 v4, $0xA;
	v5 =	vand.u32 $0x380, v5  }
0x187: {  	v5 =	vor.u32 v6, v5  }
0x188: {  	v5 =	vor.u32 v35, v5  }
0x189: {  	v5 =	vand.u32 $0xFFFFF398, v5  }
0x18a: {  	vm9 =	vlt.s32 v4, $0x20;
	v4 =	vadd.s32 v3, v5  }
0x18b: {  	v4 =	vor.u32 v2, v4;
	_ =	sdelay $0x4  }
0x18c: {  	[tilespmem:v4+s12+$0x0] =	vst.idx.msk vm9, v0  }
0x18d: {  	v4 =	vld [tilespmem:s23+$0x220];
	_ =	sdelay $0x4  }
0x18e: {  	v5 =	vshll.u32 v4, $0x7  }
0x18f: {  	v6 =	vshll.u32 v4, $0xA;
	v5 =	vand.u32 $0x380, v5  }
0x190: {  	v5 =	vor.u32 v6, v5  }
0x191: {  	v5 =	vor.u32 v36, v5  }
0x192: {  	v5 =	vand.u32 $0xFFFFF3A8, v5  }
0x193: {  	vm10 =	vlt.s32 v4, $0x20;
	v4 =	vadd.s32 v3, v5  }
0x194: {  	v4 =	vor.u32 v2, v4;
	_ =	sdelay $0x4  }
0x195: {  	[tilespmem:v4+s12+$0x0] =	vst.idx.msk vm10, v0  }
0x196: {  	v4 =	vld [tilespmem:s23+$0x230];
	_ =	sdelay $0x4  }
0x197: {  	v5 =	vshll.u32 v4, $0x7  }
0x198: {  	v6 =	vshll.u32 v4, $0xA;
	v5 =	vand.u32 $0x380, v5  }
0x199: {  	v5 =	vor.u32 v6, v5  }
0x19a: {  	v5 =	vor.u32 v37, v5  }
0x19b: {  	v5 =	vand.u32 $0xFFFFF3B8, v5  }
0x19c: {  	vm11 =	vlt.s32 v4, $0x20;
	v4 =	vadd.s32 v3, v5  }
0x19d: {  	v4 =	vor.u32 v2, v4;
	_ =	sdelay $0x4  }
0x19e: {  	[tilespmem:v4+s12+$0x0] =	vst.idx.msk vm11, v0  }
0x19f: {  	v4 =	vld [tilespmem:s23+$0x240];
	_ =	sdelay $0x4  }
0x1a0: {  	v5 =	vshll.u32 v4, $0x7  }
0x1a1: {  	v6 =	vshll.u32 v4, $0xA;
	v5 =	vand.u32 $0x380, v5  }
0x1a2: {  	v5 =	vor.u32 v6, v5  }
0x1a3: {  	v5 =	vor.u32 v38, v5  }
0x1a4: {  	v5 =	vand.u32 $0xFFFFF3C8, v5  }
0x1a5: {  	vm12 =	vlt.s32 v4, $0x20;
	v4 =	vadd.s32 v3, v5  }
0x1a6: {  	v4 =	vor.u32 v2, v4;
	_ =	sdelay $0x4  }
0x1a7: {  	[tilespmem:v4+s12+$0x0] =	vst.idx.msk vm12, v0  }
0x1a8: {  	v4 =	vld [tilespmem:s23+$0x250];
	_ =	sdelay $0x4  }
0x1a9: {  	v5 =	vshll.u32 v4, $0x7  }
0x1aa: {  	v6 =	vshll.u32 v4, $0xA;
	v5 =	vand.u32 $0x380, v5  }
0x1ab: {  	v5 =	vor.u32 v6, v5  }
0x1ac: {  	v5 =	vor.u32 v39, v5  }
0x1ad: {  	v5 =	vand.u32 $0xFFFFF3D8, v5  }
0x1ae: {  	vm13 =	vlt.s32 v4, $0x20;
	v4 =	vadd.s32 v3, v5  }
0x1af: {  	v4 =	vor.u32 v2, v4;
	_ =	sdelay $0x4  }
0x1b0: {  	[tilespmem:v4+s12+$0x0] =	vst.idx.msk vm13, v0  }
0x1b1: {  	v4 =	vld [tilespmem:s23+$0x260];
	_ =	sdelay $0x4  }
0x1b2: {  	v5 =	vshll.u32 v4, $0x7  }
0x1b3: {  	v6 =	vshll.u32 v4, $0xA;
	v5 =	vand.u32 $0x380, v5  }
0x1b4: {  	v5 =	vor.u32 v6, v5  }
0x1b5: {  	v5 =	vor.u32 v40, v5  }
0x1b6: {  	v5 =	vand.u32 $0xFFFFF3E8, v5  }
0x1b7: {  	vm14 =	vlt.s32 v4, $0x20;
	v4 =	vadd.s32 v3, v5  }
0x1b8: {  	v4 =	vor.u32 v2, v4;
	_ =	sdelay $0x4  }
0x1b9: {  	[tilespmem:v4+s12+$0x0] =	vst.idx.msk vm14, v0  }
0x1ba: {  	v4 =	vld [tilespmem:s23+$0x270];
	_ =	sdelay $0x4  }
0x1bb: {  	v5 =	vshll.u32 v4, $0x7  }
0x1bc: {  	v6 =	vshll.u32 v4, $0xA;
	v5 =	vand.u32 $0x380, v5  }
0x1bd: {  	v5 =	vor.u32 v6, v5  }
0x1be: {  	v5 =	vor.u32 v41, v5  }
0x1bf: {  	v5 =	vand.u32 $0xFFFFF3F8, v5  }
0x1c0: {  	vm15 =	vlt.s32 v4, $0x20;
	v4 =	vadd.s32 v3, v5  }
0x1c1: {  	v4 =	vor.u32 v2, v4;
	_ =	sdelay $0x4  }
0x1c2: {  	[tilespmem:v4+s12+$0x0] =	vst.idx.msk vm15, v0  }
0x1c3: {  	v4 =	vld [tilespmem:s23+$0x280];
	_ =	sdelay $0x4  }
0x1c4: {  	v5 =	vshll.u32 v4, $0x7  }
0x1c5: {  	v6 =	vshll.u32 v4, $0xA;
	v5 =	vand.u32 $0x380, v5  }
0x1c6: {  	v5 =	vor.u32 v6, v5  }
0x1c7: {  	v5 =	vor.u32 v42, v5  }
0x1c8: {  	v5 =	vand.u32 $0xFFFFF788, v5  }
0x1c9: {  	vm4 =	vlt.s32 v4, $0x20;
	v4 =	vadd.s32 v3, v5  }
0x1ca: {  	v4 =	vor.u32 v2, v4;
	_ =	sdelay $0x4  }
0x1cb: {  	[tilespmem:v4+s12+$0x0] =	vst.idx.msk vm4, v0  }
0x1cc: {  	v4 =	vld [tilespmem:s23+$0x290];
	_ =	sdelay $0x4  }
0x1cd: {  	v5 =	vshll.u32 v4, $0x7  }
0x1ce: {  	v6 =	vshll.u32 v4, $0xA;
	v5 =	vand.u32 $0x380, v5  }
0x1cf: {  	v5 =	vor.u32 v6, v5  }
0x1d0: {  	v5 =	vor.u32 v43, v5  }
0x1d1: {  	v5 =	vand.u32 $0xFFFFF798, v5  }
0x1d2: {  	vm5 =	vlt.s32 v4, $0x20;
	v4 =	vadd.s32 v3, v5  }
0x1d3: {  	v4 =	vor.u32 v2, v4;
	_ =	sdelay $0x4  }
0x1d4: {  	[tilespmem:v4+s12+$0x0] =	vst.idx.msk vm5, v0  }
0x1d5: {  	v4 =	vld [tilespmem:s23+$0x2A0];
	_ =	sdelay $0x4  }
0x1d6: {  	v5 =	vshll.u32 v4, $0x7  }
0x1d7: {  	v6 =	vshll.u32 v4, $0xA;
	v5 =	vand.u32 $0x380, v5  }
0x1d8: {  	v5 =	vor.u32 v6, v5  }
0x1d9: {  	v5 =	vor.u32 v44, v5  }
0x1da: {  	v5 =	vand.u32 $0xFFFFF7A8, v5  }
0x1db: {  	vm6 =	vlt.s32 v4, $0x20;
	v4 =	vadd.s32 v3, v5  }
0x1dc: {  	v4 =	vor.u32 v2, v4;
	_ =	sdelay $0x4  }
0x1dd: {  	[tilespmem:v4+s12+$0x0] =	vst.idx.msk vm6, v0  }
0x1de: {  	v4 =	vld [tilespmem:s23+$0x2B0];
	_ =	sdelay $0x4  }
0x1df: {  	v5 =	vshll.u32 v4, $0x7  }
0x1e0: {  	v6 =	vshll.u32 v4, $0xA;
	v5 =	vand.u32 $0x380, v5  }
0x1e1: {  	v5 =	vor.u32 v6, v5  }
0x1e2: {  	v5 =	vor.u32 v45, v5  }
0x1e3: {  	v5 =	vand.u32 $0xFFFFF7B8, v5  }
0x1e4: {  	vm7 =	vlt.s32 v4, $0x20;
	v4 =	vadd.s32 v3, v5  }
0x1e5: {  	v4 =	vor.u32 v2, v4;
	_ =	sdelay $0x4  }
0x1e6: {  	[tilespmem:v4+s12+$0x0] =	vst.idx.msk vm7, v0  }
0x1e7: {  	v4 =	vld [tilespmem:s23+$0x2C0];
	_ =	sdelay $0x4  }
0x1e8: {  	v5 =	vshll.u32 v4, $0x7  }
0x1e9: {  	v6 =	vshll.u32 v4, $0xA;
	v5 =	vand.u32 $0x380, v5  }
0x1ea: {  	v5 =	vor.u32 v6, v5  }
0x1eb: {  	v5 =	vor.u32 v46, v5  }
0x1ec: {  	v5 =	vand.u32 $0xFFFFF7C8, v5  }
0x1ed: {  	vm8 =	vlt.s32 v4, $0x20;
	v4 =	vadd.s32 v3, v5  }
0x1ee: {  	v4 =	vor.u32 v2, v4;
	_ =	sdelay $0x4  }
0x1ef: {  	[tilespmem:v4+s12+$0x0] =	vst.idx.msk vm8, v0  }
0x1f0: {  	v4 =	vld [tilespmem:s23+$0x2D0];
	_ =	sdelay $0x4  }
0x1f1: {  	v5 =	vshll.u32 v4, $0x7  }
0x1f2: {  	v6 =	vshll.u32 v4, $0xA;
	v5 =	vand.u32 $0x380, v5  }
0x1f3: {  	v5 =	vor.u32 v6, v5  }
0x1f4: {  	v5 =	vor.u32 v47, v5  }
0x1f5: {  	v5 =	vand.u32 $0xFFFFF7D8, v5  }
0x1f6: {  	vm9 =	vlt.s32 v4, $0x20;
	v4 =	vadd.s32 v3, v5  }
0x1f7: {  	v4 =	vor.u32 v2, v4;
	_ =	sdelay $0x4  }
0x1f8: {  	[tilespmem:v4+s12+$0x0] =	vst.idx.msk vm9, v0  }
0x1f9: {  	v4 =	vld [tilespmem:s23+$0x2E0];
	_ =	sdelay $0x4  }
0x1fa: {  	v5 =	vshll.u32 v4, $0x7  }
0x1fb: {  	v6 =	vshll.u32 v4, $0xA;
	v5 =	vand.u32 $0x380, v5  }
0x1fc: {  	v5 =	vor.u32 v6, v5  }
0x1fd: {  	v5 =	vor.u32 v48, v5  }
0x1fe: {  	v5 =	vand.u32 $0xFFFFF7E8, v5  }
0x1ff: {  	vm10 =	vlt.s32 v4, $0x20;
	v4 =	vadd.s32 v3, v5  }
0x200: {  	v4 =	vor.u32 v2, v4;
	_ =	sdelay $0x4  }
0x201: {  	[tilespmem:v4+s12+$0x0] =	vst.idx.msk vm10, v0  }
0x202: {  	v4 =	vld [tilespmem:s23+$0x2F0];
	_ =	sdelay $0x4  }
0x203: {  	v5 =	vshll.u32 v4, $0x7  }
0x204: {  	v6 =	vshll.u32 v4, $0xA;
	v5 =	vand.u32 $0x380, v5  }
0x205: {  	v5 =	vor.u32 v6, v5  }
0x206: {  	v5 =	vor.u32 v49, v5  }
0x207: {  	v5 =	vand.u32 $0xFFFFF7F8, v5  }
0x208: {  	vm11 =	vlt.s32 v4, $0x20;
	v4 =	vadd.s32 v3, v5  }
0x209: {  	v4 =	vor.u32 v2, v4;
	_ =	sdelay $0x4  }
0x20a: {  	[tilespmem:v4+s12+$0x0] =	vst.idx.msk vm11, v0  }
0x20b: {  	v4 =	vld [tilespmem:s23+$0x300];
	_ =	sdelay $0x4  }
0x20c: {  	v5 =	vshll.u32 v4, $0x7  }
0x20d: {  	v6 =	vshll.u32 v4, $0xA;
	v5 =	vand.u32 $0x380, v5  }
0x20e: {  	v5 =	vor.u32 v6, v5  }
0x20f: {  	v5 =	vor.u32 v50, v5  }
0x210: {  	v5 =	vand.u32 $0xFFFFFB88, v5  }
0x211: {  	vm12 =	vlt.s32 v4, $0x20;
	v4 =	vadd.s32 v3, v5  }
0x212: {  	v4 =	vor.u32 v2, v4;
	_ =	sdelay $0x4  }
0x213: {  	[tilespmem:v4+s12+$0x0] =	vst.idx.msk vm12, v0  }
0x214: {  	v4 =	vld [tilespmem:s23+$0x310];
	_ =	sdelay $0x4  }
0x215: {  	v5 =	vshll.u32 v4, $0x7  }
0x216: {  	v6 =	vshll.u32 v4, $0xA;
	v5 =	vand.u32 $0x380, v5  }
0x217: {  	v5 =	vor.u32 v6, v5  }
0x218: {  	v5 =	vor.u32 v51, v5  }
0x219: {  	v5 =	vand.u32 $0xFFFFFB98, v5  }
0x21a: {  	vm13 =	vlt.s32 v4, $0x20;
	v4 =	vadd.s32 v3, v5  }
0x21b: {  	v4 =	vor.u32 v2, v4;
	_ =	sdelay $0x4  }
0x21c: {  	[tilespmem:v4+s12+$0x0] =	vst.idx.msk vm13, v0  }
0x21d: {  	v4 =	vld [tilespmem:s23+$0x320];
	_ =	sdelay $0x4  }
0x21e: {  	v5 =	vshll.u32 v4, $0x7  }
0x21f: {  	v6 =	vshll.u32 v4, $0xA;
	v5 =	vand.u32 $0x380, v5  }
0x220: {  	v5 =	vor.u32 v6, v5  }
0x221: {  	v5 =	vor.u32 v52, v5  }
0x222: {  	v5 =	vand.u32 $0xFFFFFBA8, v5  }
0x223: {  	vm14 =	vlt.s32 v4, $0x20;
	v4 =	vadd.s32 v3, v5  }
0x224: {  	v4 =	vor.u32 v2, v4;
	_ =	sdelay $0x4  }
0x225: {  	[tilespmem:v4+s12+$0x0] =	vst.idx.msk vm14, v0  }
0x226: {  	v4 =	vld [tilespmem:s23+$0x330];
	_ =	sdelay $0x4  }
0x227: {  	v5 =	vshll.u32 v4, $0x7  }
0x228: {  	v6 =	vshll.u32 v4, $0xA;
	v5 =	vand.u32 $0x380, v5  }
0x229: {  	v5 =	vor.u32 v6, v5  }
0x22a: {  	v5 =	vor.u32 v53, v5  }
0x22b: {  	v5 =	vand.u32 $0xFFFFFBB8, v5  }
0x22c: {  	vm15 =	vlt.s32 v4, $0x20;
	v4 =	vadd.s32 v3, v5  }
0x22d: {  	v4 =	vor.u32 v2, v4;
	_ =	sdelay $0x4  }
0x22e: {  	[tilespmem:v4+s12+$0x0] =	vst.idx.msk vm15, v0  }
0x22f: {  	v4 =	vld [tilespmem:s23+$0x340];
	_ =	sdelay $0x4  }
0x230: {  	v5 =	vshll.u32 v4, $0x7  }
0x231: {  	v6 =	vshll.u32 v4, $0xA;
	v5 =	vand.u32 $0x380, v5  }
0x232: {  	v5 =	vor.u32 v6, v5  }
0x233: {  	v5 =	vor.u32 v54, v5  }
0x234: {  	v5 =	vand.u32 $0xFFFFFBC8, v5  }
0x235: {  	vm4 =	vlt.s32 v4, $0x20;
	v4 =	vadd.s32 v3, v5  }
0x236: {  	v4 =	vor.u32 v2, v4;
	_ =	sdelay $0x4  }
0x237: {  	[tilespmem:v4+s12+$0x0] =	vst.idx.msk vm4, v0  }
0x238: {  	v4 =	vld [tilespmem:s23+$0x350];
	_ =	sdelay $0x4  }
0x239: {  	v5 =	vshll.u32 v4, $0x7  }
0x23a: {  	v6 =	vshll.u32 v4, $0xA;
	v5 =	vand.u32 $0x380, v5  }
0x23b: {  	v5 =	vor.u32 v6, v5  }
0x23c: {  	v5 =	vor.u32 v56, v5  }
0x23d: {  	v5 =	vand.u32 $0xFFFFFBD8, v5  }
0x23e: {  	vm5 =	vlt.s32 v4, $0x20;
	v4 =	vadd.s32 v3, v5  }
0x23f: {  	v4 =	vor.u32 v2, v4;
	_ =	sdelay $0x4  }
0x240: {  	[tilespmem:v4+s12+$0x0] =	vst.idx.msk vm5, v0  }
0x241: {  	v4 =	vld [tilespmem:s23+$0x360];
	_ =	sdelay $0x4  }
0x242: {  	v5 =	vshll.u32 v4, $0x7  }
0x243: {  	v6 =	vshll.u32 v4, $0xA;
	v5 =	vand.u32 $0x380, v5  }
0x244: {  	v5 =	vor.u32 v6, v5  }
0x245: {  	v5 =	vor.u32 v57, v5  }
0x246: {  	v5 =	vand.u32 $0xFFFFFBE8, v5  }
0x247: {  	vm6 =	vlt.s32 v4, $0x20;
	v4 =	vadd.s32 v3, v5  }
0x248: {  	v4 =	vor.u32 v2, v4;
	_ =	sdelay $0x4  }
0x249: {  	[tilespmem:v4+s12+$0x0] =	vst.idx.msk vm6, v0  }
0x24a: {  	v4 =	vld [tilespmem:s23+$0x370];
	_ =	sdelay $0x4  }
0x24b: {  	v5 =	vshll.u32 v4, $0x7  }
0x24c: {  	v6 =	vshll.u32 v4, $0xA;
	v5 =	vand.u32 $0x380, v5  }
0x24d: {  	v5 =	vor.u32 v6, v5  }
0x24e: {  	v5 =	vor.u32 v58, v5  }
0x24f: {  	v5 =	vand.u32 $0xFFFFFBF8, v5  }
0x250: {  	vm7 =	vlt.s32 v4, $0x20;
	v4 =	vadd.s32 v3, v5  }
0x251: {  	v4 =	vor.u32 v2, v4;
	_ =	sdelay $0x4  }
0x252: {  	[tilespmem:v4+s12+$0x0] =	vst.idx.msk vm7, v0  }
0x253: {  	v4 =	vld [tilespmem:s23+$0x380];
	_ =	sdelay $0x4  }
0x254: {  	v5 =	vshll.u32 v4, $0x7  }
0x255: {  	v6 =	vshll.u32 v4, $0xA;
	v5 =	vand.u32 $0x380, v5  }
0x256: {  	v5 =	vor.u32 v6, v5  }
0x257: {  	v5 =	vor.u32 v59, v5  }
0x258: {  	vm8 =	vlt.s32 v4, $0x20;
	v4 =	vadd.s32 v3, v5  }
0x259: {  	v4 =	vor.u32 v2, v4;
	_ =	sdelay $0x4  }
0x25a: {  	[tilespmem:v4+s12+$0x0] =	vst.idx.msk vm8, v0  }
0x25b: {  	v4 =	vld [tilespmem:s23+$0x390];
	_ =	sdelay $0x4  }
0x25c: {  	v5 =	vshll.u32 v4, $0x7  }
0x25d: {  	v6 =	vshll.u32 v4, $0xA;
	v5 =	vand.u32 $0x380, v5  }
0x25e: {  	v5 =	vor.u32 v6, v5  }
0x25f: {  	v5 =	vor.u32 v60, v5  }
0x260: {  	vm9 =	vlt.s32 v4, $0x20;
	v4 =	vadd.s32 v3, v5  }
0x261: {  	v4 =	vor.u32 v2, v4;
	_ =	sdelay $0x4  }
0x262: {  	[tilespmem:v4+s12+$0x0] =	vst.idx.msk vm9, v0  }
0x263: {  	v4 =	vld [tilespmem:s23+$0x3A0];
	_ =	sdelay $0x4  }
0x264: {  	v5 =	vshll.u32 v4, $0x7  }
0x265: {  	v6 =	vshll.u32 v4, $0xA;
	v5 =	vand.u32 $0x380, v5  }
0x266: {  	v5 =	vor.u32 v6, v5  }
0x267: {  	v5 =	vor.u32 v61, v5  }
0x268: {  	vm10 =	vlt.s32 v4, $0x20;
	v4 =	vadd.s32 v3, v5  }
0x269: {  	v4 =	vor.u32 v2, v4;
	_ =	sdelay $0x4  }
0x26a: {  	[tilespmem:v4+s12+$0x0] =	vst.idx.msk vm10, v0  }
0x26b: {  	v4 =	vld [tilespmem:s23+$0x3B0];
	_ =	sdelay $0x4  }
0x26c: {  	v5 =	vshll.u32 v4, $0x7  }
0x26d: {  	v6 =	vshll.u32 v4, $0xA;
	v5 =	vand.u32 $0x380, v5  }
0x26e: {  	v5 =	vor.u32 v6, v5  }
0x26f: {  	v5 =	vor.u32 v62, v5  }
0x270: {  	vm11 =	vlt.s32 v4, $0x20;
	v4 =	vadd.s32 v3, v5  }
0x271: {  	v4 =	vor.u32 v2, v4;
	_ =	sdelay $0x4  }
0x272: {  	[tilespmem:v4+s12+$0x0] =	vst.idx.msk vm11, v0  }
0x273: {  	v4 =	vld [tilespmem:s23+$0x3C0];
	_ =	sdelay $0x4  }
0x274: {  	v5 =	vshll.u32 v4, $0x7  }
0x275: {  	v6 =	vshll.u32 v4, $0xA;
	v5 =	vand.u32 $0x380, v5  }
0x276: {  	v5 =	vor.u32 v6, v5  }
0x277: {  	v5 =	vor.u32 v63, v5  }
0x278: {  	vm12 =	vlt.s32 v4, $0x20;
	v4 =	vadd.s32 v3, v5  }
0x279: {  	v4 =	vor.u32 v2, v4;
	_ =	sdelay $0x4  }
0x27a: {  	[tilespmem:v4+s12+$0x0] =	vst.idx.msk vm12, v0  }
0x27b: {  	v4 =	vld [tilespmem:s23+$0x3D0];
	_ =	sdelay $0x4  }
0x27c: {  	v5 =	vshll.u32 v4, $0x7  }
0x27d: {  	v6 =	vshll.u32 v4, $0xA;
	v5 =	vand.u32 $0x380, v5  }
0x27e: {  	v5 =	vor.u32 v6, v5;
	v6 =	vor.u32 $0x1C50, v55  }
0x27f: {  	v5 =	vor.u32 v6, v5  }
0x280: {  	vm13 =	vlt.s32 v4, $0x20;
	v4 =	vadd.s32 v3, v5  }
0x281: {  	v4 =	vor.u32 v2, v4;
	_ =	sdelay $0x4  }
0x282: {  	[tilespmem:v4+s12+$0x0] =	vst.idx.msk vm13, v0  }
0x283: {  	v4 =	vld [tilespmem:s23+$0x3E0];
	_ =	sdelay $0x4  }
0x284: {  	v5 =	vshll.u32 v4, $0x7  }
0x285: {  	v6 =	vshll.u32 v4, $0xA;
	v5 =	vand.u32 $0x380, v5  }
0x286: {  	v5 =	vor.u32 v6, v5;
	v6 =	vor.u32 $0x1C60, v55  }
0x287: {  	v5 =	vor.u32 v6, v5  }
0x288: {  	vm14 =	vlt.s32 v4, $0x20;
	v4 =	vadd.s32 v3, v5  }
0x289: {  	v4 =	vor.u32 v2, v4;
	_ =	sdelay $0x4  }
0x28a: {  	[tilespmem:v4+s12+$0x0] =	vst.idx.msk vm14, v0  }
0x28b: {  	v4 =	vld [tilespmem:s23+$0x3F0];
	_ =	sdelay $0x4  }
0x28c: {  	v5 =	vshll.u32 v4, $0x7  }
0x28d: {  	v6 =	vshll.u32 v4, $0xA;
	v5 =	vand.u32 $0x380, v5  }
0x28e: {  	v5 =	vor.u32 v6, v5;
	v6 =	vor.u32 $0x1C70, v55  }
0x28f: {  	v5 =	vor.u32 v6, v5  }
0x290: {  	vm15 =	vlt.s32 v4, $0x20;
	v3 =	vadd.s32 v3, v5  }
0x291: {  	v3 =	vor.u32 v2, v3  }
0x292: {  	s20 =	sadd.s32 $0x1, s20  }
0x293: {  	p0 =	sne.s32 s20, $0x80  }
.Ltmp4:
0x294: {  	_ = 	snop;
	(pc) =	sbr.rel @!p0 .LBB2_9-.Ltmp4, $4  }
0x295: {  	s21 =	sshll.u32 s21, $0xF  }
0x296: {  	s16 =	sadd.s32 $0x400, s16;
	s21 =	sor.u32 $0x1000, s21;
	[tilespmem:v3+s12+$0x0] =	vst.idx.msk vm15, v0  }
0x297: {  	[hbm4b:s19+s3] =	stream.linear.scatter [tilespmem:s21], [sflag:s22], $0x8000, $0x38;
	[tilespmem:$0x11000] =	vst v63  }
0x298: {  	s18 =	sadd.s32 $0x10, s18;
	s17 =	sadd.s32 $0x80, s17;
	s19 =	sadd.s32 $0x1000, s19  }
.LBB2_4:
0x299: {  	p0 =	sgt.u32 s20, $0x1  }
.Ltmp5:
0x29a: {  	s23 =	sand.u32 $0x3, s20;
	(pc) =	sbr.rel @!p0 .LBB2_5-.Ltmp5, $4  }
0x29b: {  	s22 =	sadd.s32 $0x1, s23  }
0x29c: {  	_ =	swait.ge [sflag:s22], $0x400  }
0x29d: {  	s21 =	sand.u32 $0x1, s20;
	[sflag:s22] =	ssyncset.done $0x0  }
0x29e: {  	[sflag:s22] =	ssyncadd.s32 $0xFFFFFC00;
	s22 =	sadd.s32 $0x5, s21  }
0x29f: {  	_ =	swait.ge [sflag:s22], $0x8000  }
0x2a0: {  	s24 =	sand.u32 $0xC00, s16;
	[sflag:s22] =	ssyncset.done $0x0  }
0x2a1: {  	s25 =	sxor.u32 $0x800, s24;
	[sflag:s22] =	ssyncadd.s32 $0xFFFF8000  }
0x2a2: {  	v3 =	vld [tilespmem:s25+$0x0];
	_ =	sdelay $0x4  }
0x2a3: {  	v4 =	vshll.u32 v3, $0x7  }
0x2a4: {  	v5 =	vshll.u32 v3, $0xA;
	v4 =	vand.u32 $0x380, v4  }
0x2a5: {  	v4 =	vor.u32 v5, v4;
	v5 =	vlaneseq.u32  }
0x2a6: {  	v4 =	vor.u32 v5, v4  }
0x2a7: {  	s31 =	sshll.u32 s21, $0xF;
	v4 =	vand.u32 $0xFFFFE388, v4  }
0x2a8: {  	vm0 =	vlt.s32 v3, $0x20;
	v3 =	vadd.s32 s31, v4  }
0x2a9: {  	v3 =	vor.u32 v2, v3;
	_ =	sdelay $0x4  }
0x2aa: {  	[tilespmem:v3+s12+$0x0] =	vst.idx.msk vm0, v1  }
0x2ab: {  	v3 =	vld [tilespmem:s25+$0x10];
	_ =	sdelay $0x4  }
0x2ac: {  	v4 =	vshll.u32 v3, $0x7  }
0x2ad: {  	v5 =	vshll.u32 v3, $0xA;
	v4 =	vand.u32 $0x380, v4  }
0x2ae: {  	v4 =	vor.u32 v5, v4;
	v5 =	vld [tilespmem:$0x1FFC0];
	_ =	sdelay $0x4  }
0x2af: {  	v4 =	vor.u32 v5, v4  }
0x2b0: {  	v4 =	vand.u32 $0xFFFFE398, v4  }
0x2b1: {  	vm13 =	vlt.s32 v3, $0x20;
	v3 =	vadd.s32 s31, v4  }
0x2b2: {  	v3 =	vor.u32 v2, v3;
	_ =	sdelay $0x4  }
0x2b3: {  	[tilespmem:v3+s12+$0x0] =	vst.idx.msk vm13, v1  }
0x2b4: {  	v3 =	vld [tilespmem:s25+$0x20];
	_ =	sdelay $0x4  }
0x2b5: {  	v4 =	vshll.u32 v3, $0x7  }
0x2b6: {  	v5 =	vshll.u32 v3, $0xA;
	v4 =	vand.u32 $0x380, v4  }
0x2b7: {  	v4 =	vor.u32 v5, v4;
	v5 =	vld [tilespmem:$0x1FFD0];
	_ =	sdelay $0x4  }
0x2b8: {  	v4 =	vor.u32 v5, v4  }
0x2b9: {  	v4 =	vand.u32 $0xFFFFE3A8, v4  }
0x2ba: {  	vm14 =	vlt.s32 v3, $0x20;
	v3 =	vadd.s32 s31, v4  }
0x2bb: {  	v3 =	vor.u32 v2, v3;
	_ =	sdelay $0x4  }
0x2bc: {  	[tilespmem:v3+s12+$0x0] =	vst.idx.msk vm14, v1  }
0x2bd: {  	v3 =	vld [tilespmem:s25+$0x30];
	_ =	sdelay $0x4  }
0x2be: {  	v4 =	vshll.u32 v3, $0x7  }
0x2bf: {  	v5 =	vshll.u32 v3, $0xA;
	v4 =	vand.u32 $0x380, v4  }
0x2c0: {  	v4 =	vor.u32 v5, v4;
	v5 =	vld [tilespmem:$0x1FFE0];
	_ =	sdelay $0x4  }
0x2c1: {  	v4 =	vor.u32 v5, v4  }
0x2c2: {  	v4 =	vand.u32 $0xFFFFE3B8, v4  }
0x2c3: {  	vm15 =	vlt.s32 v3, $0x20;
	v3 =	vadd.s32 s31, v4  }
0x2c4: {  	v3 =	vor.u32 v2, v3;
	_ =	sdelay $0x4  }
0x2c5: {  	[tilespmem:v3+s12+$0x0] =	vst.idx.msk vm15, v1  }
0x2c6: {  	v3 =	vld [tilespmem:s25+$0x40];
	_ =	sdelay $0x4  }
0x2c7: {  	v4 =	vshll.u32 v3, $0x7  }
0x2c8: {  	v5 =	vshll.u32 v3, $0xA;
	v4 =	vand.u32 $0x380, v4  }
0x2c9: {  	v4 =	vor.u32 v5, v4;
	v5 =	vld [tilespmem:$0x1FFF0];
	_ =	sdelay $0x4  }
0x2ca: {  	v4 =	vor.u32 v5, v4  }
0x2cb: {  	v4 =	vand.u32 $0xFFFFE3C8, v4  }
0x2cc: {  	vm4 =	vlt.s32 v3, $0x20;
	v3 =	vadd.s32 s31, v4  }
0x2cd: {  	v3 =	vor.u32 v2, v3;
	_ =	sdelay $0x4  }
0x2ce: {  	[tilespmem:v3+s12+$0x0] =	vst.idx.msk vm4, v1  }
0x2cf: {  	v3 =	vld [tilespmem:s25+$0x50];
	_ =	sdelay $0x4  }
0x2d0: {  	v4 =	vshll.u32 v3, $0x7  }
0x2d1: {  	v5 =	vshll.u32 v3, $0xA;
	v4 =	vand.u32 $0x380, v4  }
0x2d2: {  	v4 =	vor.u32 v5, v4  }
0x2d3: {  	v4 =	vor.u32 v7, v4  }
0x2d4: {  	v4 =	vand.u32 $0xFFFFE3D8, v4  }
0x2d5: {  	vm5 =	vlt.s32 v3, $0x20;
	v3 =	vadd.s32 s31, v4  }
0x2d6: {  	v3 =	vor.u32 v2, v3;
	_ =	sdelay $0x4  }
0x2d7: {  	[tilespmem:v3+s12+$0x0] =	vst.idx.msk vm5, v1  }
0x2d8: {  	v3 =	vld [tilespmem:s25+$0x60];
	_ =	sdelay $0x4  }
0x2d9: {  	v4 =	vshll.u32 v3, $0x7  }
0x2da: {  	v5 =	vshll.u32 v3, $0xA;
	v4 =	vand.u32 $0x380, v4  }
0x2db: {  	v4 =	vor.u32 v5, v4  }
0x2dc: {  	v4 =	vor.u32 v8, v4  }
0x2dd: {  	v4 =	vand.u32 $0xFFFFE3E8, v4  }
0x2de: {  	vm6 =	vlt.s32 v3, $0x20;
	v3 =	vadd.s32 s31, v4  }
0x2df: {  	v3 =	vor.u32 v2, v3;
	_ =	sdelay $0x4  }
0x2e0: {  	[tilespmem:v3+s12+$0x0] =	vst.idx.msk vm6, v1  }
0x2e1: {  	v3 =	vld [tilespmem:s25+$0x70];
	_ =	sdelay $0x4  }
0x2e2: {  	v4 =	vshll.u32 v3, $0x7  }
0x2e3: {  	v5 =	vshll.u32 v3, $0xA;
	v4 =	vand.u32 $0x380, v4  }
0x2e4: {  	v4 =	vor.u32 v5, v4  }
0x2e5: {  	v4 =	vor.u32 v9, v4  }
0x2e6: {  	v4 =	vand.u32 $0xFFFFE3F8, v4  }
0x2e7: {  	vm7 =	vlt.s32 v3, $0x20;
	v3 =	vadd.s32 s31, v4  }
0x2e8: {  	v3 =	vor.u32 v2, v3;
	_ =	sdelay $0x4  }
0x2e9: {  	[tilespmem:v3+s12+$0x0] =	vst.idx.msk vm7, v1  }
0x2ea: {  	v3 =	vld [tilespmem:s25+$0x80];
	_ =	sdelay $0x4  }
0x2eb: {  	v4 =	vshll.u32 v3, $0x7  }
0x2ec: {  	v5 =	vshll.u32 v3, $0xA;
	v4 =	vand.u32 $0x380, v4  }
0x2ed: {  	v4 =	vor.u32 v5, v4  }
0x2ee: {  	v4 =	vor.u32 v10, v4  }
0x2ef: {  	v4 =	vand.u32 $0xFFFFE788, v4  }
0x2f0: {  	vm8 =	vlt.s32 v3, $0x20;
	v3 =	vadd.s32 s31, v4  }
0x2f1: {  	v3 =	vor.u32 v2, v3;
	_ =	sdelay $0x4  }
0x2f2: {  	[tilespmem:v3+s12+$0x0] =	vst.idx.msk vm8, v1  }
0x2f3: {  	v3 =	vld [tilespmem:s25+$0x90];
	_ =	sdelay $0x4  }
0x2f4: {  	v4 =	vshll.u32 v3, $0x7  }
0x2f5: {  	v5 =	vshll.u32 v3, $0xA;
	v4 =	vand.u32 $0x380, v4  }
0x2f6: {  	v4 =	vor.u32 v5, v4  }
0x2f7: {  	v4 =	vor.u32 v11, v4  }
0x2f8: {  	v4 =	vand.u32 $0xFFFFE798, v4  }
0x2f9: {  	vm9 =	vlt.s32 v3, $0x20;
	v3 =	vadd.s32 s31, v4  }
0x2fa: {  	v3 =	vor.u32 v2, v3;
	_ =	sdelay $0x4  }
0x2fb: {  	[tilespmem:v3+s12+$0x0] =	vst.idx.msk vm9, v1  }
0x2fc: {  	v3 =	vld [tilespmem:s25+$0xA0];
	_ =	sdelay $0x4  }
0x2fd: {  	v4 =	vshll.u32 v3, $0x7  }
0x2fe: {  	v5 =	vshll.u32 v3, $0xA;
	v4 =	vand.u32 $0x380, v4  }
0x2ff: {  	v4 =	vor.u32 v5, v4  }
0x300: {  	v4 =	vor.u32 v12, v4  }
0x301: {  	v4 =	vand.u32 $0xFFFFE7A8, v4  }
0x302: {  	vm10 =	vlt.s32 v3, $0x20;
	v3 =	vadd.s32 s31, v4  }
0x303: {  	v3 =	vor.u32 v2, v3;
	_ =	sdelay $0x4  }
0x304: {  	[tilespmem:v3+s12+$0x0] =	vst.idx.msk vm10, v1  }
0x305: {  	v3 =	vld [tilespmem:s25+$0xB0];
	_ =	sdelay $0x4  }
0x306: {  	v4 =	vshll.u32 v3, $0x7  }
0x307: {  	v5 =	vshll.u32 v3, $0xA;
	v4 =	vand.u32 $0x380, v4  }
0x308: {  	v4 =	vor.u32 v5, v4  }
0x309: {  	v4 =	vor.u32 v13, v4  }
0x30a: {  	v4 =	vand.u32 $0xFFFFE7B8, v4  }
0x30b: {  	vm11 =	vlt.s32 v3, $0x20;
	v3 =	vadd.s32 s31, v4  }
0x30c: {  	v3 =	vor.u32 v2, v3;
	_ =	sdelay $0x4  }
0x30d: {  	[tilespmem:v3+s12+$0x0] =	vst.idx.msk vm11, v1  }
0x30e: {  	v3 =	vld [tilespmem:s25+$0xC0];
	_ =	sdelay $0x4  }
0x30f: {  	v4 =	vshll.u32 v3, $0x7  }
0x310: {  	v5 =	vshll.u32 v3, $0xA;
	v4 =	vand.u32 $0x380, v4  }
0x311: {  	v4 =	vor.u32 v5, v4  }
0x312: {  	v4 =	vor.u32 v14, v4  }
0x313: {  	v4 =	vand.u32 $0xFFFFE7C8, v4  }
0x314: {  	vm12 =	vlt.s32 v3, $0x20;
	v3 =	vadd.s32 s31, v4  }
0x315: {  	v3 =	vor.u32 v2, v3;
	_ =	sdelay $0x4  }
0x316: {  	[tilespmem:v3+s12+$0x0] =	vst.idx.msk vm12, v1  }
0x317: {  	v3 =	vld [tilespmem:s25+$0xD0];
	_ =	sdelay $0x4  }
0x318: {  	v4 =	vshll.u32 v3, $0x7  }
0x319: {  	v5 =	vshll.u32 v3, $0xA;
	v4 =	vand.u32 $0x380, v4  }
0x31a: {  	v4 =	vor.u32 v5, v4  }
0x31b: {  	v4 =	vor.u32 v15, v4  }
0x31c: {  	v4 =	vand.u32 $0xFFFFE7D8, v4  }
0x31d: {  	vm13 =	vlt.s32 v3, $0x20;
	v3 =	vadd.s32 s31, v4  }
0x31e: {  	v3 =	vor.u32 v2, v3;
	_ =	sdelay $0x4  }
0x31f: {  	[tilespmem:v3+s12+$0x0] =	vst.idx.msk vm13, v1  }
0x320: {  	v3 =	vld [tilespmem:s25+$0xE0];
	_ =	sdelay $0x4  }
0x321: {  	v4 =	vshll.u32 v3, $0x7  }
0x322: {  	v5 =	vshll.u32 v3, $0xA;
	v4 =	vand.u32 $0x380, v4  }
0x323: {  	v4 =	vor.u32 v5, v4  }
0x324: {  	v4 =	vor.u32 v16, v4  }
0x325: {  	v4 =	vand.u32 $0xFFFFE7E8, v4  }
0x326: {  	vm14 =	vlt.s32 v3, $0x20;
	v3 =	vadd.s32 s31, v4  }
0x327: {  	v3 =	vor.u32 v2, v3;
	_ =	sdelay $0x4  }
0x328: {  	[tilespmem:v3+s12+$0x0] =	vst.idx.msk vm14, v1  }
0x329: {  	v3 =	vld [tilespmem:s25+$0xF0];
	_ =	sdelay $0x4  }
0x32a: {  	v4 =	vshll.u32 v3, $0x7  }
0x32b: {  	v5 =	vshll.u32 v3, $0xA;
	v4 =	vand.u32 $0x380, v4  }
0x32c: {  	v4 =	vor.u32 v5, v4  }
0x32d: {  	v4 =	vor.u32 v17, v4  }
0x32e: {  	v4 =	vand.u32 $0xFFFFE7F8, v4  }
0x32f: {  	vm15 =	vlt.s32 v3, $0x20;
	v3 =	vadd.s32 s31, v4  }
0x330: {  	v3 =	vor.u32 v2, v3;
	_ =	sdelay $0x4  }
0x331: {  	[tilespmem:v3+s12+$0x0] =	vst.idx.msk vm15, v1  }
0x332: {  	v3 =	vld [tilespmem:s25+$0x100];
	_ =	sdelay $0x4  }
0x333: {  	v4 =	vshll.u32 v3, $0x7  }
0x334: {  	v5 =	vshll.u32 v3, $0xA;
	v4 =	vand.u32 $0x380, v4  }
0x335: {  	v4 =	vor.u32 v5, v4  }
0x336: {  	v4 =	vor.u32 v18, v4  }
0x337: {  	v4 =	vand.u32 $0xFFFFEB88, v4  }
0x338: {  	vm4 =	vlt.s32 v3, $0x20;
	v3 =	vadd.s32 s31, v4  }
0x339: {  	v3 =	vor.u32 v2, v3;
	_ =	sdelay $0x4  }
0x33a: {  	[tilespmem:v3+s12+$0x0] =	vst.idx.msk vm4, v1  }
0x33b: {  	v3 =	vld [tilespmem:s25+$0x110];
	_ =	sdelay $0x4  }
0x33c: {  	v4 =	vshll.u32 v3, $0x7  }
0x33d: {  	v5 =	vshll.u32 v3, $0xA;
	v4 =	vand.u32 $0x380, v4  }
0x33e: {  	v4 =	vor.u32 v5, v4  }
0x33f: {  	v4 =	vor.u32 v19, v4  }
0x340: {  	v4 =	vand.u32 $0xFFFFEB98, v4  }
0x341: {  	vm5 =	vlt.s32 v3, $0x20;
	v3 =	vadd.s32 s31, v4  }
0x342: {  	v3 =	vor.u32 v2, v3;
	_ =	sdelay $0x4  }
0x343: {  	[tilespmem:v3+s12+$0x0] =	vst.idx.msk vm5, v1  }
0x344: {  	v3 =	vld [tilespmem:s25+$0x120];
	_ =	sdelay $0x4  }
0x345: {  	v4 =	vshll.u32 v3, $0x7  }
0x346: {  	v5 =	vshll.u32 v3, $0xA;
	v4 =	vand.u32 $0x380, v4  }
0x347: {  	v4 =	vor.u32 v5, v4  }
0x348: {  	v4 =	vor.u32 v20, v4  }
0x349: {  	v4 =	vand.u32 $0xFFFFEBA8, v4  }
0x34a: {  	vm6 =	vlt.s32 v3, $0x20;
	v3 =	vadd.s32 s31, v4  }
0x34b: {  	v3 =	vor.u32 v2, v3;
	_ =	sdelay $0x4  }
0x34c: {  	[tilespmem:v3+s12+$0x0] =	vst.idx.msk vm6, v1  }
0x34d: {  	v3 =	vld [tilespmem:s25+$0x130];
	_ =	sdelay $0x4  }
0x34e: {  	v4 =	vshll.u32 v3, $0x7  }
0x34f: {  	v5 =	vshll.u32 v3, $0xA;
	v4 =	vand.u32 $0x380, v4  }
0x350: {  	v4 =	vor.u32 v5, v4  }
0x351: {  	v4 =	vor.u32 v21, v4  }
0x352: {  	v4 =	vand.u32 $0xFFFFEBB8, v4  }
0x353: {  	vm7 =	vlt.s32 v3, $0x20;
	v3 =	vadd.s32 s31, v4  }
0x354: {  	v3 =	vor.u32 v2, v3;
	_ =	sdelay $0x4  }
0x355: {  	[tilespmem:v3+s12+$0x0] =	vst.idx.msk vm7, v1  }
0x356: {  	v3 =	vld [tilespmem:s25+$0x140];
	_ =	sdelay $0x4  }
0x357: {  	v4 =	vshll.u32 v3, $0x7  }
0x358: {  	v5 =	vshll.u32 v3, $0xA;
	v4 =	vand.u32 $0x380, v4  }
0x359: {  	v4 =	vor.u32 v5, v4  }
0x35a: {  	v4 =	vor.u32 v22, v4  }
0x35b: {  	v4 =	vand.u32 $0xFFFFEBC8, v4  }
0x35c: {  	vm8 =	vlt.s32 v3, $0x20;
	v3 =	vadd.s32 s31, v4  }
0x35d: {  	v3 =	vor.u32 v2, v3;
	_ =	sdelay $0x4  }
0x35e: {  	[tilespmem:v3+s12+$0x0] =	vst.idx.msk vm8, v1  }
0x35f: {  	v3 =	vld [tilespmem:s25+$0x150];
	_ =	sdelay $0x4  }
0x360: {  	v4 =	vshll.u32 v3, $0x7  }
0x361: {  	v5 =	vshll.u32 v3, $0xA;
	v4 =	vand.u32 $0x380, v4  }
0x362: {  	v4 =	vor.u32 v5, v4  }
0x363: {  	v4 =	vor.u32 v23, v4  }
0x364: {  	v4 =	vand.u32 $0xFFFFEBD8, v4  }
0x365: {  	vm9 =	vlt.s32 v3, $0x20;
	v3 =	vadd.s32 s31, v4  }
0x366: {  	v3 =	vor.u32 v2, v3;
	_ =	sdelay $0x4  }
0x367: {  	[tilespmem:v3+s12+$0x0] =	vst.idx.msk vm9, v1  }
0x368: {  	v3 =	vld [tilespmem:s25+$0x160];
	_ =	sdelay $0x4  }
0x369: {  	v4 =	vshll.u32 v3, $0x7  }
0x36a: {  	v5 =	vshll.u32 v3, $0xA;
	v4 =	vand.u32 $0x380, v4  }
0x36b: {  	v4 =	vor.u32 v5, v4  }
0x36c: {  	v4 =	vor.u32 v24, v4  }
0x36d: {  	v4 =	vand.u32 $0xFFFFEBE8, v4  }
0x36e: {  	vm10 =	vlt.s32 v3, $0x20;
	v3 =	vadd.s32 s31, v4  }
0x36f: {  	v3 =	vor.u32 v2, v3;
	_ =	sdelay $0x4  }
0x370: {  	[tilespmem:v3+s12+$0x0] =	vst.idx.msk vm10, v1  }
0x371: {  	v3 =	vld [tilespmem:s25+$0x170];
	_ =	sdelay $0x4  }
0x372: {  	v4 =	vshll.u32 v3, $0x7  }
0x373: {  	v5 =	vshll.u32 v3, $0xA;
	v4 =	vand.u32 $0x380, v4  }
0x374: {  	v4 =	vor.u32 v5, v4  }
0x375: {  	v4 =	vor.u32 v25, v4  }
0x376: {  	v4 =	vand.u32 $0xFFFFEBF8, v4  }
0x377: {  	vm11 =	vlt.s32 v3, $0x20;
	v3 =	vadd.s32 s31, v4  }
0x378: {  	v3 =	vor.u32 v2, v3;
	_ =	sdelay $0x4  }
0x379: {  	[tilespmem:v3+s12+$0x0] =	vst.idx.msk vm11, v1  }
0x37a: {  	v3 =	vld [tilespmem:s25+$0x180];
	_ =	sdelay $0x4  }
0x37b: {  	v4 =	vshll.u32 v3, $0x7  }
0x37c: {  	v5 =	vshll.u32 v3, $0xA;
	v4 =	vand.u32 $0x380, v4  }
0x37d: {  	v4 =	vor.u32 v5, v4  }
0x37e: {  	v4 =	vor.u32 v26, v4  }
0x37f: {  	v4 =	vand.u32 $0xFFFFEF88, v4  }
0x380: {  	vm12 =	vlt.s32 v3, $0x20;
	v3 =	vadd.s32 s31, v4  }
0x381: {  	v3 =	vor.u32 v2, v3;
	_ =	sdelay $0x4  }
0x382: {  	[tilespmem:v3+s12+$0x0] =	vst.idx.msk vm12, v1  }
0x383: {  	v3 =	vld [tilespmem:s25+$0x190];
	_ =	sdelay $0x4  }
0x384: {  	v4 =	vshll.u32 v3, $0x7  }
0x385: {  	v5 =	vshll.u32 v3, $0xA;
	v4 =	vand.u32 $0x380, v4  }
0x386: {  	v4 =	vor.u32 v5, v4  }
0x387: {  	v4 =	vor.u32 v27, v4  }
0x388: {  	v4 =	vand.u32 $0xFFFFEF98, v4  }
0x389: {  	vm13 =	vlt.s32 v3, $0x20;
	v3 =	vadd.s32 s31, v4  }
0x38a: {  	v3 =	vor.u32 v2, v3;
	_ =	sdelay $0x4  }
0x38b: {  	[tilespmem:v3+s12+$0x0] =	vst.idx.msk vm13, v1  }
0x38c: {  	v3 =	vld [tilespmem:s25+$0x1A0];
	_ =	sdelay $0x4  }
0x38d: {  	v4 =	vshll.u32 v3, $0x7  }
0x38e: {  	v5 =	vshll.u32 v3, $0xA;
	v4 =	vand.u32 $0x380, v4  }
0x38f: {  	v4 =	vor.u32 v5, v4  }
0x390: {  	v4 =	vor.u32 v28, v4  }
0x391: {  	v4 =	vand.u32 $0xFFFFEFA8, v4  }
0x392: {  	vm14 =	vlt.s32 v3, $0x20;
	v3 =	vadd.s32 s31, v4  }
0x393: {  	v3 =	vor.u32 v2, v3;
	_ =	sdelay $0x4  }
0x394: {  	[tilespmem:v3+s12+$0x0] =	vst.idx.msk vm14, v1  }
0x395: {  	v3 =	vld [tilespmem:s25+$0x1B0];
	_ =	sdelay $0x4  }
0x396: {  	v4 =	vshll.u32 v3, $0x7  }
0x397: {  	v5 =	vshll.u32 v3, $0xA;
	v4 =	vand.u32 $0x380, v4  }
0x398: {  	v4 =	vor.u32 v5, v4  }
0x399: {  	v4 =	vor.u32 v29, v4  }
0x39a: {  	v4 =	vand.u32 $0xFFFFEFB8, v4  }
0x39b: {  	vm15 =	vlt.s32 v3, $0x20;
	v3 =	vadd.s32 s31, v4  }
0x39c: {  	v3 =	vor.u32 v2, v3;
	_ =	sdelay $0x4  }
0x39d: {  	[tilespmem:v3+s12+$0x0] =	vst.idx.msk vm15, v1  }
0x39e: {  	v3 =	vld [tilespmem:s25+$0x1C0];
	_ =	sdelay $0x4  }
0x39f: {  	v4 =	vshll.u32 v3, $0x7  }
0x3a0: {  	v5 =	vshll.u32 v3, $0xA;
	v4 =	vand.u32 $0x380, v4  }
0x3a1: {  	v4 =	vor.u32 v5, v4  }
0x3a2: {  	v4 =	vor.u32 v30, v4  }
0x3a3: {  	v4 =	vand.u32 $0xFFFFEFC8, v4  }
0x3a4: {  	vm4 =	vlt.s32 v3, $0x20;
	v3 =	vadd.s32 s31, v4  }
0x3a5: {  	v3 =	vor.u32 v2, v3;
	_ =	sdelay $0x4  }
0x3a6: {  	[tilespmem:v3+s12+$0x0] =	vst.idx.msk vm4, v1  }
0x3a7: {  	v3 =	vld [tilespmem:s25+$0x1D0];
	_ =	sdelay $0x4  }
0x3a8: {  	v4 =	vshll.u32 v3, $0x7  }
0x3a9: {  	v5 =	vshll.u32 v3, $0xA;
	v4 =	vand.u32 $0x380, v4  }
0x3aa: {  	v4 =	vor.u32 v5, v4  }
0x3ab: {  	v4 =	vor.u32 v31, v4  }
0x3ac: {  	v4 =	vand.u32 $0xFFFFEFD8, v4  }
0x3ad: {  	vm5 =	vlt.s32 v3, $0x20;
	v3 =	vadd.s32 s31, v4  }
0x3ae: {  	v3 =	vor.u32 v2, v3;
	_ =	sdelay $0x4  }
0x3af: {  	[tilespmem:v3+s12+$0x0] =	vst.idx.msk vm5, v1  }
0x3b0: {  	v3 =	vld [tilespmem:s25+$0x1E0];
	_ =	sdelay $0x4  }
0x3b1: {  	v4 =	vshll.u32 v3, $0x7  }
0x3b2: {  	v5 =	vshll.u32 v3, $0xA;
	v4 =	vand.u32 $0x380, v4  }
0x3b3: {  	v4 =	vor.u32 v5, v4  }
0x3b4: {  	v4 =	vor.u32 v32, v4  }
0x3b5: {  	v4 =	vand.u32 $0xFFFFEFE8, v4  }
0x3b6: {  	vm6 =	vlt.s32 v3, $0x20;
	v3 =	vadd.s32 s31, v4  }
0x3b7: {  	v3 =	vor.u32 v2, v3;
	_ =	sdelay $0x4  }
0x3b8: {  	[tilespmem:v3+s12+$0x0] =	vst.idx.msk vm6, v1  }
0x3b9: {  	v3 =	vld [tilespmem:s25+$0x1F0];
	_ =	sdelay $0x4  }
0x3ba: {  	v4 =	vshll.u32 v3, $0x7  }
0x3bb: {  	v5 =	vshll.u32 v3, $0xA;
	v4 =	vand.u32 $0x380, v4  }
0x3bc: {  	v4 =	vor.u32 v5, v4  }
0x3bd: {  	v4 =	vor.u32 v33, v4  }
0x3be: {  	v4 =	vand.u32 $0xFFFFEFF8, v4  }
0x3bf: {  	vm7 =	vlt.s32 v3, $0x20;
	v3 =	vadd.s32 s31, v4  }
0x3c0: {  	v3 =	vor.u32 v2, v3;
	_ =	sdelay $0x4  }
0x3c1: {  	[tilespmem:v3+s12+$0x0] =	vst.idx.msk vm7, v1  }
0x3c2: {  	v3 =	vld [tilespmem:s25+$0x200];
	_ =	sdelay $0x4  }
0x3c3: {  	v4 =	vshll.u32 v3, $0x7  }
0x3c4: {  	v5 =	vshll.u32 v3, $0xA;
	v4 =	vand.u32 $0x380, v4  }
0x3c5: {  	v4 =	vor.u32 v5, v4  }
0x3c6: {  	v4 =	vor.u32 v34, v4  }
0x3c7: {  	v4 =	vand.u32 $0xFFFFF388, v4  }
0x3c8: {  	vm8 =	vlt.s32 v3, $0x20;
	v3 =	vadd.s32 s31, v4  }
0x3c9: {  	v3 =	vor.u32 v2, v3;
	_ =	sdelay $0x4  }
0x3ca: {  	[tilespmem:v3+s12+$0x0] =	vst.idx.msk vm8, v1  }
0x3cb: {  	v3 =	vld [tilespmem:s25+$0x210];
	_ =	sdelay $0x4  }
0x3cc: {  	v4 =	vshll.u32 v3, $0x7  }
0x3cd: {  	v5 =	vshll.u32 v3, $0xA;
	v4 =	vand.u32 $0x380, v4  }
0x3ce: {  	v4 =	vor.u32 v5, v4  }
0x3cf: {  	v4 =	vor.u32 v35, v4  }
0x3d0: {  	v4 =	vand.u32 $0xFFFFF398, v4  }
0x3d1: {  	vm9 =	vlt.s32 v3, $0x20;
	v3 =	vadd.s32 s31, v4  }
0x3d2: {  	v3 =	vor.u32 v2, v3;
	_ =	sdelay $0x4  }
0x3d3: {  	[tilespmem:v3+s12+$0x0] =	vst.idx.msk vm9, v1  }
0x3d4: {  	v3 =	vld [tilespmem:s25+$0x220];
	_ =	sdelay $0x4  }
0x3d5: {  	v4 =	vshll.u32 v3, $0x7  }
0x3d6: {  	v5 =	vshll.u32 v3, $0xA;
	v4 =	vand.u32 $0x380, v4  }
0x3d7: {  	v4 =	vor.u32 v5, v4  }
0x3d8: {  	v4 =	vor.u32 v36, v4  }
0x3d9: {  	v4 =	vand.u32 $0xFFFFF3A8, v4  }
0x3da: {  	vm10 =	vlt.s32 v3, $0x20;
	v3 =	vadd.s32 s31, v4  }
0x3db: {  	v3 =	vor.u32 v2, v3;
	_ =	sdelay $0x4  }
0x3dc: {  	[tilespmem:v3+s12+$0x0] =	vst.idx.msk vm10, v1  }
0x3dd: {  	v3 =	vld [tilespmem:s25+$0x230];
	_ =	sdelay $0x4  }
0x3de: {  	v4 =	vshll.u32 v3, $0x7  }
0x3df: {  	v5 =	vshll.u32 v3, $0xA;
	v4 =	vand.u32 $0x380, v4  }
0x3e0: {  	v4 =	vor.u32 v5, v4  }
0x3e1: {  	v4 =	vor.u32 v37, v4  }
0x3e2: {  	v4 =	vand.u32 $0xFFFFF3B8, v4  }
0x3e3: {  	vm11 =	vlt.s32 v3, $0x20;
	v3 =	vadd.s32 s31, v4  }
0x3e4: {  	v3 =	vor.u32 v2, v3;
	_ =	sdelay $0x4  }
0x3e5: {  	[tilespmem:v3+s12+$0x0] =	vst.idx.msk vm11, v1  }
0x3e6: {  	v3 =	vld [tilespmem:s25+$0x240];
	_ =	sdelay $0x4  }
0x3e7: {  	v4 =	vshll.u32 v3, $0x7  }
0x3e8: {  	v5 =	vshll.u32 v3, $0xA;
	v4 =	vand.u32 $0x380, v4  }
0x3e9: {  	v4 =	vor.u32 v5, v4  }
0x3ea: {  	v4 =	vor.u32 v38, v4  }
0x3eb: {  	v4 =	vand.u32 $0xFFFFF3C8, v4  }
0x3ec: {  	vm12 =	vlt.s32 v3, $0x20;
	v3 =	vadd.s32 s31, v4  }
0x3ed: {  	v3 =	vor.u32 v2, v3;
	_ =	sdelay $0x4  }
0x3ee: {  	[tilespmem:v3+s12+$0x0] =	vst.idx.msk vm12, v1  }
0x3ef: {  	v3 =	vld [tilespmem:s25+$0x250];
	_ =	sdelay $0x4  }
0x3f0: {  	v4 =	vshll.u32 v3, $0x7  }
0x3f1: {  	v5 =	vshll.u32 v3, $0xA;
	v4 =	vand.u32 $0x380, v4  }
0x3f2: {  	v4 =	vor.u32 v5, v4  }
0x3f3: {  	v4 =	vor.u32 v39, v4  }
0x3f4: {  	v4 =	vand.u32 $0xFFFFF3D8, v4  }
0x3f5: {  	vm13 =	vlt.s32 v3, $0x20;
	v3 =	vadd.s32 s31, v4  }
0x3f6: {  	v3 =	vor.u32 v2, v3;
	_ =	sdelay $0x4  }
0x3f7: {  	[tilespmem:v3+s12+$0x0] =	vst.idx.msk vm13, v1  }
0x3f8: {  	v3 =	vld [tilespmem:s25+$0x260];
	_ =	sdelay $0x4  }
0x3f9: {  	v4 =	vshll.u32 v3, $0x7  }
0x3fa: {  	v5 =	vshll.u32 v3, $0xA;
	v4 =	vand.u32 $0x380, v4  }
0x3fb: {  	v4 =	vor.u32 v5, v4  }
0x3fc: {  	v4 =	vor.u32 v40, v4  }
0x3fd: {  	v4 =	vand.u32 $0xFFFFF3E8, v4  }
0x3fe: {  	vm14 =	vlt.s32 v3, $0x20;
	v3 =	vadd.s32 s31, v4  }
0x3ff: {  	v3 =	vor.u32 v2, v3;
	_ =	sdelay $0x4  }
0x400: {  	[tilespmem:v3+s12+$0x0] =	vst.idx.msk vm14, v1  }
0x401: {  	v3 =	vld [tilespmem:s25+$0x270];
	_ =	sdelay $0x4  }
0x402: {  	v4 =	vshll.u32 v3, $0x7  }
0x403: {  	v5 =	vshll.u32 v3, $0xA;
	v4 =	vand.u32 $0x380, v4  }
0x404: {  	v4 =	vor.u32 v5, v4  }
0x405: {  	v4 =	vor.u32 v41, v4  }
0x406: {  	v4 =	vand.u32 $0xFFFFF3F8, v4  }
0x407: {  	vm15 =	vlt.s32 v3, $0x20;
	v3 =	vadd.s32 s31, v4  }
0x408: {  	v3 =	vor.u32 v2, v3;
	_ =	sdelay $0x4  }
0x409: {  	[tilespmem:v3+s12+$0x0] =	vst.idx.msk vm15, v1  }
0x40a: {  	v3 =	vld [tilespmem:s25+$0x280];
	_ =	sdelay $0x4  }
0x40b: {  	v4 =	vshll.u32 v3, $0x7  }
0x40c: {  	v5 =	vshll.u32 v3, $0xA;
	v4 =	vand.u32 $0x380, v4  }
0x40d: {  	v4 =	vor.u32 v5, v4  }
0x40e: {  	v4 =	vor.u32 v42, v4  }
0x40f: {  	v4 =	vand.u32 $0xFFFFF788, v4  }
0x410: {  	vm4 =	vlt.s32 v3, $0x20;
	v3 =	vadd.s32 s31, v4  }
0x411: {  	v3 =	vor.u32 v2, v3;
	_ =	sdelay $0x4  }
0x412: {  	[tilespmem:v3+s12+$0x0] =	vst.idx.msk vm4, v1  }
0x413: {  	v3 =	vld [tilespmem:s25+$0x290];
	_ =	sdelay $0x4  }
0x414: {  	v4 =	vshll.u32 v3, $0x7  }
0x415: {  	v5 =	vshll.u32 v3, $0xA;
	v4 =	vand.u32 $0x380, v4  }
0x416: {  	v4 =	vor.u32 v5, v4  }
0x417: {  	v4 =	vor.u32 v43, v4  }
0x418: {  	v4 =	vand.u32 $0xFFFFF798, v4  }
0x419: {  	vm5 =	vlt.s32 v3, $0x20;
	v3 =	vadd.s32 s31, v4  }
0x41a: {  	v3 =	vor.u32 v2, v3;
	_ =	sdelay $0x4  }
0x41b: {  	[tilespmem:v3+s12+$0x0] =	vst.idx.msk vm5, v1  }
0x41c: {  	v3 =	vld [tilespmem:s25+$0x2A0];
	_ =	sdelay $0x4  }
0x41d: {  	v4 =	vshll.u32 v3, $0x7  }
0x41e: {  	v5 =	vshll.u32 v3, $0xA;
	v4 =	vand.u32 $0x380, v4  }
0x41f: {  	v4 =	vor.u32 v5, v4  }
0x420: {  	v4 =	vor.u32 v44, v4  }
0x421: {  	v4 =	vand.u32 $0xFFFFF7A8, v4  }
0x422: {  	vm6 =	vlt.s32 v3, $0x20;
	v3 =	vadd.s32 s31, v4  }
0x423: {  	v3 =	vor.u32 v2, v3;
	_ =	sdelay $0x4  }
0x424: {  	[tilespmem:v3+s12+$0x0] =	vst.idx.msk vm6, v1  }
0x425: {  	v3 =	vld [tilespmem:s25+$0x2B0];
	_ =	sdelay $0x4  }
0x426: {  	v4 =	vshll.u32 v3, $0x7  }
0x427: {  	v5 =	vshll.u32 v3, $0xA;
	v4 =	vand.u32 $0x380, v4  }
0x428: {  	v4 =	vor.u32 v5, v4  }
0x429: {  	v4 =	vor.u32 v45, v4  }
0x42a: {  	v4 =	vand.u32 $0xFFFFF7B8, v4  }
0x42b: {  	vm7 =	vlt.s32 v3, $0x20;
	v3 =	vadd.s32 s31, v4  }
0x42c: {  	v3 =	vor.u32 v2, v3;
	_ =	sdelay $0x4  }
0x42d: {  	[tilespmem:v3+s12+$0x0] =	vst.idx.msk vm7, v1  }
0x42e: {  	v3 =	vld [tilespmem:s25+$0x2C0];
	_ =	sdelay $0x4  }
0x42f: {  	v4 =	vshll.u32 v3, $0x7  }
0x430: {  	v5 =	vshll.u32 v3, $0xA;
	v4 =	vand.u32 $0x380, v4  }
0x431: {  	v4 =	vor.u32 v5, v4  }
0x432: {  	v4 =	vor.u32 v46, v4  }
0x433: {  	v4 =	vand.u32 $0xFFFFF7C8, v4  }
0x434: {  	vm8 =	vlt.s32 v3, $0x20;
	v3 =	vadd.s32 s31, v4  }
0x435: {  	v3 =	vor.u32 v2, v3;
	_ =	sdelay $0x4  }
0x436: {  	[tilespmem:v3+s12+$0x0] =	vst.idx.msk vm8, v1  }
0x437: {  	v3 =	vld [tilespmem:s25+$0x2D0];
	_ =	sdelay $0x4  }
0x438: {  	v4 =	vshll.u32 v3, $0x7  }
0x439: {  	v5 =	vshll.u32 v3, $0xA;
	v4 =	vand.u32 $0x380, v4  }
0x43a: {  	v4 =	vor.u32 v5, v4  }
0x43b: {  	v4 =	vor.u32 v47, v4  }
0x43c: {  	v4 =	vand.u32 $0xFFFFF7D8, v4  }
0x43d: {  	vm9 =	vlt.s32 v3, $0x20;
	v3 =	vadd.s32 s31, v4  }
0x43e: {  	v3 =	vor.u32 v2, v3;
	_ =	sdelay $0x4  }
0x43f: {  	[tilespmem:v3+s12+$0x0] =	vst.idx.msk vm9, v1  }
0x440: {  	v3 =	vld [tilespmem:s25+$0x2E0];
	_ =	sdelay $0x4  }
0x441: {  	v4 =	vshll.u32 v3, $0x7  }
0x442: {  	v5 =	vshll.u32 v3, $0xA;
	v4 =	vand.u32 $0x380, v4  }
0x443: {  	v4 =	vor.u32 v5, v4  }
0x444: {  	v4 =	vor.u32 v48, v4  }
0x445: {  	v4 =	vand.u32 $0xFFFFF7E8, v4  }
0x446: {  	vm10 =	vlt.s32 v3, $0x20;
	v3 =	vadd.s32 s31, v4  }
0x447: {  	v3 =	vor.u32 v2, v3;
	_ =	sdelay $0x4  }
0x448: {  	[tilespmem:v3+s12+$0x0] =	vst.idx.msk vm10, v1  }
0x449: {  	v3 =	vld [tilespmem:s25+$0x2F0];
	_ =	sdelay $0x4  }
0x44a: {  	v4 =	vshll.u32 v3, $0x7  }
0x44b: {  	v5 =	vshll.u32 v3, $0xA;
	v4 =	vand.u32 $0x380, v4  }
0x44c: {  	v4 =	vor.u32 v5, v4  }
0x44d: {  	v4 =	vor.u32 v49, v4  }
0x44e: {  	v4 =	vand.u32 $0xFFFFF7F8, v4  }
0x44f: {  	vm11 =	vlt.s32 v3, $0x20;
	v3 =	vadd.s32 s31, v4  }
0x450: {  	v3 =	vor.u32 v2, v3;
	_ =	sdelay $0x4  }
0x451: {  	[tilespmem:v3+s12+$0x0] =	vst.idx.msk vm11, v1  }
0x452: {  	v3 =	vld [tilespmem:s25+$0x300];
	_ =	sdelay $0x4  }
0x453: {  	v4 =	vshll.u32 v3, $0x7  }
0x454: {  	v5 =	vshll.u32 v3, $0xA;
	v4 =	vand.u32 $0x380, v4  }
0x455: {  	v4 =	vor.u32 v5, v4  }
0x456: {  	v4 =	vor.u32 v50, v4  }
0x457: {  	v4 =	vand.u32 $0xFFFFFB88, v4  }
0x458: {  	vm12 =	vlt.s32 v3, $0x20;
	v3 =	vadd.s32 s31, v4  }
0x459: {  	v3 =	vor.u32 v2, v3;
	_ =	sdelay $0x4  }
0x45a: {  	[tilespmem:v3+s12+$0x0] =	vst.idx.msk vm12, v1  }
0x45b: {  	v3 =	vld [tilespmem:s25+$0x310];
	_ =	sdelay $0x4  }
0x45c: {  	v4 =	vshll.u32 v3, $0x7  }
0x45d: {  	v5 =	vshll.u32 v3, $0xA;
	v4 =	vand.u32 $0x380, v4  }
0x45e: {  	v4 =	vor.u32 v5, v4  }
0x45f: {  	v4 =	vor.u32 v51, v4  }
0x460: {  	v4 =	vand.u32 $0xFFFFFB98, v4  }
0x461: {  	vm13 =	vlt.s32 v3, $0x20;
	v3 =	vadd.s32 s31, v4  }
0x462: {  	v3 =	vor.u32 v2, v3;
	_ =	sdelay $0x4  }
0x463: {  	[tilespmem:v3+s12+$0x0] =	vst.idx.msk vm13, v1  }
0x464: {  	v3 =	vld [tilespmem:s25+$0x320];
	_ =	sdelay $0x4  }
0x465: {  	v4 =	vshll.u32 v3, $0x7  }
0x466: {  	v5 =	vshll.u32 v3, $0xA;
	v4 =	vand.u32 $0x380, v4  }
0x467: {  	v4 =	vor.u32 v5, v4  }
0x468: {  	v4 =	vor.u32 v52, v4  }
0x469: {  	v4 =	vand.u32 $0xFFFFFBA8, v4  }
0x46a: {  	vm14 =	vlt.s32 v3, $0x20;
	v3 =	vadd.s32 s31, v4  }
0x46b: {  	v3 =	vor.u32 v2, v3;
	_ =	sdelay $0x4  }
0x46c: {  	[tilespmem:v3+s12+$0x0] =	vst.idx.msk vm14, v1  }
0x46d: {  	v3 =	vld [tilespmem:s25+$0x330];
	_ =	sdelay $0x4  }
0x46e: {  	v4 =	vshll.u32 v3, $0x7  }
0x46f: {  	v5 =	vshll.u32 v3, $0xA;
	v4 =	vand.u32 $0x380, v4  }
0x470: {  	v4 =	vor.u32 v5, v4  }
0x471: {  	v4 =	vor.u32 v53, v4  }
0x472: {  	v4 =	vand.u32 $0xFFFFFBB8, v4  }
0x473: {  	vm15 =	vlt.s32 v3, $0x20;
	v3 =	vadd.s32 s31, v4  }
0x474: {  	v3 =	vor.u32 v2, v3;
	_ =	sdelay $0x4  }
0x475: {  	[tilespmem:v3+s12+$0x0] =	vst.idx.msk vm15, v1  }
0x476: {  	v3 =	vld [tilespmem:s25+$0x340];
	_ =	sdelay $0x4  }
0x477: {  	v4 =	vshll.u32 v3, $0x7  }
0x478: {  	v5 =	vshll.u32 v3, $0xA;
	v4 =	vand.u32 $0x380, v4  }
0x479: {  	v4 =	vor.u32 v5, v4  }
0x47a: {  	v4 =	vor.u32 v54, v4  }
0x47b: {  	v4 =	vand.u32 $0xFFFFFBC8, v4  }
0x47c: {  	vm4 =	vlt.s32 v3, $0x20;
	v3 =	vadd.s32 s31, v4  }
0x47d: {  	v3 =	vor.u32 v2, v3;
	_ =	sdelay $0x4  }
0x47e: {  	[tilespmem:v3+s12+$0x0] =	vst.idx.msk vm4, v1  }
0x47f: {  	v3 =	vld [tilespmem:s25+$0x350];
	_ =	sdelay $0x4  }
0x480: {  	v4 =	vshll.u32 v3, $0x7  }
0x481: {  	v5 =	vshll.u32 v3, $0xA;
	v4 =	vand.u32 $0x380, v4  }
0x482: {  	v4 =	vor.u32 v5, v4  }
0x483: {  	v4 =	vor.u32 v56, v4  }
0x484: {  	v4 =	vand.u32 $0xFFFFFBD8, v4  }
0x485: {  	vm5 =	vlt.s32 v3, $0x20;
	v3 =	vadd.s32 s31, v4  }
0x486: {  	v3 =	vor.u32 v2, v3;
	_ =	sdelay $0x4  }
0x487: {  	[tilespmem:v3+s12+$0x0] =	vst.idx.msk vm5, v1  }
0x488: {  	v3 =	vld [tilespmem:s25+$0x360];
	_ =	sdelay $0x4  }
0x489: {  	v4 =	vshll.u32 v3, $0x7  }
0x48a: {  	v5 =	vshll.u32 v3, $0xA;
	v4 =	vand.u32 $0x380, v4  }
0x48b: {  	v4 =	vor.u32 v5, v4  }
0x48c: {  	v4 =	vor.u32 v57, v4  }
0x48d: {  	v4 =	vand.u32 $0xFFFFFBE8, v4  }
0x48e: {  	vm6 =	vlt.s32 v3, $0x20;
	v3 =	vadd.s32 s31, v4  }
0x48f: {  	v3 =	vor.u32 v2, v3;
	_ =	sdelay $0x4  }
0x490: {  	[tilespmem:v3+s12+$0x0] =	vst.idx.msk vm6, v1  }
0x491: {  	v3 =	vld [tilespmem:s25+$0x370];
	_ =	sdelay $0x4  }
0x492: {  	v4 =	vshll.u32 v3, $0x7  }
0x493: {  	v5 =	vshll.u32 v3, $0xA;
	v4 =	vand.u32 $0x380, v4  }
0x494: {  	v4 =	vor.u32 v5, v4  }
0x495: {  	v4 =	vor.u32 v58, v4  }
0x496: {  	v4 =	vand.u32 $0xFFFFFBF8, v4  }
0x497: {  	vm7 =	vlt.s32 v3, $0x20;
	v3 =	vadd.s32 s31, v4  }
0x498: {  	v3 =	vor.u32 v2, v3;
	_ =	sdelay $0x4  }
0x499: {  	[tilespmem:v3+s12+$0x0] =	vst.idx.msk vm7, v1  }
0x49a: {  	v3 =	vld [tilespmem:s25+$0x380];
	_ =	sdelay $0x4  }
0x49b: {  	v4 =	vshll.u32 v3, $0x7  }
0x49c: {  	v5 =	vshll.u32 v3, $0xA;
	v4 =	vand.u32 $0x380, v4  }
0x49d: {  	v4 =	vor.u32 v5, v4  }
0x49e: {  	v4 =	vor.u32 v59, v4  }
0x49f: {  	vm8 =	vlt.s32 v3, $0x20;
	v3 =	vadd.s32 s31, v4  }
0x4a0: {  	v3 =	vor.u32 v2, v3;
	_ =	sdelay $0x4  }
0x4a1: {  	[tilespmem:v3+s12+$0x0] =	vst.idx.msk vm8, v1  }
0x4a2: {  	v3 =	vld [tilespmem:s25+$0x390];
	_ =	sdelay $0x4  }
0x4a3: {  	v4 =	vshll.u32 v3, $0x7  }
0x4a4: {  	v5 =	vshll.u32 v3, $0xA;
	v4 =	vand.u32 $0x380, v4  }
0x4a5: {  	v4 =	vor.u32 v5, v4  }
0x4a6: {  	v4 =	vor.u32 v60, v4  }
0x4a7: {  	vm9 =	vlt.s32 v3, $0x20;
	v3 =	vadd.s32 s31, v4  }
0x4a8: {  	v3 =	vor.u32 v2, v3;
	_ =	sdelay $0x4  }
0x4a9: {  	[tilespmem:v3+s12+$0x0] =	vst.idx.msk vm9, v1  }
0x4aa: {  	v3 =	vld [tilespmem:s25+$0x3A0];
	_ =	sdelay $0x4  }
0x4ab: {  	v4 =	vshll.u32 v3, $0x7  }
0x4ac: {  	v5 =	vshll.u32 v3, $0xA;
	v4 =	vand.u32 $0x380, v4  }
0x4ad: {  	v4 =	vor.u32 v5, v4  }
0x4ae: {  	v4 =	vor.u32 v61, v4  }
0x4af: {  	vm10 =	vlt.s32 v3, $0x20;
	v3 =	vadd.s32 s31, v4  }
0x4b0: {  	v3 =	vor.u32 v2, v3;
	_ =	sdelay $0x4  }
0x4b1: {  	[tilespmem:v3+s12+$0x0] =	vst.idx.msk vm10, v1  }
0x4b2: {  	v3 =	vld [tilespmem:s25+$0x3B0];
	_ =	sdelay $0x4  }
0x4b3: {  	v4 =	vshll.u32 v3, $0x7  }
0x4b4: {  	v5 =	vshll.u32 v3, $0xA;
	v4 =	vand.u32 $0x380, v4  }
0x4b5: {  	v4 =	vor.u32 v5, v4  }
0x4b6: {  	v4 =	vor.u32 v62, v4  }
0x4b7: {  	vm11 =	vlt.s32 v3, $0x20;
	v3 =	vadd.s32 s31, v4  }
0x4b8: {  	v3 =	vor.u32 v2, v3;
	_ =	sdelay $0x4  }
0x4b9: {  	[tilespmem:v3+s12+$0x0] =	vst.idx.msk vm11, v1  }
0x4ba: {  	v3 =	vld [tilespmem:s25+$0x3C0];
	_ =	sdelay $0x4  }
0x4bb: {  	v4 =	vshll.u32 v3, $0x7  }
0x4bc: {  	v5 =	vshll.u32 v3, $0xA;
	v4 =	vand.u32 $0x380, v4  }
0x4bd: {  	v4 =	vor.u32 v5, v4  }
0x4be: {  	v4 =	vor.u32 v63, v4  }
0x4bf: {  	vm12 =	vlt.s32 v3, $0x20;
	v3 =	vadd.s32 s31, v4  }
0x4c0: {  	v3 =	vor.u32 v2, v3;
	_ =	sdelay $0x4  }
0x4c1: {  	[tilespmem:v3+s12+$0x0] =	vst.idx.msk vm12, v1  }
0x4c2: {  	v3 =	vld [tilespmem:s25+$0x3D0];
	_ =	sdelay $0x4  }
0x4c3: {  	v4 =	vshll.u32 v3, $0x7  }
0x4c4: {  	v5 =	vshll.u32 v3, $0xA;
	v4 =	vand.u32 $0x380, v4  }
0x4c5: {  	v4 =	vor.u32 v5, v4;
	v5 =	vor.u32 $0x1C50, v55  }
0x4c6: {  	v4 =	vor.u32 v5, v4  }
0x4c7: {  	vm13 =	vlt.s32 v3, $0x20;
	v3 =	vadd.s32 s31, v4  }
0x4c8: {  	v3 =	vor.u32 v2, v3;
	_ =	sdelay $0x4  }
0x4c9: {  	[tilespmem:v3+s12+$0x0] =	vst.idx.msk vm13, v1  }
0x4ca: {  	v3 =	vld [tilespmem:s25+$0x3E0];
	_ =	sdelay $0x4  }
0x4cb: {  	v4 =	vshll.u32 v3, $0x7  }
0x4cc: {  	v5 =	vshll.u32 v3, $0xA;
	v4 =	vand.u32 $0x380, v4  }
0x4cd: {  	v4 =	vor.u32 v5, v4;
	v5 =	vor.u32 $0x1C60, v55  }
0x4ce: {  	v4 =	vor.u32 v5, v4  }
0x4cf: {  	vm14 =	vlt.s32 v3, $0x20;
	v3 =	vadd.s32 s31, v4  }
0x4d0: {  	v3 =	vor.u32 v2, v3;
	_ =	sdelay $0x4  }
0x4d1: {  	[tilespmem:v3+s12+$0x0] =	vst.idx.msk vm14, v1  }
0x4d2: {  	v3 =	vld [tilespmem:s25+$0x3F0];
	_ =	sdelay $0x4  }
0x4d3: {  	v4 =	vshll.u32 v3, $0x7  }
0x4d4: {  	v5 =	vshll.u32 v3, $0xA;
	v4 =	vand.u32 $0x380, v4  }
0x4d5: {  	v4 =	vor.u32 v5, v4;
	v5 =	vor.u32 $0x1C70, v55  }
0x4d6: {  	v4 =	vor.u32 v5, v4  }
0x4d7: {  	vm15 =	vlt.s32 v3, $0x20;
	v3 =	vadd.s32 s31, v4  }
0x4d8: {  	p0 =	sgt.u32 s20, $0x7D;
	v3 =	vor.u32 v2, v3  }
.Ltmp6:
0x4d9: {  	_ = 	snop;
	(pc) =	sbr.rel @p0 .LBB2_8-.Ltmp6, $4  }
.Ltmp7:
0x4da: {  	_ = 	snop;
	(pc) =	sbr.rel @!p0 .LBB2_7-.Ltmp7, $4  }
0x4db: {  	_ = 	snop  }
0x4dc: {  	_ = 	snop  }
0x4dd: {  	[tilespmem:v3+s12+$0x0] =	vst.idx.msk vm15, v1;
	v3 =	vmov s31  }
0x4de: {  	_ = 	snop  }
.LBB2_10:
0x4df: {  	_ =	sfence.sel $0x180000  }
0x4e0: {  	[bflag:$0x0] =	sbarrier.arrive $0xFFFF  }
0x4e1: {  	p0 =	sne.s32 s1, $0x0;
	_ =	strace $0x90000047  }
0x4e2: {  	s0 =	sadd.s32 @!p0 $0x100000, s2;
	[bflag:$0x2] =	sbarrier.arrive $0xFFFF  }
0x4e3: {  	[sflag:s0] =	ssyncadd.tile.s32 @!p0 $0x1;
	_ =	shalt  }
.Lfunc_end2:
_tile_overlayer_lowered:
.L_overlay_start_2:
0x4e4: {  	(tag) =	ssettag $0x2  }
0x4e5: {  	s0 =	rddreg [dreg:$0x0];
	s2 =	stileid.u32  }
0x4e6: {  	s1 =	rddreg [dreg:$0x1];
	p0 =	sne.s32 s2, $0x0  }
0x4e7: {  	s3 =	rddreg [dreg:$0x2];
	[bflag:$0x3] =	sbarrier.arrive $0xFFFF;
	s2 =	simm.s32 @!p0 $0x1C07  }
0x4e8: {  	[timem:s3], [sflag:s2] =	dma.local @!p0 [hbm:s0], s1  }
0x4e9: {  	s0 =	simm.s32 @!p0 $0x7  }
0x4ea: {  	_ =	swait.ge @!p0 [sflag:s0], s1  }
0x4eb: {  	s1 =	ssub.s32 @!p0 $0x0, s1;
	[sflag:s0] =	ssyncset.done @!p0 $0x0  }
0x4ec: {  	[sflag:s0] =	ssyncadd.s32 @!p0 s1  }
0x4ed: {  	[bflag:$0x3] =	sbarrier.arrive $0xFFFF  }
0x4ee: {  	_ =	shalt  }

</sc_bundles>
